<compile_context>
chip_gen: v7x
topology: tpu7x:2x2x1
jax: 0.10.2.dev20260603
libtpu: 0.0.44.dev20260713+nightly
codegen_flags: <defaults>
</compile_context>

<pallas_src>
import functools

import jax
import jax.numpy as jnp
from jax import lax
from jax.experimental import pallas as pl
from jax.experimental.pallas import tpu as pltpu
from jax.experimental.pallas import tpu_sc as plsc

_N = 10000
_E = 320000
_DIN = 128
_DH = 16
_DOUT = 60

_NW = 32
_BA = 125
_KB = 80
_NPAD = 10112
_RPS = _NPAD // 16

_P = _N // 8
_PA = _NPAD // 8


def _segsum(ei_g, y):
    mesh = plsc.VectorSubcoreMesh(core_axis_name="c", subcore_axis_name="s")
    zrows = jnp.zeros((_RPS, 16), jnp.float32)

    @functools.partial(
        pl.kernel,
        mesh=mesh,
        out_type=jax.ShapeDtypeStruct((2, _NPAD, 16), jnp.float32),
        compiler_params=pltpu.CompilerParams(use_tc_tiling_on_sc=False),
        scratch_types=[
            pltpu.VMEM((_KB, _BA), jnp.int32),
            pltpu.VMEM((_KB, _BA), jnp.int32),
            pltpu.VMEM((8, _BA, 16), jnp.float32),
            pltpu.VMEM_SHARED((_NPAD, 16), jnp.float32),
            pltpu.VMEM_SHARED((_N, 16), jnp.float32),
            pltpu.SemaphoreType.DMA((8,)),
            pltpu.SemaphoreType.DMA((8,)),
        ],
    )
    def run(zr_hbm, ei_hbm, y_hbm, out_hbm,
            src_v, dst_v, bufs, acc, ysh, gsems, ssems):
        c = lax.axis_index("c")
        s = lax.axis_index("s")
        wid = c * 16 + s
        pltpu.sync_copy(zr_hbm, acc.at[pl.ds(s * _RPS, _RPS)])
        pltpu.sync_copy(ei_hbm.at[0, wid], src_v)
        pltpu.sync_copy(ei_hbm.at[1, wid], dst_v)

        @pl.when(s < 15)
        def _():
            pltpu.sync_copy(y_hbm.at[pl.ds(s * _RPS, _RPS)],
                            ysh.at[pl.ds(s * _RPS, _RPS)])

        @pl.when(s == 15)
        def _():
            pltpu.sync_copy(y_hbm.at[pl.ds(15 * _RPS, _N - 15 * _RPS)],
                            ysh.at[pl.ds(15 * _RPS, _N - 15 * _RPS)])

        plsc.subcore_barrier()

        for b in range(4):
            pltpu.async_copy(ysh.at[src_v.at[b]], bufs.at[b],
                             gsems.at[b])

        def body(G, carry):
            for b in range(8):
                j = 8 * G + b
                pltpu.make_async_copy(ysh.at[src_v.at[j]], bufs.at[b],
                                      gsems.at[b]).wait()
                pltpu.async_copy(bufs.at[b], acc.at[dst_v.at[j]],
                                 ssems.at[b], add=True)
                b4 = (b + 4) % 8

                @pl.when(j >= 4)
                def _():
                    pltpu.make_async_copy(bufs.at[b4],
                                          acc.at[dst_v.at[0]],
                                          ssems.at[b4]).wait()

                @pl.when(j + 4 < _KB)
                def _():
                    pltpu.async_copy(ysh.at[src_v.at[j + 4]],
                                     bufs.at[b4], gsems.at[b4])

            return carry

        lax.fori_loop(0, _KB // 8, body, 0)
        for b in range(4, 8):
            pltpu.make_async_copy(bufs.at[b], acc.at[dst_v.at[0]],
                                  ssems.at[b]).wait()
        plsc.subcore_barrier()
        pltpu.sync_copy(acc.at[pl.ds(s * _RPS, _RPS)],
                        out_hbm.at[c, pl.ds(s * _RPS, _RPS)])

    return run(zrows, ei_g, y)


def _blockdiag(w_t, kb, nb, reps):
    tiled = jnp.tile(w_t, (reps, reps))
    i = lax.broadcasted_iota(jnp.int32, (reps * kb, reps * nb), 0)
    j = lax.broadcasted_iota(jnp.int32, (reps * kb, reps * nb), 1)
    return jnp.where((i // kb) == (j // nb), tiled, 0.0)


def _tc1(xp, wr, wl, b):
    def body(x_ref, wr_ref, wl_ref, b_ref, root_ref, rel_ref):
        xb = x_ref[...]
        blk_r = _blockdiag(wr_ref[...].T, _DIN, _DH, 8)
        blk_l = _blockdiag(wl_ref[...].T, _DIN, _DH, 8)
        bt = jnp.tile(b_ref[...], (1, 8))
        root_ref[...] = jnp.dot(
            xb, blk_r, preferred_element_type=jnp.float32) + bt
        rel_ref[...] = jnp.dot(xb, blk_l, preferred_element_type=jnp.float32)

    return pl.pallas_call(
        body,
        out_shape=[jax.ShapeDtypeStruct((_P, 128), jnp.float32)] * 2,
    )(xp, wr, wl, b.reshape(1, _DH))


def _tc2(root_in, ap, wr, b):
    def body(r_ref, a_ref, wr_ref, b_ref, h_ref, root_ref):
        a = a_ref[...]
        h = jnp.tanh(r_ref[...] + a[0, :_P, :] + a[1, :_P, :])
        h_ref[...] = h
        blk = _blockdiag(wr_ref[...].T, _DH, _DH, 8)
        bt = jnp.tile(b_ref[...], (1, 8))
        root_ref[...] = jnp.dot(
            h, blk, preferred_element_type=jnp.float32) + bt

    return pl.pallas_call(
        body,
        out_shape=[jax.ShapeDtypeStruct((_P, 128), jnp.float32)] * 2,
    )(root_in, ap, wr, b.reshape(1, _DH))


def _tc3(root_in, ap, wl):
    def body(r_ref, a_ref, wl_ref, h_ref):
        a = a_ref[...]
        agg = a[0, :_P, :] + a[1, :_P, :]
        blk = _blockdiag(wl_ref[...].T, _DH, _DH, 8)
        h_ref[...] = jnp.tanh(r_ref[...] + jnp.dot(
            agg, blk, preferred_element_type=jnp.float32))

    return pl.pallas_call(
        body,
        out_shape=jax.ShapeDtypeStruct((_P, 128), jnp.float32),
    )(root_in, ap, wl)


def _tc4(h2p, ap, wr, wl, b):
    def body(h_ref, a_ref, wr_ref, wl_ref, b_ref, out_ref):
        a = a_ref[...]
        agg = a[0, :_P, :] + a[1, :_P, :]
        blk_r = _blockdiag(wr_ref[...].T, _DH, _DOUT, 8)
        blk_l = _blockdiag(wl_ref[...].T, _DH, _DOUT, 8)
        d1 = jnp.dot(h_ref[...], blk_r, preferred_element_type=jnp.float32)
        d2 = jnp.dot(agg, blk_l, preferred_element_type=jnp.float32)
        out_ref[...] = (d1 + d2) + jnp.tile(b_ref[...], (1, 8))

    return pl.pallas_call(
        body,
        out_shape=jax.ShapeDtypeStruct((_P, 8 * _DOUT), jnp.float32),
    )(h2p, ap, wr, wl, b.reshape(1, _DOUT))


def kernel(x, edge_index, W1_root, W1_rel, b1, W2_root, W2_rel, b2,
           W3_root, W3_rel, b3):
    ei_g = edge_index.reshape(2, _NW, _KB, _BA)
    xp = x.reshape(_P, 8 * _DIN)

    root1, rel1 = _tc1(xp, W1_root, W1_rel, b1)
    a = _segsum(ei_g, rel1.reshape(_N, _DH))
    h1, root2 = _tc2(root1, a.reshape(2, _PA, 128), W2_root, b2)
    a = _segsum(ei_g, h1.reshape(_N, _DH))
    h2 = _tc3(root2, a.reshape(2, _PA, 128), W2_rel)
    a = _segsum(ei_g, h2.reshape(_N, _DH))
    out_p = _tc4(h2, a.reshape(2, _PA, 128), W3_root, W3_rel, b3)
    return out_p.reshape(_N, _DOUT)

# --- scband reference (transcript-rebuilt; emitter-appended) ---
"""Pipeline reference for scband-gcnmv-64175401337157 (READ-ONLY COPY).

The authoritative reference and input builder live on the scoring server;
editing this copy changes nothing except your own understanding.
"""

import jax, jax.numpy as jnp
import numpy as np

N = 10000
E = 320000
D_IN = 128
D_H = 16
D_OUT = 60


def setup_inputs(seed: int = 0) -> dict:
    key = jax.random.key(seed)
    ks = jax.random.split(key, 12)
    x = jax.random.normal(ks[0], (N, D_IN), dtype=jnp.float32)
    edge_index = jax.random.randint(ks[1], (2, E), 0, N, dtype=jnp.int32)
    # GraphConv params (PyG GraphConv: W_root * x_i + W_rel * sum_j x_j + b)
    s1 = 1.0 / np.sqrt(D_IN)
    s2 = 1.0 / np.sqrt(D_H)
    W1_root = jax.random.normal(ks[2], (D_H, D_IN), dtype=jnp.float32) * s1
    W1_rel = jax.random.normal(ks[3], (D_H, D_IN), dtype=jnp.float32) * s1
    b1 = jnp.zeros((D_H,), dtype=jnp.float32)
    W2_root = jax.random.normal(ks[4], (D_H, D_H), dtype=jnp.float32) * s2
    W2_rel = jax.random.normal(ks[5], (D_H, D_H), dtype=jnp.float32) * s2
    b2 = jnp.zeros((D_H,), dtype=jnp.float32)
    W3_root = jax.random.normal(ks[6], (D_OUT, D_H), dtype=jnp.float32) * s2
    W3_rel = jax.random.normal(ks[7], (D_OUT, D_H), dtype=jnp.float32) * s2
    b3 = jnp.zeros((D_OUT,), dtype=jnp.float32)
    return {"x": x, "edge_index": edge_index,
            "W1_root": W1_root, "W1_rel": W1_rel, "b1": b1,
            "W2_root": W2_root, "W2_rel": W2_rel, "b2": b2,
            "W3_root": W3_root, "W3_rel": W3_rel, "b3": b3}


def graph_conv(x, edge_index, W_root, W_rel, b):
    # message from source nodes edge_index[0] aggregated (sum) into target edge_index[1]
    src = edge_index[0]
    dst = edge_index[1]
    msgs = jnp.take(x, src, axis=0)
    agg = jnp.zeros((x.shape[0], x.shape[1]), dtype=x.dtype).at[dst].add(msgs)
    return x @ W_root.T + agg @ W_rel.T + b


def reference(x, edge_index, W1_root, W1_rel, b1, W2_root, W2_rel, b2, W3_root, W3_rel, b3):
    h = jnp.tanh(graph_conv(x, edge_index, W1_root, W1_rel, b1))
    h = jnp.tanh(graph_conv(h, edge_index, W2_root, W2_rel, b2))
    # F.dropout(training=self.training) -> identity in eval mode
    out = graph_conv(h, edge_index, W3_root, W3_rel, b3)
    return out

if __name__ == "__main__":
    import jax
    _d = setup_inputs()
    print(jax.jit(kernel)(*tuple(_d.values())))

</pallas_src>

<mosaic_0001>
#map = affine_map<(d0, d1) -> (0, 0)>
#map1 = affine_map<(d0, d1) -> (0, 0, 0, 0)>
#map2 = affine_map<(d0, d1) -> (0, 0, 0)>
module attributes {stable_mosaic.version = 14 : i64} {
  func.func @run(%arg0: i32, %arg1: i32, %arg2: memref<632x16xf32, #tpu.memory_space<hbm>>, %arg3: memref<2x32x80x125xi32, #tpu.memory_space<hbm>>, %arg4: memref<10000x16xf32, #tpu.memory_space<hbm>>, %arg5: memref<2x10112x16xf32, #tpu.memory_space<hbm>>, %arg6: memref<80x125xi32, #tpu.memory_space<vmem>>, %arg7: memref<80x125xi32, #tpu.memory_space<vmem>>, %arg8: memref<8x125x16xf32, #tpu.memory_space<vmem>>, %arg9: memref<10112x16xf32, #tpu.memory_space<vmem_shared>>, %arg10: memref<10000x16xf32, #tpu.memory_space<vmem_shared>>, %arg11: memref<8x!tpu.dma_semaphore, #tpu.memory_space<semaphore_mem>>, %arg12: memref<8x!tpu.dma_semaphore, #tpu.memory_space<semaphore_mem>>) attributes {dimension_semantics = [#tpu.dimension_semantics<core_parallel>, #tpu.dimension_semantics<subcore_parallel>], iteration_bounds = array<i64: 2, 16>, scalar_prefetch = 0 : i64, scratch_operands = 7 : i64, tpu.core_type = #tpu.core_type<sc_vector_subcore>, window_params = [{transform_indices = #map}, {transform_indices = #map1}, {transform_indices = #map}, {transform_indices = #map2}]} {
    %mul3A = arith.constant 16 : i32
    %mul3A_0 = arith.muli %arg0, %mul3A : i32
    %add3A = arith.addi %mul3A_0, %arg1 : i32
    %mul3A_1 = arith.constant 632 : i32
    %mul3A_2 = arith.muli %arg1, %mul3A_1 : i32
    "tpu.region"() ({
      %run_scoped3A_138 = tpu.sem_alloc : memref<!tpu.dma_semaphore, #tpu.memory_space<semaphore_mem>>
      %dma_start3A_139 = arith.constant 0 : i32
      %dma_start3A_140 = tpu.memref_slice %arg9[%mul3A_2, %dma_start3A_139] : memref<10112x16xf32, #tpu.memory_space<vmem_shared>> -> memref<632x16xf32, #tpu.memory_space<vmem_shared>>
      tpu.enqueue_dma source(%arg2 : memref<632x16xf32, #tpu.memory_space<hbm>>) target(%dma_start3A_140 : memref<632x16xf32, #tpu.memory_space<vmem_shared>>) target_semaphore(%run_scoped3A_138 : memref<!tpu.dma_semaphore, #tpu.memory_space<semaphore_mem>>)
      %dma_wait3A_141 = arith.constant 0 : i32
      %dma_wait3A_142 = tpu.memref_slice %arg9[%mul3A_2, %dma_wait3A_141] : memref<10112x16xf32, #tpu.memory_space<vmem_shared>> -> memref<632x16xf32, #tpu.memory_space<vmem_shared>>
      tpu.wait_dma2 semaphore(%run_scoped3A_138 : memref<!tpu.dma_semaphore, #tpu.memory_space<semaphore_mem>>) src(%arg2 : memref<632x16xf32, #tpu.memory_space<hbm>>) dst(%dma_wait3A_142 : memref<632x16xf32, #tpu.memory_space<vmem_shared>>)
      tpu.yield
    }) : () -> ()
    %run_scoped3A = arith.constant 0 : i32
    "tpu.region"() ({
      %run_scoped3A_138 = tpu.sem_alloc : memref<!tpu.dma_semaphore, #tpu.memory_space<semaphore_mem>>
      %dma_start3A_139 = arith.constant 0 : i32
      %dma_start3A_140 = arith.constant 0 : i32
      %dma_start3A_141 = tpu.memref_slice %arg3[%run_scoped3A, %add3A, %dma_start3A_139, %dma_start3A_140] : memref<2x32x80x125xi32, #tpu.memory_space<hbm>> -> memref<1x1x80x125xi32, #tpu.memory_space<hbm>>
      %dma_start3A_142 = tpu.memref_squeeze %dma_start3A_141 : memref<1x1x80x125xi32, #tpu.memory_space<hbm>> -> memref<80x125xi32, #tpu.memory_space<hbm>>
      %dma_start3A_143 = arith.constant 0 : i32
      %dma_start3A_144 = arith.constant 0 : i32
      %dma_start3A_145 = tpu.memref_slice %arg3[%run_scoped3A, %add3A, %dma_start3A_143, %dma_start3A_144] : memref<2x32x80x125xi32, #tpu.memory_space<hbm>> -> memref<1x1x80x125xi32, #tpu.memory_space<hbm>>
      %dma_start3A_146 = tpu.memref_squeeze %dma_start3A_145 : memref<1x1x80x125xi32, #tpu.memory_space<hbm>> -> memref<80x125xi32, #tpu.memory_space<hbm>>
      tpu.enqueue_dma source(%dma_start3A_146 : memref<80x125xi32, #tpu.memory_space<hbm>>) target(%arg6 : memref<80x125xi32, #tpu.memory_space<vmem>>) target_semaphore(%run_scoped3A_138 : memref<!tpu.dma_semaphore, #tpu.memory_space<semaphore_mem>>)
      %dma_wait3A_147 = arith.constant 0 : i32
      %dma_wait3A_148 = arith.constant 0 : i32
      %dma_wait3A_149 = tpu.memref_slice %arg3[%run_scoped3A, %add3A, %dma_wait3A_147, %dma_wait3A_148] : memref<2x32x80x125xi32, #tpu.memory_space<hbm>> -> memref<1x1x80x125xi32, #tpu.memory_space<hbm>>
      %dma_wait3A_150 = tpu.memref_squeeze %dma_wait3A_149 : memref<1x1x80x125xi32, #tpu.memory_space<hbm>> -> memref<80x125xi32, #tpu.memory_space<hbm>>
      %dma_wait3A_151 = arith.constant 0 : i32
      %dma_wait3A_152 = arith.constant 0 : i32
      %dma_wait3A_153 = tpu.memref_slice %arg3[%run_scoped3A, %add3A, %dma_wait3A_151, %dma_wait3A_152] : memref<2x32x80x125xi32, #tpu.memory_space<hbm>> -> memref<1x1x80x125xi32, #tpu.memory_space<hbm>>
      %dma_wait3A_154 = tpu.memref_squeeze %dma_wait3A_153 : memref<1x1x80x125xi32, #tpu.memory_space<hbm>> -> memref<80x125xi32, #tpu.memory_space<hbm>>
      tpu.wait_dma2 semaphore(%run_scoped3A_138 : memref<!tpu.dma_semaphore, #tpu.memory_space<semaphore_mem>>) src(%dma_wait3A_154 : memref<80x125xi32, #tpu.memory_space<hbm>>) dst(%arg6 : memref<80x125xi32, #tpu.memory_space<vmem>>)
      tpu.yield
    }) : () -> ()
    %run_scoped3A_3 = arith.constant 1 : i32
    "tpu.region"() ({
      %run_scoped3A_138 = tpu.sem_alloc : memref<!tpu.dma_semaphore, #tpu.memory_space<semaphore_mem>>
      %dma_start3A_139 = arith.constant 0 : i32
      %dma_start3A_140 = arith.constant 0 : i32
      %dma_start3A_141 = tpu.memref_slice %arg3[%run_scoped3A_3, %add3A, %dma_start3A_139, %dma_start3A_140] : memref<2x32x80x125xi32, #tpu.memory_space<hbm>> -> memref<1x1x80x125xi32, #tpu.memory_space<hbm>>
      %dma_start3A_142 = tpu.memref_squeeze %dma_start3A_141 : memref<1x1x80x125xi32, #tpu.memory_space<hbm>> -> memref<80x125xi32, #tpu.memory_space<hbm>>
      %dma_start3A_143 = arith.constant 0 : i32
      %dma_start3A_144 = arith.constant 0 : i32
      %dma_start3A_145 = tpu.memref_slice %arg3[%run_scoped3A_3, %add3A, %dma_start3A_143, %dma_start3A_144] : memref<2x32x80x125xi32, #tpu.memory_space<hbm>> -> memref<1x1x80x125xi32, #tpu.memory_space<hbm>>
      %dma_start3A_146 = tpu.memref_squeeze %dma_start3A_145 : memref<1x1x80x125xi32, #tpu.memory_space<hbm>> -> memref<80x125xi32, #tpu.memory_space<hbm>>
      tpu.enqueue_dma source(%dma_start3A_146 : memref<80x125xi32, #tpu.memory_space<hbm>>) target(%arg7 : memref<80x125xi32, #tpu.memory_space<vmem>>) target_semaphore(%run_scoped3A_138 : memref<!tpu.dma_semaphore, #tpu.memory_space<semaphore_mem>>)
      %dma_wait3A_147 = arith.constant 0 : i32
      %dma_wait3A_148 = arith.constant 0 : i32
      %dma_wait3A_149 = tpu.memref_slice %arg3[%run_scoped3A_3, %add3A, %dma_wait3A_147, %dma_wait3A_148] : memref<2x32x80x125xi32, #tpu.memory_space<hbm>> -> memref<1x1x80x125xi32, #tpu.memory_space<hbm>>
      %dma_wait3A_150 = tpu.memref_squeeze %dma_wait3A_149 : memref<1x1x80x125xi32, #tpu.memory_space<hbm>> -> memref<80x125xi32, #tpu.memory_space<hbm>>
      %dma_wait3A_151 = arith.constant 0 : i32
      %dma_wait3A_152 = arith.constant 0 : i32
      %dma_wait3A_153 = tpu.memref_slice %arg3[%run_scoped3A_3, %add3A, %dma_wait3A_151, %dma_wait3A_152] : memref<2x32x80x125xi32, #tpu.memory_space<hbm>> -> memref<1x1x80x125xi32, #tpu.memory_space<hbm>>
      %dma_wait3A_154 = tpu.memref_squeeze %dma_wait3A_153 : memref<1x1x80x125xi32, #tpu.memory_space<hbm>> -> memref<80x125xi32, #tpu.memory_space<hbm>>
      tpu.wait_dma2 semaphore(%run_scoped3A_138 : memref<!tpu.dma_semaphore, #tpu.memory_space<semaphore_mem>>) src(%dma_wait3A_154 : memref<80x125xi32, #tpu.memory_space<hbm>>) dst(%arg7 : memref<80x125xi32, #tpu.memory_space<vmem>>)
      tpu.yield
    }) : () -> ()
    %lt3A = arith.constant 15 : i32
    %lt3A_4 = arith.cmpi slt, %arg1, %lt3A : i32
    %convert_element_type3A = arith.extui %lt3A_4 : i1 to i32
    %cond3A = arith.constant 0 : i32
    %cond3A_5 = arith.cmpi ne, %convert_element_type3A, %cond3A : i32
    scf.if %cond3A_5 {
      %mul3A_138 = arith.constant 632 : i32
      %mul3A_139 = arith.muli %arg1, %mul3A_138 : i32
      %mul3A_140 = arith.constant 632 : i32
      %mul3A_141 = arith.muli %arg1, %mul3A_140 : i32
      "tpu.region"() ({
        %run_scoped3A_142 = tpu.sem_alloc : memref<!tpu.dma_semaphore, #tpu.memory_space<semaphore_mem>>
        %dma_start3A_143 = arith.constant 0 : i32
        %dma_start3A_144 = tpu.memref_slice %arg10[%mul3A_141, %dma_start3A_143] : memref<10000x16xf32, #tpu.memory_space<vmem_shared>> -> memref<632x16xf32, #tpu.memory_space<vmem_shared>>
        %dma_start3A_145 = arith.constant 0 : i32
        %dma_start3A_146 = tpu.memref_slice %arg4[%mul3A_139, %dma_start3A_145] : memref<10000x16xf32, #tpu.memory_space<hbm>> -> memref<632x16xf32, #tpu.memory_space<hbm>>
        tpu.enqueue_dma source(%dma_start3A_146 : memref<632x16xf32, #tpu.memory_space<hbm>>) target(%dma_start3A_144 : memref<632x16xf32, #tpu.memory_space<vmem_shared>>) target_semaphore(%run_scoped3A_142 : memref<!tpu.dma_semaphore, #tpu.memory_space<semaphore_mem>>)
        %dma_wait3A_147 = arith.constant 0 : i32
        %dma_wait3A_148 = tpu.memref_slice %arg10[%mul3A_141, %dma_wait3A_147] : memref<10000x16xf32, #tpu.memory_space<vmem_shared>> -> memref<632x16xf32, #tpu.memory_space<vmem_shared>>
        %dma_wait3A_149 = arith.constant 0 : i32
        %dma_wait3A_150 = tpu.memref_slice %arg4[%mul3A_139, %dma_wait3A_149] : memref<10000x16xf32, #tpu.memory_space<hbm>> -> memref<632x16xf32, #tpu.memory_space<hbm>>
        tpu.wait_dma2 semaphore(%run_scoped3A_142 : memref<!tpu.dma_semaphore, #tpu.memory_space<semaphore_mem>>) src(%dma_wait3A_150 : memref<632x16xf32, #tpu.memory_space<hbm>>) dst(%dma_wait3A_148 : memref<632x16xf32, #tpu.memory_space<vmem_shared>>)
        tpu.yield
      }) : () -> ()
    } else {
    }
    %eq3A = arith.constant 15 : i32
    %eq3A_6 = arith.cmpi eq, %arg1, %eq3A : i32
    %convert_element_type3A_7 = arith.extui %eq3A_6 : i1 to i32
    %cond3A_8 = arith.constant 0 : i32
    %cond3A_9 = arith.cmpi ne, %convert_element_type3A_7, %cond3A_8 : i32
    scf.if %cond3A_9 {
      "tpu.region"() ({
        %run_scoped3A_138 = tpu.sem_alloc : memref<!tpu.dma_semaphore, #tpu.memory_space<semaphore_mem>>
        %dma_start3A_139 = arith.constant 9480 : i32
        %dma_start3A_140 = arith.constant 0 : i32
        %dma_start3A_141 = tpu.memref_slice %arg10[%dma_start3A_139, %dma_start3A_140] : memref<10000x16xf32, #tpu.memory_space<vmem_shared>> -> memref<520x16xf32, #tpu.memory_space<vmem_shared>>
        %dma_start3A_142 = arith.constant 9480 : i32
        %dma_start3A_143 = arith.constant 0 : i32
        %dma_start3A_144 = tpu.memref_slice %arg4[%dma_start3A_142, %dma_start3A_143] : memref<10000x16xf32, #tpu.memory_space<hbm>> -> memref<520x16xf32, #tpu.memory_space<hbm>>
        tpu.enqueue_dma source(%dma_start3A_144 : memref<520x16xf32, #tpu.memory_space<hbm>>) target(%dma_start3A_141 : memref<520x16xf32, #tpu.memory_space<vmem_shared>>) target_semaphore(%run_scoped3A_138 : memref<!tpu.dma_semaphore, #tpu.memory_space<semaphore_mem>>)
        %dma_wait3A_145 = arith.constant 9480 : i32
        %dma_wait3A_146 = arith.constant 0 : i32
        %dma_wait3A_147 = tpu.memref_slice %arg10[%dma_wait3A_145, %dma_wait3A_146] : memref<10000x16xf32, #tpu.memory_space<vmem_shared>> -> memref<520x16xf32, #tpu.memory_space<vmem_shared>>
        %dma_wait3A_148 = arith.constant 9480 : i32
        %dma_wait3A_149 = arith.constant 0 : i32
        %dma_wait3A_150 = tpu.memref_slice %arg4[%dma_wait3A_148, %dma_wait3A_149] : memref<10000x16xf32, #tpu.memory_space<hbm>> -> memref<520x16xf32, #tpu.memory_space<hbm>>
        tpu.wait_dma2 semaphore(%run_scoped3A_138 : memref<!tpu.dma_semaphore, #tpu.memory_space<semaphore_mem>>) src(%dma_wait3A_150 : memref<520x16xf32, #tpu.memory_space<hbm>>) dst(%dma_wait3A_147 : memref<520x16xf32, #tpu.memory_space<vmem_shared>>)
        tpu.yield
      }) : () -> ()
    } else {
    }
    %barrier3A = arith.constant 0 : index
    tpu.barrier barrier_id(%barrier3A)
    %dma_start3A = arith.constant 0 : i32
    %dma_start3A_10 = arith.constant 0 : i32
    %dma_start3A_11 = arith.constant 0 : i32
    %dma_start3A_12 = arith.constant 0 : i32
    %dma_start3A_13 = arith.constant 0 : i32
    %dma_start3A_14 = tpu.memref_slice %arg8[%dma_start3A_10, %dma_start3A_12, %dma_start3A_13] : memref<8x125x16xf32, #tpu.memory_space<vmem>> -> memref<1x125x16xf32, #tpu.memory_space<vmem>>
    %dma_start3A_15 = tpu.memref_squeeze %dma_start3A_14 : memref<1x125x16xf32, #tpu.memory_space<vmem>> -> memref<125x16xf32, #tpu.memory_space<vmem>>
    %dma_start3A_16 = arith.constant 0 : i32
    %dma_start3A_17 = tpu.memref_slice %arg6[%dma_start3A, %dma_start3A_16] : memref<80x125xi32, #tpu.memory_space<vmem>> -> memref<1x125xi32, #tpu.memory_space<vmem>>
    %dma_start3A_18 = tpu.memref_squeeze %dma_start3A_17 : memref<1x125xi32, #tpu.memory_space<vmem>> -> memref<125xi32, #tpu.memory_space<vmem>>
    %dma_start3A_19 = arith.constant 0 : i32
    %dma_start3A_20 = arith.constant 0 : i32
    %dma_start3A_21 = tpu.memref_slice %arg10[%dma_start3A_19, %dma_start3A_20] : memref<10000x16xf32, #tpu.memory_space<vmem_shared>> -> memref<10000x16xf32, #tpu.memory_space<vmem_shared>>
    %dma_start3A_22 = tpu.memref_slice %arg11[%dma_start3A_11] : memref<8x!tpu.dma_semaphore, #tpu.memory_space<semaphore_mem>> -> memref<1x!tpu.dma_semaphore, #tpu.memory_space<semaphore_mem>>
    %dma_start3A_23 = tpu.memref_squeeze %dma_start3A_22 : memref<1x!tpu.dma_semaphore, #tpu.memory_space<semaphore_mem>> -> memref<!tpu.dma_semaphore, #tpu.memory_space<semaphore_mem>>
    tpu.enqueue_indirect_dma source(%dma_start3A_21 : memref<10000x16xf32, #tpu.memory_space<vmem_shared>>) target(%dma_start3A_15 : memref<125x16xf32, #tpu.memory_space<vmem>>) offsets(%dma_start3A_18 : memref<125xi32, #tpu.memory_space<vmem>>) semaphore(%dma_start3A_23 : memref<!tpu.dma_semaphore, #tpu.memory_space<semaphore_mem>>)
    %dma_start3A_24 = arith.constant 1 : i32
    %dma_start3A_25 = arith.constant 1 : i32
    %dma_start3A_26 = arith.constant 1 : i32
    %dma_start3A_27 = arith.constant 0 : i32
    %dma_start3A_28 = arith.constant 0 : i32
    %dma_start3A_29 = tpu.memref_slice %arg8[%dma_start3A_25, %dma_start3A_27, %dma_start3A_28] : memref<8x125x16xf32, #tpu.memory_space<vmem>> -> memref<1x125x16xf32, #tpu.memory_space<vmem>>
    %dma_start3A_30 = tpu.memref_squeeze %dma_start3A_29 : memref<1x125x16xf32, #tpu.memory_space<vmem>> -> memref<125x16xf32, #tpu.memory_space<vmem>>
    %dma_start3A_31 = arith.constant 0 : i32
    %dma_start3A_32 = tpu.memref_slice %arg6[%dma_start3A_24, %dma_start3A_31] : memref<80x125xi32, #tpu.memory_space<vmem>> -> memref<1x125xi32, #tpu.memory_space<vmem>>
    %dma_start3A_33 = tpu.memref_squeeze %dma_start3A_32 : memref<1x125xi32, #tpu.memory_space<vmem>> -> memref<125xi32, #tpu.memory_space<vmem>>
    %dma_start3A_34 = arith.constant 0 : i32
    %dma_start3A_35 = arith.constant 0 : i32
    %dma_start3A_36 = tpu.memref_slice %arg10[%dma_start3A_34, %dma_start3A_35] : memref<10000x16xf32, #tpu.memory_space<vmem_shared>> -> memref<10000x16xf32, #tpu.memory_space<vmem_shared>>
    %dma_start3A_37 = tpu.memref_slice %arg11[%dma_start3A_26] : memref<8x!tpu.dma_semaphore, #tpu.memory_space<semaphore_mem>> -> memref<1x!tpu.dma_semaphore, #tpu.memory_space<semaphore_mem>>
    %dma_start3A_38 = tpu.memref_squeeze %dma_start3A_37 : memref<1x!tpu.dma_semaphore, #tpu.memory_space<semaphore_mem>> -> memref<!tpu.dma_semaphore, #tpu.memory_space<semaphore_mem>>
    tpu.enqueue_indirect_dma source(%dma_start3A_36 : memref<10000x16xf32, #tpu.memory_space<vmem_shared>>) target(%dma_start3A_30 : memref<125x16xf32, #tpu.memory_space<vmem>>) offsets(%dma_start3A_33 : memref<125xi32, #tpu.memory_space<vmem>>) semaphore(%dma_start3A_38 : memref<!tpu.dma_semaphore, #tpu.memory_space<semaphore_mem>>)
    %dma_start3A_39 = arith.constant 2 : i32
    %dma_start3A_40 = arith.constant 2 : i32
    %dma_start3A_41 = arith.constant 2 : i32
    %dma_start3A_42 = arith.constant 0 : i32
    %dma_start3A_43 = arith.constant 0 : i32
    %dma_start3A_44 = tpu.memref_slice %arg8[%dma_start3A_40, %dma_start3A_42, %dma_start3A_43] : memref<8x125x16xf32, #tpu.memory_space<vmem>> -> memref<1x125x16xf32, #tpu.memory_space<vmem>>
    %dma_start3A_45 = tpu.memref_squeeze %dma_start3A_44 : memref<1x125x16xf32, #tpu.memory_space<vmem>> -> memref<125x16xf32, #tpu.memory_space<vmem>>
    %dma_start3A_46 = arith.constant 0 : i32
    %dma_start3A_47 = tpu.memref_slice %arg6[%dma_start3A_39, %dma_start3A_46] : memref<80x125xi32, #tpu.memory_space<vmem>> -> memref<1x125xi32, #tpu.memory_space<vmem>>
    %dma_start3A_48 = tpu.memref_squeeze %dma_start3A_47 : memref<1x125xi32, #tpu.memory_space<vmem>> -> memref<125xi32, #tpu.memory_space<vmem>>
    %dma_start3A_49 = arith.constant 0 : i32
    %dma_start3A_50 = arith.constant 0 : i32
    %dma_start3A_51 = tpu.memref_slice %arg10[%dma_start3A_49, %dma_start3A_50] : memref<10000x16xf32, #tpu.memory_space<vmem_shared>> -> memref<10000x16xf32, #tpu.memory_space<vmem_shared>>
    %dma_start3A_52 = tpu.memref_slice %arg11[%dma_start3A_41] : memref<8x!tpu.dma_semaphore, #tpu.memory_space<semaphore_mem>> -> memref<1x!tpu.dma_semaphore, #tpu.memory_space<semaphore_mem>>
    %dma_start3A_53 = tpu.memref_squeeze %dma_start3A_52 : memref<1x!tpu.dma_semaphore, #tpu.memory_space<semaphore_mem>> -> memref<!tpu.dma_semaphore, #tpu.memory_space<semaphore_mem>>
    tpu.enqueue_indirect_dma source(%dma_start3A_51 : memref<10000x16xf32, #tpu.memory_space<vmem_shared>>) target(%dma_start3A_45 : memref<125x16xf32, #tpu.memory_space<vmem>>) offsets(%dma_start3A_48 : memref<125xi32, #tpu.memory_space<vmem>>) semaphore(%dma_start3A_53 : memref<!tpu.dma_semaphore, #tpu.memory_space<semaphore_mem>>)
    %dma_start3A_54 = arith.constant 3 : i32
    %dma_start3A_55 = arith.constant 3 : i32
    %dma_start3A_56 = arith.constant 3 : i32
    %dma_start3A_57 = arith.constant 0 : i32
    %dma_start3A_58 = arith.constant 0 : i32
    %dma_start3A_59 = tpu.memref_slice %arg8[%dma_start3A_55, %dma_start3A_57, %dma_start3A_58] : memref<8x125x16xf32, #tpu.memory_space<vmem>> -> memref<1x125x16xf32, #tpu.memory_space<vmem>>
    %dma_start3A_60 = tpu.memref_squeeze %dma_start3A_59 : memref<1x125x16xf32, #tpu.memory_space<vmem>> -> memref<125x16xf32, #tpu.memory_space<vmem>>
    %dma_start3A_61 = arith.constant 0 : i32
    %dma_start3A_62 = tpu.memref_slice %arg6[%dma_start3A_54, %dma_start3A_61] : memref<80x125xi32, #tpu.memory_space<vmem>> -> memref<1x125xi32, #tpu.memory_space<vmem>>
    %dma_start3A_63 = tpu.memref_squeeze %dma_start3A_62 : memref<1x125xi32, #tpu.memory_space<vmem>> -> memref<125xi32, #tpu.memory_space<vmem>>
    %dma_start3A_64 = arith.constant 0 : i32
    %dma_start3A_65 = arith.constant 0 : i32
    %dma_start3A_66 = tpu.memref_slice %arg10[%dma_start3A_64, %dma_start3A_65] : memref<10000x16xf32, #tpu.memory_space<vmem_shared>> -> memref<10000x16xf32, #tpu.memory_space<vmem_shared>>
    %dma_start3A_67 = tpu.memref_slice %arg11[%dma_start3A_56] : memref<8x!tpu.dma_semaphore, #tpu.memory_space<semaphore_mem>> -> memref<1x!tpu.dma_semaphore, #tpu.memory_space<semaphore_mem>>
    %dma_start3A_68 = tpu.memref_squeeze %dma_start3A_67 : memref<1x!tpu.dma_semaphore, #tpu.memory_space<semaphore_mem>> -> memref<!tpu.dma_semaphore, #tpu.memory_space<semaphore_mem>>
    tpu.enqueue_indirect_dma source(%dma_start3A_66 : memref<10000x16xf32, #tpu.memory_space<vmem_shared>>) target(%dma_start3A_60 : memref<125x16xf32, #tpu.memory_space<vmem>>) offsets(%dma_start3A_63 : memref<125xi32, #tpu.memory_space<vmem>>) semaphore(%dma_start3A_68 : memref<!tpu.dma_semaphore, #tpu.memory_space<semaphore_mem>>)
    %scan3A = arith.constant 0 : i32
    %scan3A_69 = arith.constant 0 : i32
    %scan3A_70 = arith.constant 10 : i32
    %scan3A_71 = arith.addi %scan3A_69, %scan3A_70 : i32
    %scan3A_72 = arith.constant 1 : i32
    scf.for %scan3A_138 = %scan3A_69 to %scan3A_71 step %scan3A_72  : i32 {
      %mul3A_139 = arith.constant 8 : i32
      %mul3A_140 = arith.muli %mul3A_139, %scan3A_138 : i32
      %add3A_141 = arith.constant 0 : i32
      %add3A_142 = arith.addi %mul3A_140, %add3A_141 : i32
      %dma_wait3A_143 = arith.constant 0 : i32
      %dma_wait3A_144 = arith.constant 0 : i32
      %dma_wait3A_145 = arith.constant 0 : i32
      %dma_wait3A_146 = arith.constant 0 : i32
      %dma_wait3A_147 = tpu.memref_slice %arg8[%dma_wait3A_143, %dma_wait3A_145, %dma_wait3A_146] : memref<8x125x16xf32, #tpu.memory_space<vmem>> -> memref<1x125x16xf32, #tpu.memory_space<vmem>>
      %dma_wait3A_148 = tpu.memref_squeeze %dma_wait3A_147 : memref<1x125x16xf32, #tpu.memory_space<vmem>> -> memref<125x16xf32, #tpu.memory_space<vmem>>
      %dma_wait3A_149 = arith.constant 0 : i32
      %dma_wait3A_150 = tpu.memref_slice %arg6[%add3A_142, %dma_wait3A_149] : memref<80x125xi32, #tpu.memory_space<vmem>> -> memref<1x125xi32, #tpu.memory_space<vmem>>
      %dma_wait3A_151 = tpu.memref_squeeze %dma_wait3A_150 : memref<1x125xi32, #tpu.memory_space<vmem>> -> memref<125xi32, #tpu.memory_space<vmem>>
      %dma_wait3A_152 = arith.constant 0 : i32
      %dma_wait3A_153 = arith.constant 0 : i32
      %dma_wait3A_154 = tpu.memref_slice %arg10[%dma_wait3A_152, %dma_wait3A_153] : memref<10000x16xf32, #tpu.memory_space<vmem_shared>> -> memref<10000x16xf32, #tpu.memory_space<vmem_shared>>
      %dma_wait3A_155 = tpu.memref_slice %arg11[%dma_wait3A_144] : memref<8x!tpu.dma_semaphore, #tpu.memory_space<semaphore_mem>> -> memref<1x!tpu.dma_semaphore, #tpu.memory_space<semaphore_mem>>
      %dma_wait3A_156 = tpu.memref_squeeze %dma_wait3A_155 : memref<1x!tpu.dma_semaphore, #tpu.memory_space<semaphore_mem>> -> memref<!tpu.dma_semaphore, #tpu.memory_space<semaphore_mem>>
      tpu.wait_indirect_dma semaphore(%dma_wait3A_156 : memref<!tpu.dma_semaphore, #tpu.memory_space<semaphore_mem>>) src(%dma_wait3A_154 : memref<10000x16xf32, #tpu.memory_space<vmem_shared>>) dst(%dma_wait3A_148 : memref<125x16xf32, #tpu.memory_space<vmem>>)
      %dma_start3A_157 = arith.constant 0 : i32
      %dma_start3A_158 = arith.constant 0 : i32
      %dma_start3A_159 = arith.constant 0 : i32
      %dma_start3A_160 = arith.constant 0 : i32
      %dma_start3A_161 = tpu.memref_slice %arg8[%dma_start3A_157, %dma_start3A_159, %dma_start3A_160] : memref<8x125x16xf32, #tpu.memory_space<vmem>> -> memref<1x125x16xf32, #tpu.memory_space<vmem>>
      %dma_start3A_162 = tpu.memref_squeeze %dma_start3A_161 : memref<1x125x16xf32, #tpu.memory_space<vmem>> -> memref<125x16xf32, #tpu.memory_space<vmem>>
      %dma_start3A_163 = arith.constant 0 : i32
      %dma_start3A_164 = tpu.memref_slice %arg7[%add3A_142, %dma_start3A_163] : memref<80x125xi32, #tpu.memory_space<vmem>> -> memref<1x125xi32, #tpu.memory_space<vmem>>
      %dma_start3A_165 = tpu.memref_squeeze %dma_start3A_164 : memref<1x125xi32, #tpu.memory_space<vmem>> -> memref<125xi32, #tpu.memory_space<vmem>>
      %dma_start3A_166 = arith.constant 0 : i32
      %dma_start3A_167 = arith.constant 0 : i32
      %dma_start3A_168 = tpu.memref_slice %arg9[%dma_start3A_166, %dma_start3A_167] : memref<10112x16xf32, #tpu.memory_space<vmem_shared>> -> memref<10112x16xf32, #tpu.memory_space<vmem_shared>>
      %dma_start3A_169 = tpu.memref_slice %arg12[%dma_start3A_158] : memref<8x!tpu.dma_semaphore, #tpu.memory_space<semaphore_mem>> -> memref<1x!tpu.dma_semaphore, #tpu.memory_space<semaphore_mem>>
      %dma_start3A_170 = tpu.memref_squeeze %dma_start3A_169 : memref<1x!tpu.dma_semaphore, #tpu.memory_space<semaphore_mem>> -> memref<!tpu.dma_semaphore, #tpu.memory_space<semaphore_mem>>
      tpu.enqueue_indirect_dma source(%dma_start3A_162 : memref<125x16xf32, #tpu.memory_space<vmem>>) target(%dma_start3A_168 : memref<10112x16xf32, #tpu.memory_space<vmem_shared>>) offsets(%dma_start3A_165 : memref<125xi32, #tpu.memory_space<vmem>>) semaphore(%dma_start3A_170 : memref<!tpu.dma_semaphore, #tpu.memory_space<semaphore_mem>>) {add = true}
      %ge3A = arith.constant 4 : i32
      %ge3A_171 = arith.cmpi sge, %add3A_142, %ge3A : i32
      %convert_element_type3A_172 = arith.extui %ge3A_171 : i1 to i32
      %cond3A_173 = arith.constant 0 : i32
      %cond3A_174 = arith.cmpi ne, %convert_element_type3A_172, %cond3A_173 : i32
      scf.if %cond3A_174 {
        %dma_wait3A_490 = arith.constant 4 : i32
        %dma_wait3A_491 = arith.constant 0 : i32
        %dma_wait3A_492 = arith.constant 4 : i32
        %dma_wait3A_493 = arith.constant 0 : i32
        %dma_wait3A_494 = arith.constant 0 : i32
        %dma_wait3A_495 = tpu.memref_slice %arg8[%dma_wait3A_490, %dma_wait3A_493, %dma_wait3A_494] : memref<8x125x16xf32, #tpu.memory_space<vmem>> -> memref<1x125x16xf32, #tpu.memory_space<vmem>>
        %dma_wait3A_496 = tpu.memref_squeeze %dma_wait3A_495 : memref<1x125x16xf32, #tpu.memory_space<vmem>> -> memref<125x16xf32, #tpu.memory_space<vmem>>
        %dma_wait3A_497 = arith.constant 0 : i32
        %dma_wait3A_498 = tpu.memref_slice %arg7[%dma_wait3A_491, %dma_wait3A_497] : memref<80x125xi32, #tpu.memory_space<vmem>> -> memref<1x125xi32, #tpu.memory_space<vmem>>
        %dma_wait3A_499 = tpu.memref_squeeze %dma_wait3A_498 : memref<1x125xi32, #tpu.memory_space<vmem>> -> memref<125xi32, #tpu.memory_space<vmem>>
        %dma_wait3A_500 = arith.constant 0 : i32
        %dma_wait3A_501 = arith.constant 0 : i32
        %dma_wait3A_502 = tpu.memref_slice %arg9[%dma_wait3A_500, %dma_wait3A_501] : memref<10112x16xf32, #tpu.memory_space<vmem_shared>> -> memref<10112x16xf32, #tpu.memory_space<vmem_shared>>
        %dma_wait3A_503 = tpu.memref_slice %arg12[%dma_wait3A_492] : memref<8x!tpu.dma_semaphore, #tpu.memory_space<semaphore_mem>> -> memref<1x!tpu.dma_semaphore, #tpu.memory_space<semaphore_mem>>
        %dma_wait3A_504 = tpu.memref_squeeze %dma_wait3A_503 : memref<1x!tpu.dma_semaphore, #tpu.memory_space<semaphore_mem>> -> memref<!tpu.dma_semaphore, #tpu.memory_space<semaphore_mem>>
        tpu.wait_indirect_dma semaphore(%dma_wait3A_504 : memref<!tpu.dma_semaphore, #tpu.memory_space<semaphore_mem>>) src(%dma_wait3A_496 : memref<125x16xf32, #tpu.memory_space<vmem>>) dst(%dma_wait3A_502 : memref<10112x16xf32, #tpu.memory_space<vmem_shared>>)
      } else {
      }
      %add3A_175 = arith.constant 4 : i32
      %add3A_176 = arith.addi %add3A_142, %add3A_175 : i32
      %lt3A_177 = arith.constant 80 : i32
      %lt3A_178 = arith.cmpi slt, %add3A_176, %lt3A_177 : i32
      %convert_element_type3A_179 = arith.extui %lt3A_178 : i1 to i32
      %cond3A_180 = arith.constant 0 : i32
      %cond3A_181 = arith.cmpi ne, %convert_element_type3A_179, %cond3A_180 : i32
      scf.if %cond3A_181 {
        %add3A_490 = arith.constant 4 : i32
        %add3A_491 = arith.addi %add3A_142, %add3A_490 : i32
        %dma_start3A_492 = arith.constant 4 : i32
        %dma_start3A_493 = arith.constant 4 : i32
        %dma_start3A_494 = arith.constant 0 : i32
        %dma_start3A_495 = arith.constant 0 : i32
        %dma_start3A_496 = tpu.memref_slice %arg8[%dma_start3A_492, %dma_start3A_494, %dma_start3A_495] : memref<8x125x16xf32, #tpu.memory_space<vmem>> -> memref<1x125x16xf32, #tpu.memory_space<vmem>>
        %dma_start3A_497 = tpu.memref_squeeze %dma_start3A_496 : memref<1x125x16xf32, #tpu.memory_space<vmem>> -> memref<125x16xf32, #tpu.memory_space<vmem>>
        %dma_start3A_498 = arith.constant 0 : i32
        %dma_start3A_499 = tpu.memref_slice %arg6[%add3A_491, %dma_start3A_498] : memref<80x125xi32, #tpu.memory_space<vmem>> -> memref<1x125xi32, #tpu.memory_space<vmem>>
        %dma_start3A_500 = tpu.memref_squeeze %dma_start3A_499 : memref<1x125xi32, #tpu.memory_space<vmem>> -> memref<125xi32, #tpu.memory_space<vmem>>
        %dma_start3A_501 = arith.constant 0 : i32
        %dma_start3A_502 = arith.constant 0 : i32
        %dma_start3A_503 = tpu.memref_slice %arg10[%dma_start3A_501, %dma_start3A_502] : memref<10000x16xf32, #tpu.memory_space<vmem_shared>> -> memref<10000x16xf32, #tpu.memory_space<vmem_shared>>
        %dma_start3A_504 = tpu.memref_slice %arg11[%dma_start3A_493] : memref<8x!tpu.dma_semaphore, #tpu.memory_space<semaphore_mem>> -> memref<1x!tpu.dma_semaphore, #tpu.memory_space<semaphore_mem>>
        %dma_start3A_505 = tpu.memref_squeeze %dma_start3A_504 : memref<1x!tpu.dma_semaphore, #tpu.memory_space<semaphore_mem>> -> memref<!tpu.dma_semaphore, #tpu.memory_space<semaphore_mem>>
        tpu.enqueue_indirect_dma source(%dma_start3A_503 : memref<10000x16xf32, #tpu.memory_space<vmem_shared>>) target(%dma_start3A_497 : memref<125x16xf32, #tpu.memory_space<vmem>>) offsets(%dma_start3A_500 : memref<125xi32, #tpu.memory_space<vmem>>) semaphore(%dma_start3A_505 : memref<!tpu.dma_semaphore, #tpu.memory_space<semaphore_mem>>)
      } else {
      }
      %mul3A_182 = arith.constant 8 : i32
      %mul3A_183 = arith.muli %mul3A_182, %scan3A_138 : i32
      %add3A_184 = arith.constant 1 : i32
      %add3A_185 = arith.addi %mul3A_183, %add3A_184 : i32
      %dma_wait3A_186 = arith.constant 1 : i32
      %dma_wait3A_187 = arith.constant 1 : i32
      %dma_wait3A_188 = arith.constant 0 : i32
      %dma_wait3A_189 = arith.constant 0 : i32
      %dma_wait3A_190 = tpu.memref_slice %arg8[%dma_wait3A_186, %dma_wait3A_188, %dma_wait3A_189] : memref<8x125x16xf32, #tpu.memory_space<vmem>> -> memref<1x125x16xf32, #tpu.memory_space<vmem>>
      %dma_wait3A_191 = tpu.memref_squeeze %dma_wait3A_190 : memref<1x125x16xf32, #tpu.memory_space<vmem>> -> memref<125x16xf32, #tpu.memory_space<vmem>>
      %dma_wait3A_192 = arith.constant 0 : i32
      %dma_wait3A_193 = tpu.memref_slice %arg6[%add3A_185, %dma_wait3A_192] : memref<80x125xi32, #tpu.memory_space<vmem>> -> memref<1x125xi32, #tpu.memory_space<vmem>>
      %dma_wait3A_194 = tpu.memref_squeeze %dma_wait3A_193 : memref<1x125xi32, #tpu.memory_space<vmem>> -> memref<125xi32, #tpu.memory_space<vmem>>
      %dma_wait3A_195 = arith.constant 0 : i32
      %dma_wait3A_196 = arith.constant 0 : i32
      %dma_wait3A_197 = tpu.memref_slice %arg10[%dma_wait3A_195, %dma_wait3A_196] : memref<10000x16xf32, #tpu.memory_space<vmem_shared>> -> memref<10000x16xf32, #tpu.memory_space<vmem_shared>>
      %dma_wait3A_198 = tpu.memref_slice %arg11[%dma_wait3A_187] : memref<8x!tpu.dma_semaphore, #tpu.memory_space<semaphore_mem>> -> memref<1x!tpu.dma_semaphore, #tpu.memory_space<semaphore_mem>>
      %dma_wait3A_199 = tpu.memref_squeeze %dma_wait3A_198 : memref<1x!tpu.dma_semaphore, #tpu.memory_space<semaphore_mem>> -> memref<!tpu.dma_semaphore, #tpu.memory_space<semaphore_mem>>
      tpu.wait_indirect_dma semaphore(%dma_wait3A_199 : memref<!tpu.dma_semaphore, #tpu.memory_space<semaphore_mem>>) src(%dma_wait3A_197 : memref<10000x16xf32, #tpu.memory_space<vmem_shared>>) dst(%dma_wait3A_191 : memref<125x16xf32, #tpu.memory_space<vmem>>)
      %dma_start3A_200 = arith.constant 1 : i32
      %dma_start3A_201 = arith.constant 1 : i32
      %dma_start3A_202 = arith.constant 0 : i32
      %dma_start3A_203 = arith.constant 0 : i32
      %dma_start3A_204 = tpu.memref_slice %arg8[%dma_start3A_200, %dma_start3A_202, %dma_start3A_203] : memref<8x125x16xf32, #tpu.memory_space<vmem>> -> memref<1x125x16xf32, #tpu.memory_space<vmem>>
      %dma_start3A_205 = tpu.memref_squeeze %dma_start3A_204 : memref<1x125x16xf32, #tpu.memory_space<vmem>> -> memref<125x16xf32, #tpu.memory_space<vmem>>
      %dma_start3A_206 = arith.constant 0 : i32
      %dma_start3A_207 = tpu.memref_slice %arg7[%add3A_185, %dma_start3A_206] : memref<80x125xi32, #tpu.memory_space<vmem>> -> memref<1x125xi32, #tpu.memory_space<vmem>>
      %dma_start3A_208 = tpu.memref_squeeze %dma_start3A_207 : memref<1x125xi32, #tpu.memory_space<vmem>> -> memref<125xi32, #tpu.memory_space<vmem>>
      %dma_start3A_209 = arith.constant 0 : i32
      %dma_start3A_210 = arith.constant 0 : i32
      %dma_start3A_211 = tpu.memref_slice %arg9[%dma_start3A_209, %dma_start3A_210] : memref<10112x16xf32, #tpu.memory_space<vmem_shared>> -> memref<10112x16xf32, #tpu.memory_space<vmem_shared>>
      %dma_start3A_212 = tpu.memref_slice %arg12[%dma_start3A_201] : memref<8x!tpu.dma_semaphore, #tpu.memory_space<semaphore_mem>> -> memref<1x!tpu.dma_semaphore, #tpu.memory_space<semaphore_mem>>
      %dma_start3A_213 = tpu.memref_squeeze %dma_start3A_212 : memref<1x!tpu.dma_semaphore, #tpu.memory_space<semaphore_mem>> -> memref<!tpu.dma_semaphore, #tpu.memory_space<semaphore_mem>>
      tpu.enqueue_indirect_dma source(%dma_start3A_205 : memref<125x16xf32, #tpu.memory_space<vmem>>) target(%dma_start3A_211 : memref<10112x16xf32, #tpu.memory_space<vmem_shared>>) offsets(%dma_start3A_208 : memref<125xi32, #tpu.memory_space<vmem>>) semaphore(%dma_start3A_213 : memref<!tpu.dma_semaphore, #tpu.memory_space<semaphore_mem>>) {add = true}
      %ge3A_214 = arith.constant 4 : i32
      %ge3A_215 = arith.cmpi sge, %add3A_185, %ge3A_214 : i32
      %convert_element_type3A_216 = arith.extui %ge3A_215 : i1 to i32
      %cond3A_217 = arith.constant 0 : i32
      %cond3A_218 = arith.cmpi ne, %convert_element_type3A_216, %cond3A_217 : i32
      scf.if %cond3A_218 {
        %dma_wait3A_490 = arith.constant 5 : i32
        %dma_wait3A_491 = arith.constant 0 : i32
        %dma_wait3A_492 = arith.constant 5 : i32
        %dma_wait3A_493 = arith.constant 0 : i32
        %dma_wait3A_494 = arith.constant 0 : i32
        %dma_wait3A_495 = tpu.memref_slice %arg8[%dma_wait3A_490, %dma_wait3A_493, %dma_wait3A_494] : memref<8x125x16xf32, #tpu.memory_space<vmem>> -> memref<1x125x16xf32, #tpu.memory_space<vmem>>
        %dma_wait3A_496 = tpu.memref_squeeze %dma_wait3A_495 : memref<1x125x16xf32, #tpu.memory_space<vmem>> -> memref<125x16xf32, #tpu.memory_space<vmem>>
        %dma_wait3A_497 = arith.constant 0 : i32
        %dma_wait3A_498 = tpu.memref_slice %arg7[%dma_wait3A_491, %dma_wait3A_497] : memref<80x125xi32, #tpu.memory_space<vmem>> -> memref<1x125xi32, #tpu.memory_space<vmem>>
        %dma_wait3A_499 = tpu.memref_squeeze %dma_wait3A_498 : memref<1x125xi32, #tpu.memory_space<vmem>> -> memref<125xi32, #tpu.memory_space<vmem>>
        %dma_wait3A_500 = arith.constant 0 : i32
        %dma_wait3A_501 = arith.constant 0 : i32
        %dma_wait3A_502 = tpu.memref_slice %arg9[%dma_wait3A_500, %dma_wait3A_501] : memref<10112x16xf32, #tpu.memory_space<vmem_shared>> -> memref<10112x16xf32, #tpu.memory_space<vmem_shared>>
        %dma_wait3A_503 = tpu.memref_slice %arg12[%dma_wait3A_492] : memref<8x!tpu.dma_semaphore, #tpu.memory_space<semaphore_mem>> -> memref<1x!tpu.dma_semaphore, #tpu.memory_space<semaphore_mem>>
        %dma_wait3A_504 = tpu.memref_squeeze %dma_wait3A_503 : memref<1x!tpu.dma_semaphore, #tpu.memory_space<semaphore_mem>> -> memref<!tpu.dma_semaphore, #tpu.memory_space<semaphore_mem>>
        tpu.wait_indirect_dma semaphore(%dma_wait3A_504 : memref<!tpu.dma_semaphore, #tpu.memory_space<semaphore_mem>>) src(%dma_wait3A_496 : memref<125x16xf32, #tpu.memory_space<vmem>>) dst(%dma_wait3A_502 : memref<10112x16xf32, #tpu.memory_space<vmem_shared>>)
      } else {
      }
      %add3A_219 = arith.constant 4 : i32
      %add3A_220 = arith.addi %add3A_185, %add3A_219 : i32
      %lt3A_221 = arith.constant 80 : i32
      %lt3A_222 = arith.cmpi slt, %add3A_220, %lt3A_221 : i32
      %convert_element_type3A_223 = arith.extui %lt3A_222 : i1 to i32
      %cond3A_224 = arith.constant 0 : i32
      %cond3A_225 = arith.cmpi ne, %convert_element_type3A_223, %cond3A_224 : i32
      scf.if %cond3A_225 {
        %add3A_490 = arith.constant 4 : i32
        %add3A_491 = arith.addi %add3A_185, %add3A_490 : i32
        %dma_start3A_492 = arith.constant 5 : i32
        %dma_start3A_493 = arith.constant 5 : i32
        %dma_start3A_494 = arith.constant 0 : i32
        %dma_start3A_495 = arith.constant 0 : i32
        %dma_start3A_496 = tpu.memref_slice %arg8[%dma_start3A_492, %dma_start3A_494, %dma_start3A_495] : memref<8x125x16xf32, #tpu.memory_space<vmem>> -> memref<1x125x16xf32, #tpu.memory_space<vmem>>
        %dma_start3A_497 = tpu.memref_squeeze %dma_start3A_496 : memref<1x125x16xf32, #tpu.memory_space<vmem>> -> memref<125x16xf32, #tpu.memory_space<vmem>>
        %dma_start3A_498 = arith.constant 0 : i32
        %dma_start3A_499 = tpu.memref_slice %arg6[%add3A_491, %dma_start3A_498] : memref<80x125xi32, #tpu.memory_space<vmem>> -> memref<1x125xi32, #tpu.memory_space<vmem>>
        %dma_start3A_500 = tpu.memref_squeeze %dma_start3A_499 : memref<1x125xi32, #tpu.memory_space<vmem>> -> memref<125xi32, #tpu.memory_space<vmem>>
        %dma_start3A_501 = arith.constant 0 : i32
        %dma_start3A_502 = arith.constant 0 : i32
        %dma_start3A_503 = tpu.memref_slice %arg10[%dma_start3A_501, %dma_start3A_502] : memref<10000x16xf32, #tpu.memory_space<vmem_shared>> -> memref<10000x16xf32, #tpu.memory_space<vmem_shared>>
        %dma_start3A_504 = tpu.memref_slice %arg11[%dma_start3A_493] : memref<8x!tpu.dma_semaphore, #tpu.memory_space<semaphore_mem>> -> memref<1x!tpu.dma_semaphore, #tpu.memory_space<semaphore_mem>>
        %dma_start3A_505 = tpu.memref_squeeze %dma_start3A_504 : memref<1x!tpu.dma_semaphore, #tpu.memory_space<semaphore_mem>> -> memref<!tpu.dma_semaphore, #tpu.memory_space<semaphore_mem>>
        tpu.enqueue_indirect_dma source(%dma_start3A_503 : memref<10000x16xf32, #tpu.memory_space<vmem_shared>>) target(%dma_start3A_497 : memref<125x16xf32, #tpu.memory_space<vmem>>) offsets(%dma_start3A_500 : memref<125xi32, #tpu.memory_space<vmem>>) semaphore(%dma_start3A_505 : memref<!tpu.dma_semaphore, #tpu.memory_space<semaphore_mem>>)
      } else {
      }
      %mul3A_226 = arith.constant 8 : i32
      %mul3A_227 = arith.muli %mul3A_226, %scan3A_138 : i32
      %add3A_228 = arith.constant 2 : i32
      %add3A_229 = arith.addi %mul3A_227, %add3A_228 : i32
      %dma_wait3A_230 = arith.constant 2 : i32
      %dma_wait3A_231 = arith.constant 2 : i32
      %dma_wait3A_232 = arith.constant 0 : i32
      %dma_wait3A_233 = arith.constant 0 : i32
      %dma_wait3A_234 = tpu.memref_slice %arg8[%dma_wait3A_230, %dma_wait3A_232, %dma_wait3A_233] : memref<8x125x16xf32, #tpu.memory_space<vmem>> -> memref<1x125x16xf32, #tpu.memory_space<vmem>>
      %dma_wait3A_235 = tpu.memref_squeeze %dma_wait3A_234 : memref<1x125x16xf32, #tpu.memory_space<vmem>> -> memref<125x16xf32, #tpu.memory_space<vmem>>
      %dma_wait3A_236 = arith.constant 0 : i32
      %dma_wait3A_237 = tpu.memref_slice %arg6[%add3A_229, %dma_wait3A_236] : memref<80x125xi32, #tpu.memory_space<vmem>> -> memref<1x125xi32, #tpu.memory_space<vmem>>
      %dma_wait3A_238 = tpu.memref_squeeze %dma_wait3A_237 : memref<1x125xi32, #tpu.memory_space<vmem>> -> memref<125xi32, #tpu.memory_space<vmem>>
      %dma_wait3A_239 = arith.constant 0 : i32
      %dma_wait3A_240 = arith.constant 0 : i32
      %dma_wait3A_241 = tpu.memref_slice %arg10[%dma_wait3A_239, %dma_wait3A_240] : memref<10000x16xf32, #tpu.memory_space<vmem_shared>> -> memref<10000x16xf32, #tpu.memory_space<vmem_shared>>
      %dma_wait3A_242 = tpu.memref_slice %arg11[%dma_wait3A_231] : memref<8x!tpu.dma_semaphore, #tpu.memory_space<semaphore_mem>> -> memref<1x!tpu.dma_semaphore, #tpu.memory_space<semaphore_mem>>
      %dma_wait3A_243 = tpu.memref_squeeze %dma_wait3A_242 : memref<1x!tpu.dma_semaphore, #tpu.memory_space<semaphore_mem>> -> memref<!tpu.dma_semaphore, #tpu.memory_space<semaphore_mem>>
      tpu.wait_indirect_dma semaphore(%dma_wait3A_243 : memref<!tpu.dma_semaphore, #tpu.memory_space<semaphore_mem>>) src(%dma_wait3A_241 : memref<10000x16xf32, #tpu.memory_space<vmem_shared>>) dst(%dma_wait3A_235 : memref<125x16xf32, #tpu.memory_space<vmem>>)
      %dma_start3A_244 = arith.constant 2 : i32
      %dma_start3A_245 = arith.constant 2 : i32
      %dma_start3A_246 = arith.constant 0 : i32
      %dma_start3A_247 = arith.constant 0 : i32
      %dma_start3A_248 = tpu.memref_slice %arg8[%dma_start3A_244, %dma_start3A_246, %dma_start3A_247] : memref<8x125x16xf32, #tpu.memory_space<vmem>> -> memref<1x125x16xf32, #tpu.memory_space<vmem>>
      %dma_start3A_249 = tpu.memref_squeeze %dma_start3A_248 : memref<1x125x16xf32, #tpu.memory_space<vmem>> -> memref<125x16xf32, #tpu.memory_space<vmem>>
      %dma_start3A_250 = arith.constant 0 : i32
      %dma_start3A_251 = tpu.memref_slice %arg7[%add3A_229, %dma_start3A_250] : memref<80x125xi32, #tpu.memory_space<vmem>> -> memref<1x125xi32, #tpu.memory_space<vmem>>
      %dma_start3A_252 = tpu.memref_squeeze %dma_start3A_251 : memref<1x125xi32, #tpu.memory_space<vmem>> -> memref<125xi32, #tpu.memory_space<vmem>>
      %dma_start3A_253 = arith.constant 0 : i32
      %dma_start3A_254 = arith.constant 0 : i32
      %dma_start3A_255 = tpu.memref_slice %arg9[%dma_start3A_253, %dma_start3A_254] : memref<10112x16xf32, #tpu.memory_space<vmem_shared>> -> memref<10112x16xf32, #tpu.memory_space<vmem_shared>>
      %dma_start3A_256 = tpu.memref_slice %arg12[%dma_start3A_245] : memref<8x!tpu.dma_semaphore, #tpu.memory_space<semaphore_mem>> -> memref<1x!tpu.dma_semaphore, #tpu.memory_space<semaphore_mem>>
      %dma_start3A_257 = tpu.memref_squeeze %dma_start3A_256 : memref<1x!tpu.dma_semaphore, #tpu.memory_space<semaphore_mem>> -> memref<!tpu.dma_semaphore, #tpu.memory_space<semaphore_mem>>
      tpu.enqueue_indirect_dma source(%dma_start3A_249 : memref<125x16xf32, #tpu.memory_space<vmem>>) target(%dma_start3A_255 : memref<10112x16xf32, #tpu.memory_space<vmem_shared>>) offsets(%dma_start3A_252 : memref<125xi32, #tpu.memory_space<vmem>>) semaphore(%dma_start3A_257 : memref<!tpu.dma_semaphore, #tpu.memory_space<semaphore_mem>>) {add = true}
      %ge3A_258 = arith.constant 4 : i32
      %ge3A_259 = arith.cmpi sge, %add3A_229, %ge3A_258 : i32
      %convert_element_type3A_260 = arith.extui %ge3A_259 : i1 to i32
      %cond3A_261 = arith.constant 0 : i32
      %cond3A_262 = arith.cmpi ne, %convert_element_type3A_260, %cond3A_261 : i32
      scf.if %cond3A_262 {
        %dma_wait3A_490 = arith.constant 6 : i32
        %dma_wait3A_491 = arith.constant 0 : i32
        %dma_wait3A_492 = arith.constant 6 : i32
        %dma_wait3A_493 = arith.constant 0 : i32
        %dma_wait3A_494 = arith.constant 0 : i32
        %dma_wait3A_495 = tpu.memref_slice %arg8[%dma_wait3A_490, %dma_wait3A_493, %dma_wait3A_494] : memref<8x125x16xf32, #tpu.memory_space<vmem>> -> memref<1x125x16xf32, #tpu.memory_space<vmem>>
        %dma_wait3A_496 = tpu.memref_squeeze %dma_wait3A_495 : memref<1x125x16xf32, #tpu.memory_space<vmem>> -> memref<125x16xf32, #tpu.memory_space<vmem>>
        %dma_wait3A_497 = arith.constant 0 : i32
        %dma_wait3A_498 = tpu.memref_slice %arg7[%dma_wait3A_491, %dma_wait3A_497] : memref<80x125xi32, #tpu.memory_space<vmem>> -> memref<1x125xi32, #tpu.memory_space<vmem>>
        %dma_wait3A_499 = tpu.memref_squeeze %dma_wait3A_498 : memref<1x125xi32, #tpu.memory_space<vmem>> -> memref<125xi32, #tpu.memory_space<vmem>>
        %dma_wait3A_500 = arith.constant 0 : i32
        %dma_wait3A_501 = arith.constant 0 : i32
        %dma_wait3A_502 = tpu.memref_slice %arg9[%dma_wait3A_500, %dma_wait3A_501] : memref<10112x16xf32, #tpu.memory_space<vmem_shared>> -> memref<10112x16xf32, #tpu.memory_space<vmem_shared>>
        %dma_wait3A_503 = tpu.memref_slice %arg12[%dma_wait3A_492] : memref<8x!tpu.dma_semaphore, #tpu.memory_space<semaphore_mem>> -> memref<1x!tpu.dma_semaphore, #tpu.memory_space<semaphore_mem>>
        %dma_wait3A_504 = tpu.memref_squeeze %dma_wait3A_503 : memref<1x!tpu.dma_semaphore, #tpu.memory_space<semaphore_mem>> -> memref<!tpu.dma_semaphore, #tpu.memory_space<semaphore_mem>>
        tpu.wait_indirect_dma semaphore(%dma_wait3A_504 : memref<!tpu.dma_semaphore, #tpu.memory_space<semaphore_mem>>) src(%dma_wait3A_496 : memref<125x16xf32, #tpu.memory_space<vmem>>) dst(%dma_wait3A_502 : memref<10112x16xf32, #tpu.memory_space<vmem_shared>>)
      } else {
      }
      %add3A_263 = arith.constant 4 : i32
      %add3A_264 = arith.addi %add3A_229, %add3A_263 : i32
      %lt3A_265 = arith.constant 80 : i32
      %lt3A_266 = arith.cmpi slt, %add3A_264, %lt3A_265 : i32
      %convert_element_type3A_267 = arith.extui %lt3A_266 : i1 to i32
      %cond3A_268 = arith.constant 0 : i32
      %cond3A_269 = arith.cmpi ne, %convert_element_type3A_267, %cond3A_268 : i32
      scf.if %cond3A_269 {
        %add3A_490 = arith.constant 4 : i32
        %add3A_491 = arith.addi %add3A_229, %add3A_490 : i32
        %dma_start3A_492 = arith.constant 6 : i32
        %dma_start3A_493 = arith.constant 6 : i32
        %dma_start3A_494 = arith.constant 0 : i32
        %dma_start3A_495 = arith.constant 0 : i32
        %dma_start3A_496 = tpu.memref_slice %arg8[%dma_start3A_492, %dma_start3A_494, %dma_start3A_495] : memref<8x125x16xf32, #tpu.memory_space<vmem>> -> memref<1x125x16xf32, #tpu.memory_space<vmem>>
        %dma_start3A_497 = tpu.memref_squeeze %dma_start3A_496 : memref<1x125x16xf32, #tpu.memory_space<vmem>> -> memref<125x16xf32, #tpu.memory_space<vmem>>
        %dma_start3A_498 = arith.constant 0 : i32
        %dma_start3A_499 = tpu.memref_slice %arg6[%add3A_491, %dma_start3A_498] : memref<80x125xi32, #tpu.memory_space<vmem>> -> memref<1x125xi32, #tpu.memory_space<vmem>>
        %dma_start3A_500 = tpu.memref_squeeze %dma_start3A_499 : memref<1x125xi32, #tpu.memory_space<vmem>> -> memref<125xi32, #tpu.memory_space<vmem>>
        %dma_start3A_501 = arith.constant 0 : i32
        %dma_start3A_502 = arith.constant 0 : i32
        %dma_start3A_503 = tpu.memref_slice %arg10[%dma_start3A_501, %dma_start3A_502] : memref<10000x16xf32, #tpu.memory_space<vmem_shared>> -> memref<10000x16xf32, #tpu.memory_space<vmem_shared>>
        %dma_start3A_504 = tpu.memref_slice %arg11[%dma_start3A_493] : memref<8x!tpu.dma_semaphore, #tpu.memory_space<semaphore_mem>> -> memref<1x!tpu.dma_semaphore, #tpu.memory_space<semaphore_mem>>
        %dma_start3A_505 = tpu.memref_squeeze %dma_start3A_504 : memref<1x!tpu.dma_semaphore, #tpu.memory_space<semaphore_mem>> -> memref<!tpu.dma_semaphore, #tpu.memory_space<semaphore_mem>>
        tpu.enqueue_indirect_dma source(%dma_start3A_503 : memref<10000x16xf32, #tpu.memory_space<vmem_shared>>) target(%dma_start3A_497 : memref<125x16xf32, #tpu.memory_space<vmem>>) offsets(%dma_start3A_500 : memref<125xi32, #tpu.memory_space<vmem>>) semaphore(%dma_start3A_505 : memref<!tpu.dma_semaphore, #tpu.memory_space<semaphore_mem>>)
      } else {
      }
      %mul3A_270 = arith.constant 8 : i32
      %mul3A_271 = arith.muli %mul3A_270, %scan3A_138 : i32
      %add3A_272 = arith.constant 3 : i32
      %add3A_273 = arith.addi %mul3A_271, %add3A_272 : i32
      %dma_wait3A_274 = arith.constant 3 : i32
      %dma_wait3A_275 = arith.constant 3 : i32
      %dma_wait3A_276 = arith.constant 0 : i32
      %dma_wait3A_277 = arith.constant 0 : i32
      %dma_wait3A_278 = tpu.memref_slice %arg8[%dma_wait3A_274, %dma_wait3A_276, %dma_wait3A_277] : memref<8x125x16xf32, #tpu.memory_space<vmem>> -> memref<1x125x16xf32, #tpu.memory_space<vmem>>
      %dma_wait3A_279 = tpu.memref_squeeze %dma_wait3A_278 : memref<1x125x16xf32, #tpu.memory_space<vmem>> -> memref<125x16xf32, #tpu.memory_space<vmem>>
      %dma_wait3A_280 = arith.constant 0 : i32
      %dma_wait3A_281 = tpu.memref_slice %arg6[%add3A_273, %dma_wait3A_280] : memref<80x125xi32, #tpu.memory_space<vmem>> -> memref<1x125xi32, #tpu.memory_space<vmem>>
      %dma_wait3A_282 = tpu.memref_squeeze %dma_wait3A_281 : memref<1x125xi32, #tpu.memory_space<vmem>> -> memref<125xi32, #tpu.memory_space<vmem>>
      %dma_wait3A_283 = arith.constant 0 : i32
      %dma_wait3A_284 = arith.constant 0 : i32
      %dma_wait3A_285 = tpu.memref_slice %arg10[%dma_wait3A_283, %dma_wait3A_284] : memref<10000x16xf32, #tpu.memory_space<vmem_shared>> -> memref<10000x16xf32, #tpu.memory_space<vmem_shared>>
      %dma_wait3A_286 = tpu.memref_slice %arg11[%dma_wait3A_275] : memref<8x!tpu.dma_semaphore, #tpu.memory_space<semaphore_mem>> -> memref<1x!tpu.dma_semaphore, #tpu.memory_space<semaphore_mem>>
      %dma_wait3A_287 = tpu.memref_squeeze %dma_wait3A_286 : memref<1x!tpu.dma_semaphore, #tpu.memory_space<semaphore_mem>> -> memref<!tpu.dma_semaphore, #tpu.memory_space<semaphore_mem>>
      tpu.wait_indirect_dma semaphore(%dma_wait3A_287 : memref<!tpu.dma_semaphore, #tpu.memory_space<semaphore_mem>>) src(%dma_wait3A_285 : memref<10000x16xf32, #tpu.memory_space<vmem_shared>>) dst(%dma_wait3A_279 : memref<125x16xf32, #tpu.memory_space<vmem>>)
      %dma_start3A_288 = arith.constant 3 : i32
      %dma_start3A_289 = arith.constant 3 : i32
      %dma_start3A_290 = arith.constant 0 : i32
      %dma_start3A_291 = arith.constant 0 : i32
      %dma_start3A_292 = tpu.memref_slice %arg8[%dma_start3A_288, %dma_start3A_290, %dma_start3A_291] : memref<8x125x16xf32, #tpu.memory_space<vmem>> -> memref<1x125x16xf32, #tpu.memory_space<vmem>>
      %dma_start3A_293 = tpu.memref_squeeze %dma_start3A_292 : memref<1x125x16xf32, #tpu.memory_space<vmem>> -> memref<125x16xf32, #tpu.memory_space<vmem>>
      %dma_start3A_294 = arith.constant 0 : i32
      %dma_start3A_295 = tpu.memref_slice %arg7[%add3A_273, %dma_start3A_294] : memref<80x125xi32, #tpu.memory_space<vmem>> -> memref<1x125xi32, #tpu.memory_space<vmem>>
      %dma_start3A_296 = tpu.memref_squeeze %dma_start3A_295 : memref<1x125xi32, #tpu.memory_space<vmem>> -> memref<125xi32, #tpu.memory_space<vmem>>
      %dma_start3A_297 = arith.constant 0 : i32
      %dma_start3A_298 = arith.constant 0 : i32
      %dma_start3A_299 = tpu.memref_slice %arg9[%dma_start3A_297, %dma_start3A_298] : memref<10112x16xf32, #tpu.memory_space<vmem_shared>> -> memref<10112x16xf32, #tpu.memory_space<vmem_shared>>
      %dma_start3A_300 = tpu.memref_slice %arg12[%dma_start3A_289] : memref<8x!tpu.dma_semaphore, #tpu.memory_space<semaphore_mem>> -> memref<1x!tpu.dma_semaphore, #tpu.memory_space<semaphore_mem>>
      %dma_start3A_301 = tpu.memref_squeeze %dma_start3A_300 : memref<1x!tpu.dma_semaphore, #tpu.memory_space<semaphore_mem>> -> memref<!tpu.dma_semaphore, #tpu.memory_space<semaphore_mem>>
      tpu.enqueue_indirect_dma source(%dma_start3A_293 : memref<125x16xf32, #tpu.memory_space<vmem>>) target(%dma_start3A_299 : memref<10112x16xf32, #tpu.memory_space<vmem_shared>>) offsets(%dma_start3A_296 : memref<125xi32, #tpu.memory_space<vmem>>) semaphore(%dma_start3A_301 : memref<!tpu.dma_semaphore, #tpu.memory_space<semaphore_mem>>) {add = true}
      %ge3A_302 = arith.constant 4 : i32
      %ge3A_303 = arith.cmpi sge, %add3A_273, %ge3A_302 : i32
      %convert_element_type3A_304 = arith.extui %ge3A_303 : i1 to i32
      %cond3A_305 = arith.constant 0 : i32
      %cond3A_306 = arith.cmpi ne, %convert_element_type3A_304, %cond3A_305 : i32
      scf.if %cond3A_306 {
        %dma_wait3A_490 = arith.constant 7 : i32
        %dma_wait3A_491 = arith.constant 0 : i32
        %dma_wait3A_492 = arith.constant 7 : i32
        %dma_wait3A_493 = arith.constant 0 : i32
        %dma_wait3A_494 = arith.constant 0 : i32
        %dma_wait3A_495 = tpu.memref_slice %arg8[%dma_wait3A_490, %dma_wait3A_493, %dma_wait3A_494] : memref<8x125x16xf32, #tpu.memory_space<vmem>> -> memref<1x125x16xf32, #tpu.memory_space<vmem>>
        %dma_wait3A_496 = tpu.memref_squeeze %dma_wait3A_495 : memref<1x125x16xf32, #tpu.memory_space<vmem>> -> memref<125x16xf32, #tpu.memory_space<vmem>>
        %dma_wait3A_497 = arith.constant 0 : i32
        %dma_wait3A_498 = tpu.memref_slice %arg7[%dma_wait3A_491, %dma_wait3A_497] : memref<80x125xi32, #tpu.memory_space<vmem>> -> memref<1x125xi32, #tpu.memory_space<vmem>>
        %dma_wait3A_499 = tpu.memref_squeeze %dma_wait3A_498 : memref<1x125xi32, #tpu.memory_space<vmem>> -> memref<125xi32, #tpu.memory_space<vmem>>
        %dma_wait3A_500 = arith.constant 0 : i32
        %dma_wait3A_501 = arith.constant 0 : i32
        %dma_wait3A_502 = tpu.memref_slice %arg9[%dma_wait3A_500, %dma_wait3A_501] : memref<10112x16xf32, #tpu.memory_space<vmem_shared>> -> memref<10112x16xf32, #tpu.memory_space<vmem_shared>>
        %dma_wait3A_503 = tpu.memref_slice %arg12[%dma_wait3A_492] : memref<8x!tpu.dma_semaphore, #tpu.memory_space<semaphore_mem>> -> memref<1x!tpu.dma_semaphore, #tpu.memory_space<semaphore_mem>>
        %dma_wait3A_504 = tpu.memref_squeeze %dma_wait3A_503 : memref<1x!tpu.dma_semaphore, #tpu.memory_space<semaphore_mem>> -> memref<!tpu.dma_semaphore, #tpu.memory_space<semaphore_mem>>
        tpu.wait_indirect_dma semaphore(%dma_wait3A_504 : memref<!tpu.dma_semaphore, #tpu.memory_space<semaphore_mem>>) src(%dma_wait3A_496 : memref<125x16xf32, #tpu.memory_space<vmem>>) dst(%dma_wait3A_502 : memref<10112x16xf32, #tpu.memory_space<vmem_shared>>)
      } else {
      }
      %add3A_307 = arith.constant 4 : i32
      %add3A_308 = arith.addi %add3A_273, %add3A_307 : i32
      %lt3A_309 = arith.constant 80 : i32
      %lt3A_310 = arith.cmpi slt, %add3A_308, %lt3A_309 : i32
      %convert_element_type3A_311 = arith.extui %lt3A_310 : i1 to i32
      %cond3A_312 = arith.constant 0 : i32
      %cond3A_313 = arith.cmpi ne, %convert_element_type3A_311, %cond3A_312 : i32
      scf.if %cond3A_313 {
        %add3A_490 = arith.constant 4 : i32
        %add3A_491 = arith.addi %add3A_273, %add3A_490 : i32
        %dma_start3A_492 = arith.constant 7 : i32
        %dma_start3A_493 = arith.constant 7 : i32
        %dma_start3A_494 = arith.constant 0 : i32
        %dma_start3A_495 = arith.constant 0 : i32
        %dma_start3A_496 = tpu.memref_slice %arg8[%dma_start3A_492, %dma_start3A_494, %dma_start3A_495] : memref<8x125x16xf32, #tpu.memory_space<vmem>> -> memref<1x125x16xf32, #tpu.memory_space<vmem>>
        %dma_start3A_497 = tpu.memref_squeeze %dma_start3A_496 : memref<1x125x16xf32, #tpu.memory_space<vmem>> -> memref<125x16xf32, #tpu.memory_space<vmem>>
        %dma_start3A_498 = arith.constant 0 : i32
        %dma_start3A_499 = tpu.memref_slice %arg6[%add3A_491, %dma_start3A_498] : memref<80x125xi32, #tpu.memory_space<vmem>> -> memref<1x125xi32, #tpu.memory_space<vmem>>
        %dma_start3A_500 = tpu.memref_squeeze %dma_start3A_499 : memref<1x125xi32, #tpu.memory_space<vmem>> -> memref<125xi32, #tpu.memory_space<vmem>>
        %dma_start3A_501 = arith.constant 0 : i32
        %dma_start3A_502 = arith.constant 0 : i32
        %dma_start3A_503 = tpu.memref_slice %arg10[%dma_start3A_501, %dma_start3A_502] : memref<10000x16xf32, #tpu.memory_space<vmem_shared>> -> memref<10000x16xf32, #tpu.memory_space<vmem_shared>>
        %dma_start3A_504 = tpu.memref_slice %arg11[%dma_start3A_493] : memref<8x!tpu.dma_semaphore, #tpu.memory_space<semaphore_mem>> -> memref<1x!tpu.dma_semaphore, #tpu.memory_space<semaphore_mem>>
        %dma_start3A_505 = tpu.memref_squeeze %dma_start3A_504 : memref<1x!tpu.dma_semaphore, #tpu.memory_space<semaphore_mem>> -> memref<!tpu.dma_semaphore, #tpu.memory_space<semaphore_mem>>
        tpu.enqueue_indirect_dma source(%dma_start3A_503 : memref<10000x16xf32, #tpu.memory_space<vmem_shared>>) target(%dma_start3A_497 : memref<125x16xf32, #tpu.memory_space<vmem>>) offsets(%dma_start3A_500 : memref<125xi32, #tpu.memory_space<vmem>>) semaphore(%dma_start3A_505 : memref<!tpu.dma_semaphore, #tpu.memory_space<semaphore_mem>>)
      } else {
      }
      %mul3A_314 = arith.constant 8 : i32
      %mul3A_315 = arith.muli %mul3A_314, %scan3A_138 : i32
      %add3A_316 = arith.constant 4 : i32
      %add3A_317 = arith.addi %mul3A_315, %add3A_316 : i32
      %dma_wait3A_318 = arith.constant 4 : i32
      %dma_wait3A_319 = arith.constant 4 : i32
      %dma_wait3A_320 = arith.constant 0 : i32
      %dma_wait3A_321 = arith.constant 0 : i32
      %dma_wait3A_322 = tpu.memref_slice %arg8[%dma_wait3A_318, %dma_wait3A_320, %dma_wait3A_321] : memref<8x125x16xf32, #tpu.memory_space<vmem>> -> memref<1x125x16xf32, #tpu.memory_space<vmem>>
      %dma_wait3A_323 = tpu.memref_squeeze %dma_wait3A_322 : memref<1x125x16xf32, #tpu.memory_space<vmem>> -> memref<125x16xf32, #tpu.memory_space<vmem>>
      %dma_wait3A_324 = arith.constant 0 : i32
      %dma_wait3A_325 = tpu.memref_slice %arg6[%add3A_317, %dma_wait3A_324] : memref<80x125xi32, #tpu.memory_space<vmem>> -> memref<1x125xi32, #tpu.memory_space<vmem>>
      %dma_wait3A_326 = tpu.memref_squeeze %dma_wait3A_325 : memref<1x125xi32, #tpu.memory_space<vmem>> -> memref<125xi32, #tpu.memory_space<vmem>>
      %dma_wait3A_327 = arith.constant 0 : i32
      %dma_wait3A_328 = arith.constant 0 : i32
      %dma_wait3A_329 = tpu.memref_slice %arg10[%dma_wait3A_327, %dma_wait3A_328] : memref<10000x16xf32, #tpu.memory_space<vmem_shared>> -> memref<10000x16xf32, #tpu.memory_space<vmem_shared>>
      %dma_wait3A_330 = tpu.memref_slice %arg11[%dma_wait3A_319] : memref<8x!tpu.dma_semaphore, #tpu.memory_space<semaphore_mem>> -> memref<1x!tpu.dma_semaphore, #tpu.memory_space<semaphore_mem>>
      %dma_wait3A_331 = tpu.memref_squeeze %dma_wait3A_330 : memref<1x!tpu.dma_semaphore, #tpu.memory_space<semaphore_mem>> -> memref<!tpu.dma_semaphore, #tpu.memory_space<semaphore_mem>>
      tpu.wait_indirect_dma semaphore(%dma_wait3A_331 : memref<!tpu.dma_semaphore, #tpu.memory_space<semaphore_mem>>) src(%dma_wait3A_329 : memref<10000x16xf32, #tpu.memory_space<vmem_shared>>) dst(%dma_wait3A_323 : memref<125x16xf32, #tpu.memory_space<vmem>>)
      %dma_start3A_332 = arith.constant 4 : i32
      %dma_start3A_333 = arith.constant 4 : i32
      %dma_start3A_334 = arith.constant 0 : i32
      %dma_start3A_335 = arith.constant 0 : i32
      %dma_start3A_336 = tpu.memref_slice %arg8[%dma_start3A_332, %dma_start3A_334, %dma_start3A_335] : memref<8x125x16xf32, #tpu.memory_space<vmem>> -> memref<1x125x16xf32, #tpu.memory_space<vmem>>
      %dma_start3A_337 = tpu.memref_squeeze %dma_start3A_336 : memref<1x125x16xf32, #tpu.memory_space<vmem>> -> memref<125x16xf32, #tpu.memory_space<vmem>>
      %dma_start3A_338 = arith.constant 0 : i32
      %dma_start3A_339 = tpu.memref_slice %arg7[%add3A_317, %dma_start3A_338] : memref<80x125xi32, #tpu.memory_space<vmem>> -> memref<1x125xi32, #tpu.memory_space<vmem>>
      %dma_start3A_340 = tpu.memref_squeeze %dma_start3A_339 : memref<1x125xi32, #tpu.memory_space<vmem>> -> memref<125xi32, #tpu.memory_space<vmem>>
      %dma_start3A_341 = arith.constant 0 : i32
      %dma_start3A_342 = arith.constant 0 : i32
      %dma_start3A_343 = tpu.memref_slice %arg9[%dma_start3A_341, %dma_start3A_342] : memref<10112x16xf32, #tpu.memory_space<vmem_shared>> -> memref<10112x16xf32, #tpu.memory_space<vmem_shared>>
      %dma_start3A_344 = tpu.memref_slice %arg12[%dma_start3A_333] : memref<8x!tpu.dma_semaphore, #tpu.memory_space<semaphore_mem>> -> memref<1x!tpu.dma_semaphore, #tpu.memory_space<semaphore_mem>>
      %dma_start3A_345 = tpu.memref_squeeze %dma_start3A_344 : memref<1x!tpu.dma_semaphore, #tpu.memory_space<semaphore_mem>> -> memref<!tpu.dma_semaphore, #tpu.memory_space<semaphore_mem>>
      tpu.enqueue_indirect_dma source(%dma_start3A_337 : memref<125x16xf32, #tpu.memory_space<vmem>>) target(%dma_start3A_343 : memref<10112x16xf32, #tpu.memory_space<vmem_shared>>) offsets(%dma_start3A_340 : memref<125xi32, #tpu.memory_space<vmem>>) semaphore(%dma_start3A_345 : memref<!tpu.dma_semaphore, #tpu.memory_space<semaphore_mem>>) {add = true}
      %ge3A_346 = arith.constant 4 : i32
      %ge3A_347 = arith.cmpi sge, %add3A_317, %ge3A_346 : i32
      %convert_element_type3A_348 = arith.extui %ge3A_347 : i1 to i32
      %cond3A_349 = arith.constant 0 : i32
      %cond3A_350 = arith.cmpi ne, %convert_element_type3A_348, %cond3A_349 : i32
      scf.if %cond3A_350 {
        %dma_wait3A_490 = arith.constant 0 : i32
        %dma_wait3A_491 = arith.constant 0 : i32
        %dma_wait3A_492 = arith.constant 0 : i32
        %dma_wait3A_493 = arith.constant 0 : i32
        %dma_wait3A_494 = arith.constant 0 : i32
        %dma_wait3A_495 = tpu.memref_slice %arg8[%dma_wait3A_490, %dma_wait3A_493, %dma_wait3A_494] : memref<8x125x16xf32, #tpu.memory_space<vmem>> -> memref<1x125x16xf32, #tpu.memory_space<vmem>>
        %dma_wait3A_496 = tpu.memref_squeeze %dma_wait3A_495 : memref<1x125x16xf32, #tpu.memory_space<vmem>> -> memref<125x16xf32, #tpu.memory_space<vmem>>
        %dma_wait3A_497 = arith.constant 0 : i32
        %dma_wait3A_498 = tpu.memref_slice %arg7[%dma_wait3A_491, %dma_wait3A_497] : memref<80x125xi32, #tpu.memory_space<vmem>> -> memref<1x125xi32, #tpu.memory_space<vmem>>
        %dma_wait3A_499 = tpu.memref_squeeze %dma_wait3A_498 : memref<1x125xi32, #tpu.memory_space<vmem>> -> memref<125xi32, #tpu.memory_space<vmem>>
        %dma_wait3A_500 = arith.constant 0 : i32
        %dma_wait3A_501 = arith.constant 0 : i32
        %dma_wait3A_502 = tpu.memref_slice %arg9[%dma_wait3A_500, %dma_wait3A_501] : memref<10112x16xf32, #tpu.memory_space<vmem_shared>> -> memref<10112x16xf32, #tpu.memory_space<vmem_shared>>
        %dma_wait3A_503 = tpu.memref_slice %arg12[%dma_wait3A_492] : memref<8x!tpu.dma_semaphore, #tpu.memory_space<semaphore_mem>> -> memref<1x!tpu.dma_semaphore, #tpu.memory_space<semaphore_mem>>
        %dma_wait3A_504 = tpu.memref_squeeze %dma_wait3A_503 : memref<1x!tpu.dma_semaphore, #tpu.memory_space<semaphore_mem>> -> memref<!tpu.dma_semaphore, #tpu.memory_space<semaphore_mem>>
        tpu.wait_indirect_dma semaphore(%dma_wait3A_504 : memref<!tpu.dma_semaphore, #tpu.memory_space<semaphore_mem>>) src(%dma_wait3A_496 : memref<125x16xf32, #tpu.memory_space<vmem>>) dst(%dma_wait3A_502 : memref<10112x16xf32, #tpu.memory_space<vmem_shared>>)
      } else {
      }
      %add3A_351 = arith.constant 4 : i32
      %add3A_352 = arith.addi %add3A_317, %add3A_351 : i32
      %lt3A_353 = arith.constant 80 : i32
      %lt3A_354 = arith.cmpi slt, %add3A_352, %lt3A_353 : i32
      %convert_element_type3A_355 = arith.extui %lt3A_354 : i1 to i32
      %cond3A_356 = arith.constant 0 : i32
      %cond3A_357 = arith.cmpi ne, %convert_element_type3A_355, %cond3A_356 : i32
      scf.if %cond3A_357 {
        %add3A_490 = arith.constant 4 : i32
        %add3A_491 = arith.addi %add3A_317, %add3A_490 : i32
        %dma_start3A_492 = arith.constant 0 : i32
        %dma_start3A_493 = arith.constant 0 : i32
        %dma_start3A_494 = arith.constant 0 : i32
        %dma_start3A_495 = arith.constant 0 : i32
        %dma_start3A_496 = tpu.memref_slice %arg8[%dma_start3A_492, %dma_start3A_494, %dma_start3A_495] : memref<8x125x16xf32, #tpu.memory_space<vmem>> -> memref<1x125x16xf32, #tpu.memory_space<vmem>>
        %dma_start3A_497 = tpu.memref_squeeze %dma_start3A_496 : memref<1x125x16xf32, #tpu.memory_space<vmem>> -> memref<125x16xf32, #tpu.memory_space<vmem>>
        %dma_start3A_498 = arith.constant 0 : i32
        %dma_start3A_499 = tpu.memref_slice %arg6[%add3A_491, %dma_start3A_498] : memref<80x125xi32, #tpu.memory_space<vmem>> -> memref<1x125xi32, #tpu.memory_space<vmem>>
        %dma_start3A_500 = tpu.memref_squeeze %dma_start3A_499 : memref<1x125xi32, #tpu.memory_space<vmem>> -> memref<125xi32, #tpu.memory_space<vmem>>
        %dma_start3A_501 = arith.constant 0 : i32
        %dma_start3A_502 = arith.constant 0 : i32
        %dma_start3A_503 = tpu.memref_slice %arg10[%dma_start3A_501, %dma_start3A_502] : memref<10000x16xf32, #tpu.memory_space<vmem_shared>> -> memref<10000x16xf32, #tpu.memory_space<vmem_shared>>
        %dma_start3A_504 = tpu.memref_slice %arg11[%dma_start3A_493] : memref<8x!tpu.dma_semaphore, #tpu.memory_space<semaphore_mem>> -> memref<1x!tpu.dma_semaphore, #tpu.memory_space<semaphore_mem>>
        %dma_start3A_505 = tpu.memref_squeeze %dma_start3A_504 : memref<1x!tpu.dma_semaphore, #tpu.memory_space<semaphore_mem>> -> memref<!tpu.dma_semaphore, #tpu.memory_space<semaphore_mem>>
        tpu.enqueue_indirect_dma source(%dma_start3A_503 : memref<10000x16xf32, #tpu.memory_space<vmem_shared>>) target(%dma_start3A_497 : memref<125x16xf32, #tpu.memory_space<vmem>>) offsets(%dma_start3A_500 : memref<125xi32, #tpu.memory_space<vmem>>) semaphore(%dma_start3A_505 : memref<!tpu.dma_semaphore, #tpu.memory_space<semaphore_mem>>)
      } else {
      }
      %mul3A_358 = arith.constant 8 : i32
      %mul3A_359 = arith.muli %mul3A_358, %scan3A_138 : i32
      %add3A_360 = arith.constant 5 : i32
      %add3A_361 = arith.addi %mul3A_359, %add3A_360 : i32
      %dma_wait3A_362 = arith.constant 5 : i32
      %dma_wait3A_363 = arith.constant 5 : i32
      %dma_wait3A_364 = arith.constant 0 : i32
      %dma_wait3A_365 = arith.constant 0 : i32
      %dma_wait3A_366 = tpu.memref_slice %arg8[%dma_wait3A_362, %dma_wait3A_364, %dma_wait3A_365] : memref<8x125x16xf32, #tpu.memory_space<vmem>> -> memref<1x125x16xf32, #tpu.memory_space<vmem>>
      %dma_wait3A_367 = tpu.memref_squeeze %dma_wait3A_366 : memref<1x125x16xf32, #tpu.memory_space<vmem>> -> memref<125x16xf32, #tpu.memory_space<vmem>>
      %dma_wait3A_368 = arith.constant 0 : i32
      %dma_wait3A_369 = tpu.memref_slice %arg6[%add3A_361, %dma_wait3A_368] : memref<80x125xi32, #tpu.memory_space<vmem>> -> memref<1x125xi32, #tpu.memory_space<vmem>>
      %dma_wait3A_370 = tpu.memref_squeeze %dma_wait3A_369 : memref<1x125xi32, #tpu.memory_space<vmem>> -> memref<125xi32, #tpu.memory_space<vmem>>
      %dma_wait3A_371 = arith.constant 0 : i32
      %dma_wait3A_372 = arith.constant 0 : i32
      %dma_wait3A_373 = tpu.memref_slice %arg10[%dma_wait3A_371, %dma_wait3A_372] : memref<10000x16xf32, #tpu.memory_space<vmem_shared>> -> memref<10000x16xf32, #tpu.memory_space<vmem_shared>>
      %dma_wait3A_374 = tpu.memref_slice %arg11[%dma_wait3A_363] : memref<8x!tpu.dma_semaphore, #tpu.memory_space<semaphore_mem>> -> memref<1x!tpu.dma_semaphore, #tpu.memory_space<semaphore_mem>>
      %dma_wait3A_375 = tpu.memref_squeeze %dma_wait3A_374 : memref<1x!tpu.dma_semaphore, #tpu.memory_space<semaphore_mem>> -> memref<!tpu.dma_semaphore, #tpu.memory_space<semaphore_mem>>
      tpu.wait_indirect_dma semaphore(%dma_wait3A_375 : memref<!tpu.dma_semaphore, #tpu.memory_space<semaphore_mem>>) src(%dma_wait3A_373 : memref<10000x16xf32, #tpu.memory_space<vmem_shared>>) dst(%dma_wait3A_367 : memref<125x16xf32, #tpu.memory_space<vmem>>)
      %dma_start3A_376 = arith.constant 5 : i32
      %dma_start3A_377 = arith.constant 5 : i32
      %dma_start3A_378 = arith.constant 0 : i32
      %dma_start3A_379 = arith.constant 0 : i32
      %dma_start3A_380 = tpu.memref_slice %arg8[%dma_start3A_376, %dma_start3A_378, %dma_start3A_379] : memref<8x125x16xf32, #tpu.memory_space<vmem>> -> memref<1x125x16xf32, #tpu.memory_space<vmem>>
      %dma_start3A_381 = tpu.memref_squeeze %dma_start3A_380 : memref<1x125x16xf32, #tpu.memory_space<vmem>> -> memref<125x16xf32, #tpu.memory_space<vmem>>
      %dma_start3A_382 = arith.constant 0 : i32
      %dma_start3A_383 = tpu.memref_slice %arg7[%add3A_361, %dma_start3A_382] : memref<80x125xi32, #tpu.memory_space<vmem>> -> memref<1x125xi32, #tpu.memory_space<vmem>>
      %dma_start3A_384 = tpu.memref_squeeze %dma_start3A_383 : memref<1x125xi32, #tpu.memory_space<vmem>> -> memref<125xi32, #tpu.memory_space<vmem>>
      %dma_start3A_385 = arith.constant 0 : i32
      %dma_start3A_386 = arith.constant 0 : i32
      %dma_start3A_387 = tpu.memref_slice %arg9[%dma_start3A_385, %dma_start3A_386] : memref<10112x16xf32, #tpu.memory_space<vmem_shared>> -> memref<10112x16xf32, #tpu.memory_space<vmem_shared>>
      %dma_start3A_388 = tpu.memref_slice %arg12[%dma_start3A_377] : memref<8x!tpu.dma_semaphore, #tpu.memory_space<semaphore_mem>> -> memref<1x!tpu.dma_semaphore, #tpu.memory_space<semaphore_mem>>
      %dma_start3A_389 = tpu.memref_squeeze %dma_start3A_388 : memref<1x!tpu.dma_semaphore, #tpu.memory_space<semaphore_mem>> -> memref<!tpu.dma_semaphore, #tpu.memory_space<semaphore_mem>>
      tpu.enqueue_indirect_dma source(%dma_start3A_381 : memref<125x16xf32, #tpu.memory_space<vmem>>) target(%dma_start3A_387 : memref<10112x16xf32, #tpu.memory_space<vmem_shared>>) offsets(%dma_start3A_384 : memref<125xi32, #tpu.memory_space<vmem>>) semaphore(%dma_start3A_389 : memref<!tpu.dma_semaphore, #tpu.memory_space<semaphore_mem>>) {add = true}
      %ge3A_390 = arith.constant 4 : i32
      %ge3A_391 = arith.cmpi sge, %add3A_361, %ge3A_390 : i32
      %convert_element_type3A_392 = arith.extui %ge3A_391 : i1 to i32
      %cond3A_393 = arith.constant 0 : i32
      %cond3A_394 = arith.cmpi ne, %convert_element_type3A_392, %cond3A_393 : i32
      scf.if %cond3A_394 {
        %dma_wait3A_490 = arith.constant 1 : i32
        %dma_wait3A_491 = arith.constant 0 : i32
        %dma_wait3A_492 = arith.constant 1 : i32
        %dma_wait3A_493 = arith.constant 0 : i32
        %dma_wait3A_494 = arith.constant 0 : i32
        %dma_wait3A_495 = tpu.memref_slice %arg8[%dma_wait3A_490, %dma_wait3A_493, %dma_wait3A_494] : memref<8x125x16xf32, #tpu.memory_space<vmem>> -> memref<1x125x16xf32, #tpu.memory_space<vmem>>
        %dma_wait3A_496 = tpu.memref_squeeze %dma_wait3A_495 : memref<1x125x16xf32, #tpu.memory_space<vmem>> -> memref<125x16xf32, #tpu.memory_space<vmem>>
        %dma_wait3A_497 = arith.constant 0 : i32
        %dma_wait3A_498 = tpu.memref_slice %arg7[%dma_wait3A_491, %dma_wait3A_497] : memref<80x125xi32, #tpu.memory_space<vmem>> -> memref<1x125xi32, #tpu.memory_space<vmem>>
        %dma_wait3A_499 = tpu.memref_squeeze %dma_wait3A_498 : memref<1x125xi32, #tpu.memory_space<vmem>> -> memref<125xi32, #tpu.memory_space<vmem>>
        %dma_wait3A_500 = arith.constant 0 : i32
        %dma_wait3A_501 = arith.constant 0 : i32
        %dma_wait3A_502 = tpu.memref_slice %arg9[%dma_wait3A_500, %dma_wait3A_501] : memref<10112x16xf32, #tpu.memory_space<vmem_shared>> -> memref<10112x16xf32, #tpu.memory_space<vmem_shared>>
        %dma_wait3A_503 = tpu.memref_slice %arg12[%dma_wait3A_492] : memref<8x!tpu.dma_semaphore, #tpu.memory_space<semaphore_mem>> -> memref<1x!tpu.dma_semaphore, #tpu.memory_space<semaphore_mem>>
        %dma_wait3A_504 = tpu.memref_squeeze %dma_wait3A_503 : memref<1x!tpu.dma_semaphore, #tpu.memory_space<semaphore_mem>> -> memref<!tpu.dma_semaphore, #tpu.memory_space<semaphore_mem>>
        tpu.wait_indirect_dma semaphore(%dma_wait3A_504 : memref<!tpu.dma_semaphore, #tpu.memory_space<semaphore_mem>>) src(%dma_wait3A_496 : memref<125x16xf32, #tpu.memory_space<vmem>>) dst(%dma_wait3A_502 : memref<10112x16xf32, #tpu.memory_space<vmem_shared>>)
      } else {
      }
      %add3A_395 = arith.constant 4 : i32
      %add3A_396 = arith.addi %add3A_361, %add3A_395 : i32
      %lt3A_397 = arith.constant 80 : i32
      %lt3A_398 = arith.cmpi slt, %add3A_396, %lt3A_397 : i32
      %convert_element_type3A_399 = arith.extui %lt3A_398 : i1 to i32
      %cond3A_400 = arith.constant 0 : i32
      %cond3A_401 = arith.cmpi ne, %convert_element_type3A_399, %cond3A_400 : i32
      scf.if %cond3A_401 {
        %add3A_490 = arith.constant 4 : i32
        %add3A_491 = arith.addi %add3A_361, %add3A_490 : i32
        %dma_start3A_492 = arith.constant 1 : i32
        %dma_start3A_493 = arith.constant 1 : i32
        %dma_start3A_494 = arith.constant 0 : i32
        %dma_start3A_495 = arith.constant 0 : i32
        %dma_start3A_496 = tpu.memref_slice %arg8[%dma_start3A_492, %dma_start3A_494, %dma_start3A_495] : memref<8x125x16xf32, #tpu.memory_space<vmem>> -> memref<1x125x16xf32, #tpu.memory_space<vmem>>
        %dma_start3A_497 = tpu.memref_squeeze %dma_start3A_496 : memref<1x125x16xf32, #tpu.memory_space<vmem>> -> memref<125x16xf32, #tpu.memory_space<vmem>>
        %dma_start3A_498 = arith.constant 0 : i32
        %dma_start3A_499 = tpu.memref_slice %arg6[%add3A_491, %dma_start3A_498] : memref<80x125xi32, #tpu.memory_space<vmem>> -> memref<1x125xi32, #tpu.memory_space<vmem>>
        %dma_start3A_500 = tpu.memref_squeeze %dma_start3A_499 : memref<1x125xi32, #tpu.memory_space<vmem>> -> memref<125xi32, #tpu.memory_space<vmem>>
        %dma_start3A_501 = arith.constant 0 : i32
        %dma_start3A_502 = arith.constant 0 : i32
        %dma_start3A_503 = tpu.memref_slice %arg10[%dma_start3A_501, %dma_start3A_502] : memref<10000x16xf32, #tpu.memory_space<vmem_shared>> -> memref<10000x16xf32, #tpu.memory_space<vmem_shared>>
        %dma_start3A_504 = tpu.memref_slice %arg11[%dma_start3A_493] : memref<8x!tpu.dma_semaphore, #tpu.memory_space<semaphore_mem>> -> memref<1x!tpu.dma_semaphore, #tpu.memory_space<semaphore_mem>>
        %dma_start3A_505 = tpu.memref_squeeze %dma_start3A_504 : memref<1x!tpu.dma_semaphore, #tpu.memory_space<semaphore_mem>> -> memref<!tpu.dma_semaphore, #tpu.memory_space<semaphore_mem>>
        tpu.enqueue_indirect_dma source(%dma_start3A_503 : memref<10000x16xf32, #tpu.memory_space<vmem_shared>>) target(%dma_start3A_497 : memref<125x16xf32, #tpu.memory_space<vmem>>) offsets(%dma_start3A_500 : memref<125xi32, #tpu.memory_space<vmem>>) semaphore(%dma_start3A_505 : memref<!tpu.dma_semaphore, #tpu.memory_space<semaphore_mem>>)
      } else {
      }
      %mul3A_402 = arith.constant 8 : i32
      %mul3A_403 = arith.muli %mul3A_402, %scan3A_138 : i32
      %add3A_404 = arith.constant 6 : i32
      %add3A_405 = arith.addi %mul3A_403, %add3A_404 : i32
      %dma_wait3A_406 = arith.constant 6 : i32
      %dma_wait3A_407 = arith.constant 6 : i32
      %dma_wait3A_408 = arith.constant 0 : i32
      %dma_wait3A_409 = arith.constant 0 : i32
      %dma_wait3A_410 = tpu.memref_slice %arg8[%dma_wait3A_406, %dma_wait3A_408, %dma_wait3A_409] : memref<8x125x16xf32, #tpu.memory_space<vmem>> -> memref<1x125x16xf32, #tpu.memory_space<vmem>>
      %dma_wait3A_411 = tpu.memref_squeeze %dma_wait3A_410 : memref<1x125x16xf32, #tpu.memory_space<vmem>> -> memref<125x16xf32, #tpu.memory_space<vmem>>
      %dma_wait3A_412 = arith.constant 0 : i32
      %dma_wait3A_413 = tpu.memref_slice %arg6[%add3A_405, %dma_wait3A_412] : memref<80x125xi32, #tpu.memory_space<vmem>> -> memref<1x125xi32, #tpu.memory_space<vmem>>
      %dma_wait3A_414 = tpu.memref_squeeze %dma_wait3A_413 : memref<1x125xi32, #tpu.memory_space<vmem>> -> memref<125xi32, #tpu.memory_space<vmem>>
      %dma_wait3A_415 = arith.constant 0 : i32
      %dma_wait3A_416 = arith.constant 0 : i32
      %dma_wait3A_417 = tpu.memref_slice %arg10[%dma_wait3A_415, %dma_wait3A_416] : memref<10000x16xf32, #tpu.memory_space<vmem_shared>> -> memref<10000x16xf32, #tpu.memory_space<vmem_shared>>
      %dma_wait3A_418 = tpu.memref_slice %arg11[%dma_wait3A_407] : memref<8x!tpu.dma_semaphore, #tpu.memory_space<semaphore_mem>> -> memref<1x!tpu.dma_semaphore, #tpu.memory_space<semaphore_mem>>
      %dma_wait3A_419 = tpu.memref_squeeze %dma_wait3A_418 : memref<1x!tpu.dma_semaphore, #tpu.memory_space<semaphore_mem>> -> memref<!tpu.dma_semaphore, #tpu.memory_space<semaphore_mem>>
      tpu.wait_indirect_dma semaphore(%dma_wait3A_419 : memref<!tpu.dma_semaphore, #tpu.memory_space<semaphore_mem>>) src(%dma_wait3A_417 : memref<10000x16xf32, #tpu.memory_space<vmem_shared>>) dst(%dma_wait3A_411 : memref<125x16xf32, #tpu.memory_space<vmem>>)
      %dma_start3A_420 = arith.constant 6 : i32
      %dma_start3A_421 = arith.constant 6 : i32
      %dma_start3A_422 = arith.constant 0 : i32
      %dma_start3A_423 = arith.constant 0 : i32
      %dma_start3A_424 = tpu.memref_slice %arg8[%dma_start3A_420, %dma_start3A_422, %dma_start3A_423] : memref<8x125x16xf32, #tpu.memory_space<vmem>> -> memref<1x125x16xf32, #tpu.memory_space<vmem>>
      %dma_start3A_425 = tpu.memref_squeeze %dma_start3A_424 : memref<1x125x16xf32, #tpu.memory_space<vmem>> -> memref<125x16xf32, #tpu.memory_space<vmem>>
      %dma_start3A_426 = arith.constant 0 : i32
      %dma_start3A_427 = tpu.memref_slice %arg7[%add3A_405, %dma_start3A_426] : memref<80x125xi32, #tpu.memory_space<vmem>> -> memref<1x125xi32, #tpu.memory_space<vmem>>
      %dma_start3A_428 = tpu.memref_squeeze %dma_start3A_427 : memref<1x125xi32, #tpu.memory_space<vmem>> -> memref<125xi32, #tpu.memory_space<vmem>>
      %dma_start3A_429 = arith.constant 0 : i32
      %dma_start3A_430 = arith.constant 0 : i32
      %dma_start3A_431 = tpu.memref_slice %arg9[%dma_start3A_429, %dma_start3A_430] : memref<10112x16xf32, #tpu.memory_space<vmem_shared>> -> memref<10112x16xf32, #tpu.memory_space<vmem_shared>>
      %dma_start3A_432 = tpu.memref_slice %arg12[%dma_start3A_421] : memref<8x!tpu.dma_semaphore, #tpu.memory_space<semaphore_mem>> -> memref<1x!tpu.dma_semaphore, #tpu.memory_space<semaphore_mem>>
      %dma_start3A_433 = tpu.memref_squeeze %dma_start3A_432 : memref<1x!tpu.dma_semaphore, #tpu.memory_space<semaphore_mem>> -> memref<!tpu.dma_semaphore, #tpu.memory_space<semaphore_mem>>
      tpu.enqueue_indirect_dma source(%dma_start3A_425 : memref<125x16xf32, #tpu.memory_space<vmem>>) target(%dma_start3A_431 : memref<10112x16xf32, #tpu.memory_space<vmem_shared>>) offsets(%dma_start3A_428 : memref<125xi32, #tpu.memory_space<vmem>>) semaphore(%dma_start3A_433 : memref<!tpu.dma_semaphore, #tpu.memory_space<semaphore_mem>>) {add = true}
      %ge3A_434 = arith.constant 4 : i32
      %ge3A_435 = arith.cmpi sge, %add3A_405, %ge3A_434 : i32
      %convert_element_type3A_436 = arith.extui %ge3A_435 : i1 to i32
      %cond3A_437 = arith.constant 0 : i32
      %cond3A_438 = arith.cmpi ne, %convert_element_type3A_436, %cond3A_437 : i32
      scf.if %cond3A_438 {
        %dma_wait3A_490 = arith.constant 2 : i32
        %dma_wait3A_491 = arith.constant 0 : i32
        %dma_wait3A_492 = arith.constant 2 : i32
        %dma_wait3A_493 = arith.constant 0 : i32
        %dma_wait3A_494 = arith.constant 0 : i32
        %dma_wait3A_495 = tpu.memref_slice %arg8[%dma_wait3A_490, %dma_wait3A_493, %dma_wait3A_494] : memref<8x125x16xf32, #tpu.memory_space<vmem>> -> memref<1x125x16xf32, #tpu.memory_space<vmem>>
        %dma_wait3A_496 = tpu.memref_squeeze %dma_wait3A_495 : memref<1x125x16xf32, #tpu.memory_space<vmem>> -> memref<125x16xf32, #tpu.memory_space<vmem>>
        %dma_wait3A_497 = arith.constant 0 : i32
        %dma_wait3A_498 = tpu.memref_slice %arg7[%dma_wait3A_491, %dma_wait3A_497] : memref<80x125xi32, #tpu.memory_space<vmem>> -> memref<1x125xi32, #tpu.memory_space<vmem>>
        %dma_wait3A_499 = tpu.memref_squeeze %dma_wait3A_498 : memref<1x125xi32, #tpu.memory_space<vmem>> -> memref<125xi32, #tpu.memory_space<vmem>>
        %dma_wait3A_500 = arith.constant 0 : i32
        %dma_wait3A_501 = arith.constant 0 : i32
        %dma_wait3A_502 = tpu.memref_slice %arg9[%dma_wait3A_500, %dma_wait3A_501] : memref<10112x16xf32, #tpu.memory_space<vmem_shared>> -> memref<10112x16xf32, #tpu.memory_space<vmem_shared>>
        %dma_wait3A_503 = tpu.memref_slice %arg12[%dma_wait3A_492] : memref<8x!tpu.dma_semaphore, #tpu.memory_space<semaphore_mem>> -> memref<1x!tpu.dma_semaphore, #tpu.memory_space<semaphore_mem>>
        %dma_wait3A_504 = tpu.memref_squeeze %dma_wait3A_503 : memref<1x!tpu.dma_semaphore, #tpu.memory_space<semaphore_mem>> -> memref<!tpu.dma_semaphore, #tpu.memory_space<semaphore_mem>>
        tpu.wait_indirect_dma semaphore(%dma_wait3A_504 : memref<!tpu.dma_semaphore, #tpu.memory_space<semaphore_mem>>) src(%dma_wait3A_496 : memref<125x16xf32, #tpu.memory_space<vmem>>) dst(%dma_wait3A_502 : memref<10112x16xf32, #tpu.memory_space<vmem_shared>>)
      } else {
      }
      %add3A_439 = arith.constant 4 : i32
      %add3A_440 = arith.addi %add3A_405, %add3A_439 : i32
      %lt3A_441 = arith.constant 80 : i32
      %lt3A_442 = arith.cmpi slt, %add3A_440, %lt3A_441 : i32
      %convert_element_type3A_443 = arith.extui %lt3A_442 : i1 to i32
      %cond3A_444 = arith.constant 0 : i32
      %cond3A_445 = arith.cmpi ne, %convert_element_type3A_443, %cond3A_444 : i32
      scf.if %cond3A_445 {
        %add3A_490 = arith.constant 4 : i32
        %add3A_491 = arith.addi %add3A_405, %add3A_490 : i32
        %dma_start3A_492 = arith.constant 2 : i32
        %dma_start3A_493 = arith.constant 2 : i32
        %dma_start3A_494 = arith.constant 0 : i32
        %dma_start3A_495 = arith.constant 0 : i32
        %dma_start3A_496 = tpu.memref_slice %arg8[%dma_start3A_492, %dma_start3A_494, %dma_start3A_495] : memref<8x125x16xf32, #tpu.memory_space<vmem>> -> memref<1x125x16xf32, #tpu.memory_space<vmem>>
        %dma_start3A_497 = tpu.memref_squeeze %dma_start3A_496 : memref<1x125x16xf32, #tpu.memory_space<vmem>> -> memref<125x16xf32, #tpu.memory_space<vmem>>
        %dma_start3A_498 = arith.constant 0 : i32
        %dma_start3A_499 = tpu.memref_slice %arg6[%add3A_491, %dma_start3A_498] : memref<80x125xi32, #tpu.memory_space<vmem>> -> memref<1x125xi32, #tpu.memory_space<vmem>>
        %dma_start3A_500 = tpu.memref_squeeze %dma_start3A_499 : memref<1x125xi32, #tpu.memory_space<vmem>> -> memref<125xi32, #tpu.memory_space<vmem>>
        %dma_start3A_501 = arith.constant 0 : i32
        %dma_start3A_502 = arith.constant 0 : i32
        %dma_start3A_503 = tpu.memref_slice %arg10[%dma_start3A_501, %dma_start3A_502] : memref<10000x16xf32, #tpu.memory_space<vmem_shared>> -> memref<10000x16xf32, #tpu.memory_space<vmem_shared>>
        %dma_start3A_504 = tpu.memref_slice %arg11[%dma_start3A_493] : memref<8x!tpu.dma_semaphore, #tpu.memory_space<semaphore_mem>> -> memref<1x!tpu.dma_semaphore, #tpu.memory_space<semaphore_mem>>
        %dma_start3A_505 = tpu.memref_squeeze %dma_start3A_504 : memref<1x!tpu.dma_semaphore, #tpu.memory_space<semaphore_mem>> -> memref<!tpu.dma_semaphore, #tpu.memory_space<semaphore_mem>>
        tpu.enqueue_indirect_dma source(%dma_start3A_503 : memref<10000x16xf32, #tpu.memory_space<vmem_shared>>) target(%dma_start3A_497 : memref<125x16xf32, #tpu.memory_space<vmem>>) offsets(%dma_start3A_500 : memref<125xi32, #tpu.memory_space<vmem>>) semaphore(%dma_start3A_505 : memref<!tpu.dma_semaphore, #tpu.memory_space<semaphore_mem>>)
      } else {
      }
      %mul3A_446 = arith.constant 8 : i32
      %mul3A_447 = arith.muli %mul3A_446, %scan3A_138 : i32
      %add3A_448 = arith.constant 7 : i32
      %add3A_449 = arith.addi %mul3A_447, %add3A_448 : i32
      %dma_wait3A_450 = arith.constant 7 : i32
      %dma_wait3A_451 = arith.constant 7 : i32
      %dma_wait3A_452 = arith.constant 0 : i32
      %dma_wait3A_453 = arith.constant 0 : i32
      %dma_wait3A_454 = tpu.memref_slice %arg8[%dma_wait3A_450, %dma_wait3A_452, %dma_wait3A_453] : memref<8x125x16xf32, #tpu.memory_space<vmem>> -> memref<1x125x16xf32, #tpu.memory_space<vmem>>
      %dma_wait3A_455 = tpu.memref_squeeze %dma_wait3A_454 : memref<1x125x16xf32, #tpu.memory_space<vmem>> -> memref<125x16xf32, #tpu.memory_space<vmem>>
      %dma_wait3A_456 = arith.constant 0 : i32
      %dma_wait3A_457 = tpu.memref_slice %arg6[%add3A_449, %dma_wait3A_456] : memref<80x125xi32, #tpu.memory_space<vmem>> -> memref<1x125xi32, #tpu.memory_space<vmem>>
      %dma_wait3A_458 = tpu.memref_squeeze %dma_wait3A_457 : memref<1x125xi32, #tpu.memory_space<vmem>> -> memref<125xi32, #tpu.memory_space<vmem>>
      %dma_wait3A_459 = arith.constant 0 : i32
      %dma_wait3A_460 = arith.constant 0 : i32
      %dma_wait3A_461 = tpu.memref_slice %arg10[%dma_wait3A_459, %dma_wait3A_460] : memref<10000x16xf32, #tpu.memory_space<vmem_shared>> -> memref<10000x16xf32, #tpu.memory_space<vmem_shared>>
      %dma_wait3A_462 = tpu.memref_slice %arg11[%dma_wait3A_451] : memref<8x!tpu.dma_semaphore, #tpu.memory_space<semaphore_mem>> -> memref<1x!tpu.dma_semaphore, #tpu.memory_space<semaphore_mem>>
      %dma_wait3A_463 = tpu.memref_squeeze %dma_wait3A_462 : memref<1x!tpu.dma_semaphore, #tpu.memory_space<semaphore_mem>> -> memref<!tpu.dma_semaphore, #tpu.memory_space<semaphore_mem>>
      tpu.wait_indirect_dma semaphore(%dma_wait3A_463 : memref<!tpu.dma_semaphore, #tpu.memory_space<semaphore_mem>>) src(%dma_wait3A_461 : memref<10000x16xf32, #tpu.memory_space<vmem_shared>>) dst(%dma_wait3A_455 : memref<125x16xf32, #tpu.memory_space<vmem>>)
      %dma_start3A_464 = arith.constant 7 : i32
      %dma_start3A_465 = arith.constant 7 : i32
      %dma_start3A_466 = arith.constant 0 : i32
      %dma_start3A_467 = arith.constant 0 : i32
      %dma_start3A_468 = tpu.memref_slice %arg8[%dma_start3A_464, %dma_start3A_466, %dma_start3A_467] : memref<8x125x16xf32, #tpu.memory_space<vmem>> -> memref<1x125x16xf32, #tpu.memory_space<vmem>>
      %dma_start3A_469 = tpu.memref_squeeze %dma_start3A_468 : memref<1x125x16xf32, #tpu.memory_space<vmem>> -> memref<125x16xf32, #tpu.memory_space<vmem>>
      %dma_start3A_470 = arith.constant 0 : i32
      %dma_start3A_471 = tpu.memref_slice %arg7[%add3A_449, %dma_start3A_470] : memref<80x125xi32, #tpu.memory_space<vmem>> -> memref<1x125xi32, #tpu.memory_space<vmem>>
      %dma_start3A_472 = tpu.memref_squeeze %dma_start3A_471 : memref<1x125xi32, #tpu.memory_space<vmem>> -> memref<125xi32, #tpu.memory_space<vmem>>
      %dma_start3A_473 = arith.constant 0 : i32
      %dma_start3A_474 = arith.constant 0 : i32
      %dma_start3A_475 = tpu.memref_slice %arg9[%dma_start3A_473, %dma_start3A_474] : memref<10112x16xf32, #tpu.memory_space<vmem_shared>> -> memref<10112x16xf32, #tpu.memory_space<vmem_shared>>
      %dma_start3A_476 = tpu.memref_slice %arg12[%dma_start3A_465] : memref<8x!tpu.dma_semaphore, #tpu.memory_space<semaphore_mem>> -> memref<1x!tpu.dma_semaphore, #tpu.memory_space<semaphore_mem>>
      %dma_start3A_477 = tpu.memref_squeeze %dma_start3A_476 : memref<1x!tpu.dma_semaphore, #tpu.memory_space<semaphore_mem>> -> memref<!tpu.dma_semaphore, #tpu.memory_space<semaphore_mem>>
      tpu.enqueue_indirect_dma source(%dma_start3A_469 : memref<125x16xf32, #tpu.memory_space<vmem>>) target(%dma_start3A_475 : memref<10112x16xf32, #tpu.memory_space<vmem_shared>>) offsets(%dma_start3A_472 : memref<125xi32, #tpu.memory_space<vmem>>) semaphore(%dma_start3A_477 : memref<!tpu.dma_semaphore, #tpu.memory_space<semaphore_mem>>) {add = true}
      %ge3A_478 = arith.constant 4 : i32
      %ge3A_479 = arith.cmpi sge, %add3A_449, %ge3A_478 : i32
      %convert_element_type3A_480 = arith.extui %ge3A_479 : i1 to i32
      %cond3A_481 = arith.constant 0 : i32
      %cond3A_482 = arith.cmpi ne, %convert_element_type3A_480, %cond3A_481 : i32
      scf.if %cond3A_482 {
        %dma_wait3A_490 = arith.constant 3 : i32
        %dma_wait3A_491 = arith.constant 0 : i32
        %dma_wait3A_492 = arith.constant 3 : i32
        %dma_wait3A_493 = arith.constant 0 : i32
        %dma_wait3A_494 = arith.constant 0 : i32
        %dma_wait3A_495 = tpu.memref_slice %arg8[%dma_wait3A_490, %dma_wait3A_493, %dma_wait3A_494] : memref<8x125x16xf32, #tpu.memory_space<vmem>> -> memref<1x125x16xf32, #tpu.memory_space<vmem>>
        %dma_wait3A_496 = tpu.memref_squeeze %dma_wait3A_495 : memref<1x125x16xf32, #tpu.memory_space<vmem>> -> memref<125x16xf32, #tpu.memory_space<vmem>>
        %dma_wait3A_497 = arith.constant 0 : i32
        %dma_wait3A_498 = tpu.memref_slice %arg7[%dma_wait3A_491, %dma_wait3A_497] : memref<80x125xi32, #tpu.memory_space<vmem>> -> memref<1x125xi32, #tpu.memory_space<vmem>>
        %dma_wait3A_499 = tpu.memref_squeeze %dma_wait3A_498 : memref<1x125xi32, #tpu.memory_space<vmem>> -> memref<125xi32, #tpu.memory_space<vmem>>
        %dma_wait3A_500 = arith.constant 0 : i32
        %dma_wait3A_501 = arith.constant 0 : i32
        %dma_wait3A_502 = tpu.memref_slice %arg9[%dma_wait3A_500, %dma_wait3A_501] : memref<10112x16xf32, #tpu.memory_space<vmem_shared>> -> memref<10112x16xf32, #tpu.memory_space<vmem_shared>>
        %dma_wait3A_503 = tpu.memref_slice %arg12[%dma_wait3A_492] : memref<8x!tpu.dma_semaphore, #tpu.memory_space<semaphore_mem>> -> memref<1x!tpu.dma_semaphore, #tpu.memory_space<semaphore_mem>>
        %dma_wait3A_504 = tpu.memref_squeeze %dma_wait3A_503 : memref<1x!tpu.dma_semaphore, #tpu.memory_space<semaphore_mem>> -> memref<!tpu.dma_semaphore, #tpu.memory_space<semaphore_mem>>
        tpu.wait_indirect_dma semaphore(%dma_wait3A_504 : memref<!tpu.dma_semaphore, #tpu.memory_space<semaphore_mem>>) src(%dma_wait3A_496 : memref<125x16xf32, #tpu.memory_space<vmem>>) dst(%dma_wait3A_502 : memref<10112x16xf32, #tpu.memory_space<vmem_shared>>)
      } else {
      }
      %add3A_483 = arith.constant 4 : i32
      %add3A_484 = arith.addi %add3A_449, %add3A_483 : i32
      %lt3A_485 = arith.constant 80 : i32
      %lt3A_486 = arith.cmpi slt, %add3A_484, %lt3A_485 : i32
      %convert_element_type3A_487 = arith.extui %lt3A_486 : i1 to i32
      %cond3A_488 = arith.constant 0 : i32
      %cond3A_489 = arith.cmpi ne, %convert_element_type3A_487, %cond3A_488 : i32
      scf.if %cond3A_489 {
        %add3A_490 = arith.constant 4 : i32
        %add3A_491 = arith.addi %add3A_449, %add3A_490 : i32
        %dma_start3A_492 = arith.constant 3 : i32
        %dma_start3A_493 = arith.constant 3 : i32
        %dma_start3A_494 = arith.constant 0 : i32
        %dma_start3A_495 = arith.constant 0 : i32
        %dma_start3A_496 = tpu.memref_slice %arg8[%dma_start3A_492, %dma_start3A_494, %dma_start3A_495] : memref<8x125x16xf32, #tpu.memory_space<vmem>> -> memref<1x125x16xf32, #tpu.memory_space<vmem>>
        %dma_start3A_497 = tpu.memref_squeeze %dma_start3A_496 : memref<1x125x16xf32, #tpu.memory_space<vmem>> -> memref<125x16xf32, #tpu.memory_space<vmem>>
        %dma_start3A_498 = arith.constant 0 : i32
        %dma_start3A_499 = tpu.memref_slice %arg6[%add3A_491, %dma_start3A_498] : memref<80x125xi32, #tpu.memory_space<vmem>> -> memref<1x125xi32, #tpu.memory_space<vmem>>
        %dma_start3A_500 = tpu.memref_squeeze %dma_start3A_499 : memref<1x125xi32, #tpu.memory_space<vmem>> -> memref<125xi32, #tpu.memory_space<vmem>>
        %dma_start3A_501 = arith.constant 0 : i32
        %dma_start3A_502 = arith.constant 0 : i32
        %dma_start3A_503 = tpu.memref_slice %arg10[%dma_start3A_501, %dma_start3A_502] : memref<10000x16xf32, #tpu.memory_space<vmem_shared>> -> memref<10000x16xf32, #tpu.memory_space<vmem_shared>>
        %dma_start3A_504 = tpu.memref_slice %arg11[%dma_start3A_493] : memref<8x!tpu.dma_semaphore, #tpu.memory_space<semaphore_mem>> -> memref<1x!tpu.dma_semaphore, #tpu.memory_space<semaphore_mem>>
        %dma_start3A_505 = tpu.memref_squeeze %dma_start3A_504 : memref<1x!tpu.dma_semaphore, #tpu.memory_space<semaphore_mem>> -> memref<!tpu.dma_semaphore, #tpu.memory_space<semaphore_mem>>
        tpu.enqueue_indirect_dma source(%dma_start3A_503 : memref<10000x16xf32, #tpu.memory_space<vmem_shared>>) target(%dma_start3A_497 : memref<125x16xf32, #tpu.memory_space<vmem>>) offsets(%dma_start3A_500 : memref<125xi32, #tpu.memory_space<vmem>>) semaphore(%dma_start3A_505 : memref<!tpu.dma_semaphore, #tpu.memory_space<semaphore_mem>>)
      } else {
      }
    }
    %scan3A_73 = arith.constant 10 : i32
    %dma_wait3A = arith.constant 4 : i32
    %dma_wait3A_74 = arith.constant 0 : i32
    %dma_wait3A_75 = arith.constant 4 : i32
    %dma_wait3A_76 = arith.constant 0 : i32
    %dma_wait3A_77 = arith.constant 0 : i32
    %dma_wait3A_78 = tpu.memref_slice %arg8[%dma_wait3A, %dma_wait3A_76, %dma_wait3A_77] : memref<8x125x16xf32, #tpu.memory_space<vmem>> -> memref<1x125x16xf32, #tpu.memory_space<vmem>>
    %dma_wait3A_79 = tpu.memref_squeeze %dma_wait3A_78 : memref<1x125x16xf32, #tpu.memory_space<vmem>> -> memref<125x16xf32, #tpu.memory_space<vmem>>
    %dma_wait3A_80 = arith.constant 0 : i32
    %dma_wait3A_81 = tpu.memref_slice %arg7[%dma_wait3A_74, %dma_wait3A_80] : memref<80x125xi32, #tpu.memory_space<vmem>> -> memref<1x125xi32, #tpu.memory_space<vmem>>
    %dma_wait3A_82 = tpu.memref_squeeze %dma_wait3A_81 : memref<1x125xi32, #tpu.memory_space<vmem>> -> memref<125xi32, #tpu.memory_space<vmem>>
    %dma_wait3A_83 = arith.constant 0 : i32
    %dma_wait3A_84 = arith.constant 0 : i32
    %dma_wait3A_85 = tpu.memref_slice %arg9[%dma_wait3A_83, %dma_wait3A_84] : memref<10112x16xf32, #tpu.memory_space<vmem_shared>> -> memref<10112x16xf32, #tpu.memory_space<vmem_shared>>
    %dma_wait3A_86 = tpu.memref_slice %arg12[%dma_wait3A_75] : memref<8x!tpu.dma_semaphore, #tpu.memory_space<semaphore_mem>> -> memref<1x!tpu.dma_semaphore, #tpu.memory_space<semaphore_mem>>
    %dma_wait3A_87 = tpu.memref_squeeze %dma_wait3A_86 : memref<1x!tpu.dma_semaphore, #tpu.memory_space<semaphore_mem>> -> memref<!tpu.dma_semaphore, #tpu.memory_space<semaphore_mem>>
    tpu.wait_indirect_dma semaphore(%dma_wait3A_87 : memref<!tpu.dma_semaphore, #tpu.memory_space<semaphore_mem>>) src(%dma_wait3A_79 : memref<125x16xf32, #tpu.memory_space<vmem>>) dst(%dma_wait3A_85 : memref<10112x16xf32, #tpu.memory_space<vmem_shared>>)
    %dma_wait3A_88 = arith.constant 5 : i32
    %dma_wait3A_89 = arith.constant 0 : i32
    %dma_wait3A_90 = arith.constant 5 : i32
    %dma_wait3A_91 = arith.constant 0 : i32
    %dma_wait3A_92 = arith.constant 0 : i32
    %dma_wait3A_93 = tpu.memref_slice %arg8[%dma_wait3A_88, %dma_wait3A_91, %dma_wait3A_92] : memref<8x125x16xf32, #tpu.memory_space<vmem>> -> memref<1x125x16xf32, #tpu.memory_space<vmem>>
    %dma_wait3A_94 = tpu.memref_squeeze %dma_wait3A_93 : memref<1x125x16xf32, #tpu.memory_space<vmem>> -> memref<125x16xf32, #tpu.memory_space<vmem>>
    %dma_wait3A_95 = arith.constant 0 : i32
    %dma_wait3A_96 = tpu.memref_slice %arg7[%dma_wait3A_89, %dma_wait3A_95] : memref<80x125xi32, #tpu.memory_space<vmem>> -> memref<1x125xi32, #tpu.memory_space<vmem>>
    %dma_wait3A_97 = tpu.memref_squeeze %dma_wait3A_96 : memref<1x125xi32, #tpu.memory_space<vmem>> -> memref<125xi32, #tpu.memory_space<vmem>>
    %dma_wait3A_98 = arith.constant 0 : i32
    %dma_wait3A_99 = arith.constant 0 : i32
    %dma_wait3A_100 = tpu.memref_slice %arg9[%dma_wait3A_98, %dma_wait3A_99] : memref<10112x16xf32, #tpu.memory_space<vmem_shared>> -> memref<10112x16xf32, #tpu.memory_space<vmem_shared>>
    %dma_wait3A_101 = tpu.memref_slice %arg12[%dma_wait3A_90] : memref<8x!tpu.dma_semaphore, #tpu.memory_space<semaphore_mem>> -> memref<1x!tpu.dma_semaphore, #tpu.memory_space<semaphore_mem>>
    %dma_wait3A_102 = tpu.memref_squeeze %dma_wait3A_101 : memref<1x!tpu.dma_semaphore, #tpu.memory_space<semaphore_mem>> -> memref<!tpu.dma_semaphore, #tpu.memory_space<semaphore_mem>>
    tpu.wait_indirect_dma semaphore(%dma_wait3A_102 : memref<!tpu.dma_semaphore, #tpu.memory_space<semaphore_mem>>) src(%dma_wait3A_94 : memref<125x16xf32, #tpu.memory_space<vmem>>) dst(%dma_wait3A_100 : memref<10112x16xf32, #tpu.memory_space<vmem_shared>>)
    %dma_wait3A_103 = arith.constant 6 : i32
    %dma_wait3A_104 = arith.constant 0 : i32
    %dma_wait3A_105 = arith.constant 6 : i32
    %dma_wait3A_106 = arith.constant 0 : i32
    %dma_wait3A_107 = arith.constant 0 : i32
    %dma_wait3A_108 = tpu.memref_slice %arg8[%dma_wait3A_103, %dma_wait3A_106, %dma_wait3A_107] : memref<8x125x16xf32, #tpu.memory_space<vmem>> -> memref<1x125x16xf32, #tpu.memory_space<vmem>>
    %dma_wait3A_109 = tpu.memref_squeeze %dma_wait3A_108 : memref<1x125x16xf32, #tpu.memory_space<vmem>> -> memref<125x16xf32, #tpu.memory_space<vmem>>
    %dma_wait3A_110 = arith.constant 0 : i32
    %dma_wait3A_111 = tpu.memref_slice %arg7[%dma_wait3A_104, %dma_wait3A_110] : memref<80x125xi32, #tpu.memory_space<vmem>> -> memref<1x125xi32, #tpu.memory_space<vmem>>
    %dma_wait3A_112 = tpu.memref_squeeze %dma_wait3A_111 : memref<1x125xi32, #tpu.memory_space<vmem>> -> memref<125xi32, #tpu.memory_space<vmem>>
    %dma_wait3A_113 = arith.constant 0 : i32
    %dma_wait3A_114 = arith.constant 0 : i32
    %dma_wait3A_115 = tpu.memref_slice %arg9[%dma_wait3A_113, %dma_wait3A_114] : memref<10112x16xf32, #tpu.memory_space<vmem_shared>> -> memref<10112x16xf32, #tpu.memory_space<vmem_shared>>
    %dma_wait3A_116 = tpu.memref_slice %arg12[%dma_wait3A_105] : memref<8x!tpu.dma_semaphore, #tpu.memory_space<semaphore_mem>> -> memref<1x!tpu.dma_semaphore, #tpu.memory_space<semaphore_mem>>
    %dma_wait3A_117 = tpu.memref_squeeze %dma_wait3A_116 : memref<1x!tpu.dma_semaphore, #tpu.memory_space<semaphore_mem>> -> memref<!tpu.dma_semaphore, #tpu.memory_space<semaphore_mem>>
    tpu.wait_indirect_dma semaphore(%dma_wait3A_117 : memref<!tpu.dma_semaphore, #tpu.memory_space<semaphore_mem>>) src(%dma_wait3A_109 : memref<125x16xf32, #tpu.memory_space<vmem>>) dst(%dma_wait3A_115 : memref<10112x16xf32, #tpu.memory_space<vmem_shared>>)
    %dma_wait3A_118 = arith.constant 7 : i32
    %dma_wait3A_119 = arith.constant 0 : i32
    %dma_wait3A_120 = arith.constant 7 : i32
    %dma_wait3A_121 = arith.constant 0 : i32
    %dma_wait3A_122 = arith.constant 0 : i32
    %dma_wait3A_123 = tpu.memref_slice %arg8[%dma_wait3A_118, %dma_wait3A_121, %dma_wait3A_122] : memref<8x125x16xf32, #tpu.memory_space<vmem>> -> memref<1x125x16xf32, #tpu.memory_space<vmem>>
    %dma_wait3A_124 = tpu.memref_squeeze %dma_wait3A_123 : memref<1x125x16xf32, #tpu.memory_space<vmem>> -> memref<125x16xf32, #tpu.memory_space<vmem>>
    %dma_wait3A_125 = arith.constant 0 : i32
    %dma_wait3A_126 = tpu.memref_slice %arg7[%dma_wait3A_119, %dma_wait3A_125] : memref<80x125xi32, #tpu.memory_space<vmem>> -> memref<1x125xi32, #tpu.memory_space<vmem>>
    %dma_wait3A_127 = tpu.memref_squeeze %dma_wait3A_126 : memref<1x125xi32, #tpu.memory_space<vmem>> -> memref<125xi32, #tpu.memory_space<vmem>>
    %dma_wait3A_128 = arith.constant 0 : i32
    %dma_wait3A_129 = arith.constant 0 : i32
    %dma_wait3A_130 = tpu.memref_slice %arg9[%dma_wait3A_128, %dma_wait3A_129] : memref<10112x16xf32, #tpu.memory_space<vmem_shared>> -> memref<10112x16xf32, #tpu.memory_space<vmem_shared>>
    %dma_wait3A_131 = tpu.memref_slice %arg12[%dma_wait3A_120] : memref<8x!tpu.dma_semaphore, #tpu.memory_space<semaphore_mem>> -> memref<1x!tpu.dma_semaphore, #tpu.memory_space<semaphore_mem>>
    %dma_wait3A_132 = tpu.memref_squeeze %dma_wait3A_131 : memref<1x!tpu.dma_semaphore, #tpu.memory_space<semaphore_mem>> -> memref<!tpu.dma_semaphore, #tpu.memory_space<semaphore_mem>>
    tpu.wait_indirect_dma semaphore(%dma_wait3A_132 : memref<!tpu.dma_semaphore, #tpu.memory_space<semaphore_mem>>) src(%dma_wait3A_124 : memref<125x16xf32, #tpu.memory_space<vmem>>) dst(%dma_wait3A_130 : memref<10112x16xf32, #tpu.memory_space<vmem_shared>>)
    %barrier3A_133 = arith.constant 0 : index
    tpu.barrier barrier_id(%barrier3A_133)
    %mul3A_134 = arith.constant 632 : i32
    %mul3A_135 = arith.muli %arg1, %mul3A_134 : i32
    %mul3A_136 = arith.constant 632 : i32
    %mul3A_137 = arith.muli %arg1, %mul3A_136 : i32
    "tpu.region"() ({
      %run_scoped3A_138 = tpu.sem_alloc : memref<!tpu.dma_semaphore, #tpu.memory_space<semaphore_mem>>
      %dma_start3A_139 = arith.constant 0 : i32
      %dma_start3A_140 = tpu.memref_slice %arg5[%arg0, %mul3A_137, %dma_start3A_139] : memref<2x10112x16xf32, #tpu.memory_space<hbm>> -> memref<1x632x16xf32, #tpu.memory_space<hbm>>
      %dma_start3A_141 = tpu.memref_squeeze %dma_start3A_140 : memref<1x632x16xf32, #tpu.memory_space<hbm>> -> memref<632x16xf32, #tpu.memory_space<hbm>>
      %dma_start3A_142 = arith.constant 0 : i32
      %dma_start3A_143 = tpu.memref_slice %arg9[%mul3A_135, %dma_start3A_142] : memref<10112x16xf32, #tpu.memory_space<vmem_shared>> -> memref<632x16xf32, #tpu.memory_space<vmem_shared>>
      tpu.enqueue_dma source(%dma_start3A_143 : memref<632x16xf32, #tpu.memory_space<vmem_shared>>) target(%dma_start3A_141 : memref<632x16xf32, #tpu.memory_space<hbm>>) target_semaphore(%run_scoped3A_138 : memref<!tpu.dma_semaphore, #tpu.memory_space<semaphore_mem>>)
      %dma_wait3A_144 = arith.constant 0 : i32
      %dma_wait3A_145 = tpu.memref_slice %arg5[%arg0, %mul3A_137, %dma_wait3A_144] : memref<2x10112x16xf32, #tpu.memory_space<hbm>> -> memref<1x632x16xf32, #tpu.memory_space<hbm>>
      %dma_wait3A_146 = tpu.memref_squeeze %dma_wait3A_145 : memref<1x632x16xf32, #tpu.memory_space<hbm>> -> memref<632x16xf32, #tpu.memory_space<hbm>>
      %dma_wait3A_147 = arith.constant 0 : i32
      %dma_wait3A_148 = tpu.memref_slice %arg9[%mul3A_135, %dma_wait3A_147] : memref<10112x16xf32, #tpu.memory_space<vmem_shared>> -> memref<632x16xf32, #tpu.memory_space<vmem_shared>>
      tpu.wait_dma2 semaphore(%run_scoped3A_138 : memref<!tpu.dma_semaphore, #tpu.memory_space<semaphore_mem>>) src(%dma_wait3A_148 : memref<632x16xf32, #tpu.memory_space<vmem_shared>>) dst(%dma_wait3A_146 : memref<632x16xf32, #tpu.memory_space<hbm>>)
      tpu.yield
    }) : () -> ()
    return
  }
}

#map = affine_map<(d0, d1) -> (0, 0)>
#map1 = affine_map<(d0, d1) -> (0, 0, 0, 0)>
#map2 = affine_map<(d0, d1) -> (0, 0, 0)>
module attributes {stable_mosaic.version = 14 : i64} {
  func.func @run(%arg0: i32, %arg1: i32, %arg2: memref<632x16xf32, #tpu.memory_space<hbm>>, %arg3: memref<2x32x80x125xi32, #tpu.memory_space<hbm>>, %arg4: memref<10000x16xf32, #tpu.memory_space<hbm>>, %arg5: memref<2x10112x16xf32, #tpu.memory_space<hbm>>, %arg6: memref<80x125xi32, #tpu.memory_space<vmem>>, %arg7: memref<80x125xi32, #tpu.memory_space<vmem>>, %arg8: memref<8x125x16xf32, #tpu.memory_space<vmem>>, %arg9: memref<10112x16xf32, #tpu.memory_space<vmem_shared>>, %arg10: memref<10000x16xf32, #tpu.memory_space<vmem_shared>>, %arg11: memref<8x!tpu.dma_semaphore, #tpu.memory_space<semaphore_mem>>, %arg12: memref<8x!tpu.dma_semaphore, #tpu.memory_space<semaphore_mem>>) attributes {dimension_semantics = [#tpu.dimension_semantics<core_parallel>, #tpu.dimension_semantics<subcore_parallel>], iteration_bounds = array<i64: 2, 16>, scalar_prefetch = 0 : i64, scratch_operands = 7 : i64, tpu.core_type = #tpu.core_type<sc_vector_subcore>, window_params = [{transform_indices = #map}, {transform_indices = #map1}, {transform_indices = #map}, {transform_indices = #map2}]} {
    %mul3A = arith.constant 16 : i32
    %mul3A_0 = arith.muli %arg0, %mul3A : i32
    %add3A = arith.addi %mul3A_0, %arg1 : i32
    %mul3A_1 = arith.constant 632 : i32
    %mul3A_2 = arith.muli %arg1, %mul3A_1 : i32
    "tpu.region"() ({
      %run_scoped3A_138 = tpu.sem_alloc : memref<!tpu.dma_semaphore, #tpu.memory_space<semaphore_mem>>
      %dma_start3A_139 = arith.constant 0 : i32
      %dma_start3A_140 = tpu.memref_slice %arg9[%mul3A_2, %dma_start3A_139] : memref<10112x16xf32, #tpu.memory_space<vmem_shared>> -> memref<632x16xf32, #tpu.memory_space<vmem_shared>>
      tpu.enqueue_dma source(%arg2 : memref<632x16xf32, #tpu.memory_space<hbm>>) target(%dma_start3A_140 : memref<632x16xf32, #tpu.memory_space<vmem_shared>>) target_semaphore(%run_scoped3A_138 : memref<!tpu.dma_semaphore, #tpu.memory_space<semaphore_mem>>)
      %dma_wait3A_141 = arith.constant 0 : i32
      %dma_wait3A_142 = tpu.memref_slice %arg9[%mul3A_2, %dma_wait3A_141] : memref<10112x16xf32, #tpu.memory_space<vmem_shared>> -> memref<632x16xf32, #tpu.memory_space<vmem_shared>>
      tpu.wait_dma2 semaphore(%run_scoped3A_138 : memref<!tpu.dma_semaphore, #tpu.memory_space<semaphore_mem>>) src(%arg2 : memref<632x16xf32, #tpu.memory_space<hbm>>) dst(%dma_wait3A_142 : memref<632x16xf32, #tpu.memory_space<vmem_shared>>)
      tpu.yield
    }) : () -> ()
    %run_scoped3A = arith.constant 0 : i32
    "tpu.region"() ({
      %run_scoped3A_138 = tpu.sem_alloc : memref<!tpu.dma_semaphore, #tpu.memory_space<semaphore_mem>>
      %dma_start3A_139 = arith.constant 0 : i32
      %dma_start3A_140 = arith.constant 0 : i32
      %dma_start3A_141 = tpu.memref_slice %arg3[%run_scoped3A, %add3A, %dma_start3A_139, %dma_start3A_140] : memref<2x32x80x125xi32, #tpu.memory_space<hbm>> -> memref<1x1x80x125xi32, #tpu.memory_space<hbm>>
      %dma_start3A_142 = tpu.memref_squeeze %dma_start3A_141 : memref<1x1x80x125xi32, #tpu.memory_space<hbm>> -> memref<80x125xi32, #tpu.memory_space<hbm>>
      %dma_start3A_143 = arith.constant 0 : i32
      %dma_start3A_144 = arith.constant 0 : i32
      %dma_start3A_145 = tpu.memref_slice %arg3[%run_scoped3A, %add3A, %dma_start3A_143, %dma_start3A_144] : memref<2x32x80x125xi32, #tpu.memory_space<hbm>> -> memref<1x1x80x125xi32, #tpu.memory_space<hbm>>
      %dma_start3A_146 = tpu.memref_squeeze %dma_start3A_145 : memref<1x1x80x125xi32, #tpu.memory_space<hbm>> -> memref<80x125xi32, #tpu.memory_space<hbm>>
      tpu.enqueue_dma source(%dma_start3A_146 : memref<80x125xi32, #tpu.memory_space<hbm>>) target(%arg6 : memref<80x125xi32, #tpu.memory_space<vmem>>) target_semaphore(%run_scoped3A_138 : memref<!tpu.dma_semaphore, #tpu.memory_space<semaphore_mem>>)
      %dma_wait3A_147 = arith.constant 0 : i32
      %dma_wait3A_148 = arith.constant 0 : i32
      %dma_wait3A_149 = tpu.memref_slice %arg3[%run_scoped3A, %add3A, %dma_wait3A_147, %dma_wait3A_148] : memref<2x32x80x125xi32, #tpu.memory_space<hbm>> -> memref<1x1x80x125xi32, #tpu.memory_space<hbm>>
      %dma_wait3A_150 = tpu.memref_squeeze %dma_wait3A_149 : memref<1x1x80x125xi32, #tpu.memory_space<hbm>> -> memref<80x125xi32, #tpu.memory_space<hbm>>
      %dma_wait3A_151 = arith.constant 0 : i32
      %dma_wait3A_152 = arith.constant 0 : i32
      %dma_wait3A_153 = tpu.memref_slice %arg3[%run_scoped3A, %add3A, %dma_wait3A_151, %dma_wait3A_152] : memref<2x32x80x125xi32, #tpu.memory_space<hbm>> -> memref<1x1x80x125xi32, #tpu.memory_space<hbm>>
      %dma_wait3A_154 = tpu.memref_squeeze %dma_wait3A_153 : memref<1x1x80x125xi32, #tpu.memory_space<hbm>> -> memref<80x125xi32, #tpu.memory_space<hbm>>
      tpu.wait_dma2 semaphore(%run_scoped3A_138 : memref<!tpu.dma_semaphore, #tpu.memory_space<semaphore_mem>>) src(%dma_wait3A_154 : memref<80x125xi32, #tpu.memory_space<hbm>>) dst(%arg6 : memref<80x125xi32, #tpu.memory_space<vmem>>)
      tpu.yield
    }) : () -> ()
    %run_scoped3A_3 = arith.constant 1 : i32
    "tpu.region"() ({
      %run_scoped3A_138 = tpu.sem_alloc : memref<!tpu.dma_semaphore, #tpu.memory_space<semaphore_mem>>
      %dma_start3A_139 = arith.constant 0 : i32
      %dma_start3A_140 = arith.constant 0 : i32
      %dma_start3A_141 = tpu.memref_slice %arg3[%run_scoped3A_3, %add3A, %dma_start3A_139, %dma_start3A_140] : memref<2x32x80x125xi32, #tpu.memory_space<hbm>> -> memref<1x1x80x125xi32, #tpu.memory_space<hbm>>
      %dma_start3A_142 = tpu.memref_squeeze %dma_start3A_141 : memref<1x1x80x125xi32, #tpu.memory_space<hbm>> -> memref<80x125xi32, #tpu.memory_space<hbm>>
      %dma_start3A_143 = arith.constant 0 : i32
      %dma_start3A_144 = arith.constant 0 : i32
      %dma_start3A_145 = tpu.memref_slice %arg3[%run_scoped3A_3, %add3A, %dma_start3A_143, %dma_start3A_144] : memref<2x32x80x125xi32, #tpu.memory_space<hbm>> -> memref<1x1x80x125xi32, #tpu.memory_space<hbm>>
      %dma_start3A_146 = tpu.memref_squeeze %dma_start3A_145 : memref<1x1x80x125xi32, #tpu.memory_space<hbm>> -> memref<80x125xi32, #tpu.memory_space<hbm>>
      tpu.enqueue_dma source(%dma_start3A_146 : memref<80x125xi32, #tpu.memory_space<hbm>>) target(%arg7 : memref<80x125xi32, #tpu.memory_space<vmem>>) target_semaphore(%run_scoped3A_138 : memref<!tpu.dma_semaphore, #tpu.memory_space<semaphore_mem>>)
      %dma_wait3A_147 = arith.constant 0 : i32
      %dma_wait3A_148 = arith.constant 0 : i32
      %dma_wait3A_149 = tpu.memref_slice %arg3[%run_scoped3A_3, %add3A, %dma_wait3A_147, %dma_wait3A_148] : memref<2x32x80x125xi32, #tpu.memory_space<hbm>> -> memref<1x1x80x125xi32, #tpu.memory_space<hbm>>
      %dma_wait3A_150 = tpu.memref_squeeze %dma_wait3A_149 : memref<1x1x80x125xi32, #tpu.memory_space<hbm>> -> memref<80x125xi32, #tpu.memory_space<hbm>>
      %dma_wait3A_151 = arith.constant 0 : i32
      %dma_wait3A_152 = arith.constant 0 : i32
      %dma_wait3A_153 = tpu.memref_slice %arg3[%run_scoped3A_3, %add3A, %dma_wait3A_151, %dma_wait3A_152] : memref<2x32x80x125xi32, #tpu.memory_space<hbm>> -> memref<1x1x80x125xi32, #tpu.memory_space<hbm>>
      %dma_wait3A_154 = tpu.memref_squeeze %dma_wait3A_153 : memref<1x1x80x125xi32, #tpu.memory_space<hbm>> -> memref<80x125xi32, #tpu.memory_space<hbm>>
      tpu.wait_dma2 semaphore(%run_scoped3A_138 : memref<!tpu.dma_semaphore, #tpu.memory_space<semaphore_mem>>) src(%dma_wait3A_154 : memref<80x125xi32, #tpu.memory_space<hbm>>) dst(%arg7 : memref<80x125xi32, #tpu.memory_space<vmem>>)
      tpu.yield
    }) : () -> ()
    %lt3A = arith.constant 15 : i32
    %lt3A_4 = arith.cmpi slt, %arg1, %lt3A : i32
    %convert_element_type3A = arith.extui %lt3A_4 : i1 to i32
    %cond3A = arith.constant 0 : i32
    %cond3A_5 = arith.cmpi ne, %convert_element_type3A, %cond3A : i32
    scf.if %cond3A_5 {
      %mul3A_138 = arith.constant 632 : i32
      %mul3A_139 = arith.muli %arg1, %mul3A_138 : i32
      %mul3A_140 = arith.constant 632 : i32
      %mul3A_141 = arith.muli %arg1, %mul3A_140 : i32
      "tpu.region"() ({
        %run_scoped3A_142 = tpu.sem_alloc : memref<!tpu.dma_semaphore, #tpu.memory_space<semaphore_mem>>
        %dma_start3A_143 = arith.constant 0 : i32
        %dma_start3A_144 = tpu.memref_slice %arg10[%mul3A_141, %dma_start3A_143] : memref<10000x16xf32, #tpu.memory_space<vmem_shared>> -> memref<632x16xf32, #tpu.memory_space<vmem_shared>>
        %dma_start3A_145 = arith.constant 0 : i32
        %dma_start3A_146 = tpu.memref_slice %arg4[%mul3A_139, %dma_start3A_145] : memref<10000x16xf32, #tpu.memory_space<hbm>> -> memref<632x16xf32, #tpu.memory_space<hbm>>
        tpu.enqueue_dma source(%dma_start3A_146 : memref<632x16xf32, #tpu.memory_space<hbm>>) target(%dma_start3A_144 : memref<632x16xf32, #tpu.memory_space<vmem_shared>>) target_semaphore(%run_scoped3A_142 : memref<!tpu.dma_semaphore, #tpu.memory_space<semaphore_mem>>)
        %dma_wait3A_147 = arith.constant 0 : i32
        %dma_wait3A_148 = tpu.memref_slice %arg10[%mul3A_141, %dma_wait3A_147] : memref<10000x16xf32, #tpu.memory_space<vmem_shared>> -> memref<632x16xf32, #tpu.memory_space<vmem_shared>>
        %dma_wait3A_149 = arith.constant 0 : i32
        %dma_wait3A_150 = tpu.memref_slice %arg4[%mul3A_139, %dma_wait3A_149] : memref<10000x16xf32, #tpu.memory_space<hbm>> -> memref<632x16xf32, #tpu.memory_space<hbm>>
        tpu.wait_dma2 semaphore(%run_scoped3A_142 : memref<!tpu.dma_semaphore, #tpu.memory_space<semaphore_mem>>) src(%dma_wait3A_150 : memref<632x16xf32, #tpu.memory_space<hbm>>) dst(%dma_wait3A_148 : memref<632x16xf32, #tpu.memory_space<vmem_shared>>)
        tpu.yield
      }) : () -> ()
    } else {
    }
    %eq3A = arith.constant 15 : i32
    %eq3A_6 = arith.cmpi eq, %arg1, %eq3A : i32
    %convert_element_type3A_7 = arith.extui %eq3A_6 : i1 to i32
    %cond3A_8 = arith.constant 0 : i32
    %cond3A_9 = arith.cmpi ne, %convert_element_type3A_7, %cond3A_8 : i32
    scf.if %cond3A_9 {
      "tpu.region"() ({
        %run_scoped3A_138 = tpu.sem_alloc : memref<!tpu.dma_semaphore, #tpu.memory_space<semaphore_mem>>
        %dma_start3A_139 = arith.constant 9480 : i32
        %dma_start3A_140 = arith.constant 0 : i32
        %dma_start3A_141 = tpu.memref_slice %arg10[%dma_start3A_139, %dma_start3A_140] : memref<10000x16xf32, #tpu.memory_space<vmem_shared>> -> memref<520x16xf32, #tpu.memory_space<vmem_shared>>
        %dma_start3A_142 = arith.constant 9480 : i32
        %dma_start3A_143 = arith.constant 0 : i32
        %dma_start3A_144 = tpu.memref_slice %arg4[%dma_start3A_142, %dma_start3A_143] : memref<10000x16xf32, #tpu.memory_space<hbm>> -> memref<520x16xf32, #tpu.memory_space<hbm>>
        tpu.enqueue_dma source(%dma_start3A_144 : memref<520x16xf32, #tpu.memory_space<hbm>>) target(%dma_start3A_141 : memref<520x16xf32, #tpu.memory_space<vmem_shared>>) target_semaphore(%run_scoped3A_138 : memref<!tpu.dma_semaphore, #tpu.memory_space<semaphore_mem>>)
        %dma_wait3A_145 = arith.constant 9480 : i32
        %dma_wait3A_146 = arith.constant 0 : i32
        %dma_wait3A_147 = tpu.memref_slice %arg10[%dma_wait3A_145, %dma_wait3A_146] : memref<10000x16xf32, #tpu.memory_space<vmem_shared>> -> memref<520x16xf32, #tpu.memory_space<vmem_shared>>
        %dma_wait3A_148 = arith.constant 9480 : i32
        %dma_wait3A_149 = arith.constant 0 : i32
        %dma_wait3A_150 = tpu.memref_slice %arg4[%dma_wait3A_148, %dma_wait3A_149] : memref<10000x16xf32, #tpu.memory_space<hbm>> -> memref<520x16xf32, #tpu.memory_space<hbm>>
        tpu.wait_dma2 semaphore(%run_scoped3A_138 : memref<!tpu.dma_semaphore, #tpu.memory_space<semaphore_mem>>) src(%dma_wait3A_150 : memref<520x16xf32, #tpu.memory_space<hbm>>) dst(%dma_wait3A_147 : memref<520x16xf32, #tpu.memory_space<vmem_shared>>)
        tpu.yield
      }) : () -> ()
    } else {
    }
    %barrier3A = arith.constant 0 : index
    tpu.barrier barrier_id(%barrier3A)
    %dma_start3A = arith.constant 0 : i32
    %dma_start3A_10 = arith.constant 0 : i32
    %dma_start3A_11 = arith.constant 0 : i32
    %dma_start3A_12 = arith.constant 0 : i32
    %dma_start3A_13 = arith.constant 0 : i32
    %dma_start3A_14 = tpu.memref_slice %arg8[%dma_start3A_10, %dma_start3A_12, %dma_start3A_13] : memref<8x125x16xf32, #tpu.memory_space<vmem>> -> memref<1x125x16xf32, #tpu.memory_space<vmem>>
    %dma_start3A_15 = tpu.memref_squeeze %dma_start3A_14 : memref<1x125x16xf32, #tpu.memory_space<vmem>> -> memref<125x16xf32, #tpu.memory_space<vmem>>
    %dma_start3A_16 = arith.constant 0 : i32
    %dma_start3A_17 = tpu.memref_slice %arg6[%dma_start3A, %dma_start3A_16] : memref<80x125xi32, #tpu.memory_space<vmem>> -> memref<1x125xi32, #tpu.memory_space<vmem>>
    %dma_start3A_18 = tpu.memref_squeeze %dma_start3A_17 : memref<1x125xi32, #tpu.memory_space<vmem>> -> memref<125xi32, #tpu.memory_space<vmem>>
    %dma_start3A_19 = arith.constant 0 : i32
    %dma_start3A_20 = arith.constant 0 : i32
    %dma_start3A_21 = tpu.memref_slice %arg10[%dma_start3A_19, %dma_start3A_20] : memref<10000x16xf32, #tpu.memory_space<vmem_shared>> -> memref<10000x16xf32, #tpu.memory_space<vmem_shared>>
    %dma_start3A_22 = tpu.memref_slice %arg11[%dma_start3A_11] : memref<8x!tpu.dma_semaphore, #tpu.memory_space<semaphore_mem>> -> memref<1x!tpu.dma_semaphore, #tpu.memory_space<semaphore_mem>>
    %dma_start3A_23 = tpu.memref_squeeze %dma_start3A_22 : memref<1x!tpu.dma_semaphore, #tpu.memory_space<semaphore_mem>> -> memref<!tpu.dma_semaphore, #tpu.memory_space<semaphore_mem>>
    tpu.enqueue_indirect_dma source(%dma_start3A_21 : memref<10000x16xf32, #tpu.memory_space<vmem_shared>>) target(%dma_start3A_15 : memref<125x16xf32, #tpu.memory_space<vmem>>) offsets(%dma_start3A_18 : memref<125xi32, #tpu.memory_space<vmem>>) semaphore(%dma_start3A_23 : memref<!tpu.dma_semaphore, #tpu.memory_space<semaphore_mem>>)
    %dma_start3A_24 = arith.constant 1 : i32
    %dma_start3A_25 = arith.constant 1 : i32
    %dma_start3A_26 = arith.constant 1 : i32
    %dma_start3A_27 = arith.constant 0 : i32
    %dma_start3A_28 = arith.constant 0 : i32
    %dma_start3A_29 = tpu.memref_slice %arg8[%dma_start3A_25, %dma_start3A_27, %dma_start3A_28] : memref<8x125x16xf32, #tpu.memory_space<vmem>> -> memref<1x125x16xf32, #tpu.memory_space<vmem>>
    %dma_start3A_30 = tpu.memref_squeeze %dma_start3A_29 : memref<1x125x16xf32, #tpu.memory_space<vmem>> -> memref<125x16xf32, #tpu.memory_space<vmem>>
    %dma_start3A_31 = arith.constant 0 : i32
    %dma_start3A_32 = tpu.memref_slice %arg6[%dma_start3A_24, %dma_start3A_31] : memref<80x125xi32, #tpu.memory_space<vmem>> -> memref<1x125xi32, #tpu.memory_space<vmem>>
    %dma_start3A_33 = tpu.memref_squeeze %dma_start3A_32 : memref<1x125xi32, #tpu.memory_space<vmem>> -> memref<125xi32, #tpu.memory_space<vmem>>
    %dma_start3A_34 = arith.constant 0 : i32
    %dma_start3A_35 = arith.constant 0 : i32
    %dma_start3A_36 = tpu.memref_slice %arg10[%dma_start3A_34, %dma_start3A_35] : memref<10000x16xf32, #tpu.memory_space<vmem_shared>> -> memref<10000x16xf32, #tpu.memory_space<vmem_shared>>
    %dma_start3A_37 = tpu.memref_slice %arg11[%dma_start3A_26] : memref<8x!tpu.dma_semaphore, #tpu.memory_space<semaphore_mem>> -> memref<1x!tpu.dma_semaphore, #tpu.memory_space<semaphore_mem>>
    %dma_start3A_38 = tpu.memref_squeeze %dma_start3A_37 : memref<1x!tpu.dma_semaphore, #tpu.memory_space<semaphore_mem>> -> memref<!tpu.dma_semaphore, #tpu.memory_space<semaphore_mem>>
    tpu.enqueue_indirect_dma source(%dma_start3A_36 : memref<10000x16xf32, #tpu.memory_space<vmem_shared>>) target(%dma_start3A_30 : memref<125x16xf32, #tpu.memory_space<vmem>>) offsets(%dma_start3A_33 : memref<125xi32, #tpu.memory_space<vmem>>) semaphore(%dma_start3A_38 : memref<!tpu.dma_semaphore, #tpu.memory_space<semaphore_mem>>)
    %dma_start3A_39 = arith.constant 2 : i32
    %dma_start3A_40 = arith.constant 2 : i32
    %dma_start3A_41 = arith.constant 2 : i32
    %dma_start3A_42 = arith.constant 0 : i32
    %dma_start3A_43 = arith.constant 0 : i32
    %dma_start3A_44 = tpu.memref_slice %arg8[%dma_start3A_40, %dma_start3A_42, %dma_start3A_43] : memref<8x125x16xf32, #tpu.memory_space<vmem>> -> memref<1x125x16xf32, #tpu.memory_space<vmem>>
    %dma_start3A_45 = tpu.memref_squeeze %dma_start3A_44 : memref<1x125x16xf32, #tpu.memory_space<vmem>> -> memref<125x16xf32, #tpu.memory_space<vmem>>
    %dma_start3A_46 = arith.constant 0 : i32
    %dma_start3A_47 = tpu.memref_slice %arg6[%dma_start3A_39, %dma_start3A_46] : memref<80x125xi32, #tpu.memory_space<vmem>> -> memref<1x125xi32, #tpu.memory_space<vmem>>
    %dma_start3A_48 = tpu.memref_squeeze %dma_start3A_47 : memref<1x125xi32, #tpu.memory_space<vmem>> -> memref<125xi32, #tpu.memory_space<vmem>>
    %dma_start3A_49 = arith.constant 0 : i32
    %dma_start3A_50 = arith.constant 0 : i32
    %dma_start3A_51 = tpu.memref_slice %arg10[%dma_start3A_49, %dma_start3A_50] : memref<10000x16xf32, #tpu.memory_space<vmem_shared>> -> memref<10000x16xf32, #tpu.memory_space<vmem_shared>>
    %dma_start3A_52 = tpu.memref_slice %arg11[%dma_start3A_41] : memref<8x!tpu.dma_semaphore, #tpu.memory_space<semaphore_mem>> -> memref<1x!tpu.dma_semaphore, #tpu.memory_space<semaphore_mem>>
    %dma_start3A_53 = tpu.memref_squeeze %dma_start3A_52 : memref<1x!tpu.dma_semaphore, #tpu.memory_space<semaphore_mem>> -> memref<!tpu.dma_semaphore, #tpu.memory_space<semaphore_mem>>
    tpu.enqueue_indirect_dma source(%dma_start3A_51 : memref<10000x16xf32, #tpu.memory_space<vmem_shared>>) target(%dma_start3A_45 : memref<125x16xf32, #tpu.memory_space<vmem>>) offsets(%dma_start3A_48 : memref<125xi32, #tpu.memory_space<vmem>>) semaphore(%dma_start3A_53 : memref<!tpu.dma_semaphore, #tpu.memory_space<semaphore_mem>>)
    %dma_start3A_54 = arith.constant 3 : i32
    %dma_start3A_55 = arith.constant 3 : i32
    %dma_start3A_56 = arith.constant 3 : i32
    %dma_start3A_57 = arith.constant 0 : i32
    %dma_start3A_58 = arith.constant 0 : i32
    %dma_start3A_59 = tpu.memref_slice %arg8[%dma_start3A_55, %dma_start3A_57, %dma_start3A_58] : memref<8x125x16xf32, #tpu.memory_space<vmem>> -> memref<1x125x16xf32, #tpu.memory_space<vmem>>
    %dma_start3A_60 = tpu.memref_squeeze %dma_start3A_59 : memref<1x125x16xf32, #tpu.memory_space<vmem>> -> memref<125x16xf32, #tpu.memory_space<vmem>>
    %dma_start3A_61 = arith.constant 0 : i32
    %dma_start3A_62 = tpu.memref_slice %arg6[%dma_start3A_54, %dma_start3A_61] : memref<80x125xi32, #tpu.memory_space<vmem>> -> memref<1x125xi32, #tpu.memory_space<vmem>>
    %dma_start3A_63 = tpu.memref_squeeze %dma_start3A_62 : memref<1x125xi32, #tpu.memory_space<vmem>> -> memref<125xi32, #tpu.memory_space<vmem>>
    %dma_start3A_64 = arith.constant 0 : i32
    %dma_start3A_65 = arith.constant 0 : i32
    %dma_start3A_66 = tpu.memref_slice %arg10[%dma_start3A_64, %dma_start3A_65] : memref<10000x16xf32, #tpu.memory_space<vmem_shared>> -> memref<10000x16xf32, #tpu.memory_space<vmem_shared>>
    %dma_start3A_67 = tpu.memref_slice %arg11[%dma_start3A_56] : memref<8x!tpu.dma_semaphore, #tpu.memory_space<semaphore_mem>> -> memref<1x!tpu.dma_semaphore, #tpu.memory_space<semaphore_mem>>
    %dma_start3A_68 = tpu.memref_squeeze %dma_start3A_67 : memref<1x!tpu.dma_semaphore, #tpu.memory_space<semaphore_mem>> -> memref<!tpu.dma_semaphore, #tpu.memory_space<semaphore_mem>>
    tpu.enqueue_indirect_dma source(%dma_start3A_66 : memref<10000x16xf32, #tpu.memory_space<vmem_shared>>) target(%dma_start3A_60 : memref<125x16xf32, #tpu.memory_space<vmem>>) offsets(%dma_start3A_63 : memref<125xi32, #tpu.memory_space<vmem>>) semaphore(%dma_start3A_68 : memref<!tpu.dma_semaphore, #tpu.memory_space<semaphore_mem>>)
    %scan3A = arith.constant 0 : i32
    %scan3A_69 = arith.constant 0 : i32
    %scan3A_70 = arith.constant 10 : i32
    %scan3A_71 = arith.addi %scan3A_69, %scan3A_70 : i32
    %scan3A_72 = arith.constant 1 : i32
    scf.for %scan3A_138 = %scan3A_69 to %scan3A_71 step %scan3A_72  : i32 {
      %mul3A_139 = arith.constant 8 : i32
      %mul3A_140 = arith.muli %mul3A_139, %scan3A_138 : i32
      %add3A_141 = arith.constant 0 : i32
      %add3A_142 = arith.addi %mul3A_140, %add3A_141 : i32
      %dma_wait3A_143 = arith.constant 0 : i32
      %dma_wait3A_144 = arith.constant 0 : i32
      %dma_wait3A_145 = arith.constant 0 : i32
      %dma_wait3A_146 = arith.constant 0 : i32
      %dma_wait3A_147 = tpu.memref_slice %arg8[%dma_wait3A_143, %dma_wait3A_145, %dma_wait3A_146] : memref<8x125x16xf32, #tpu.memory_space<vmem>> -> memref<1x125x16xf32, #tpu.memory_space<vmem>>
      %dma_wait3A_148 = tpu.memref_squeeze %dma_wait3A_147 : memref<1x125x16xf32, #tpu.memory_space<vmem>> -> memref<125x16xf32, #tpu.memory_space<vmem>>
      %dma_wait3A_149 = arith.constant 0 : i32
      %dma_wait3A_150 = tpu.memref_slice %arg6[%add3A_142, %dma_wait3A_149] : memref<80x125xi32, #tpu.memory_space<vmem>> -> memref<1x125xi32, #tpu.memory_space<vmem>>
      %dma_wait3A_151 = tpu.memref_squeeze %dma_wait3A_150 : memref<1x125xi32, #tpu.memory_space<vmem>> -> memref<125xi32, #tpu.memory_space<vmem>>
      %dma_wait3A_152 = arith.constant 0 : i32
      %dma_wait3A_153 = arith.constant 0 : i32
      %dma_wait3A_154 = tpu.memref_slice %arg10[%dma_wait3A_152, %dma_wait3A_153] : memref<10000x16xf32, #tpu.memory_space<vmem_shared>> -> memref<10000x16xf32, #tpu.memory_space<vmem_shared>>
      %dma_wait3A_155 = tpu.memref_slice %arg11[%dma_wait3A_144] : memref<8x!tpu.dma_semaphore, #tpu.memory_space<semaphore_mem>> -> memref<1x!tpu.dma_semaphore, #tpu.memory_space<semaphore_mem>>
      %dma_wait3A_156 = tpu.memref_squeeze %dma_wait3A_155 : memref<1x!tpu.dma_semaphore, #tpu.memory_space<semaphore_mem>> -> memref<!tpu.dma_semaphore, #tpu.memory_space<semaphore_mem>>
      tpu.wait_indirect_dma semaphore(%dma_wait3A_156 : memref<!tpu.dma_semaphore, #tpu.memory_space<semaphore_mem>>) src(%dma_wait3A_154 : memref<10000x16xf32, #tpu.memory_space<vmem_shared>>) dst(%dma_wait3A_148 : memref<125x16xf32, #tpu.memory_space<vmem>>)
      %dma_start3A_157 = arith.constant 0 : i32
      %dma_start3A_158 = arith.constant 0 : i32
      %dma_start3A_159 = arith.constant 0 : i32
      %dma_start3A_160 = arith.constant 0 : i32
      %dma_start3A_161 = tpu.memref_slice %arg8[%dma_start3A_157, %dma_start3A_159, %dma_start3A_160] : memref<8x125x16xf32, #tpu.memory_space<vmem>> -> memref<1x125x16xf32, #tpu.memory_space<vmem>>
      %dma_start3A_162 = tpu.memref_squeeze %dma_start3A_161 : memref<1x125x16xf32, #tpu.memory_space<vmem>> -> memref<125x16xf32, #tpu.memory_space<vmem>>
      %dma_start3A_163 = arith.constant 0 : i32
      %dma_start3A_164 = tpu.memref_slice %arg7[%add3A_142, %dma_start3A_163] : memref<80x125xi32, #tpu.memory_space<vmem>> -> memref<1x125xi32, #tpu.memory_space<vmem>>
      %dma_start3A_165 = tpu.memref_squeeze %dma_start3A_164 : memref<1x125xi32, #tpu.memory_space<vmem>> -> memref<125xi32, #tpu.memory_space<vmem>>
      %dma_start3A_166 = arith.constant 0 : i32
      %dma_start3A_167 = arith.constant 0 : i32
      %dma_start3A_168 = tpu.memref_slice %arg9[%dma_start3A_166, %dma_start3A_167] : memref<10112x16xf32, #tpu.memory_space<vmem_shared>> -> memref<10112x16xf32, #tpu.memory_space<vmem_shared>>
      %dma_start3A_169 = tpu.memref_slice %arg12[%dma_start3A_158] : memref<8x!tpu.dma_semaphore, #tpu.memory_space<semaphore_mem>> -> memref<1x!tpu.dma_semaphore, #tpu.memory_space<semaphore_mem>>
      %dma_start3A_170 = tpu.memref_squeeze %dma_start3A_169 : memref<1x!tpu.dma_semaphore, #tpu.memory_space<semaphore_mem>> -> memref<!tpu.dma_semaphore, #tpu.memory_space<semaphore_mem>>
      tpu.enqueue_indirect_dma source(%dma_start3A_162 : memref<125x16xf32, #tpu.memory_space<vmem>>) target(%dma_start3A_168 : memref<10112x16xf32, #tpu.memory_space<vmem_shared>>) offsets(%dma_start3A_165 : memref<125xi32, #tpu.memory_space<vmem>>) semaphore(%dma_start3A_170 : memref<!tpu.dma_semaphore, #tpu.memory_space<semaphore_mem>>) {add = true}
      %ge3A = arith.constant 4 : i32
      %ge3A_171 = arith.cmpi sge, %add3A_142, %ge3A : i32
      %convert_element_type3A_172 = arith.extui %ge3A_171 : i1 to i32
      %cond3A_173 = arith.constant 0 : i32
      %cond3A_174 = arith.cmpi ne, %convert_element_type3A_172, %cond3A_173 : i32
      scf.if %cond3A_174 {
        %dma_wait3A_490 = arith.constant 4 : i32
        %dma_wait3A_491 = arith.constant 0 : i32
        %dma_wait3A_492 = arith.constant 4 : i32
        %dma_wait3A_493 = arith.constant 0 : i32
        %dma_wait3A_494 = arith.constant 0 : i32
        %dma_wait3A_495 = tpu.memref_slice %arg8[%dma_wait3A_490, %dma_wait3A_493, %dma_wait3A_494] : memref<8x125x16xf32, #tpu.memory_space<vmem>> -> memref<1x125x16xf32, #tpu.memory_space<vmem>>
        %dma_wait3A_496 = tpu.memref_squeeze %dma_wait3A_495 : memref<1x125x16xf32, #tpu.memory_space<vmem>> -> memref<125x16xf32, #tpu.memory_space<vmem>>
        %dma_wait3A_497 = arith.constant 0 : i32
        %dma_wait3A_498 = tpu.memref_slice %arg7[%dma_wait3A_491, %dma_wait3A_497] : memref<80x125xi32, #tpu.memory_space<vmem>> -> memref<1x125xi32, #tpu.memory_space<vmem>>
        %dma_wait3A_499 = tpu.memref_squeeze %dma_wait3A_498 : memref<1x125xi32, #tpu.memory_space<vmem>> -> memref<125xi32, #tpu.memory_space<vmem>>
        %dma_wait3A_500 = arith.constant 0 : i32
        %dma_wait3A_501 = arith.constant 0 : i32
        %dma_wait3A_502 = tpu.memref_slice %arg9[%dma_wait3A_500, %dma_wait3A_501] : memref<10112x16xf32, #tpu.memory_space<vmem_shared>> -> memref<10112x16xf32, #tpu.memory_space<vmem_shared>>
        %dma_wait3A_503 = tpu.memref_slice %arg12[%dma_wait3A_492] : memref<8x!tpu.dma_semaphore, #tpu.memory_space<semaphore_mem>> -> memref<1x!tpu.dma_semaphore, #tpu.memory_space<semaphore_mem>>
        %dma_wait3A_504 = tpu.memref_squeeze %dma_wait3A_503 : memref<1x!tpu.dma_semaphore, #tpu.memory_space<semaphore_mem>> -> memref<!tpu.dma_semaphore, #tpu.memory_space<semaphore_mem>>
        tpu.wait_indirect_dma semaphore(%dma_wait3A_504 : memref<!tpu.dma_semaphore, #tpu.memory_space<semaphore_mem>>) src(%dma_wait3A_496 : memref<125x16xf32, #tpu.memory_space<vmem>>) dst(%dma_wait3A_502 : memref<10112x16xf32, #tpu.memory_space<vmem_shared>>)
      } else {
      }
      %add3A_175 = arith.constant 4 : i32
      %add3A_176 = arith.addi %add3A_142, %add3A_175 : i32
      %lt3A_177 = arith.constant 80 : i32
      %lt3A_178 = arith.cmpi slt, %add3A_176, %lt3A_177 : i32
      %convert_element_type3A_179 = arith.extui %lt3A_178 : i1 to i32
      %cond3A_180 = arith.constant 0 : i32
      %cond3A_181 = arith.cmpi ne, %convert_element_type3A_179, %cond3A_180 : i32
      scf.if %cond3A_181 {
        %add3A_490 = arith.constant 4 : i32
        %add3A_491 = arith.addi %add3A_142, %add3A_490 : i32
        %dma_start3A_492 = arith.constant 4 : i32
        %dma_start3A_493 = arith.constant 4 : i32
        %dma_start3A_494 = arith.constant 0 : i32
        %dma_start3A_495 = arith.constant 0 : i32
        %dma_start3A_496 = tpu.memref_slice %arg8[%dma_start3A_492, %dma_start3A_494, %dma_start3A_495] : memref<8x125x16xf32, #tpu.memory_space<vmem>> -> memref<1x125x16xf32, #tpu.memory_space<vmem>>
        %dma_start3A_497 = tpu.memref_squeeze %dma_start3A_496 : memref<1x125x16xf32, #tpu.memory_space<vmem>> -> memref<125x16xf32, #tpu.memory_space<vmem>>
        %dma_start3A_498 = arith.constant 0 : i32
        %dma_start3A_499 = tpu.memref_slice %arg6[%add3A_491, %dma_start3A_498] : memref<80x125xi32, #tpu.memory_space<vmem>> -> memref<1x125xi32, #tpu.memory_space<vmem>>
        %dma_start3A_500 = tpu.memref_squeeze %dma_start3A_499 : memref<1x125xi32, #tpu.memory_space<vmem>> -> memref<125xi32, #tpu.memory_space<vmem>>
        %dma_start3A_501 = arith.constant 0 : i32
        %dma_start3A_502 = arith.constant 0 : i32
        %dma_start3A_503 = tpu.memref_slice %arg10[%dma_start3A_501, %dma_start3A_502] : memref<10000x16xf32, #tpu.memory_space<vmem_shared>> -> memref<10000x16xf32, #tpu.memory_space<vmem_shared>>
        %dma_start3A_504 = tpu.memref_slice %arg11[%dma_start3A_493] : memref<8x!tpu.dma_semaphore, #tpu.memory_space<semaphore_mem>> -> memref<1x!tpu.dma_semaphore, #tpu.memory_space<semaphore_mem>>
        %dma_start3A_505 = tpu.memref_squeeze %dma_start3A_504 : memref<1x!tpu.dma_semaphore, #tpu.memory_space<semaphore_mem>> -> memref<!tpu.dma_semaphore, #tpu.memory_space<semaphore_mem>>
        tpu.enqueue_indirect_dma source(%dma_start3A_503 : memref<10000x16xf32, #tpu.memory_space<vmem_shared>>) target(%dma_start3A_497 : memref<125x16xf32, #tpu.memory_space<vmem>>) offsets(%dma_start3A_500 : memref<125xi32, #tpu.memory_space<vmem>>) semaphore(%dma_start3A_505 : memref<!tpu.dma_semaphore, #tpu.memory_space<semaphore_mem>>)
      } else {
      }
      %mul3A_182 = arith.constant 8 : i32
      %mul3A_183 = arith.muli %mul3A_182, %scan3A_138 : i32
      %add3A_184 = arith.constant 1 : i32
      %add3A_185 = arith.addi %mul3A_183, %add3A_184 : i32
      %dma_wait3A_186 = arith.constant 1 : i32
      %dma_wait3A_187 = arith.constant 1 : i32
      %dma_wait3A_188 = arith.constant 0 : i32
      %dma_wait3A_189 = arith.constant 0 : i32
      %dma_wait3A_190 = tpu.memref_slice %arg8[%dma_wait3A_186, %dma_wait3A_188, %dma_wait3A_189] : memref<8x125x16xf32, #tpu.memory_space<vmem>> -> memref<1x125x16xf32, #tpu.memory_space<vmem>>
      %dma_wait3A_191 = tpu.memref_squeeze %dma_wait3A_190 : memref<1x125x16xf32, #tpu.memory_space<vmem>> -> memref<125x16xf32, #tpu.memory_space<vmem>>
      %dma_wait3A_192 = arith.constant 0 : i32
      %dma_wait3A_193 = tpu.memref_slice %arg6[%add3A_185, %dma_wait3A_192] : memref<80x125xi32, #tpu.memory_space<vmem>> -> memref<1x125xi32, #tpu.memory_space<vmem>>
      %dma_wait3A_194 = tpu.memref_squeeze %dma_wait3A_193 : memref<1x125xi32, #tpu.memory_space<vmem>> -> memref<125xi32, #tpu.memory_space<vmem>>
      %dma_wait3A_195 = arith.constant 0 : i32
      %dma_wait3A_196 = arith.constant 0 : i32
      %dma_wait3A_197 = tpu.memref_slice %arg10[%dma_wait3A_195, %dma_wait3A_196] : memref<10000x16xf32, #tpu.memory_space<vmem_shared>> -> memref<10000x16xf32, #tpu.memory_space<vmem_shared>>
      %dma_wait3A_198 = tpu.memref_slice %arg11[%dma_wait3A_187] : memref<8x!tpu.dma_semaphore, #tpu.memory_space<semaphore_mem>> -> memref<1x!tpu.dma_semaphore, #tpu.memory_space<semaphore_mem>>
      %dma_wait3A_199 = tpu.memref_squeeze %dma_wait3A_198 : memref<1x!tpu.dma_semaphore, #tpu.memory_space<semaphore_mem>> -> memref<!tpu.dma_semaphore, #tpu.memory_space<semaphore_mem>>
      tpu.wait_indirect_dma semaphore(%dma_wait3A_199 : memref<!tpu.dma_semaphore, #tpu.memory_space<semaphore_mem>>) src(%dma_wait3A_197 : memref<10000x16xf32, #tpu.memory_space<vmem_shared>>) dst(%dma_wait3A_191 : memref<125x16xf32, #tpu.memory_space<vmem>>)
      %dma_start3A_200 = arith.constant 1 : i32
      %dma_start3A_201 = arith.constant 1 : i32
      %dma_start3A_202 = arith.constant 0 : i32
      %dma_start3A_203 = arith.constant 0 : i32
      %dma_start3A_204 = tpu.memref_slice %arg8[%dma_start3A_200, %dma_start3A_202, %dma_start3A_203] : memref<8x125x16xf32, #tpu.memory_space<vmem>> -> memref<1x125x16xf32, #tpu.memory_space<vmem>>
      %dma_start3A_205 = tpu.memref_squeeze %dma_start3A_204 : memref<1x125x16xf32, #tpu.memory_space<vmem>> -> memref<125x16xf32, #tpu.memory_space<vmem>>
      %dma_start3A_206 = arith.constant 0 : i32
      %dma_start3A_207 = tpu.memref_slice %arg7[%add3A_185, %dma_start3A_206] : memref<80x125xi32, #tpu.memory_space<vmem>> -> memref<1x125xi32, #tpu.memory_space<vmem>>
      %dma_start3A_208 = tpu.memref_squeeze %dma_start3A_207 : memref<1x125xi32, #tpu.memory_space<vmem>> -> memref<125xi32, #tpu.memory_space<vmem>>
      %dma_start3A_209 = arith.constant 0 : i32
      %dma_start3A_210 = arith.constant 0 : i32
      %dma_start3A_211 = tpu.memref_slice %arg9[%dma_start3A_209, %dma_start3A_210] : memref<10112x16xf32, #tpu.memory_space<vmem_shared>> -> memref<10112x16xf32, #tpu.memory_space<vmem_shared>>
      %dma_start3A_212 = tpu.memref_slice %arg12[%dma_start3A_201] : memref<8x!tpu.dma_semaphore, #tpu.memory_space<semaphore_mem>> -> memref<1x!tpu.dma_semaphore, #tpu.memory_space<semaphore_mem>>
      %dma_start3A_213 = tpu.memref_squeeze %dma_start3A_212 : memref<1x!tpu.dma_semaphore, #tpu.memory_space<semaphore_mem>> -> memref<!tpu.dma_semaphore, #tpu.memory_space<semaphore_mem>>
      tpu.enqueue_indirect_dma source(%dma_start3A_205 : memref<125x16xf32, #tpu.memory_space<vmem>>) target(%dma_start3A_211 : memref<10112x16xf32, #tpu.memory_space<vmem_shared>>) offsets(%dma_start3A_208 : memref<125xi32, #tpu.memory_space<vmem>>) semaphore(%dma_start3A_213 : memref<!tpu.dma_semaphore, #tpu.memory_space<semaphore_mem>>) {add = true}
      %ge3A_214 = arith.constant 4 : i32
      %ge3A_215 = arith.cmpi sge, %add3A_185, %ge3A_214 : i32
      %convert_element_type3A_216 = arith.extui %ge3A_215 : i1 to i32
      %cond3A_217 = arith.constant 0 : i32
      %cond3A_218 = arith.cmpi ne, %convert_element_type3A_216, %cond3A_217 : i32
      scf.if %cond3A_218 {
        %dma_wait3A_490 = arith.constant 5 : i32
        %dma_wait3A_491 = arith.constant 0 : i32
        %dma_wait3A_492 = arith.constant 5 : i32
        %dma_wait3A_493 = arith.constant 0 : i32
        %dma_wait3A_494 = arith.constant 0 : i32
        %dma_wait3A_495 = tpu.memref_slice %arg8[%dma_wait3A_490, %dma_wait3A_493, %dma_wait3A_494] : memref<8x125x16xf32, #tpu.memory_space<vmem>> -> memref<1x125x16xf32, #tpu.memory_space<vmem>>
        %dma_wait3A_496 = tpu.memref_squeeze %dma_wait3A_495 : memref<1x125x16xf32, #tpu.memory_space<vmem>> -> memref<125x16xf32, #tpu.memory_space<vmem>>
        %dma_wait3A_497 = arith.constant 0 : i32
        %dma_wait3A_498 = tpu.memref_slice %arg7[%dma_wait3A_491, %dma_wait3A_497] : memref<80x125xi32, #tpu.memory_space<vmem>> -> memref<1x125xi32, #tpu.memory_space<vmem>>
        %dma_wait3A_499 = tpu.memref_squeeze %dma_wait3A_498 : memref<1x125xi32, #tpu.memory_space<vmem>> -> memref<125xi32, #tpu.memory_space<vmem>>
        %dma_wait3A_500 = arith.constant 0 : i32
        %dma_wait3A_501 = arith.constant 0 : i32
        %dma_wait3A_502 = tpu.memref_slice %arg9[%dma_wait3A_500, %dma_wait3A_501] : memref<10112x16xf32, #tpu.memory_space<vmem_shared>> -> memref<10112x16xf32, #tpu.memory_space<vmem_shared>>
        %dma_wait3A_503 = tpu.memref_slice %arg12[%dma_wait3A_492] : memref<8x!tpu.dma_semaphore, #tpu.memory_space<semaphore_mem>> -> memref<1x!tpu.dma_semaphore, #tpu.memory_space<semaphore_mem>>
        %dma_wait3A_504 = tpu.memref_squeeze %dma_wait3A_503 : memref<1x!tpu.dma_semaphore, #tpu.memory_space<semaphore_mem>> -> memref<!tpu.dma_semaphore, #tpu.memory_space<semaphore_mem>>
        tpu.wait_indirect_dma semaphore(%dma_wait3A_504 : memref<!tpu.dma_semaphore, #tpu.memory_space<semaphore_mem>>) src(%dma_wait3A_496 : memref<125x16xf32, #tpu.memory_space<vmem>>) dst(%dma_wait3A_502 : memref<10112x16xf32, #tpu.memory_space<vmem_shared>>)
      } else {
      }
      %add3A_219 = arith.constant 4 : i32
      %add3A_220 = arith.addi %add3A_185, %add3A_219 : i32
      %lt3A_221 = arith.constant 80 : i32
      %lt3A_222 = arith.cmpi slt, %add3A_220, %lt3A_221 : i32
      %convert_element_type3A_223 = arith.extui %lt3A_222 : i1 to i32
      %cond3A_224 = arith.constant 0 : i32
      %cond3A_225 = arith.cmpi ne, %convert_element_type3A_223, %cond3A_224 : i32
      scf.if %cond3A_225 {
        %add3A_490 = arith.constant 4 : i32
        %add3A_491 = arith.addi %add3A_185, %add3A_490 : i32
        %dma_start3A_492 = arith.constant 5 : i32
        %dma_start3A_493 = arith.constant 5 : i32
        %dma_start3A_494 = arith.constant 0 : i32
        %dma_start3A_495 = arith.constant 0 : i32
        %dma_start3A_496 = tpu.memref_slice %arg8[%dma_start3A_492, %dma_start3A_494, %dma_start3A_495] : memref<8x125x16xf32, #tpu.memory_space<vmem>> -> memref<1x125x16xf32, #tpu.memory_space<vmem>>
        %dma_start3A_497 = tpu.memref_squeeze %dma_start3A_496 : memref<1x125x16xf32, #tpu.memory_space<vmem>> -> memref<125x16xf32, #tpu.memory_space<vmem>>
        %dma_start3A_498 = arith.constant 0 : i32
        %dma_start3A_499 = tpu.memref_slice %arg6[%add3A_491, %dma_start3A_498] : memref<80x125xi32, #tpu.memory_space<vmem>> -> memref<1x125xi32, #tpu.memory_space<vmem>>
        %dma_start3A_500 = tpu.memref_squeeze %dma_start3A_499 : memref<1x125xi32, #tpu.memory_space<vmem>> -> memref<125xi32, #tpu.memory_space<vmem>>
        %dma_start3A_501 = arith.constant 0 : i32
        %dma_start3A_502 = arith.constant 0 : i32
        %dma_start3A_503 = tpu.memref_slice %arg10[%dma_start3A_501, %dma_start3A_502] : memref<10000x16xf32, #tpu.memory_space<vmem_shared>> -> memref<10000x16xf32, #tpu.memory_space<vmem_shared>>
        %dma_start3A_504 = tpu.memref_slice %arg11[%dma_start3A_493] : memref<8x!tpu.dma_semaphore, #tpu.memory_space<semaphore_mem>> -> memref<1x!tpu.dma_semaphore, #tpu.memory_space<semaphore_mem>>
        %dma_start3A_505 = tpu.memref_squeeze %dma_start3A_504 : memref<1x!tpu.dma_semaphore, #tpu.memory_space<semaphore_mem>> -> memref<!tpu.dma_semaphore, #tpu.memory_space<semaphore_mem>>
        tpu.enqueue_indirect_dma source(%dma_start3A_503 : memref<10000x16xf32, #tpu.memory_space<vmem_shared>>) target(%dma_start3A_497 : memref<125x16xf32, #tpu.memory_space<vmem>>) offsets(%dma_start3A_500 : memref<125xi32, #tpu.memory_space<vmem>>) semaphore(%dma_start3A_505 : memref<!tpu.dma_semaphore, #tpu.memory_space<semaphore_mem>>)
      } else {
      }
      %mul3A_226 = arith.constant 8 : i32
      %mul3A_227 = arith.muli %mul3A_226, %scan3A_138 : i32
      %add3A_228 = arith.constant 2 : i32
      %add3A_229 = arith.addi %mul3A_227, %add3A_228 : i32
      %dma_wait3A_230 = arith.constant 2 : i32
      %dma_wait3A_231 = arith.constant 2 : i32
      %dma_wait3A_232 = arith.constant 0 : i32
      %dma_wait3A_233 = arith.constant 0 : i32
      %dma_wait3A_234 = tpu.memref_slice %arg8[%dma_wait3A_230, %dma_wait3A_232, %dma_wait3A_233] : memref<8x125x16xf32, #tpu.memory_space<vmem>> -> memref<1x125x16xf32, #tpu.memory_space<vmem>>
      %dma_wait3A_235 = tpu.memref_squeeze %dma_wait3A_234 : memref<1x125x16xf32, #tpu.memory_space<vmem>> -> memref<125x16xf32, #tpu.memory_space<vmem>>
      %dma_wait3A_236 = arith.constant 0 : i32
      %dma_wait3A_237 = tpu.memref_slice %arg6[%add3A_229, %dma_wait3A_236] : memref<80x125xi32, #tpu.memory_space<vmem>> -> memref<1x125xi32, #tpu.memory_space<vmem>>
      %dma_wait3A_238 = tpu.memref_squeeze %dma_wait3A_237 : memref<1x125xi32, #tpu.memory_space<vmem>> -> memref<125xi32, #tpu.memory_space<vmem>>
      %dma_wait3A_239 = arith.constant 0 : i32
      %dma_wait3A_240 = arith.constant 0 : i32
      %dma_wait3A_241 = tpu.memref_slice %arg10[%dma_wait3A_239, %dma_wait3A_240] : memref<10000x16xf32, #tpu.memory_space<vmem_shared>> -> memref<10000x16xf32, #tpu.memory_space<vmem_shared>>
      %dma_wait3A_242 = tpu.memref_slice %arg11[%dma_wait3A_231] : memref<8x!tpu.dma_semaphore, #tpu.memory_space<semaphore_mem>> -> memref<1x!tpu.dma_semaphore, #tpu.memory_space<semaphore_mem>>
      %dma_wait3A_243 = tpu.memref_squeeze %dma_wait3A_242 : memref<1x!tpu.dma_semaphore, #tpu.memory_space<semaphore_mem>> -> memref<!tpu.dma_semaphore, #tpu.memory_space<semaphore_mem>>
      tpu.wait_indirect_dma semaphore(%dma_wait3A_243 : memref<!tpu.dma_semaphore, #tpu.memory_space<semaphore_mem>>) src(%dma_wait3A_241 : memref<10000x16xf32, #tpu.memory_space<vmem_shared>>) dst(%dma_wait3A_235 : memref<125x16xf32, #tpu.memory_space<vmem>>)
      %dma_start3A_244 = arith.constant 2 : i32
      %dma_start3A_245 = arith.constant 2 : i32
      %dma_start3A_246 = arith.constant 0 : i32
      %dma_start3A_247 = arith.constant 0 : i32
      %dma_start3A_248 = tpu.memref_slice %arg8[%dma_start3A_244, %dma_start3A_246, %dma_start3A_247] : memref<8x125x16xf32, #tpu.memory_space<vmem>> -> memref<1x125x16xf32, #tpu.memory_space<vmem>>
      %dma_start3A_249 = tpu.memref_squeeze %dma_start3A_248 : memref<1x125x16xf32, #tpu.memory_space<vmem>> -> memref<125x16xf32, #tpu.memory_space<vmem>>
      %dma_start3A_250 = arith.constant 0 : i32
      %dma_start3A_251 = tpu.memref_slice %arg7[%add3A_229, %dma_start3A_250] : memref<80x125xi32, #tpu.memory_space<vmem>> -> memref<1x125xi32, #tpu.memory_space<vmem>>
      %dma_start3A_252 = tpu.memref_squeeze %dma_start3A_251 : memref<1x125xi32, #tpu.memory_space<vmem>> -> memref<125xi32, #tpu.memory_space<vmem>>
      %dma_start3A_253 = arith.constant 0 : i32
      %dma_start3A_254 = arith.constant 0 : i32
      %dma_start3A_255 = tpu.memref_slice %arg9[%dma_start3A_253, %dma_start3A_254] : memref<10112x16xf32, #tpu.memory_space<vmem_shared>> -> memref<10112x16xf32, #tpu.memory_space<vmem_shared>>
      %dma_start3A_256 = tpu.memref_slice %arg12[%dma_start3A_245] : memref<8x!tpu.dma_semaphore, #tpu.memory_space<semaphore_mem>> -> memref<1x!tpu.dma_semaphore, #tpu.memory_space<semaphore_mem>>
      %dma_start3A_257 = tpu.memref_squeeze %dma_start3A_256 : memref<1x!tpu.dma_semaphore, #tpu.memory_space<semaphore_mem>> -> memref<!tpu.dma_semaphore, #tpu.memory_space<semaphore_mem>>
      tpu.enqueue_indirect_dma source(%dma_start3A_249 : memref<125x16xf32, #tpu.memory_space<vmem>>) target(%dma_start3A_255 : memref<10112x16xf32, #tpu.memory_space<vmem_shared>>) offsets(%dma_start3A_252 : memref<125xi32, #tpu.memory_space<vmem>>) semaphore(%dma_start3A_257 : memref<!tpu.dma_semaphore, #tpu.memory_space<semaphore_mem>>) {add = true}
      %ge3A_258 = arith.constant 4 : i32
      %ge3A_259 = arith.cmpi sge, %add3A_229, %ge3A_258 : i32
      %convert_element_type3A_260 = arith.extui %ge3A_259 : i1 to i32
      %cond3A_261 = arith.constant 0 : i32
      %cond3A_262 = arith.cmpi ne, %convert_element_type3A_260, %cond3A_261 : i32
      scf.if %cond3A_262 {
        %dma_wait3A_490 = arith.constant 6 : i32
        %dma_wait3A_491 = arith.constant 0 : i32
        %dma_wait3A_492 = arith.constant 6 : i32
        %dma_wait3A_493 = arith.constant 0 : i32
        %dma_wait3A_494 = arith.constant 0 : i32
        %dma_wait3A_495 = tpu.memref_slice %arg8[%dma_wait3A_490, %dma_wait3A_493, %dma_wait3A_494] : memref<8x125x16xf32, #tpu.memory_space<vmem>> -> memref<1x125x16xf32, #tpu.memory_space<vmem>>
        %dma_wait3A_496 = tpu.memref_squeeze %dma_wait3A_495 : memref<1x125x16xf32, #tpu.memory_space<vmem>> -> memref<125x16xf32, #tpu.memory_space<vmem>>
        %dma_wait3A_497 = arith.constant 0 : i32
        %dma_wait3A_498 = tpu.memref_slice %arg7[%dma_wait3A_491, %dma_wait3A_497] : memref<80x125xi32, #tpu.memory_space<vmem>> -> memref<1x125xi32, #tpu.memory_space<vmem>>
        %dma_wait3A_499 = tpu.memref_squeeze %dma_wait3A_498 : memref<1x125xi32, #tpu.memory_space<vmem>> -> memref<125xi32, #tpu.memory_space<vmem>>
        %dma_wait3A_500 = arith.constant 0 : i32
        %dma_wait3A_501 = arith.constant 0 : i32
        %dma_wait3A_502 = tpu.memref_slice %arg9[%dma_wait3A_500, %dma_wait3A_501] : memref<10112x16xf32, #tpu.memory_space<vmem_shared>> -> memref<10112x16xf32, #tpu.memory_space<vmem_shared>>
        %dma_wait3A_503 = tpu.memref_slice %arg12[%dma_wait3A_492] : memref<8x!tpu.dma_semaphore, #tpu.memory_space<semaphore_mem>> -> memref<1x!tpu.dma_semaphore, #tpu.memory_space<semaphore_mem>>
        %dma_wait3A_504 = tpu.memref_squeeze %dma_wait3A_503 : memref<1x!tpu.dma_semaphore, #tpu.memory_space<semaphore_mem>> -> memref<!tpu.dma_semaphore, #tpu.memory_space<semaphore_mem>>
        tpu.wait_indirect_dma semaphore(%dma_wait3A_504 : memref<!tpu.dma_semaphore, #tpu.memory_space<semaphore_mem>>) src(%dma_wait3A_496 : memref<125x16xf32, #tpu.memory_space<vmem>>) dst(%dma_wait3A_502 : memref<10112x16xf32, #tpu.memory_space<vmem_shared>>)
      } else {
      }
      %add3A_263 = arith.constant 4 : i32
      %add3A_264 = arith.addi %add3A_229, %add3A_263 : i32
      %lt3A_265 = arith.constant 80 : i32
      %lt3A_266 = arith.cmpi slt, %add3A_264, %lt3A_265 : i32
      %convert_element_type3A_267 = arith.extui %lt3A_266 : i1 to i32
      %cond3A_268 = arith.constant 0 : i32
      %cond3A_269 = arith.cmpi ne, %convert_element_type3A_267, %cond3A_268 : i32
      scf.if %cond3A_269 {
        %add3A_490 = arith.constant 4 : i32
        %add3A_491 = arith.addi %add3A_229, %add3A_490 : i32
        %dma_start3A_492 = arith.constant 6 : i32
        %dma_start3A_493 = arith.constant 6 : i32
        %dma_start3A_494 = arith.constant 0 : i32
        %dma_start3A_495 = arith.constant 0 : i32
        %dma_start3A_496 = tpu.memref_slice %arg8[%dma_start3A_492, %dma_start3A_494, %dma_start3A_495] : memref<8x125x16xf32, #tpu.memory_space<vmem>> -> memref<1x125x16xf32, #tpu.memory_space<vmem>>
        %dma_start3A_497 = tpu.memref_squeeze %dma_start3A_496 : memref<1x125x16xf32, #tpu.memory_space<vmem>> -> memref<125x16xf32, #tpu.memory_space<vmem>>
        %dma_start3A_498 = arith.constant 0 : i32
        %dma_start3A_499 = tpu.memref_slice %arg6[%add3A_491, %dma_start3A_498] : memref<80x125xi32, #tpu.memory_space<vmem>> -> memref<1x125xi32, #tpu.memory_space<vmem>>
        %dma_start3A_500 = tpu.memref_squeeze %dma_start3A_499 : memref<1x125xi32, #tpu.memory_space<vmem>> -> memref<125xi32, #tpu.memory_space<vmem>>
        %dma_start3A_501 = arith.constant 0 : i32
        %dma_start3A_502 = arith.constant 0 : i32
        %dma_start3A_503 = tpu.memref_slice %arg10[%dma_start3A_501, %dma_start3A_502] : memref<10000x16xf32, #tpu.memory_space<vmem_shared>> -> memref<10000x16xf32, #tpu.memory_space<vmem_shared>>
        %dma_start3A_504 = tpu.memref_slice %arg11[%dma_start3A_493] : memref<8x!tpu.dma_semaphore, #tpu.memory_space<semaphore_mem>> -> memref<1x!tpu.dma_semaphore, #tpu.memory_space<semaphore_mem>>
        %dma_start3A_505 = tpu.memref_squeeze %dma_start3A_504 : memref<1x!tpu.dma_semaphore, #tpu.memory_space<semaphore_mem>> -> memref<!tpu.dma_semaphore, #tpu.memory_space<semaphore_mem>>
        tpu.enqueue_indirect_dma source(%dma_start3A_503 : memref<10000x16xf32, #tpu.memory_space<vmem_shared>>) target(%dma_start3A_497 : memref<125x16xf32, #tpu.memory_space<vmem>>) offsets(%dma_start3A_500 : memref<125xi32, #tpu.memory_space<vmem>>) semaphore(%dma_start3A_505 : memref<!tpu.dma_semaphore, #tpu.memory_space<semaphore_mem>>)
      } else {
      }
      %mul3A_270 = arith.constant 8 : i32
      %mul3A_271 = arith.muli %mul3A_270, %scan3A_138 : i32
      %add3A_272 = arith.constant 3 : i32
      %add3A_273 = arith.addi %mul3A_271, %add3A_272 : i32
      %dma_wait3A_274 = arith.constant 3 : i32
      %dma_wait3A_275 = arith.constant 3 : i32
      %dma_wait3A_276 = arith.constant 0 : i32
      %dma_wait3A_277 = arith.constant 0 : i32
      %dma_wait3A_278 = tpu.memref_slice %arg8[%dma_wait3A_274, %dma_wait3A_276, %dma_wait3A_277] : memref<8x125x16xf32, #tpu.memory_space<vmem>> -> memref<1x125x16xf32, #tpu.memory_space<vmem>>
      %dma_wait3A_279 = tpu.memref_squeeze %dma_wait3A_278 : memref<1x125x16xf32, #tpu.memory_space<vmem>> -> memref<125x16xf32, #tpu.memory_space<vmem>>
      %dma_wait3A_280 = arith.constant 0 : i32
      %dma_wait3A_281 = tpu.memref_slice %arg6[%add3A_273, %dma_wait3A_280] : memref<80x125xi32, #tpu.memory_space<vmem>> -> memref<1x125xi32, #tpu.memory_space<vmem>>
      %dma_wait3A_282 = tpu.memref_squeeze %dma_wait3A_281 : memref<1x125xi32, #tpu.memory_space<vmem>> -> memref<125xi32, #tpu.memory_space<vmem>>
      %dma_wait3A_283 = arith.constant 0 : i32
      %dma_wait3A_284 = arith.constant 0 : i32
      %dma_wait3A_285 = tpu.memref_slice %arg10[%dma_wait3A_283, %dma_wait3A_284] : memref<10000x16xf32, #tpu.memory_space<vmem_shared>> -> memref<10000x16xf32, #tpu.memory_space<vmem_shared>>
      %dma_wait3A_286 = tpu.memref_slice %arg11[%dma_wait3A_275] : memref<8x!tpu.dma_semaphore, #tpu.memory_space<semaphore_mem>> -> memref<1x!tpu.dma_semaphore, #tpu.memory_space<semaphore_mem>>
      %dma_wait3A_287 = tpu.memref_squeeze %dma_wait3A_286 : memref<1x!tpu.dma_semaphore, #tpu.memory_space<semaphore_mem>> -> memref<!tpu.dma_semaphore, #tpu.memory_space<semaphore_mem>>
      tpu.wait_indirect_dma semaphore(%dma_wait3A_287 : memref<!tpu.dma_semaphore, #tpu.memory_space<semaphore_mem>>) src(%dma_wait3A_285 : memref<10000x16xf32, #tpu.memory_space<vmem_shared>>) dst(%dma_wait3A_279 : memref<125x16xf32, #tpu.memory_space<vmem>>)
      %dma_start3A_288 = arith.constant 3 : i32
      %dma_start3A_289 = arith.constant 3 : i32
      %dma_start3A_290 = arith.constant 0 : i32
      %dma_start3A_291 = arith.constant 0 : i32
      %dma_start3A_292 = tpu.memref_slice %arg8[%dma_start3A_288, %dma_start3A_290, %dma_start3A_291] : memref<8x125x16xf32, #tpu.memory_space<vmem>> -> memref<1x125x16xf32, #tpu.memory_space<vmem>>
      %dma_start3A_293 = tpu.memref_squeeze %dma_start3A_292 : memref<1x125x16xf32, #tpu.memory_space<vmem>> -> memref<125x16xf32, #tpu.memory_space<vmem>>
      %dma_start3A_294 = arith.constant 0 : i32
      %dma_start3A_295 = tpu.memref_slice %arg7[%add3A_273, %dma_start3A_294] : memref<80x125xi32, #tpu.memory_space<vmem>> -> memref<1x125xi32, #tpu.memory_space<vmem>>
      %dma_start3A_296 = tpu.memref_squeeze %dma_start3A_295 : memref<1x125xi32, #tpu.memory_space<vmem>> -> memref<125xi32, #tpu.memory_space<vmem>>
      %dma_start3A_297 = arith.constant 0 : i32
      %dma_start3A_298 = arith.constant 0 : i32
      %dma_start3A_299 = tpu.memref_slice %arg9[%dma_start3A_297, %dma_start3A_298] : memref<10112x16xf32, #tpu.memory_space<vmem_shared>> -> memref<10112x16xf32, #tpu.memory_space<vmem_shared>>
      %dma_start3A_300 = tpu.memref_slice %arg12[%dma_start3A_289] : memref<8x!tpu.dma_semaphore, #tpu.memory_space<semaphore_mem>> -> memref<1x!tpu.dma_semaphore, #tpu.memory_space<semaphore_mem>>
      %dma_start3A_301 = tpu.memref_squeeze %dma_start3A_300 : memref<1x!tpu.dma_semaphore, #tpu.memory_space<semaphore_mem>> -> memref<!tpu.dma_semaphore, #tpu.memory_space<semaphore_mem>>
      tpu.enqueue_indirect_dma source(%dma_start3A_293 : memref<125x16xf32, #tpu.memory_space<vmem>>) target(%dma_start3A_299 : memref<10112x16xf32, #tpu.memory_space<vmem_shared>>) offsets(%dma_start3A_296 : memref<125xi32, #tpu.memory_space<vmem>>) semaphore(%dma_start3A_301 : memref<!tpu.dma_semaphore, #tpu.memory_space<semaphore_mem>>) {add = true}
      %ge3A_302 = arith.constant 4 : i32
      %ge3A_303 = arith.cmpi sge, %add3A_273, %ge3A_302 : i32
      %convert_element_type3A_304 = arith.extui %ge3A_303 : i1 to i32
      %cond3A_305 = arith.constant 0 : i32
      %cond3A_306 = arith.cmpi ne, %convert_element_type3A_304, %cond3A_305 : i32
      scf.if %cond3A_306 {
        %dma_wait3A_490 = arith.constant 7 : i32
        %dma_wait3A_491 = arith.constant 0 : i32
        %dma_wait3A_492 = arith.constant 7 : i32
        %dma_wait3A_493 = arith.constant 0 : i32
        %dma_wait3A_494 = arith.constant 0 : i32
        %dma_wait3A_495 = tpu.memref_slice %arg8[%dma_wait3A_490, %dma_wait3A_493, %dma_wait3A_494] : memref<8x125x16xf32, #tpu.memory_space<vmem>> -> memref<1x125x16xf32, #tpu.memory_space<vmem>>
        %dma_wait3A_496 = tpu.memref_squeeze %dma_wait3A_495 : memref<1x125x16xf32, #tpu.memory_space<vmem>> -> memref<125x16xf32, #tpu.memory_space<vmem>>
        %dma_wait3A_497 = arith.constant 0 : i32
        %dma_wait3A_498 = tpu.memref_slice %arg7[%dma_wait3A_491, %dma_wait3A_497] : memref<80x125xi32, #tpu.memory_space<vmem>> -> memref<1x125xi32, #tpu.memory_space<vmem>>
        %dma_wait3A_499 = tpu.memref_squeeze %dma_wait3A_498 : memref<1x125xi32, #tpu.memory_space<vmem>> -> memref<125xi32, #tpu.memory_space<vmem>>
        %dma_wait3A_500 = arith.constant 0 : i32
        %dma_wait3A_501 = arith.constant 0 : i32
        %dma_wait3A_502 = tpu.memref_slice %arg9[%dma_wait3A_500, %dma_wait3A_501] : memref<10112x16xf32, #tpu.memory_space<vmem_shared>> -> memref<10112x16xf32, #tpu.memory_space<vmem_shared>>
        %dma_wait3A_503 = tpu.memref_slice %arg12[%dma_wait3A_492] : memref<8x!tpu.dma_semaphore, #tpu.memory_space<semaphore_mem>> -> memref<1x!tpu.dma_semaphore, #tpu.memory_space<semaphore_mem>>
        %dma_wait3A_504 = tpu.memref_squeeze %dma_wait3A_503 : memref<1x!tpu.dma_semaphore, #tpu.memory_space<semaphore_mem>> -> memref<!tpu.dma_semaphore, #tpu.memory_space<semaphore_mem>>
        tpu.wait_indirect_dma semaphore(%dma_wait3A_504 : memref<!tpu.dma_semaphore, #tpu.memory_space<semaphore_mem>>) src(%dma_wait3A_496 : memref<125x16xf32, #tpu.memory_space<vmem>>) dst(%dma_wait3A_502 : memref<10112x16xf32, #tpu.memory_space<vmem_shared>>)
      } else {
      }
      %add3A_307 = arith.constant 4 : i32
      %add3A_308 = arith.addi %add3A_273, %add3A_307 : i32
      %lt3A_309 = arith.constant 80 : i32
      %lt3A_310 = arith.cmpi slt, %add3A_308, %lt3A_309 : i32
      %convert_element_type3A_311 = arith.extui %lt3A_310 : i1 to i32
      %cond3A_312 = arith.constant 0 : i32
      %cond3A_313 = arith.cmpi ne, %convert_element_type3A_311, %cond3A_312 : i32
      scf.if %cond3A_313 {
        %add3A_490 = arith.constant 4 : i32
        %add3A_491 = arith.addi %add3A_273, %add3A_490 : i32
        %dma_start3A_492 = arith.constant 7 : i32
        %dma_start3A_493 = arith.constant 7 : i32
        %dma_start3A_494 = arith.constant 0 : i32
        %dma_start3A_495 = arith.constant 0 : i32
        %dma_start3A_496 = tpu.memref_slice %arg8[%dma_start3A_492, %dma_start3A_494, %dma_start3A_495] : memref<8x125x16xf32, #tpu.memory_space<vmem>> -> memref<1x125x16xf32, #tpu.memory_space<vmem>>
        %dma_start3A_497 = tpu.memref_squeeze %dma_start3A_496 : memref<1x125x16xf32, #tpu.memory_space<vmem>> -> memref<125x16xf32, #tpu.memory_space<vmem>>
        %dma_start3A_498 = arith.constant 0 : i32
        %dma_start3A_499 = tpu.memref_slice %arg6[%add3A_491, %dma_start3A_498] : memref<80x125xi32, #tpu.memory_space<vmem>> -> memref<1x125xi32, #tpu.memory_space<vmem>>
        %dma_start3A_500 = tpu.memref_squeeze %dma_start3A_499 : memref<1x125xi32, #tpu.memory_space<vmem>> -> memref<125xi32, #tpu.memory_space<vmem>>
        %dma_start3A_501 = arith.constant 0 : i32
        %dma_start3A_502 = arith.constant 0 : i32
        %dma_start3A_503 = tpu.memref_slice %arg10[%dma_start3A_501, %dma_start3A_502] : memref<10000x16xf32, #tpu.memory_space<vmem_shared>> -> memref<10000x16xf32, #tpu.memory_space<vmem_shared>>
        %dma_start3A_504 = tpu.memref_slice %arg11[%dma_start3A_493] : memref<8x!tpu.dma_semaphore, #tpu.memory_space<semaphore_mem>> -> memref<1x!tpu.dma_semaphore, #tpu.memory_space<semaphore_mem>>
        %dma_start3A_505 = tpu.memref_squeeze %dma_start3A_504 : memref<1x!tpu.dma_semaphore, #tpu.memory_space<semaphore_mem>> -> memref<!tpu.dma_semaphore, #tpu.memory_space<semaphore_mem>>
        tpu.enqueue_indirect_dma source(%dma_start3A_503 : memref<10000x16xf32, #tpu.memory_space<vmem_shared>>) target(%dma_start3A_497 : memref<125x16xf32, #tpu.memory_space<vmem>>) offsets(%dma_start3A_500 : memref<125xi32, #tpu.memory_space<vmem>>) semaphore(%dma_start3A_505 : memref<!tpu.dma_semaphore, #tpu.memory_space<semaphore_mem>>)
      } else {
      }
      %mul3A_314 = arith.constant 8 : i32
      %mul3A_315 = arith.muli %mul3A_314, %scan3A_138 : i32
      %add3A_316 = arith.constant 4 : i32
      %add3A_317 = arith.addi %mul3A_315, %add3A_316 : i32
      %dma_wait3A_318 = arith.constant 4 : i32
      %dma_wait3A_319 = arith.constant 4 : i32
      %dma_wait3A_320 = arith.constant 0 : i32
      %dma_wait3A_321 = arith.constant 0 : i32
      %dma_wait3A_322 = tpu.memref_slice %arg8[%dma_wait3A_318, %dma_wait3A_320, %dma_wait3A_321] : memref<8x125x16xf32, #tpu.memory_space<vmem>> -> memref<1x125x16xf32, #tpu.memory_space<vmem>>
      %dma_wait3A_323 = tpu.memref_squeeze %dma_wait3A_322 : memref<1x125x16xf32, #tpu.memory_space<vmem>> -> memref<125x16xf32, #tpu.memory_space<vmem>>
      %dma_wait3A_324 = arith.constant 0 : i32
      %dma_wait3A_325 = tpu.memref_slice %arg6[%add3A_317, %dma_wait3A_324] : memref<80x125xi32, #tpu.memory_space<vmem>> -> memref<1x125xi32, #tpu.memory_space<vmem>>
      %dma_wait3A_326 = tpu.memref_squeeze %dma_wait3A_325 : memref<1x125xi32, #tpu.memory_space<vmem>> -> memref<125xi32, #tpu.memory_space<vmem>>
      %dma_wait3A_327 = arith.constant 0 : i32
      %dma_wait3A_328 = arith.constant 0 : i32
      %dma_wait3A_329 = tpu.memref_slice %arg10[%dma_wait3A_327, %dma_wait3A_328] : memref<10000x16xf32, #tpu.memory_space<vmem_shared>> -> memref<10000x16xf32, #tpu.memory_space<vmem_shared>>
      %dma_wait3A_330 = tpu.memref_slice %arg11[%dma_wait3A_319] : memref<8x!tpu.dma_semaphore, #tpu.memory_space<semaphore_mem>> -> memref<1x!tpu.dma_semaphore, #tpu.memory_space<semaphore_mem>>
      %dma_wait3A_331 = tpu.memref_squeeze %dma_wait3A_330 : memref<1x!tpu.dma_semaphore, #tpu.memory_space<semaphore_mem>> -> memref<!tpu.dma_semaphore, #tpu.memory_space<semaphore_mem>>
      tpu.wait_indirect_dma semaphore(%dma_wait3A_331 : memref<!tpu.dma_semaphore, #tpu.memory_space<semaphore_mem>>) src(%dma_wait3A_329 : memref<10000x16xf32, #tpu.memory_space<vmem_shared>>) dst(%dma_wait3A_323 : memref<125x16xf32, #tpu.memory_space<vmem>>)
      %dma_start3A_332 = arith.constant 4 : i32
      %dma_start3A_333 = arith.constant 4 : i32
      %dma_start3A_334 = arith.constant 0 : i32
      %dma_start3A_335 = arith.constant 0 : i32
      %dma_start3A_336 = tpu.memref_slice %arg8[%dma_start3A_332, %dma_start3A_334, %dma_start3A_335] : memref<8x125x16xf32, #tpu.memory_space<vmem>> -> memref<1x125x16xf32, #tpu.memory_space<vmem>>
      %dma_start3A_337 = tpu.memref_squeeze %dma_start3A_336 : memref<1x125x16xf32, #tpu.memory_space<vmem>> -> memref<125x16xf32, #tpu.memory_space<vmem>>
      %dma_start3A_338 = arith.constant 0 : i32
      %dma_start3A_339 = tpu.memref_slice %arg7[%add3A_317, %dma_start3A_338] : memref<80x125xi32, #tpu.memory_space<vmem>> -> memref<1x125xi32, #tpu.memory_space<vmem>>
      %dma_start3A_340 = tpu.memref_squeeze %dma_start3A_339 : memref<1x125xi32, #tpu.memory_space<vmem>> -> memref<125xi32, #tpu.memory_space<vmem>>
      %dma_start3A_341 = arith.constant 0 : i32
      %dma_start3A_342 = arith.constant 0 : i32
      %dma_start3A_343 = tpu.memref_slice %arg9[%dma_start3A_341, %dma_start3A_342] : memref<10112x16xf32, #tpu.memory_space<vmem_shared>> -> memref<10112x16xf32, #tpu.memory_space<vmem_shared>>
      %dma_start3A_344 = tpu.memref_slice %arg12[%dma_start3A_333] : memref<8x!tpu.dma_semaphore, #tpu.memory_space<semaphore_mem>> -> memref<1x!tpu.dma_semaphore, #tpu.memory_space<semaphore_mem>>
      %dma_start3A_345 = tpu.memref_squeeze %dma_start3A_344 : memref<1x!tpu.dma_semaphore, #tpu.memory_space<semaphore_mem>> -> memref<!tpu.dma_semaphore, #tpu.memory_space<semaphore_mem>>
      tpu.enqueue_indirect_dma source(%dma_start3A_337 : memref<125x16xf32, #tpu.memory_space<vmem>>) target(%dma_start3A_343 : memref<10112x16xf32, #tpu.memory_space<vmem_shared>>) offsets(%dma_start3A_340 : memref<125xi32, #tpu.memory_space<vmem>>) semaphore(%dma_start3A_345 : memref<!tpu.dma_semaphore, #tpu.memory_space<semaphore_mem>>) {add = true}
      %ge3A_346 = arith.constant 4 : i32
      %ge3A_347 = arith.cmpi sge, %add3A_317, %ge3A_346 : i32
      %convert_element_type3A_348 = arith.extui %ge3A_347 : i1 to i32
      %cond3A_349 = arith.constant 0 : i32
      %cond3A_350 = arith.cmpi ne, %convert_element_type3A_348, %cond3A_349 : i32
      scf.if %cond3A_350 {
        %dma_wait3A_490 = arith.constant 0 : i32
        %dma_wait3A_491 = arith.constant 0 : i32
        %dma_wait3A_492 = arith.constant 0 : i32
        %dma_wait3A_493 = arith.constant 0 : i32
        %dma_wait3A_494 = arith.constant 0 : i32
        %dma_wait3A_495 = tpu.memref_slice %arg8[%dma_wait3A_490, %dma_wait3A_493, %dma_wait3A_494] : memref<8x125x16xf32, #tpu.memory_space<vmem>> -> memref<1x125x16xf32, #tpu.memory_space<vmem>>
        %dma_wait3A_496 = tpu.memref_squeeze %dma_wait3A_495 : memref<1x125x16xf32, #tpu.memory_space<vmem>> -> memref<125x16xf32, #tpu.memory_space<vmem>>
        %dma_wait3A_497 = arith.constant 0 : i32
        %dma_wait3A_498 = tpu.memref_slice %arg7[%dma_wait3A_491, %dma_wait3A_497] : memref<80x125xi32, #tpu.memory_space<vmem>> -> memref<1x125xi32, #tpu.memory_space<vmem>>
        %dma_wait3A_499 = tpu.memref_squeeze %dma_wait3A_498 : memref<1x125xi32, #tpu.memory_space<vmem>> -> memref<125xi32, #tpu.memory_space<vmem>>
        %dma_wait3A_500 = arith.constant 0 : i32
        %dma_wait3A_501 = arith.constant 0 : i32
        %dma_wait3A_502 = tpu.memref_slice %arg9[%dma_wait3A_500, %dma_wait3A_501] : memref<10112x16xf32, #tpu.memory_space<vmem_shared>> -> memref<10112x16xf32, #tpu.memory_space<vmem_shared>>
        %dma_wait3A_503 = tpu.memref_slice %arg12[%dma_wait3A_492] : memref<8x!tpu.dma_semaphore, #tpu.memory_space<semaphore_mem>> -> memref<1x!tpu.dma_semaphore, #tpu.memory_space<semaphore_mem>>
        %dma_wait3A_504 = tpu.memref_squeeze %dma_wait3A_503 : memref<1x!tpu.dma_semaphore, #tpu.memory_space<semaphore_mem>> -> memref<!tpu.dma_semaphore, #tpu.memory_space<semaphore_mem>>
        tpu.wait_indirect_dma semaphore(%dma_wait3A_504 : memref<!tpu.dma_semaphore, #tpu.memory_space<semaphore_mem>>) src(%dma_wait3A_496 : memref<125x16xf32, #tpu.memory_space<vmem>>) dst(%dma_wait3A_502 : memref<10112x16xf32, #tpu.memory_space<vmem_shared>>)
      } else {
      }
      %add3A_351 = arith.constant 4 : i32
      %add3A_352 = arith.addi %add3A_317, %add3A_351 : i32
      %lt3A_353 = arith.constant 80 : i32
      %lt3A_354 = arith.cmpi slt, %add3A_352, %lt3A_353 : i32
      %convert_element_type3A_355 = arith.extui %lt3A_354 : i1 to i32
      %cond3A_356 = arith.constant 0 : i32
      %cond3A_357 = arith.cmpi ne, %convert_element_type3A_355, %cond3A_356 : i32
      scf.if %cond3A_357 {
        %add3A_490 = arith.constant 4 : i32
        %add3A_491 = arith.addi %add3A_317, %add3A_490 : i32
        %dma_start3A_492 = arith.constant 0 : i32
        %dma_start3A_493 = arith.constant 0 : i32
        %dma_start3A_494 = arith.constant 0 : i32
        %dma_start3A_495 = arith.constant 0 : i32
        %dma_start3A_496 = tpu.memref_slice %arg8[%dma_start3A_492, %dma_start3A_494, %dma_start3A_495] : memref<8x125x16xf32, #tpu.memory_space<vmem>> -> memref<1x125x16xf32, #tpu.memory_space<vmem>>
        %dma_start3A_497 = tpu.memref_squeeze %dma_start3A_496 : memref<1x125x16xf32, #tpu.memory_space<vmem>> -> memref<125x16xf32, #tpu.memory_space<vmem>>
        %dma_start3A_498 = arith.constant 0 : i32
        %dma_start3A_499 = tpu.memref_slice %arg6[%add3A_491, %dma_start3A_498] : memref<80x125xi32, #tpu.memory_space<vmem>> -> memref<1x125xi32, #tpu.memory_space<vmem>>
        %dma_start3A_500 = tpu.memref_squeeze %dma_start3A_499 : memref<1x125xi32, #tpu.memory_space<vmem>> -> memref<125xi32, #tpu.memory_space<vmem>>
        %dma_start3A_501 = arith.constant 0 : i32
        %dma_start3A_502 = arith.constant 0 : i32
        %dma_start3A_503 = tpu.memref_slice %arg10[%dma_start3A_501, %dma_start3A_502] : memref<10000x16xf32, #tpu.memory_space<vmem_shared>> -> memref<10000x16xf32, #tpu.memory_space<vmem_shared>>
        %dma_start3A_504 = tpu.memref_slice %arg11[%dma_start3A_493] : memref<8x!tpu.dma_semaphore, #tpu.memory_space<semaphore_mem>> -> memref<1x!tpu.dma_semaphore, #tpu.memory_space<semaphore_mem>>
        %dma_start3A_505 = tpu.memref_squeeze %dma_start3A_504 : memref<1x!tpu.dma_semaphore, #tpu.memory_space<semaphore_mem>> -> memref<!tpu.dma_semaphore, #tpu.memory_space<semaphore_mem>>
        tpu.enqueue_indirect_dma source(%dma_start3A_503 : memref<10000x16xf32, #tpu.memory_space<vmem_shared>>) target(%dma_start3A_497 : memref<125x16xf32, #tpu.memory_space<vmem>>) offsets(%dma_start3A_500 : memref<125xi32, #tpu.memory_space<vmem>>) semaphore(%dma_start3A_505 : memref<!tpu.dma_semaphore, #tpu.memory_space<semaphore_mem>>)
      } else {
      }
      %mul3A_358 = arith.constant 8 : i32
      %mul3A_359 = arith.muli %mul3A_358, %scan3A_138 : i32
      %add3A_360 = arith.constant 5 : i32
      %add3A_361 = arith.addi %mul3A_359, %add3A_360 : i32
      %dma_wait3A_362 = arith.constant 5 : i32
      %dma_wait3A_363 = arith.constant 5 : i32
      %dma_wait3A_364 = arith.constant 0 : i32
      %dma_wait3A_365 = arith.constant 0 : i32
      %dma_wait3A_366 = tpu.memref_slice %arg8[%dma_wait3A_362, %dma_wait3A_364, %dma_wait3A_365] : memref<8x125x16xf32, #tpu.memory_space<vmem>> -> memref<1x125x16xf32, #tpu.memory_space<vmem>>
      %dma_wait3A_367 = tpu.memref_squeeze %dma_wait3A_366 : memref<1x125x16xf32, #tpu.memory_space<vmem>> -> memref<125x16xf32, #tpu.memory_space<vmem>>
      %dma_wait3A_368 = arith.constant 0 : i32
      %dma_wait3A_369 = tpu.memref_slice %arg6[%add3A_361, %dma_wait3A_368] : memref<80x125xi32, #tpu.memory_space<vmem>> -> memref<1x125xi32, #tpu.memory_space<vmem>>
      %dma_wait3A_370 = tpu.memref_squeeze %dma_wait3A_369 : memref<1x125xi32, #tpu.memory_space<vmem>> -> memref<125xi32, #tpu.memory_space<vmem>>
      %dma_wait3A_371 = arith.constant 0 : i32
      %dma_wait3A_372 = arith.constant 0 : i32
      %dma_wait3A_373 = tpu.memref_slice %arg10[%dma_wait3A_371, %dma_wait3A_372] : memref<10000x16xf32, #tpu.memory_space<vmem_shared>> -> memref<10000x16xf32, #tpu.memory_space<vmem_shared>>
      %dma_wait3A_374 = tpu.memref_slice %arg11[%dma_wait3A_363] : memref<8x!tpu.dma_semaphore, #tpu.memory_space<semaphore_mem>> -> memref<1x!tpu.dma_semaphore, #tpu.memory_space<semaphore_mem>>
      %dma_wait3A_375 = tpu.memref_squeeze %dma_wait3A_374 : memref<1x!tpu.dma_semaphore, #tpu.memory_space<semaphore_mem>> -> memref<!tpu.dma_semaphore, #tpu.memory_space<semaphore_mem>>
      tpu.wait_indirect_dma semaphore(%dma_wait3A_375 : memref<!tpu.dma_semaphore, #tpu.memory_space<semaphore_mem>>) src(%dma_wait3A_373 : memref<10000x16xf32, #tpu.memory_space<vmem_shared>>) dst(%dma_wait3A_367 : memref<125x16xf32, #tpu.memory_space<vmem>>)
      %dma_start3A_376 = arith.constant 5 : i32
      %dma_start3A_377 = arith.constant 5 : i32
      %dma_start3A_378 = arith.constant 0 : i32
      %dma_start3A_379 = arith.constant 0 : i32
      %dma_start3A_380 = tpu.memref_slice %arg8[%dma_start3A_376, %dma_start3A_378, %dma_start3A_379] : memref<8x125x16xf32, #tpu.memory_space<vmem>> -> memref<1x125x16xf32, #tpu.memory_space<vmem>>
      %dma_start3A_381 = tpu.memref_squeeze %dma_start3A_380 : memref<1x125x16xf32, #tpu.memory_space<vmem>> -> memref<125x16xf32, #tpu.memory_space<vmem>>
      %dma_start3A_382 = arith.constant 0 : i32
      %dma_start3A_383 = tpu.memref_slice %arg7[%add3A_361, %dma_start3A_382] : memref<80x125xi32, #tpu.memory_space<vmem>> -> memref<1x125xi32, #tpu.memory_space<vmem>>
      %dma_start3A_384 = tpu.memref_squeeze %dma_start3A_383 : memref<1x125xi32, #tpu.memory_space<vmem>> -> memref<125xi32, #tpu.memory_space<vmem>>
      %dma_start3A_385 = arith.constant 0 : i32
      %dma_start3A_386 = arith.constant 0 : i32
      %dma_start3A_387 = tpu.memref_slice %arg9[%dma_start3A_385, %dma_start3A_386] : memref<10112x16xf32, #tpu.memory_space<vmem_shared>> -> memref<10112x16xf32, #tpu.memory_space<vmem_shared>>
      %dma_start3A_388 = tpu.memref_slice %arg12[%dma_start3A_377] : memref<8x!tpu.dma_semaphore, #tpu.memory_space<semaphore_mem>> -> memref<1x!tpu.dma_semaphore, #tpu.memory_space<semaphore_mem>>
      %dma_start3A_389 = tpu.memref_squeeze %dma_start3A_388 : memref<1x!tpu.dma_semaphore, #tpu.memory_space<semaphore_mem>> -> memref<!tpu.dma_semaphore, #tpu.memory_space<semaphore_mem>>
      tpu.enqueue_indirect_dma source(%dma_start3A_381 : memref<125x16xf32, #tpu.memory_space<vmem>>) target(%dma_start3A_387 : memref<10112x16xf32, #tpu.memory_space<vmem_shared>>) offsets(%dma_start3A_384 : memref<125xi32, #tpu.memory_space<vmem>>) semaphore(%dma_start3A_389 : memref<!tpu.dma_semaphore, #tpu.memory_space<semaphore_mem>>) {add = true}
      %ge3A_390 = arith.constant 4 : i32
      %ge3A_391 = arith.cmpi sge, %add3A_361, %ge3A_390 : i32
      %convert_element_type3A_392 = arith.extui %ge3A_391 : i1 to i32
      %cond3A_393 = arith.constant 0 : i32
      %cond3A_394 = arith.cmpi ne, %convert_element_type3A_392, %cond3A_393 : i32
      scf.if %cond3A_394 {
        %dma_wait3A_490 = arith.constant 1 : i32
        %dma_wait3A_491 = arith.constant 0 : i32
        %dma_wait3A_492 = arith.constant 1 : i32
        %dma_wait3A_493 = arith.constant 0 : i32
        %dma_wait3A_494 = arith.constant 0 : i32
        %dma_wait3A_495 = tpu.memref_slice %arg8[%dma_wait3A_490, %dma_wait3A_493, %dma_wait3A_494] : memref<8x125x16xf32, #tpu.memory_space<vmem>> -> memref<1x125x16xf32, #tpu.memory_space<vmem>>
        %dma_wait3A_496 = tpu.memref_squeeze %dma_wait3A_495 : memref<1x125x16xf32, #tpu.memory_space<vmem>> -> memref<125x16xf32, #tpu.memory_space<vmem>>
        %dma_wait3A_497 = arith.constant 0 : i32
        %dma_wait3A_498 = tpu.memref_slice %arg7[%dma_wait3A_491, %dma_wait3A_497] : memref<80x125xi32, #tpu.memory_space<vmem>> -> memref<1x125xi32, #tpu.memory_space<vmem>>
        %dma_wait3A_499 = tpu.memref_squeeze %dma_wait3A_498 : memref<1x125xi32, #tpu.memory_space<vmem>> -> memref<125xi32, #tpu.memory_space<vmem>>
        %dma_wait3A_500 = arith.constant 0 : i32
        %dma_wait3A_501 = arith.constant 0 : i32
        %dma_wait3A_502 = tpu.memref_slice %arg9[%dma_wait3A_500, %dma_wait3A_501] : memref<10112x16xf32, #tpu.memory_space<vmem_shared>> -> memref<10112x16xf32, #tpu.memory_space<vmem_shared>>
        %dma_wait3A_503 = tpu.memref_slice %arg12[%dma_wait3A_492] : memref<8x!tpu.dma_semaphore, #tpu.memory_space<semaphore_mem>> -> memref<1x!tpu.dma_semaphore, #tpu.memory_space<semaphore_mem>>
        %dma_wait3A_504 = tpu.memref_squeeze %dma_wait3A_503 : memref<1x!tpu.dma_semaphore, #tpu.memory_space<semaphore_mem>> -> memref<!tpu.dma_semaphore, #tpu.memory_space<semaphore_mem>>
        tpu.wait_indirect_dma semaphore(%dma_wait3A_504 : memref<!tpu.dma_semaphore, #tpu.memory_space<semaphore_mem>>) src(%dma_wait3A_496 : memref<125x16xf32, #tpu.memory_space<vmem>>) dst(%dma_wait3A_502 : memref<10112x16xf32, #tpu.memory_space<vmem_shared>>)
      } else {
      }
      %add3A_395 = arith.constant 4 : i32
      %add3A_396 = arith.addi %add3A_361, %add3A_395 : i32
      %lt3A_397 = arith.constant 80 : i32
      %lt3A_398 = arith.cmpi slt, %add3A_396, %lt3A_397 : i32
      %convert_element_type3A_399 = arith.extui %lt3A_398 : i1 to i32
      %cond3A_400 = arith.constant 0 : i32
      %cond3A_401 = arith.cmpi ne, %convert_element_type3A_399, %cond3A_400 : i32
      scf.if %cond3A_401 {
        %add3A_490 = arith.constant 4 : i32
        %add3A_491 = arith.addi %add3A_361, %add3A_490 : i32
        %dma_start3A_492 = arith.constant 1 : i32
        %dma_start3A_493 = arith.constant 1 : i32
        %dma_start3A_494 = arith.constant 0 : i32
        %dma_start3A_495 = arith.constant 0 : i32
        %dma_start3A_496 = tpu.memref_slice %arg8[%dma_start3A_492, %dma_start3A_494, %dma_start3A_495] : memref<8x125x16xf32, #tpu.memory_space<vmem>> -> memref<1x125x16xf32, #tpu.memory_space<vmem>>
        %dma_start3A_497 = tpu.memref_squeeze %dma_start3A_496 : memref<1x125x16xf32, #tpu.memory_space<vmem>> -> memref<125x16xf32, #tpu.memory_space<vmem>>
        %dma_start3A_498 = arith.constant 0 : i32
        %dma_start3A_499 = tpu.memref_slice %arg6[%add3A_491, %dma_start3A_498] : memref<80x125xi32, #tpu.memory_space<vmem>> -> memref<1x125xi32, #tpu.memory_space<vmem>>
        %dma_start3A_500 = tpu.memref_squeeze %dma_start3A_499 : memref<1x125xi32, #tpu.memory_space<vmem>> -> memref<125xi32, #tpu.memory_space<vmem>>
        %dma_start3A_501 = arith.constant 0 : i32
        %dma_start3A_502 = arith.constant 0 : i32
        %dma_start3A_503 = tpu.memref_slice %arg10[%dma_start3A_501, %dma_start3A_502] : memref<10000x16xf32, #tpu.memory_space<vmem_shared>> -> memref<10000x16xf32, #tpu.memory_space<vmem_shared>>
        %dma_start3A_504 = tpu.memref_slice %arg11[%dma_start3A_493] : memref<8x!tpu.dma_semaphore, #tpu.memory_space<semaphore_mem>> -> memref<1x!tpu.dma_semaphore, #tpu.memory_space<semaphore_mem>>
        %dma_start3A_505 = tpu.memref_squeeze %dma_start3A_504 : memref<1x!tpu.dma_semaphore, #tpu.memory_space<semaphore_mem>> -> memref<!tpu.dma_semaphore, #tpu.memory_space<semaphore_mem>>
        tpu.enqueue_indirect_dma source(%dma_start3A_503 : memref<10000x16xf32, #tpu.memory_space<vmem_shared>>) target(%dma_start3A_497 : memref<125x16xf32, #tpu.memory_space<vmem>>) offsets(%dma_start3A_500 : memref<125xi32, #tpu.memory_space<vmem>>) semaphore(%dma_start3A_505 : memref<!tpu.dma_semaphore, #tpu.memory_space<semaphore_mem>>)
      } else {
      }
      %mul3A_402 = arith.constant 8 : i32
      %mul3A_403 = arith.muli %mul3A_402, %scan3A_138 : i32
      %add3A_404 = arith.constant 6 : i32
      %add3A_405 = arith.addi %mul3A_403, %add3A_404 : i32
      %dma_wait3A_406 = arith.constant 6 : i32
      %dma_wait3A_407 = arith.constant 6 : i32
      %dma_wait3A_408 = arith.constant 0 : i32
      %dma_wait3A_409 = arith.constant 0 : i32
      %dma_wait3A_410 = tpu.memref_slice %arg8[%dma_wait3A_406, %dma_wait3A_408, %dma_wait3A_409] : memref<8x125x16xf32, #tpu.memory_space<vmem>> -> memref<1x125x16xf32, #tpu.memory_space<vmem>>
      %dma_wait3A_411 = tpu.memref_squeeze %dma_wait3A_410 : memref<1x125x16xf32, #tpu.memory_space<vmem>> -> memref<125x16xf32, #tpu.memory_space<vmem>>
      %dma_wait3A_412 = arith.constant 0 : i32
      %dma_wait3A_413 = tpu.memref_slice %arg6[%add3A_405, %dma_wait3A_412] : memref<80x125xi32, #tpu.memory_space<vmem>> -> memref<1x125xi32, #tpu.memory_space<vmem>>
      %dma_wait3A_414 = tpu.memref_squeeze %dma_wait3A_413 : memref<1x125xi32, #tpu.memory_space<vmem>> -> memref<125xi32, #tpu.memory_space<vmem>>
      %dma_wait3A_415 = arith.constant 0 : i32
      %dma_wait3A_416 = arith.constant 0 : i32
      %dma_wait3A_417 = tpu.memref_slice %arg10[%dma_wait3A_415, %dma_wait3A_416] : memref<10000x16xf32, #tpu.memory_space<vmem_shared>> -> memref<10000x16xf32, #tpu.memory_space<vmem_shared>>
      %dma_wait3A_418 = tpu.memref_slice %arg11[%dma_wait3A_407] : memref<8x!tpu.dma_semaphore, #tpu.memory_space<semaphore_mem>> -> memref<1x!tpu.dma_semaphore, #tpu.memory_space<semaphore_mem>>
      %dma_wait3A_419 = tpu.memref_squeeze %dma_wait3A_418 : memref<1x!tpu.dma_semaphore, #tpu.memory_space<semaphore_mem>> -> memref<!tpu.dma_semaphore, #tpu.memory_space<semaphore_mem>>
      tpu.wait_indirect_dma semaphore(%dma_wait3A_419 : memref<!tpu.dma_semaphore, #tpu.memory_space<semaphore_mem>>) src(%dma_wait3A_417 : memref<10000x16xf32, #tpu.memory_space<vmem_shared>>) dst(%dma_wait3A_411 : memref<125x16xf32, #tpu.memory_space<vmem>>)
      %dma_start3A_420 = arith.constant 6 : i32
      %dma_start3A_421 = arith.constant 6 : i32
      %dma_start3A_422 = arith.constant 0 : i32
      %dma_start3A_423 = arith.constant 0 : i32
      %dma_start3A_424 = tpu.memref_slice %arg8[%dma_start3A_420, %dma_start3A_422, %dma_start3A_423] : memref<8x125x16xf32, #tpu.memory_space<vmem>> -> memref<1x125x16xf32, #tpu.memory_space<vmem>>
      %dma_start3A_425 = tpu.memref_squeeze %dma_start3A_424 : memref<1x125x16xf32, #tpu.memory_space<vmem>> -> memref<125x16xf32, #tpu.memory_space<vmem>>
      %dma_start3A_426 = arith.constant 0 : i32
      %dma_start3A_427 = tpu.memref_slice %arg7[%add3A_405, %dma_start3A_426] : memref<80x125xi32, #tpu.memory_space<vmem>> -> memref<1x125xi32, #tpu.memory_space<vmem>>
      %dma_start3A_428 = tpu.memref_squeeze %dma_start3A_427 : memref<1x125xi32, #tpu.memory_space<vmem>> -> memref<125xi32, #tpu.memory_space<vmem>>
      %dma_start3A_429 = arith.constant 0 : i32
      %dma_start3A_430 = arith.constant 0 : i32
      %dma_start3A_431 = tpu.memref_slice %arg9[%dma_start3A_429, %dma_start3A_430] : memref<10112x16xf32, #tpu.memory_space<vmem_shared>> -> memref<10112x16xf32, #tpu.memory_space<vmem_shared>>
      %dma_start3A_432 = tpu.memref_slice %arg12[%dma_start3A_421] : memref<8x!tpu.dma_semaphore, #tpu.memory_space<semaphore_mem>> -> memref<1x!tpu.dma_semaphore, #tpu.memory_space<semaphore_mem>>
      %dma_start3A_433 = tpu.memref_squeeze %dma_start3A_432 : memref<1x!tpu.dma_semaphore, #tpu.memory_space<semaphore_mem>> -> memref<!tpu.dma_semaphore, #tpu.memory_space<semaphore_mem>>
      tpu.enqueue_indirect_dma source(%dma_start3A_425 : memref<125x16xf32, #tpu.memory_space<vmem>>) target(%dma_start3A_431 : memref<10112x16xf32, #tpu.memory_space<vmem_shared>>) offsets(%dma_start3A_428 : memref<125xi32, #tpu.memory_space<vmem>>) semaphore(%dma_start3A_433 : memref<!tpu.dma_semaphore, #tpu.memory_space<semaphore_mem>>) {add = true}
      %ge3A_434 = arith.constant 4 : i32
      %ge3A_435 = arith.cmpi sge, %add3A_405, %ge3A_434 : i32
      %convert_element_type3A_436 = arith.extui %ge3A_435 : i1 to i32
      %cond3A_437 = arith.constant 0 : i32
      %cond3A_438 = arith.cmpi ne, %convert_element_type3A_436, %cond3A_437 : i32
      scf.if %cond3A_438 {
        %dma_wait3A_490 = arith.constant 2 : i32
        %dma_wait3A_491 = arith.constant 0 : i32
        %dma_wait3A_492 = arith.constant 2 : i32
        %dma_wait3A_493 = arith.constant 0 : i32
        %dma_wait3A_494 = arith.constant 0 : i32
        %dma_wait3A_495 = tpu.memref_slice %arg8[%dma_wait3A_490, %dma_wait3A_493, %dma_wait3A_494] : memref<8x125x16xf32, #tpu.memory_space<vmem>> -> memref<1x125x16xf32, #tpu.memory_space<vmem>>
        %dma_wait3A_496 = tpu.memref_squeeze %dma_wait3A_495 : memref<1x125x16xf32, #tpu.memory_space<vmem>> -> memref<125x16xf32, #tpu.memory_space<vmem>>
        %dma_wait3A_497 = arith.constant 0 : i32
        %dma_wait3A_498 = tpu.memref_slice %arg7[%dma_wait3A_491, %dma_wait3A_497] : memref<80x125xi32, #tpu.memory_space<vmem>> -> memref<1x125xi32, #tpu.memory_space<vmem>>
        %dma_wait3A_499 = tpu.memref_squeeze %dma_wait3A_498 : memref<1x125xi32, #tpu.memory_space<vmem>> -> memref<125xi32, #tpu.memory_space<vmem>>
        %dma_wait3A_500 = arith.constant 0 : i32
        %dma_wait3A_501 = arith.constant 0 : i32
        %dma_wait3A_502 = tpu.memref_slice %arg9[%dma_wait3A_500, %dma_wait3A_501] : memref<10112x16xf32, #tpu.memory_space<vmem_shared>> -> memref<10112x16xf32, #tpu.memory_space<vmem_shared>>
        %dma_wait3A_503 = tpu.memref_slice %arg12[%dma_wait3A_492] : memref<8x!tpu.dma_semaphore, #tpu.memory_space<semaphore_mem>> -> memref<1x!tpu.dma_semaphore, #tpu.memory_space<semaphore_mem>>
        %dma_wait3A_504 = tpu.memref_squeeze %dma_wait3A_503 : memref<1x!tpu.dma_semaphore, #tpu.memory_space<semaphore_mem>> -> memref<!tpu.dma_semaphore, #tpu.memory_space<semaphore_mem>>
        tpu.wait_indirect_dma semaphore(%dma_wait3A_504 : memref<!tpu.dma_semaphore, #tpu.memory_space<semaphore_mem>>) src(%dma_wait3A_496 : memref<125x16xf32, #tpu.memory_space<vmem>>) dst(%dma_wait3A_502 : memref<10112x16xf32, #tpu.memory_space<vmem_shared>>)
      } else {
      }
      %add3A_439 = arith.constant 4 : i32
      %add3A_440 = arith.addi %add3A_405, %add3A_439 : i32
      %lt3A_441 = arith.constant 80 : i32
      %lt3A_442 = arith.cmpi slt, %add3A_440, %lt3A_441 : i32
      %convert_element_type3A_443 = arith.extui %lt3A_442 : i1 to i32
      %cond3A_444 = arith.constant 0 : i32
      %cond3A_445 = arith.cmpi ne, %convert_element_type3A_443, %cond3A_444 : i32
      scf.if %cond3A_445 {
        %add3A_490 = arith.constant 4 : i32
        %add3A_491 = arith.addi %add3A_405, %add3A_490 : i32
        %dma_start3A_492 = arith.constant 2 : i32
        %dma_start3A_493 = arith.constant 2 : i32
        %dma_start3A_494 = arith.constant 0 : i32
        %dma_start3A_495 = arith.constant 0 : i32
        %dma_start3A_496 = tpu.memref_slice %arg8[%dma_start3A_492, %dma_start3A_494, %dma_start3A_495] : memref<8x125x16xf32, #tpu.memory_space<vmem>> -> memref<1x125x16xf32, #tpu.memory_space<vmem>>
        %dma_start3A_497 = tpu.memref_squeeze %dma_start3A_496 : memref<1x125x16xf32, #tpu.memory_space<vmem>> -> memref<125x16xf32, #tpu.memory_space<vmem>>
        %dma_start3A_498 = arith.constant 0 : i32
        %dma_start3A_499 = tpu.memref_slice %arg6[%add3A_491, %dma_start3A_498] : memref<80x125xi32, #tpu.memory_space<vmem>> -> memref<1x125xi32, #tpu.memory_space<vmem>>
        %dma_start3A_500 = tpu.memref_squeeze %dma_start3A_499 : memref<1x125xi32, #tpu.memory_space<vmem>> -> memref<125xi32, #tpu.memory_space<vmem>>
        %dma_start3A_501 = arith.constant 0 : i32
        %dma_start3A_502 = arith.constant 0 : i32
        %dma_start3A_503 = tpu.memref_slice %arg10[%dma_start3A_501, %dma_start3A_502] : memref<10000x16xf32, #tpu.memory_space<vmem_shared>> -> memref<10000x16xf32, #tpu.memory_space<vmem_shared>>
        %dma_start3A_504 = tpu.memref_slice %arg11[%dma_start3A_493] : memref<8x!tpu.dma_semaphore, #tpu.memory_space<semaphore_mem>> -> memref<1x!tpu.dma_semaphore, #tpu.memory_space<semaphore_mem>>
        %dma_start3A_505 = tpu.memref_squeeze %dma_start3A_504 : memref<1x!tpu.dma_semaphore, #tpu.memory_space<semaphore_mem>> -> memref<!tpu.dma_semaphore, #tpu.memory_space<semaphore_mem>>
        tpu.enqueue_indirect_dma source(%dma_start3A_503 : memref<10000x16xf32, #tpu.memory_space<vmem_shared>>) target(%dma_start3A_497 : memref<125x16xf32, #tpu.memory_space<vmem>>) offsets(%dma_start3A_500 : memref<125xi32, #tpu.memory_space<vmem>>) semaphore(%dma_start3A_505 : memref<!tpu.dma_semaphore, #tpu.memory_space<semaphore_mem>>)
      } else {
      }
      %mul3A_446 = arith.constant 8 : i32
      %mul3A_447 = arith.muli %mul3A_446, %scan3A_138 : i32
      %add3A_448 = arith.constant 7 : i32
      %add3A_449 = arith.addi %mul3A_447, %add3A_448 : i32
      %dma_wait3A_450 = arith.constant 7 : i32
      %dma_wait3A_451 = arith.constant 7 : i32
      %dma_wait3A_452 = arith.constant 0 : i32
      %dma_wait3A_453 = arith.constant 0 : i32
      %dma_wait3A_454 = tpu.memref_slice %arg8[%dma_wait3A_450, %dma_wait3A_452, %dma_wait3A_453] : memref<8x125x16xf32, #tpu.memory_space<vmem>> -> memref<1x125x16xf32, #tpu.memory_space<vmem>>
      %dma_wait3A_455 = tpu.memref_squeeze %dma_wait3A_454 : memref<1x125x16xf32, #tpu.memory_space<vmem>> -> memref<125x16xf32, #tpu.memory_space<vmem>>
      %dma_wait3A_456 = arith.constant 0 : i32
      %dma_wait3A_457 = tpu.memref_slice %arg6[%add3A_449, %dma_wait3A_456] : memref<80x125xi32, #tpu.memory_space<vmem>> -> memref<1x125xi32, #tpu.memory_space<vmem>>
      %dma_wait3A_458 = tpu.memref_squeeze %dma_wait3A_457 : memref<1x125xi32, #tpu.memory_space<vmem>> -> memref<125xi32, #tpu.memory_space<vmem>>
      %dma_wait3A_459 = arith.constant 0 : i32
      %dma_wait3A_460 = arith.constant 0 : i32
      %dma_wait3A_461 = tpu.memref_slice %arg10[%dma_wait3A_459, %dma_wait3A_460] : memref<10000x16xf32, #tpu.memory_space<vmem_shared>> -> memref<10000x16xf32, #tpu.memory_space<vmem_shared>>
      %dma_wait3A_462 = tpu.memref_slice %arg11[%dma_wait3A_451] : memref<8x!tpu.dma_semaphore, #tpu.memory_space<semaphore_mem>> -> memref<1x!tpu.dma_semaphore, #tpu.memory_space<semaphore_mem>>
      %dma_wait3A_463 = tpu.memref_squeeze %dma_wait3A_462 : memref<1x!tpu.dma_semaphore, #tpu.memory_space<semaphore_mem>> -> memref<!tpu.dma_semaphore, #tpu.memory_space<semaphore_mem>>
      tpu.wait_indirect_dma semaphore(%dma_wait3A_463 : memref<!tpu.dma_semaphore, #tpu.memory_space<semaphore_mem>>) src(%dma_wait3A_461 : memref<10000x16xf32, #tpu.memory_space<vmem_shared>>) dst(%dma_wait3A_455 : memref<125x16xf32, #tpu.memory_space<vmem>>)
      %dma_start3A_464 = arith.constant 7 : i32
      %dma_start3A_465 = arith.constant 7 : i32
      %dma_start3A_466 = arith.constant 0 : i32
      %dma_start3A_467 = arith.constant 0 : i32
      %dma_start3A_468 = tpu.memref_slice %arg8[%dma_start3A_464, %dma_start3A_466, %dma_start3A_467] : memref<8x125x16xf32, #tpu.memory_space<vmem>> -> memref<1x125x16xf32, #tpu.memory_space<vmem>>
      %dma_start3A_469 = tpu.memref_squeeze %dma_start3A_468 : memref<1x125x16xf32, #tpu.memory_space<vmem>> -> memref<125x16xf32, #tpu.memory_space<vmem>>
      %dma_start3A_470 = arith.constant 0 : i32
      %dma_start3A_471 = tpu.memref_slice %arg7[%add3A_449, %dma_start3A_470] : memref<80x125xi32, #tpu.memory_space<vmem>> -> memref<1x125xi32, #tpu.memory_space<vmem>>
      %dma_start3A_472 = tpu.memref_squeeze %dma_start3A_471 : memref<1x125xi32, #tpu.memory_space<vmem>> -> memref<125xi32, #tpu.memory_space<vmem>>
      %dma_start3A_473 = arith.constant 0 : i32
      %dma_start3A_474 = arith.constant 0 : i32
      %dma_start3A_475 = tpu.memref_slice %arg9[%dma_start3A_473, %dma_start3A_474] : memref<10112x16xf32, #tpu.memory_space<vmem_shared>> -> memref<10112x16xf32, #tpu.memory_space<vmem_shared>>
      %dma_start3A_476 = tpu.memref_slice %arg12[%dma_start3A_465] : memref<8x!tpu.dma_semaphore, #tpu.memory_space<semaphore_mem>> -> memref<1x!tpu.dma_semaphore, #tpu.memory_space<semaphore_mem>>
      %dma_start3A_477 = tpu.memref_squeeze %dma_start3A_476 : memref<1x!tpu.dma_semaphore, #tpu.memory_space<semaphore_mem>> -> memref<!tpu.dma_semaphore, #tpu.memory_space<semaphore_mem>>
      tpu.enqueue_indirect_dma source(%dma_start3A_469 : memref<125x16xf32, #tpu.memory_space<vmem>>) target(%dma_start3A_475 : memref<10112x16xf32, #tpu.memory_space<vmem_shared>>) offsets(%dma_start3A_472 : memref<125xi32, #tpu.memory_space<vmem>>) semaphore(%dma_start3A_477 : memref<!tpu.dma_semaphore, #tpu.memory_space<semaphore_mem>>) {add = true}
      %ge3A_478 = arith.constant 4 : i32
      %ge3A_479 = arith.cmpi sge, %add3A_449, %ge3A_478 : i32
      %convert_element_type3A_480 = arith.extui %ge3A_479 : i1 to i32
      %cond3A_481 = arith.constant 0 : i32
      %cond3A_482 = arith.cmpi ne, %convert_element_type3A_480, %cond3A_481 : i32
      scf.if %cond3A_482 {
        %dma_wait3A_490 = arith.constant 3 : i32
        %dma_wait3A_491 = arith.constant 0 : i32
        %dma_wait3A_492 = arith.constant 3 : i32
        %dma_wait3A_493 = arith.constant 0 : i32
        %dma_wait3A_494 = arith.constant 0 : i32
        %dma_wait3A_495 = tpu.memref_slice %arg8[%dma_wait3A_490, %dma_wait3A_493, %dma_wait3A_494] : memref<8x125x16xf32, #tpu.memory_space<vmem>> -> memref<1x125x16xf32, #tpu.memory_space<vmem>>
        %dma_wait3A_496 = tpu.memref_squeeze %dma_wait3A_495 : memref<1x125x16xf32, #tpu.memory_space<vmem>> -> memref<125x16xf32, #tpu.memory_space<vmem>>
        %dma_wait3A_497 = arith.constant 0 : i32
        %dma_wait3A_498 = tpu.memref_slice %arg7[%dma_wait3A_491, %dma_wait3A_497] : memref<80x125xi32, #tpu.memory_space<vmem>> -> memref<1x125xi32, #tpu.memory_space<vmem>>
        %dma_wait3A_499 = tpu.memref_squeeze %dma_wait3A_498 : memref<1x125xi32, #tpu.memory_space<vmem>> -> memref<125xi32, #tpu.memory_space<vmem>>
        %dma_wait3A_500 = arith.constant 0 : i32
        %dma_wait3A_501 = arith.constant 0 : i32
        %dma_wait3A_502 = tpu.memref_slice %arg9[%dma_wait3A_500, %dma_wait3A_501] : memref<10112x16xf32, #tpu.memory_space<vmem_shared>> -> memref<10112x16xf32, #tpu.memory_space<vmem_shared>>
        %dma_wait3A_503 = tpu.memref_slice %arg12[%dma_wait3A_492] : memref<8x!tpu.dma_semaphore, #tpu.memory_space<semaphore_mem>> -> memref<1x!tpu.dma_semaphore, #tpu.memory_space<semaphore_mem>>
        %dma_wait3A_504 = tpu.memref_squeeze %dma_wait3A_503 : memref<1x!tpu.dma_semaphore, #tpu.memory_space<semaphore_mem>> -> memref<!tpu.dma_semaphore, #tpu.memory_space<semaphore_mem>>
        tpu.wait_indirect_dma semaphore(%dma_wait3A_504 : memref<!tpu.dma_semaphore, #tpu.memory_space<semaphore_mem>>) src(%dma_wait3A_496 : memref<125x16xf32, #tpu.memory_space<vmem>>) dst(%dma_wait3A_502 : memref<10112x16xf32, #tpu.memory_space<vmem_shared>>)
      } else {
      }
      %add3A_483 = arith.constant 4 : i32
      %add3A_484 = arith.addi %add3A_449, %add3A_483 : i32
      %lt3A_485 = arith.constant 80 : i32
      %lt3A_486 = arith.cmpi slt, %add3A_484, %lt3A_485 : i32
      %convert_element_type3A_487 = arith.extui %lt3A_486 : i1 to i32
      %cond3A_488 = arith.constant 0 : i32
      %cond3A_489 = arith.cmpi ne, %convert_element_type3A_487, %cond3A_488 : i32
      scf.if %cond3A_489 {
        %add3A_490 = arith.constant 4 : i32
        %add3A_491 = arith.addi %add3A_449, %add3A_490 : i32
        %dma_start3A_492 = arith.constant 3 : i32
        %dma_start3A_493 = arith.constant 3 : i32
        %dma_start3A_494 = arith.constant 0 : i32
        %dma_start3A_495 = arith.constant 0 : i32
        %dma_start3A_496 = tpu.memref_slice %arg8[%dma_start3A_492, %dma_start3A_494, %dma_start3A_495] : memref<8x125x16xf32, #tpu.memory_space<vmem>> -> memref<1x125x16xf32, #tpu.memory_space<vmem>>
        %dma_start3A_497 = tpu.memref_squeeze %dma_start3A_496 : memref<1x125x16xf32, #tpu.memory_space<vmem>> -> memref<125x16xf32, #tpu.memory_space<vmem>>
        %dma_start3A_498 = arith.constant 0 : i32
        %dma_start3A_499 = tpu.memref_slice %arg6[%add3A_491, %dma_start3A_498] : memref<80x125xi32, #tpu.memory_space<vmem>> -> memref<1x125xi32, #tpu.memory_space<vmem>>
        %dma_start3A_500 = tpu.memref_squeeze %dma_start3A_499 : memref<1x125xi32, #tpu.memory_space<vmem>> -> memref<125xi32, #tpu.memory_space<vmem>>
        %dma_start3A_501 = arith.constant 0 : i32
        %dma_start3A_502 = arith.constant 0 : i32
        %dma_start3A_503 = tpu.memref_slice %arg10[%dma_start3A_501, %dma_start3A_502] : memref<10000x16xf32, #tpu.memory_space<vmem_shared>> -> memref<10000x16xf32, #tpu.memory_space<vmem_shared>>
        %dma_start3A_504 = tpu.memref_slice %arg11[%dma_start3A_493] : memref<8x!tpu.dma_semaphore, #tpu.memory_space<semaphore_mem>> -> memref<1x!tpu.dma_semaphore, #tpu.memory_space<semaphore_mem>>
        %dma_start3A_505 = tpu.memref_squeeze %dma_start3A_504 : memref<1x!tpu.dma_semaphore, #tpu.memory_space<semaphore_mem>> -> memref<!tpu.dma_semaphore, #tpu.memory_space<semaphore_mem>>
        tpu.enqueue_indirect_dma source(%dma_start3A_503 : memref<10000x16xf32, #tpu.memory_space<vmem_shared>>) target(%dma_start3A_497 : memref<125x16xf32, #tpu.memory_space<vmem>>) offsets(%dma_start3A_500 : memref<125xi32, #tpu.memory_space<vmem>>) semaphore(%dma_start3A_505 : memref<!tpu.dma_semaphore, #tpu.memory_space<semaphore_mem>>)
      } else {
      }
    }
    %scan3A_73 = arith.constant 10 : i32
    %dma_wait3A = arith.constant 4 : i32
    %dma_wait3A_74 = arith.constant 0 : i32
    %dma_wait3A_75 = arith.constant 4 : i32
    %dma_wait3A_76 = arith.constant 0 : i32
    %dma_wait3A_77 = arith.constant 0 : i32
    %dma_wait3A_78 = tpu.memref_slice %arg8[%dma_wait3A, %dma_wait3A_76, %dma_wait3A_77] : memref<8x125x16xf32, #tpu.memory_space<vmem>> -> memref<1x125x16xf32, #tpu.memory_space<vmem>>
    %dma_wait3A_79 = tpu.memref_squeeze %dma_wait3A_78 : memref<1x125x16xf32, #tpu.memory_space<vmem>> -> memref<125x16xf32, #tpu.memory_space<vmem>>
    %dma_wait3A_80 = arith.constant 0 : i32
    %dma_wait3A_81 = tpu.memref_slice %arg7[%dma_wait3A_74, %dma_wait3A_80] : memref<80x125xi32, #tpu.memory_space<vmem>> -> memref<1x125xi32, #tpu.memory_space<vmem>>
    %dma_wait3A_82 = tpu.memref_squeeze %dma_wait3A_81 : memref<1x125xi32, #tpu.memory_space<vmem>> -> memref<125xi32, #tpu.memory_space<vmem>>
    %dma_wait3A_83 = arith.constant 0 : i32
    %dma_wait3A_84 = arith.constant 0 : i32
    %dma_wait3A_85 = tpu.memref_slice %arg9[%dma_wait3A_83, %dma_wait3A_84] : memref<10112x16xf32, #tpu.memory_space<vmem_shared>> -> memref<10112x16xf32, #tpu.memory_space<vmem_shared>>
    %dma_wait3A_86 = tpu.memref_slice %arg12[%dma_wait3A_75] : memref<8x!tpu.dma_semaphore, #tpu.memory_space<semaphore_mem>> -> memref<1x!tpu.dma_semaphore, #tpu.memory_space<semaphore_mem>>
    %dma_wait3A_87 = tpu.memref_squeeze %dma_wait3A_86 : memref<1x!tpu.dma_semaphore, #tpu.memory_space<semaphore_mem>> -> memref<!tpu.dma_semaphore, #tpu.memory_space<semaphore_mem>>
    tpu.wait_indirect_dma semaphore(%dma_wait3A_87 : memref<!tpu.dma_semaphore, #tpu.memory_space<semaphore_mem>>) src(%dma_wait3A_79 : memref<125x16xf32, #tpu.memory_space<vmem>>) dst(%dma_wait3A_85 : memref<10112x16xf32, #tpu.memory_space<vmem_shared>>)
    %dma_wait3A_88 = arith.constant 5 : i32
    %dma_wait3A_89 = arith.constant 0 : i32
    %dma_wait3A_90 = arith.constant 5 : i32
    %dma_wait3A_91 = arith.constant 0 : i32
    %dma_wait3A_92 = arith.constant 0 : i32
    %dma_wait3A_93 = tpu.memref_slice %arg8[%dma_wait3A_88, %dma_wait3A_91, %dma_wait3A_92] : memref<8x125x16xf32, #tpu.memory_space<vmem>> -> memref<1x125x16xf32, #tpu.memory_space<vmem>>
    %dma_wait3A_94 = tpu.memref_squeeze %dma_wait3A_93 : memref<1x125x16xf32, #tpu.memory_space<vmem>> -> memref<125x16xf32, #tpu.memory_space<vmem>>
    %dma_wait3A_95 = arith.constant 0 : i32
    %dma_wait3A_96 = tpu.memref_slice %arg7[%dma_wait3A_89, %dma_wait3A_95] : memref<80x125xi32, #tpu.memory_space<vmem>> -> memref<1x125xi32, #tpu.memory_space<vmem>>
    %dma_wait3A_97 = tpu.memref_squeeze %dma_wait3A_96 : memref<1x125xi32, #tpu.memory_space<vmem>> -> memref<125xi32, #tpu.memory_space<vmem>>
    %dma_wait3A_98 = arith.constant 0 : i32
    %dma_wait3A_99 = arith.constant 0 : i32
    %dma_wait3A_100 = tpu.memref_slice %arg9[%dma_wait3A_98, %dma_wait3A_99] : memref<10112x16xf32, #tpu.memory_space<vmem_shared>> -> memref<10112x16xf32, #tpu.memory_space<vmem_shared>>
    %dma_wait3A_101 = tpu.memref_slice %arg12[%dma_wait3A_90] : memref<8x!tpu.dma_semaphore, #tpu.memory_space<semaphore_mem>> -> memref<1x!tpu.dma_semaphore, #tpu.memory_space<semaphore_mem>>
    %dma_wait3A_102 = tpu.memref_squeeze %dma_wait3A_101 : memref<1x!tpu.dma_semaphore, #tpu.memory_space<semaphore_mem>> -> memref<!tpu.dma_semaphore, #tpu.memory_space<semaphore_mem>>
    tpu.wait_indirect_dma semaphore(%dma_wait3A_102 : memref<!tpu.dma_semaphore, #tpu.memory_space<semaphore_mem>>) src(%dma_wait3A_94 : memref<125x16xf32, #tpu.memory_space<vmem>>) dst(%dma_wait3A_100 : memref<10112x16xf32, #tpu.memory_space<vmem_shared>>)
    %dma_wait3A_103 = arith.constant 6 : i32
    %dma_wait3A_104 = arith.constant 0 : i32
    %dma_wait3A_105 = arith.constant 6 : i32
    %dma_wait3A_106 = arith.constant 0 : i32
    %dma_wait3A_107 = arith.constant 0 : i32
    %dma_wait3A_108 = tpu.memref_slice %arg8[%dma_wait3A_103, %dma_wait3A_106, %dma_wait3A_107] : memref<8x125x16xf32, #tpu.memory_space<vmem>> -> memref<1x125x16xf32, #tpu.memory_space<vmem>>
    %dma_wait3A_109 = tpu.memref_squeeze %dma_wait3A_108 : memref<1x125x16xf32, #tpu.memory_space<vmem>> -> memref<125x16xf32, #tpu.memory_space<vmem>>
    %dma_wait3A_110 = arith.constant 0 : i32
    %dma_wait3A_111 = tpu.memref_slice %arg7[%dma_wait3A_104, %dma_wait3A_110] : memref<80x125xi32, #tpu.memory_space<vmem>> -> memref<1x125xi32, #tpu.memory_space<vmem>>
    %dma_wait3A_112 = tpu.memref_squeeze %dma_wait3A_111 : memref<1x125xi32, #tpu.memory_space<vmem>> -> memref<125xi32, #tpu.memory_space<vmem>>
    %dma_wait3A_113 = arith.constant 0 : i32
    %dma_wait3A_114 = arith.constant 0 : i32
    %dma_wait3A_115 = tpu.memref_slice %arg9[%dma_wait3A_113, %dma_wait3A_114] : memref<10112x16xf32, #tpu.memory_space<vmem_shared>> -> memref<10112x16xf32, #tpu.memory_space<vmem_shared>>
    %dma_wait3A_116 = tpu.memref_slice %arg12[%dma_wait3A_105] : memref<8x!tpu.dma_semaphore, #tpu.memory_space<semaphore_mem>> -> memref<1x!tpu.dma_semaphore, #tpu.memory_space<semaphore_mem>>
    %dma_wait3A_117 = tpu.memref_squeeze %dma_wait3A_116 : memref<1x!tpu.dma_semaphore, #tpu.memory_space<semaphore_mem>> -> memref<!tpu.dma_semaphore, #tpu.memory_space<semaphore_mem>>
    tpu.wait_indirect_dma semaphore(%dma_wait3A_117 : memref<!tpu.dma_semaphore, #tpu.memory_space<semaphore_mem>>) src(%dma_wait3A_109 : memref<125x16xf32, #tpu.memory_space<vmem>>) dst(%dma_wait3A_115 : memref<10112x16xf32, #tpu.memory_space<vmem_shared>>)
    %dma_wait3A_118 = arith.constant 7 : i32
    %dma_wait3A_119 = arith.constant 0 : i32
    %dma_wait3A_120 = arith.constant 7 : i32
    %dma_wait3A_121 = arith.constant 0 : i32
    %dma_wait3A_122 = arith.constant 0 : i32
    %dma_wait3A_123 = tpu.memref_slice %arg8[%dma_wait3A_118, %dma_wait3A_121, %dma_wait3A_122] : memref<8x125x16xf32, #tpu.memory_space<vmem>> -> memref<1x125x16xf32, #tpu.memory_space<vmem>>
    %dma_wait3A_124 = tpu.memref_squeeze %dma_wait3A_123 : memref<1x125x16xf32, #tpu.memory_space<vmem>> -> memref<125x16xf32, #tpu.memory_space<vmem>>
    %dma_wait3A_125 = arith.constant 0 : i32
    %dma_wait3A_126 = tpu.memref_slice %arg7[%dma_wait3A_119, %dma_wait3A_125] : memref<80x125xi32, #tpu.memory_space<vmem>> -> memref<1x125xi32, #tpu.memory_space<vmem>>
    %dma_wait3A_127 = tpu.memref_squeeze %dma_wait3A_126 : memref<1x125xi32, #tpu.memory_space<vmem>> -> memref<125xi32, #tpu.memory_space<vmem>>
    %dma_wait3A_128 = arith.constant 0 : i32
    %dma_wait3A_129 = arith.constant 0 : i32
    %dma_wait3A_130 = tpu.memref_slice %arg9[%dma_wait3A_128, %dma_wait3A_129] : memref<10112x16xf32, #tpu.memory_space<vmem_shared>> -> memref<10112x16xf32, #tpu.memory_space<vmem_shared>>
    %dma_wait3A_131 = tpu.memref_slice %arg12[%dma_wait3A_120] : memref<8x!tpu.dma_semaphore, #tpu.memory_space<semaphore_mem>> -> memref<1x!tpu.dma_semaphore, #tpu.memory_space<semaphore_mem>>
    %dma_wait3A_132 = tpu.memref_squeeze %dma_wait3A_131 : memref<1x!tpu.dma_semaphore, #tpu.memory_space<semaphore_mem>> -> memref<!tpu.dma_semaphore, #tpu.memory_space<semaphore_mem>>
    tpu.wait_indirect_dma semaphore(%dma_wait3A_132 : memref<!tpu.dma_semaphore, #tpu.memory_space<semaphore_mem>>) src(%dma_wait3A_124 : memref<125x16xf32, #tpu.memory_space<vmem>>) dst(%dma_wait3A_130 : memref<10112x16xf32, #tpu.memory_space<vmem_shared>>)
    %barrier3A_133 = arith.constant 0 : index
    tpu.barrier barrier_id(%barrier3A_133)
    %mul3A_134 = arith.constant 632 : i32
    %mul3A_135 = arith.muli %arg1, %mul3A_134 : i32
    %mul3A_136 = arith.constant 632 : i32
    %mul3A_137 = arith.muli %arg1, %mul3A_136 : i32
    "tpu.region"() ({
      %run_scoped3A_138 = tpu.sem_alloc : memref<!tpu.dma_semaphore, #tpu.memory_space<semaphore_mem>>
      %dma_start3A_139 = arith.constant 0 : i32
      %dma_start3A_140 = tpu.memref_slice %arg5[%arg0, %mul3A_137, %dma_start3A_139] : memref<2x10112x16xf32, #tpu.memory_space<hbm>> -> memref<1x632x16xf32, #tpu.memory_space<hbm>>
      %dma_start3A_141 = tpu.memref_squeeze %dma_start3A_140 : memref<1x632x16xf32, #tpu.memory_space<hbm>> -> memref<632x16xf32, #tpu.memory_space<hbm>>
      %dma_start3A_142 = arith.constant 0 : i32
      %dma_start3A_143 = tpu.memref_slice %arg9[%mul3A_135, %dma_start3A_142] : memref<10112x16xf32, #tpu.memory_space<vmem_shared>> -> memref<632x16xf32, #tpu.memory_space<vmem_shared>>
      tpu.enqueue_dma source(%dma_start3A_143 : memref<632x16xf32, #tpu.memory_space<vmem_shared>>) target(%dma_start3A_141 : memref<632x16xf32, #tpu.memory_space<hbm>>) target_semaphore(%run_scoped3A_138 : memref<!tpu.dma_semaphore, #tpu.memory_space<semaphore_mem>>)
      %dma_wait3A_144 = arith.constant 0 : i32
      %dma_wait3A_145 = tpu.memref_slice %arg5[%arg0, %mul3A_137, %dma_wait3A_144] : memref<2x10112x16xf32, #tpu.memory_space<hbm>> -> memref<1x632x16xf32, #tpu.memory_space<hbm>>
      %dma_wait3A_146 = tpu.memref_squeeze %dma_wait3A_145 : memref<1x632x16xf32, #tpu.memory_space<hbm>> -> memref<632x16xf32, #tpu.memory_space<hbm>>
      %dma_wait3A_147 = arith.constant 0 : i32
      %dma_wait3A_148 = tpu.memref_slice %arg9[%mul3A_135, %dma_wait3A_147] : memref<10112x16xf32, #tpu.memory_space<vmem_shared>> -> memref<632x16xf32, #tpu.memory_space<vmem_shared>>
      tpu.wait_dma2 semaphore(%run_scoped3A_138 : memref<!tpu.dma_semaphore, #tpu.memory_space<semaphore_mem>>) src(%dma_wait3A_148 : memref<632x16xf32, #tpu.memory_space<vmem_shared>>) dst(%dma_wait3A_146 : memref<632x16xf32, #tpu.memory_space<hbm>>)
      tpu.yield
    }) : () -> ()
    return
  }
}

#map = affine_map<(d0, d1) -> (0, 0)>
#map1 = affine_map<(d0, d1) -> (0, 0, 0, 0)>
#map2 = affine_map<(d0, d1) -> (0, 0, 0)>
module attributes {stable_mosaic.version = 14 : i64} {
  func.func @run(%arg0: i32, %arg1: i32, %arg2: memref<632x16xf32, #tpu.memory_space<hbm>>, %arg3: memref<2x32x80x125xi32, #tpu.memory_space<hbm>>, %arg4: memref<10000x16xf32, #tpu.memory_space<hbm>>, %arg5: memref<2x10112x16xf32, #tpu.memory_space<hbm>>, %arg6: memref<80x125xi32, #tpu.memory_space<vmem>>, %arg7: memref<80x125xi32, #tpu.memory_space<vmem>>, %arg8: memref<8x125x16xf32, #tpu.memory_space<vmem>>, %arg9: memref<10112x16xf32, #tpu.memory_space<vmem_shared>>, %arg10: memref<10000x16xf32, #tpu.memory_space<vmem_shared>>, %arg11: memref<8x!tpu.dma_semaphore, #tpu.memory_space<semaphore_mem>>, %arg12: memref<8x!tpu.dma_semaphore, #tpu.memory_space<semaphore_mem>>) attributes {dimension_semantics = [#tpu.dimension_semantics<core_parallel>, #tpu.dimension_semantics<subcore_parallel>], iteration_bounds = array<i64: 2, 16>, scalar_prefetch = 0 : i64, scratch_operands = 7 : i64, tpu.core_type = #tpu.core_type<sc_vector_subcore>, window_params = [{transform_indices = #map}, {transform_indices = #map1}, {transform_indices = #map}, {transform_indices = #map2}]} {
    %mul3A = arith.constant 16 : i32
    %mul3A_0 = arith.muli %arg0, %mul3A : i32
    %add3A = arith.addi %mul3A_0, %arg1 : i32
    %mul3A_1 = arith.constant 632 : i32
    %mul3A_2 = arith.muli %arg1, %mul3A_1 : i32
    "tpu.region"() ({
      %run_scoped3A_138 = tpu.sem_alloc : memref<!tpu.dma_semaphore, #tpu.memory_space<semaphore_mem>>
      %dma_start3A_139 = arith.constant 0 : i32
      %dma_start3A_140 = tpu.memref_slice %arg9[%mul3A_2, %dma_start3A_139] : memref<10112x16xf32, #tpu.memory_space<vmem_shared>> -> memref<632x16xf32, #tpu.memory_space<vmem_shared>>
      tpu.enqueue_dma source(%arg2 : memref<632x16xf32, #tpu.memory_space<hbm>>) target(%dma_start3A_140 : memref<632x16xf32, #tpu.memory_space<vmem_shared>>) target_semaphore(%run_scoped3A_138 : memref<!tpu.dma_semaphore, #tpu.memory_space<semaphore_mem>>)
      %dma_wait3A_141 = arith.constant 0 : i32
      %dma_wait3A_142 = tpu.memref_slice %arg9[%mul3A_2, %dma_wait3A_141] : memref<10112x16xf32, #tpu.memory_space<vmem_shared>> -> memref<632x16xf32, #tpu.memory_space<vmem_shared>>
      tpu.wait_dma2 semaphore(%run_scoped3A_138 : memref<!tpu.dma_semaphore, #tpu.memory_space<semaphore_mem>>) src(%arg2 : memref<632x16xf32, #tpu.memory_space<hbm>>) dst(%dma_wait3A_142 : memref<632x16xf32, #tpu.memory_space<vmem_shared>>)
      tpu.yield
    }) : () -> ()
    %run_scoped3A = arith.constant 0 : i32
    "tpu.region"() ({
      %run_scoped3A_138 = tpu.sem_alloc : memref<!tpu.dma_semaphore, #tpu.memory_space<semaphore_mem>>
      %dma_start3A_139 = arith.constant 0 : i32
      %dma_start3A_140 = arith.constant 0 : i32
      %dma_start3A_141 = tpu.memref_slice %arg3[%run_scoped3A, %add3A, %dma_start3A_139, %dma_start3A_140] : memref<2x32x80x125xi32, #tpu.memory_space<hbm>> -> memref<1x1x80x125xi32, #tpu.memory_space<hbm>>
      %dma_start3A_142 = tpu.memref_squeeze %dma_start3A_141 : memref<1x1x80x125xi32, #tpu.memory_space<hbm>> -> memref<80x125xi32, #tpu.memory_space<hbm>>
      %dma_start3A_143 = arith.constant 0 : i32
      %dma_start3A_144 = arith.constant 0 : i32
      %dma_start3A_145 = tpu.memref_slice %arg3[%run_scoped3A, %add3A, %dma_start3A_143, %dma_start3A_144] : memref<2x32x80x125xi32, #tpu.memory_space<hbm>> -> memref<1x1x80x125xi32, #tpu.memory_space<hbm>>
      %dma_start3A_146 = tpu.memref_squeeze %dma_start3A_145 : memref<1x1x80x125xi32, #tpu.memory_space<hbm>> -> memref<80x125xi32, #tpu.memory_space<hbm>>
      tpu.enqueue_dma source(%dma_start3A_146 : memref<80x125xi32, #tpu.memory_space<hbm>>) target(%arg6 : memref<80x125xi32, #tpu.memory_space<vmem>>) target_semaphore(%run_scoped3A_138 : memref<!tpu.dma_semaphore, #tpu.memory_space<semaphore_mem>>)
      %dma_wait3A_147 = arith.constant 0 : i32
      %dma_wait3A_148 = arith.constant 0 : i32
      %dma_wait3A_149 = tpu.memref_slice %arg3[%run_scoped3A, %add3A, %dma_wait3A_147, %dma_wait3A_148] : memref<2x32x80x125xi32, #tpu.memory_space<hbm>> -> memref<1x1x80x125xi32, #tpu.memory_space<hbm>>
      %dma_wait3A_150 = tpu.memref_squeeze %dma_wait3A_149 : memref<1x1x80x125xi32, #tpu.memory_space<hbm>> -> memref<80x125xi32, #tpu.memory_space<hbm>>
      %dma_wait3A_151 = arith.constant 0 : i32
      %dma_wait3A_152 = arith.constant 0 : i32
      %dma_wait3A_153 = tpu.memref_slice %arg3[%run_scoped3A, %add3A, %dma_wait3A_151, %dma_wait3A_152] : memref<2x32x80x125xi32, #tpu.memory_space<hbm>> -> memref<1x1x80x125xi32, #tpu.memory_space<hbm>>
      %dma_wait3A_154 = tpu.memref_squeeze %dma_wait3A_153 : memref<1x1x80x125xi32, #tpu.memory_space<hbm>> -> memref<80x125xi32, #tpu.memory_space<hbm>>
      tpu.wait_dma2 semaphore(%run_scoped3A_138 : memref<!tpu.dma_semaphore, #tpu.memory_space<semaphore_mem>>) src(%dma_wait3A_154 : memref<80x125xi32, #tpu.memory_space<hbm>>) dst(%arg6 : memref<80x125xi32, #tpu.memory_space<vmem>>)
      tpu.yield
    }) : () -> ()
    %run_scoped3A_3 = arith.constant 1 : i32
    "tpu.region"() ({
      %run_scoped3A_138 = tpu.sem_alloc : memref<!tpu.dma_semaphore, #tpu.memory_space<semaphore_mem>>
      %dma_start3A_139 = arith.constant 0 : i32
      %dma_start3A_140 = arith.constant 0 : i32
      %dma_start3A_141 = tpu.memref_slice %arg3[%run_scoped3A_3, %add3A, %dma_start3A_139, %dma_start3A_140] : memref<2x32x80x125xi32, #tpu.memory_space<hbm>> -> memref<1x1x80x125xi32, #tpu.memory_space<hbm>>
      %dma_start3A_142 = tpu.memref_squeeze %dma_start3A_141 : memref<1x1x80x125xi32, #tpu.memory_space<hbm>> -> memref<80x125xi32, #tpu.memory_space<hbm>>
      %dma_start3A_143 = arith.constant 0 : i32
      %dma_start3A_144 = arith.constant 0 : i32
      %dma_start3A_145 = tpu.memref_slice %arg3[%run_scoped3A_3, %add3A, %dma_start3A_143, %dma_start3A_144] : memref<2x32x80x125xi32, #tpu.memory_space<hbm>> -> memref<1x1x80x125xi32, #tpu.memory_space<hbm>>
      %dma_start3A_146 = tpu.memref_squeeze %dma_start3A_145 : memref<1x1x80x125xi32, #tpu.memory_space<hbm>> -> memref<80x125xi32, #tpu.memory_space<hbm>>
      tpu.enqueue_dma source(%dma_start3A_146 : memref<80x125xi32, #tpu.memory_space<hbm>>) target(%arg7 : memref<80x125xi32, #tpu.memory_space<vmem>>) target_semaphore(%run_scoped3A_138 : memref<!tpu.dma_semaphore, #tpu.memory_space<semaphore_mem>>)
      %dma_wait3A_147 = arith.constant 0 : i32
      %dma_wait3A_148 = arith.constant 0 : i32
      %dma_wait3A_149 = tpu.memref_slice %arg3[%run_scoped3A_3, %add3A, %dma_wait3A_147, %dma_wait3A_148] : memref<2x32x80x125xi32, #tpu.memory_space<hbm>> -> memref<1x1x80x125xi32, #tpu.memory_space<hbm>>
      %dma_wait3A_150 = tpu.memref_squeeze %dma_wait3A_149 : memref<1x1x80x125xi32, #tpu.memory_space<hbm>> -> memref<80x125xi32, #tpu.memory_space<hbm>>
      %dma_wait3A_151 = arith.constant 0 : i32
      %dma_wait3A_152 = arith.constant 0 : i32
      %dma_wait3A_153 = tpu.memref_slice %arg3[%run_scoped3A_3, %add3A, %dma_wait3A_151, %dma_wait3A_152] : memref<2x32x80x125xi32, #tpu.memory_space<hbm>> -> memref<1x1x80x125xi32, #tpu.memory_space<hbm>>
      %dma_wait3A_154 = tpu.memref_squeeze %dma_wait3A_153 : memref<1x1x80x125xi32, #tpu.memory_space<hbm>> -> memref<80x125xi32, #tpu.memory_space<hbm>>
      tpu.wait_dma2 semaphore(%run_scoped3A_138 : memref<!tpu.dma_semaphore, #tpu.memory_space<semaphore_mem>>) src(%dma_wait3A_154 : memref<80x125xi32, #tpu.memory_space<hbm>>) dst(%arg7 : memref<80x125xi32, #tpu.memory_space<vmem>>)
      tpu.yield
    }) : () -> ()
    %lt3A = arith.constant 15 : i32
    %lt3A_4 = arith.cmpi slt, %arg1, %lt3A : i32
    %convert_element_type3A = arith.extui %lt3A_4 : i1 to i32
    %cond3A = arith.constant 0 : i32
    %cond3A_5 = arith.cmpi ne, %convert_element_type3A, %cond3A : i32
    scf.if %cond3A_5 {
      %mul3A_138 = arith.constant 632 : i32
      %mul3A_139 = arith.muli %arg1, %mul3A_138 : i32
      %mul3A_140 = arith.constant 632 : i32
      %mul3A_141 = arith.muli %arg1, %mul3A_140 : i32
      "tpu.region"() ({
        %run_scoped3A_142 = tpu.sem_alloc : memref<!tpu.dma_semaphore, #tpu.memory_space<semaphore_mem>>
        %dma_start3A_143 = arith.constant 0 : i32
        %dma_start3A_144 = tpu.memref_slice %arg10[%mul3A_141, %dma_start3A_143] : memref<10000x16xf32, #tpu.memory_space<vmem_shared>> -> memref<632x16xf32, #tpu.memory_space<vmem_shared>>
        %dma_start3A_145 = arith.constant 0 : i32
        %dma_start3A_146 = tpu.memref_slice %arg4[%mul3A_139, %dma_start3A_145] : memref<10000x16xf32, #tpu.memory_space<hbm>> -> memref<632x16xf32, #tpu.memory_space<hbm>>
        tpu.enqueue_dma source(%dma_start3A_146 : memref<632x16xf32, #tpu.memory_space<hbm>>) target(%dma_start3A_144 : memref<632x16xf32, #tpu.memory_space<vmem_shared>>) target_semaphore(%run_scoped3A_142 : memref<!tpu.dma_semaphore, #tpu.memory_space<semaphore_mem>>)
        %dma_wait3A_147 = arith.constant 0 : i32
        %dma_wait3A_148 = tpu.memref_slice %arg10[%mul3A_141, %dma_wait3A_147] : memref<10000x16xf32, #tpu.memory_space<vmem_shared>> -> memref<632x16xf32, #tpu.memory_space<vmem_shared>>
        %dma_wait3A_149 = arith.constant 0 : i32
        %dma_wait3A_150 = tpu.memref_slice %arg4[%mul3A_139, %dma_wait3A_149] : memref<10000x16xf32, #tpu.memory_space<hbm>> -> memref<632x16xf32, #tpu.memory_space<hbm>>
        tpu.wait_dma2 semaphore(%run_scoped3A_142 : memref<!tpu.dma_semaphore, #tpu.memory_space<semaphore_mem>>) src(%dma_wait3A_150 : memref<632x16xf32, #tpu.memory_space<hbm>>) dst(%dma_wait3A_148 : memref<632x16xf32, #tpu.memory_space<vmem_shared>>)
        tpu.yield
      }) : () -> ()
    } else {
    }
    %eq3A = arith.constant 15 : i32
    %eq3A_6 = arith.cmpi eq, %arg1, %eq3A : i32
    %convert_element_type3A_7 = arith.extui %eq3A_6 : i1 to i32
    %cond3A_8 = arith.constant 0 : i32
    %cond3A_9 = arith.cmpi ne, %convert_element_type3A_7, %cond3A_8 : i32
    scf.if %cond3A_9 {
      "tpu.region"() ({
        %run_scoped3A_138 = tpu.sem_alloc : memref<!tpu.dma_semaphore, #tpu.memory_space<semaphore_mem>>
        %dma_start3A_139 = arith.constant 9480 : i32
        %dma_start3A_140 = arith.constant 0 : i32
        %dma_start3A_141 = tpu.memref_slice %arg10[%dma_start3A_139, %dma_start3A_140] : memref<10000x16xf32, #tpu.memory_space<vmem_shared>> -> memref<520x16xf32, #tpu.memory_space<vmem_shared>>
        %dma_start3A_142 = arith.constant 9480 : i32
        %dma_start3A_143 = arith.constant 0 : i32
        %dma_start3A_144 = tpu.memref_slice %arg4[%dma_start3A_142, %dma_start3A_143] : memref<10000x16xf32, #tpu.memory_space<hbm>> -> memref<520x16xf32, #tpu.memory_space<hbm>>
        tpu.enqueue_dma source(%dma_start3A_144 : memref<520x16xf32, #tpu.memory_space<hbm>>) target(%dma_start3A_141 : memref<520x16xf32, #tpu.memory_space<vmem_shared>>) target_semaphore(%run_scoped3A_138 : memref<!tpu.dma_semaphore, #tpu.memory_space<semaphore_mem>>)
        %dma_wait3A_145 = arith.constant 9480 : i32
        %dma_wait3A_146 = arith.constant 0 : i32
        %dma_wait3A_147 = tpu.memref_slice %arg10[%dma_wait3A_145, %dma_wait3A_146] : memref<10000x16xf32, #tpu.memory_space<vmem_shared>> -> memref<520x16xf32, #tpu.memory_space<vmem_shared>>
        %dma_wait3A_148 = arith.constant 9480 : i32
        %dma_wait3A_149 = arith.constant 0 : i32
        %dma_wait3A_150 = tpu.memref_slice %arg4[%dma_wait3A_148, %dma_wait3A_149] : memref<10000x16xf32, #tpu.memory_space<hbm>> -> memref<520x16xf32, #tpu.memory_space<hbm>>
        tpu.wait_dma2 semaphore(%run_scoped3A_138 : memref<!tpu.dma_semaphore, #tpu.memory_space<semaphore_mem>>) src(%dma_wait3A_150 : memref<520x16xf32, #tpu.memory_space<hbm>>) dst(%dma_wait3A_147 : memref<520x16xf32, #tpu.memory_space<vmem_shared>>)
        tpu.yield
      }) : () -> ()
    } else {
    }
    %barrier3A = arith.constant 0 : index
    tpu.barrier barrier_id(%barrier3A)
    %dma_start3A = arith.constant 0 : i32
    %dma_start3A_10 = arith.constant 0 : i32
    %dma_start3A_11 = arith.constant 0 : i32
    %dma_start3A_12 = arith.constant 0 : i32
    %dma_start3A_13 = arith.constant 0 : i32
    %dma_start3A_14 = tpu.memref_slice %arg8[%dma_start3A_10, %dma_start3A_12, %dma_start3A_13] : memref<8x125x16xf32, #tpu.memory_space<vmem>> -> memref<1x125x16xf32, #tpu.memory_space<vmem>>
    %dma_start3A_15 = tpu.memref_squeeze %dma_start3A_14 : memref<1x125x16xf32, #tpu.memory_space<vmem>> -> memref<125x16xf32, #tpu.memory_space<vmem>>
    %dma_start3A_16 = arith.constant 0 : i32
    %dma_start3A_17 = tpu.memref_slice %arg6[%dma_start3A, %dma_start3A_16] : memref<80x125xi32, #tpu.memory_space<vmem>> -> memref<1x125xi32, #tpu.memory_space<vmem>>
    %dma_start3A_18 = tpu.memref_squeeze %dma_start3A_17 : memref<1x125xi32, #tpu.memory_space<vmem>> -> memref<125xi32, #tpu.memory_space<vmem>>
    %dma_start3A_19 = arith.constant 0 : i32
    %dma_start3A_20 = arith.constant 0 : i32
    %dma_start3A_21 = tpu.memref_slice %arg10[%dma_start3A_19, %dma_start3A_20] : memref<10000x16xf32, #tpu.memory_space<vmem_shared>> -> memref<10000x16xf32, #tpu.memory_space<vmem_shared>>
    %dma_start3A_22 = tpu.memref_slice %arg11[%dma_start3A_11] : memref<8x!tpu.dma_semaphore, #tpu.memory_space<semaphore_mem>> -> memref<1x!tpu.dma_semaphore, #tpu.memory_space<semaphore_mem>>
    %dma_start3A_23 = tpu.memref_squeeze %dma_start3A_22 : memref<1x!tpu.dma_semaphore, #tpu.memory_space<semaphore_mem>> -> memref<!tpu.dma_semaphore, #tpu.memory_space<semaphore_mem>>
    tpu.enqueue_indirect_dma source(%dma_start3A_21 : memref<10000x16xf32, #tpu.memory_space<vmem_shared>>) target(%dma_start3A_15 : memref<125x16xf32, #tpu.memory_space<vmem>>) offsets(%dma_start3A_18 : memref<125xi32, #tpu.memory_space<vmem>>) semaphore(%dma_start3A_23 : memref<!tpu.dma_semaphore, #tpu.memory_space<semaphore_mem>>)
    %dma_start3A_24 = arith.constant 1 : i32
    %dma_start3A_25 = arith.constant 1 : i32
    %dma_start3A_26 = arith.constant 1 : i32
    %dma_start3A_27 = arith.constant 0 : i32
    %dma_start3A_28 = arith.constant 0 : i32
    %dma_start3A_29 = tpu.memref_slice %arg8[%dma_start3A_25, %dma_start3A_27, %dma_start3A_28] : memref<8x125x16xf32, #tpu.memory_space<vmem>> -> memref<1x125x16xf32, #tpu.memory_space<vmem>>
    %dma_start3A_30 = tpu.memref_squeeze %dma_start3A_29 : memref<1x125x16xf32, #tpu.memory_space<vmem>> -> memref<125x16xf32, #tpu.memory_space<vmem>>
    %dma_start3A_31 = arith.constant 0 : i32
    %dma_start3A_32 = tpu.memref_slice %arg6[%dma_start3A_24, %dma_start3A_31] : memref<80x125xi32, #tpu.memory_space<vmem>> -> memref<1x125xi32, #tpu.memory_space<vmem>>
    %dma_start3A_33 = tpu.memref_squeeze %dma_start3A_32 : memref<1x125xi32, #tpu.memory_space<vmem>> -> memref<125xi32, #tpu.memory_space<vmem>>
    %dma_start3A_34 = arith.constant 0 : i32
    %dma_start3A_35 = arith.constant 0 : i32
    %dma_start3A_36 = tpu.memref_slice %arg10[%dma_start3A_34, %dma_start3A_35] : memref<10000x16xf32, #tpu.memory_space<vmem_shared>> -> memref<10000x16xf32, #tpu.memory_space<vmem_shared>>
    %dma_start3A_37 = tpu.memref_slice %arg11[%dma_start3A_26] : memref<8x!tpu.dma_semaphore, #tpu.memory_space<semaphore_mem>> -> memref<1x!tpu.dma_semaphore, #tpu.memory_space<semaphore_mem>>
    %dma_start3A_38 = tpu.memref_squeeze %dma_start3A_37 : memref<1x!tpu.dma_semaphore, #tpu.memory_space<semaphore_mem>> -> memref<!tpu.dma_semaphore, #tpu.memory_space<semaphore_mem>>
    tpu.enqueue_indirect_dma source(%dma_start3A_36 : memref<10000x16xf32, #tpu.memory_space<vmem_shared>>) target(%dma_start3A_30 : memref<125x16xf32, #tpu.memory_space<vmem>>) offsets(%dma_start3A_33 : memref<125xi32, #tpu.memory_space<vmem>>) semaphore(%dma_start3A_38 : memref<!tpu.dma_semaphore, #tpu.memory_space<semaphore_mem>>)
    %dma_start3A_39 = arith.constant 2 : i32
    %dma_start3A_40 = arith.constant 2 : i32
    %dma_start3A_41 = arith.constant 2 : i32
    %dma_start3A_42 = arith.constant 0 : i32
    %dma_start3A_43 = arith.constant 0 : i32
    %dma_start3A_44 = tpu.memref_slice %arg8[%dma_start3A_40, %dma_start3A_42, %dma_start3A_43] : memref<8x125x16xf32, #tpu.memory_space<vmem>> -> memref<1x125x16xf32, #tpu.memory_space<vmem>>
    %dma_start3A_45 = tpu.memref_squeeze %dma_start3A_44 : memref<1x125x16xf32, #tpu.memory_space<vmem>> -> memref<125x16xf32, #tpu.memory_space<vmem>>
    %dma_start3A_46 = arith.constant 0 : i32
    %dma_start3A_47 = tpu.memref_slice %arg6[%dma_start3A_39, %dma_start3A_46] : memref<80x125xi32, #tpu.memory_space<vmem>> -> memref<1x125xi32, #tpu.memory_space<vmem>>
    %dma_start3A_48 = tpu.memref_squeeze %dma_start3A_47 : memref<1x125xi32, #tpu.memory_space<vmem>> -> memref<125xi32, #tpu.memory_space<vmem>>
    %dma_start3A_49 = arith.constant 0 : i32
    %dma_start3A_50 = arith.constant 0 : i32
    %dma_start3A_51 = tpu.memref_slice %arg10[%dma_start3A_49, %dma_start3A_50] : memref<10000x16xf32, #tpu.memory_space<vmem_shared>> -> memref<10000x16xf32, #tpu.memory_space<vmem_shared>>
    %dma_start3A_52 = tpu.memref_slice %arg11[%dma_start3A_41] : memref<8x!tpu.dma_semaphore, #tpu.memory_space<semaphore_mem>> -> memref<1x!tpu.dma_semaphore, #tpu.memory_space<semaphore_mem>>
    %dma_start3A_53 = tpu.memref_squeeze %dma_start3A_52 : memref<1x!tpu.dma_semaphore, #tpu.memory_space<semaphore_mem>> -> memref<!tpu.dma_semaphore, #tpu.memory_space<semaphore_mem>>
    tpu.enqueue_indirect_dma source(%dma_start3A_51 : memref<10000x16xf32, #tpu.memory_space<vmem_shared>>) target(%dma_start3A_45 : memref<125x16xf32, #tpu.memory_space<vmem>>) offsets(%dma_start3A_48 : memref<125xi32, #tpu.memory_space<vmem>>) semaphore(%dma_start3A_53 : memref<!tpu.dma_semaphore, #tpu.memory_space<semaphore_mem>>)
    %dma_start3A_54 = arith.constant 3 : i32
    %dma_start3A_55 = arith.constant 3 : i32
    %dma_start3A_56 = arith.constant 3 : i32
    %dma_start3A_57 = arith.constant 0 : i32
    %dma_start3A_58 = arith.constant 0 : i32
    %dma_start3A_59 = tpu.memref_slice %arg8[%dma_start3A_55, %dma_start3A_57, %dma_start3A_58] : memref<8x125x16xf32, #tpu.memory_space<vmem>> -> memref<1x125x16xf32, #tpu.memory_space<vmem>>
    %dma_start3A_60 = tpu.memref_squeeze %dma_start3A_59 : memref<1x125x16xf32, #tpu.memory_space<vmem>> -> memref<125x16xf32, #tpu.memory_space<vmem>>
    %dma_start3A_61 = arith.constant 0 : i32
    %dma_start3A_62 = tpu.memref_slice %arg6[%dma_start3A_54, %dma_start3A_61] : memref<80x125xi32, #tpu.memory_space<vmem>> -> memref<1x125xi32, #tpu.memory_space<vmem>>
    %dma_start3A_63 = tpu.memref_squeeze %dma_start3A_62 : memref<1x125xi32, #tpu.memory_space<vmem>> -> memref<125xi32, #tpu.memory_space<vmem>>
    %dma_start3A_64 = arith.constant 0 : i32
    %dma_start3A_65 = arith.constant 0 : i32
    %dma_start3A_66 = tpu.memref_slice %arg10[%dma_start3A_64, %dma_start3A_65] : memref<10000x16xf32, #tpu.memory_space<vmem_shared>> -> memref<10000x16xf32, #tpu.memory_space<vmem_shared>>
    %dma_start3A_67 = tpu.memref_slice %arg11[%dma_start3A_56] : memref<8x!tpu.dma_semaphore, #tpu.memory_space<semaphore_mem>> -> memref<1x!tpu.dma_semaphore, #tpu.memory_space<semaphore_mem>>
    %dma_start3A_68 = tpu.memref_squeeze %dma_start3A_67 : memref<1x!tpu.dma_semaphore, #tpu.memory_space<semaphore_mem>> -> memref<!tpu.dma_semaphore, #tpu.memory_space<semaphore_mem>>
    tpu.enqueue_indirect_dma source(%dma_start3A_66 : memref<10000x16xf32, #tpu.memory_space<vmem_shared>>) target(%dma_start3A_60 : memref<125x16xf32, #tpu.memory_space<vmem>>) offsets(%dma_start3A_63 : memref<125xi32, #tpu.memory_space<vmem>>) semaphore(%dma_start3A_68 : memref<!tpu.dma_semaphore, #tpu.memory_space<semaphore_mem>>)
    %scan3A = arith.constant 0 : i32
    %scan3A_69 = arith.constant 0 : i32
    %scan3A_70 = arith.constant 10 : i32
    %scan3A_71 = arith.addi %scan3A_69, %scan3A_70 : i32
    %scan3A_72 = arith.constant 1 : i32
    scf.for %scan3A_138 = %scan3A_69 to %scan3A_71 step %scan3A_72  : i32 {
      %mul3A_139 = arith.constant 8 : i32
      %mul3A_140 = arith.muli %mul3A_139, %scan3A_138 : i32
      %add3A_141 = arith.constant 0 : i32
      %add3A_142 = arith.addi %mul3A_140, %add3A_141 : i32
      %dma_wait3A_143 = arith.constant 0 : i32
      %dma_wait3A_144 = arith.constant 0 : i32
      %dma_wait3A_145 = arith.constant 0 : i32
      %dma_wait3A_146 = arith.constant 0 : i32
      %dma_wait3A_147 = tpu.memref_slice %arg8[%dma_wait3A_143, %dma_wait3A_145, %dma_wait3A_146] : memref<8x125x16xf32, #tpu.memory_space<vmem>> -> memref<1x125x16xf32, #tpu.memory_space<vmem>>
      %dma_wait3A_148 = tpu.memref_squeeze %dma_wait3A_147 : memref<1x125x16xf32, #tpu.memory_space<vmem>> -> memref<125x16xf32, #tpu.memory_space<vmem>>
      %dma_wait3A_149 = arith.constant 0 : i32
      %dma_wait3A_150 = tpu.memref_slice %arg6[%add3A_142, %dma_wait3A_149] : memref<80x125xi32, #tpu.memory_space<vmem>> -> memref<1x125xi32, #tpu.memory_space<vmem>>
      %dma_wait3A_151 = tpu.memref_squeeze %dma_wait3A_150 : memref<1x125xi32, #tpu.memory_space<vmem>> -> memref<125xi32, #tpu.memory_space<vmem>>
      %dma_wait3A_152 = arith.constant 0 : i32
      %dma_wait3A_153 = arith.constant 0 : i32
      %dma_wait3A_154 = tpu.memref_slice %arg10[%dma_wait3A_152, %dma_wait3A_153] : memref<10000x16xf32, #tpu.memory_space<vmem_shared>> -> memref<10000x16xf32, #tpu.memory_space<vmem_shared>>
      %dma_wait3A_155 = tpu.memref_slice %arg11[%dma_wait3A_144] : memref<8x!tpu.dma_semaphore, #tpu.memory_space<semaphore_mem>> -> memref<1x!tpu.dma_semaphore, #tpu.memory_space<semaphore_mem>>
      %dma_wait3A_156 = tpu.memref_squeeze %dma_wait3A_155 : memref<1x!tpu.dma_semaphore, #tpu.memory_space<semaphore_mem>> -> memref<!tpu.dma_semaphore, #tpu.memory_space<semaphore_mem>>
      tpu.wait_indirect_dma semaphore(%dma_wait3A_156 : memref<!tpu.dma_semaphore, #tpu.memory_space<semaphore_mem>>) src(%dma_wait3A_154 : memref<10000x16xf32, #tpu.memory_space<vmem_shared>>) dst(%dma_wait3A_148 : memref<125x16xf32, #tpu.memory_space<vmem>>)
      %dma_start3A_157 = arith.constant 0 : i32
      %dma_start3A_158 = arith.constant 0 : i32
      %dma_start3A_159 = arith.constant 0 : i32
      %dma_start3A_160 = arith.constant 0 : i32
      %dma_start3A_161 = tpu.memref_slice %arg8[%dma_start3A_157, %dma_start3A_159, %dma_start3A_160] : memref<8x125x16xf32, #tpu.memory_space<vmem>> -> memref<1x125x16xf32, #tpu.memory_space<vmem>>
      %dma_start3A_162 = tpu.memref_squeeze %dma_start3A_161 : memref<1x125x16xf32, #tpu.memory_space<vmem>> -> memref<125x16xf32, #tpu.memory_space<vmem>>
      %dma_start3A_163 = arith.constant 0 : i32
      %dma_start3A_164 = tpu.memref_slice %arg7[%add3A_142, %dma_start3A_163] : memref<80x125xi32, #tpu.memory_space<vmem>> -> memref<1x125xi32, #tpu.memory_space<vmem>>
      %dma_start3A_165 = tpu.memref_squeeze %dma_start3A_164 : memref<1x125xi32, #tpu.memory_space<vmem>> -> memref<125xi32, #tpu.memory_space<vmem>>
      %dma_start3A_166 = arith.constant 0 : i32
      %dma_start3A_167 = arith.constant 0 : i32
      %dma_start3A_168 = tpu.memref_slice %arg9[%dma_start3A_166, %dma_start3A_167] : memref<10112x16xf32, #tpu.memory_space<vmem_shared>> -> memref<10112x16xf32, #tpu.memory_space<vmem_shared>>
      %dma_start3A_169 = tpu.memref_slice %arg12[%dma_start3A_158] : memref<8x!tpu.dma_semaphore, #tpu.memory_space<semaphore_mem>> -> memref<1x!tpu.dma_semaphore, #tpu.memory_space<semaphore_mem>>
      %dma_start3A_170 = tpu.memref_squeeze %dma_start3A_169 : memref<1x!tpu.dma_semaphore, #tpu.memory_space<semaphore_mem>> -> memref<!tpu.dma_semaphore, #tpu.memory_space<semaphore_mem>>
      tpu.enqueue_indirect_dma source(%dma_start3A_162 : memref<125x16xf32, #tpu.memory_space<vmem>>) target(%dma_start3A_168 : memref<10112x16xf32, #tpu.memory_space<vmem_shared>>) offsets(%dma_start3A_165 : memref<125xi32, #tpu.memory_space<vmem>>) semaphore(%dma_start3A_170 : memref<!tpu.dma_semaphore, #tpu.memory_space<semaphore_mem>>) {add = true}
      %ge3A = arith.constant 4 : i32
      %ge3A_171 = arith.cmpi sge, %add3A_142, %ge3A : i32
      %convert_element_type3A_172 = arith.extui %ge3A_171 : i1 to i32
      %cond3A_173 = arith.constant 0 : i32
      %cond3A_174 = arith.cmpi ne, %convert_element_type3A_172, %cond3A_173 : i32
      scf.if %cond3A_174 {
        %dma_wait3A_490 = arith.constant 4 : i32
        %dma_wait3A_491 = arith.constant 0 : i32
        %dma_wait3A_492 = arith.constant 4 : i32
        %dma_wait3A_493 = arith.constant 0 : i32
        %dma_wait3A_494 = arith.constant 0 : i32
        %dma_wait3A_495 = tpu.memref_slice %arg8[%dma_wait3A_490, %dma_wait3A_493, %dma_wait3A_494] : memref<8x125x16xf32, #tpu.memory_space<vmem>> -> memref<1x125x16xf32, #tpu.memory_space<vmem>>
        %dma_wait3A_496 = tpu.memref_squeeze %dma_wait3A_495 : memref<1x125x16xf32, #tpu.memory_space<vmem>> -> memref<125x16xf32, #tpu.memory_space<vmem>>
        %dma_wait3A_497 = arith.constant 0 : i32
        %dma_wait3A_498 = tpu.memref_slice %arg7[%dma_wait3A_491, %dma_wait3A_497] : memref<80x125xi32, #tpu.memory_space<vmem>> -> memref<1x125xi32, #tpu.memory_space<vmem>>
        %dma_wait3A_499 = tpu.memref_squeeze %dma_wait3A_498 : memref<1x125xi32, #tpu.memory_space<vmem>> -> memref<125xi32, #tpu.memory_space<vmem>>
        %dma_wait3A_500 = arith.constant 0 : i32
        %dma_wait3A_501 = arith.constant 0 : i32
        %dma_wait3A_502 = tpu.memref_slice %arg9[%dma_wait3A_500, %dma_wait3A_501] : memref<10112x16xf32, #tpu.memory_space<vmem_shared>> -> memref<10112x16xf32, #tpu.memory_space<vmem_shared>>
        %dma_wait3A_503 = tpu.memref_slice %arg12[%dma_wait3A_492] : memref<8x!tpu.dma_semaphore, #tpu.memory_space<semaphore_mem>> -> memref<1x!tpu.dma_semaphore, #tpu.memory_space<semaphore_mem>>
        %dma_wait3A_504 = tpu.memref_squeeze %dma_wait3A_503 : memref<1x!tpu.dma_semaphore, #tpu.memory_space<semaphore_mem>> -> memref<!tpu.dma_semaphore, #tpu.memory_space<semaphore_mem>>
        tpu.wait_indirect_dma semaphore(%dma_wait3A_504 : memref<!tpu.dma_semaphore, #tpu.memory_space<semaphore_mem>>) src(%dma_wait3A_496 : memref<125x16xf32, #tpu.memory_space<vmem>>) dst(%dma_wait3A_502 : memref<10112x16xf32, #tpu.memory_space<vmem_shared>>)
      } else {
      }
      %add3A_175 = arith.constant 4 : i32
      %add3A_176 = arith.addi %add3A_142, %add3A_175 : i32
      %lt3A_177 = arith.constant 80 : i32
      %lt3A_178 = arith.cmpi slt, %add3A_176, %lt3A_177 : i32
      %convert_element_type3A_179 = arith.extui %lt3A_178 : i1 to i32
      %cond3A_180 = arith.constant 0 : i32
      %cond3A_181 = arith.cmpi ne, %convert_element_type3A_179, %cond3A_180 : i32
      scf.if %cond3A_181 {
        %add3A_490 = arith.constant 4 : i32
        %add3A_491 = arith.addi %add3A_142, %add3A_490 : i32
        %dma_start3A_492 = arith.constant 4 : i32
        %dma_start3A_493 = arith.constant 4 : i32
        %dma_start3A_494 = arith.constant 0 : i32
        %dma_start3A_495 = arith.constant 0 : i32
        %dma_start3A_496 = tpu.memref_slice %arg8[%dma_start3A_492, %dma_start3A_494, %dma_start3A_495] : memref<8x125x16xf32, #tpu.memory_space<vmem>> -> memref<1x125x16xf32, #tpu.memory_space<vmem>>
        %dma_start3A_497 = tpu.memref_squeeze %dma_start3A_496 : memref<1x125x16xf32, #tpu.memory_space<vmem>> -> memref<125x16xf32, #tpu.memory_space<vmem>>
        %dma_start3A_498 = arith.constant 0 : i32
        %dma_start3A_499 = tpu.memref_slice %arg6[%add3A_491, %dma_start3A_498] : memref<80x125xi32, #tpu.memory_space<vmem>> -> memref<1x125xi32, #tpu.memory_space<vmem>>
        %dma_start3A_500 = tpu.memref_squeeze %dma_start3A_499 : memref<1x125xi32, #tpu.memory_space<vmem>> -> memref<125xi32, #tpu.memory_space<vmem>>
        %dma_start3A_501 = arith.constant 0 : i32
        %dma_start3A_502 = arith.constant 0 : i32
        %dma_start3A_503 = tpu.memref_slice %arg10[%dma_start3A_501, %dma_start3A_502] : memref<10000x16xf32, #tpu.memory_space<vmem_shared>> -> memref<10000x16xf32, #tpu.memory_space<vmem_shared>>
        %dma_start3A_504 = tpu.memref_slice %arg11[%dma_start3A_493] : memref<8x!tpu.dma_semaphore, #tpu.memory_space<semaphore_mem>> -> memref<1x!tpu.dma_semaphore, #tpu.memory_space<semaphore_mem>>
        %dma_start3A_505 = tpu.memref_squeeze %dma_start3A_504 : memref<1x!tpu.dma_semaphore, #tpu.memory_space<semaphore_mem>> -> memref<!tpu.dma_semaphore, #tpu.memory_space<semaphore_mem>>
        tpu.enqueue_indirect_dma source(%dma_start3A_503 : memref<10000x16xf32, #tpu.memory_space<vmem_shared>>) target(%dma_start3A_497 : memref<125x16xf32, #tpu.memory_space<vmem>>) offsets(%dma_start3A_500 : memref<125xi32, #tpu.memory_space<vmem>>) semaphore(%dma_start3A_505 : memref<!tpu.dma_semaphore, #tpu.memory_space<semaphore_mem>>)
      } else {
      }
      %mul3A_182 = arith.constant 8 : i32
      %mul3A_183 = arith.muli %mul3A_182, %scan3A_138 : i32
      %add3A_184 = arith.constant 1 : i32
      %add3A_185 = arith.addi %mul3A_183, %add3A_184 : i32
      %dma_wait3A_186 = arith.constant 1 : i32
      %dma_wait3A_187 = arith.constant 1 : i32
      %dma_wait3A_188 = arith.constant 0 : i32
      %dma_wait3A_189 = arith.constant 0 : i32
      %dma_wait3A_190 = tpu.memref_slice %arg8[%dma_wait3A_186, %dma_wait3A_188, %dma_wait3A_189] : memref<8x125x16xf32, #tpu.memory_space<vmem>> -> memref<1x125x16xf32, #tpu.memory_space<vmem>>
      %dma_wait3A_191 = tpu.memref_squeeze %dma_wait3A_190 : memref<1x125x16xf32, #tpu.memory_space<vmem>> -> memref<125x16xf32, #tpu.memory_space<vmem>>
      %dma_wait3A_192 = arith.constant 0 : i32
      %dma_wait3A_193 = tpu.memref_slice %arg6[%add3A_185, %dma_wait3A_192] : memref<80x125xi32, #tpu.memory_space<vmem>> -> memref<1x125xi32, #tpu.memory_space<vmem>>
      %dma_wait3A_194 = tpu.memref_squeeze %dma_wait3A_193 : memref<1x125xi32, #tpu.memory_space<vmem>> -> memref<125xi32, #tpu.memory_space<vmem>>
      %dma_wait3A_195 = arith.constant 0 : i32
      %dma_wait3A_196 = arith.constant 0 : i32
      %dma_wait3A_197 = tpu.memref_slice %arg10[%dma_wait3A_195, %dma_wait3A_196] : memref<10000x16xf32, #tpu.memory_space<vmem_shared>> -> memref<10000x16xf32, #tpu.memory_space<vmem_shared>>
      %dma_wait3A_198 = tpu.memref_slice %arg11[%dma_wait3A_187] : memref<8x!tpu.dma_semaphore, #tpu.memory_space<semaphore_mem>> -> memref<1x!tpu.dma_semaphore, #tpu.memory_space<semaphore_mem>>
      %dma_wait3A_199 = tpu.memref_squeeze %dma_wait3A_198 : memref<1x!tpu.dma_semaphore, #tpu.memory_space<semaphore_mem>> -> memref<!tpu.dma_semaphore, #tpu.memory_space<semaphore_mem>>
      tpu.wait_indirect_dma semaphore(%dma_wait3A_199 : memref<!tpu.dma_semaphore, #tpu.memory_space<semaphore_mem>>) src(%dma_wait3A_197 : memref<10000x16xf32, #tpu.memory_space<vmem_shared>>) dst(%dma_wait3A_191 : memref<125x16xf32, #tpu.memory_space<vmem>>)
      %dma_start3A_200 = arith.constant 1 : i32
      %dma_start3A_201 = arith.constant 1 : i32
      %dma_start3A_202 = arith.constant 0 : i32
      %dma_start3A_203 = arith.constant 0 : i32
      %dma_start3A_204 = tpu.memref_slice %arg8[%dma_start3A_200, %dma_start3A_202, %dma_start3A_203] : memref<8x125x16xf32, #tpu.memory_space<vmem>> -> memref<1x125x16xf32, #tpu.memory_space<vmem>>
      %dma_start3A_205 = tpu.memref_squeeze %dma_start3A_204 : memref<1x125x16xf32, #tpu.memory_space<vmem>> -> memref<125x16xf32, #tpu.memory_space<vmem>>
      %dma_start3A_206 = arith.constant 0 : i32
      %dma_start3A_207 = tpu.memref_slice %arg7[%add3A_185, %dma_start3A_206] : memref<80x125xi32, #tpu.memory_space<vmem>> -> memref<1x125xi32, #tpu.memory_space<vmem>>
      %dma_start3A_208 = tpu.memref_squeeze %dma_start3A_207 : memref<1x125xi32, #tpu.memory_space<vmem>> -> memref<125xi32, #tpu.memory_space<vmem>>
      %dma_start3A_209 = arith.constant 0 : i32
      %dma_start3A_210 = arith.constant 0 : i32
      %dma_start3A_211 = tpu.memref_slice %arg9[%dma_start3A_209, %dma_start3A_210] : memref<10112x16xf32, #tpu.memory_space<vmem_shared>> -> memref<10112x16xf32, #tpu.memory_space<vmem_shared>>
      %dma_start3A_212 = tpu.memref_slice %arg12[%dma_start3A_201] : memref<8x!tpu.dma_semaphore, #tpu.memory_space<semaphore_mem>> -> memref<1x!tpu.dma_semaphore, #tpu.memory_space<semaphore_mem>>
      %dma_start3A_213 = tpu.memref_squeeze %dma_start3A_212 : memref<1x!tpu.dma_semaphore, #tpu.memory_space<semaphore_mem>> -> memref<!tpu.dma_semaphore, #tpu.memory_space<semaphore_mem>>
      tpu.enqueue_indirect_dma source(%dma_start3A_205 : memref<125x16xf32, #tpu.memory_space<vmem>>) target(%dma_start3A_211 : memref<10112x16xf32, #tpu.memory_space<vmem_shared>>) offsets(%dma_start3A_208 : memref<125xi32, #tpu.memory_space<vmem>>) semaphore(%dma_start3A_213 : memref<!tpu.dma_semaphore, #tpu.memory_space<semaphore_mem>>) {add = true}
      %ge3A_214 = arith.constant 4 : i32
      %ge3A_215 = arith.cmpi sge, %add3A_185, %ge3A_214 : i32
      %convert_element_type3A_216 = arith.extui %ge3A_215 : i1 to i32
      %cond3A_217 = arith.constant 0 : i32
      %cond3A_218 = arith.cmpi ne, %convert_element_type3A_216, %cond3A_217 : i32
      scf.if %cond3A_218 {
        %dma_wait3A_490 = arith.constant 5 : i32
        %dma_wait3A_491 = arith.constant 0 : i32
        %dma_wait3A_492 = arith.constant 5 : i32
        %dma_wait3A_493 = arith.constant 0 : i32
        %dma_wait3A_494 = arith.constant 0 : i32
        %dma_wait3A_495 = tpu.memref_slice %arg8[%dma_wait3A_490, %dma_wait3A_493, %dma_wait3A_494] : memref<8x125x16xf32, #tpu.memory_space<vmem>> -> memref<1x125x16xf32, #tpu.memory_space<vmem>>
        %dma_wait3A_496 = tpu.memref_squeeze %dma_wait3A_495 : memref<1x125x16xf32, #tpu.memory_space<vmem>> -> memref<125x16xf32, #tpu.memory_space<vmem>>
        %dma_wait3A_497 = arith.constant 0 : i32
        %dma_wait3A_498 = tpu.memref_slice %arg7[%dma_wait3A_491, %dma_wait3A_497] : memref<80x125xi32, #tpu.memory_space<vmem>> -> memref<1x125xi32, #tpu.memory_space<vmem>>
        %dma_wait3A_499 = tpu.memref_squeeze %dma_wait3A_498 : memref<1x125xi32, #tpu.memory_space<vmem>> -> memref<125xi32, #tpu.memory_space<vmem>>
        %dma_wait3A_500 = arith.constant 0 : i32
        %dma_wait3A_501 = arith.constant 0 : i32
        %dma_wait3A_502 = tpu.memref_slice %arg9[%dma_wait3A_500, %dma_wait3A_501] : memref<10112x16xf32, #tpu.memory_space<vmem_shared>> -> memref<10112x16xf32, #tpu.memory_space<vmem_shared>>
        %dma_wait3A_503 = tpu.memref_slice %arg12[%dma_wait3A_492] : memref<8x!tpu.dma_semaphore, #tpu.memory_space<semaphore_mem>> -> memref<1x!tpu.dma_semaphore, #tpu.memory_space<semaphore_mem>>
        %dma_wait3A_504 = tpu.memref_squeeze %dma_wait3A_503 : memref<1x!tpu.dma_semaphore, #tpu.memory_space<semaphore_mem>> -> memref<!tpu.dma_semaphore, #tpu.memory_space<semaphore_mem>>
        tpu.wait_indirect_dma semaphore(%dma_wait3A_504 : memref<!tpu.dma_semaphore, #tpu.memory_space<semaphore_mem>>) src(%dma_wait3A_496 : memref<125x16xf32, #tpu.memory_space<vmem>>) dst(%dma_wait3A_502 : memref<10112x16xf32, #tpu.memory_space<vmem_shared>>)
      } else {
      }
      %add3A_219 = arith.constant 4 : i32
      %add3A_220 = arith.addi %add3A_185, %add3A_219 : i32
      %lt3A_221 = arith.constant 80 : i32
      %lt3A_222 = arith.cmpi slt, %add3A_220, %lt3A_221 : i32
      %convert_element_type3A_223 = arith.extui %lt3A_222 : i1 to i32
      %cond3A_224 = arith.constant 0 : i32
      %cond3A_225 = arith.cmpi ne, %convert_element_type3A_223, %cond3A_224 : i32
      scf.if %cond3A_225 {
        %add3A_490 = arith.constant 4 : i32
        %add3A_491 = arith.addi %add3A_185, %add3A_490 : i32
        %dma_start3A_492 = arith.constant 5 : i32
        %dma_start3A_493 = arith.constant 5 : i32
        %dma_start3A_494 = arith.constant 0 : i32
        %dma_start3A_495 = arith.constant 0 : i32
        %dma_start3A_496 = tpu.memref_slice %arg8[%dma_start3A_492, %dma_start3A_494, %dma_start3A_495] : memref<8x125x16xf32, #tpu.memory_space<vmem>> -> memref<1x125x16xf32, #tpu.memory_space<vmem>>
        %dma_start3A_497 = tpu.memref_squeeze %dma_start3A_496 : memref<1x125x16xf32, #tpu.memory_space<vmem>> -> memref<125x16xf32, #tpu.memory_space<vmem>>
        %dma_start3A_498 = arith.constant 0 : i32
        %dma_start3A_499 = tpu.memref_slice %arg6[%add3A_491, %dma_start3A_498] : memref<80x125xi32, #tpu.memory_space<vmem>> -> memref<1x125xi32, #tpu.memory_space<vmem>>
        %dma_start3A_500 = tpu.memref_squeeze %dma_start3A_499 : memref<1x125xi32, #tpu.memory_space<vmem>> -> memref<125xi32, #tpu.memory_space<vmem>>
        %dma_start3A_501 = arith.constant 0 : i32
        %dma_start3A_502 = arith.constant 0 : i32
        %dma_start3A_503 = tpu.memref_slice %arg10[%dma_start3A_501, %dma_start3A_502] : memref<10000x16xf32, #tpu.memory_space<vmem_shared>> -> memref<10000x16xf32, #tpu.memory_space<vmem_shared>>
        %dma_start3A_504 = tpu.memref_slice %arg11[%dma_start3A_493] : memref<8x!tpu.dma_semaphore, #tpu.memory_space<semaphore_mem>> -> memref<1x!tpu.dma_semaphore, #tpu.memory_space<semaphore_mem>>
        %dma_start3A_505 = tpu.memref_squeeze %dma_start3A_504 : memref<1x!tpu.dma_semaphore, #tpu.memory_space<semaphore_mem>> -> memref<!tpu.dma_semaphore, #tpu.memory_space<semaphore_mem>>
        tpu.enqueue_indirect_dma source(%dma_start3A_503 : memref<10000x16xf32, #tpu.memory_space<vmem_shared>>) target(%dma_start3A_497 : memref<125x16xf32, #tpu.memory_space<vmem>>) offsets(%dma_start3A_500 : memref<125xi32, #tpu.memory_space<vmem>>) semaphore(%dma_start3A_505 : memref<!tpu.dma_semaphore, #tpu.memory_space<semaphore_mem>>)
      } else {
      }
      %mul3A_226 = arith.constant 8 : i32
      %mul3A_227 = arith.muli %mul3A_226, %scan3A_138 : i32
      %add3A_228 = arith.constant 2 : i32
      %add3A_229 = arith.addi %mul3A_227, %add3A_228 : i32
      %dma_wait3A_230 = arith.constant 2 : i32
      %dma_wait3A_231 = arith.constant 2 : i32
      %dma_wait3A_232 = arith.constant 0 : i32
      %dma_wait3A_233 = arith.constant 0 : i32
      %dma_wait3A_234 = tpu.memref_slice %arg8[%dma_wait3A_230, %dma_wait3A_232, %dma_wait3A_233] : memref<8x125x16xf32, #tpu.memory_space<vmem>> -> memref<1x125x16xf32, #tpu.memory_space<vmem>>
      %dma_wait3A_235 = tpu.memref_squeeze %dma_wait3A_234 : memref<1x125x16xf32, #tpu.memory_space<vmem>> -> memref<125x16xf32, #tpu.memory_space<vmem>>
      %dma_wait3A_236 = arith.constant 0 : i32
      %dma_wait3A_237 = tpu.memref_slice %arg6[%add3A_229, %dma_wait3A_236] : memref<80x125xi32, #tpu.memory_space<vmem>> -> memref<1x125xi32, #tpu.memory_space<vmem>>
      %dma_wait3A_238 = tpu.memref_squeeze %dma_wait3A_237 : memref<1x125xi32, #tpu.memory_space<vmem>> -> memref<125xi32, #tpu.memory_space<vmem>>
      %dma_wait3A_239 = arith.constant 0 : i32
      %dma_wait3A_240 = arith.constant 0 : i32
      %dma_wait3A_241 = tpu.memref_slice %arg10[%dma_wait3A_239, %dma_wait3A_240] : memref<10000x16xf32, #tpu.memory_space<vmem_shared>> -> memref<10000x16xf32, #tpu.memory_space<vmem_shared>>
      %dma_wait3A_242 = tpu.memref_slice %arg11[%dma_wait3A_231] : memref<8x!tpu.dma_semaphore, #tpu.memory_space<semaphore_mem>> -> memref<1x!tpu.dma_semaphore, #tpu.memory_space<semaphore_mem>>
      %dma_wait3A_243 = tpu.memref_squeeze %dma_wait3A_242 : memref<1x!tpu.dma_semaphore, #tpu.memory_space<semaphore_mem>> -> memref<!tpu.dma_semaphore, #tpu.memory_space<semaphore_mem>>
      tpu.wait_indirect_dma semaphore(%dma_wait3A_243 : memref<!tpu.dma_semaphore, #tpu.memory_space<semaphore_mem>>) src(%dma_wait3A_241 : memref<10000x16xf32, #tpu.memory_space<vmem_shared>>) dst(%dma_wait3A_235 : memref<125x16xf32, #tpu.memory_space<vmem>>)
      %dma_start3A_244 = arith.constant 2 : i32
      %dma_start3A_245 = arith.constant 2 : i32
      %dma_start3A_246 = arith.constant 0 : i32
      %dma_start3A_247 = arith.constant 0 : i32
      %dma_start3A_248 = tpu.memref_slice %arg8[%dma_start3A_244, %dma_start3A_246, %dma_start3A_247] : memref<8x125x16xf32, #tpu.memory_space<vmem>> -> memref<1x125x16xf32, #tpu.memory_space<vmem>>
      %dma_start3A_249 = tpu.memref_squeeze %dma_start3A_248 : memref<1x125x16xf32, #tpu.memory_space<vmem>> -> memref<125x16xf32, #tpu.memory_space<vmem>>
      %dma_start3A_250 = arith.constant 0 : i32
      %dma_start3A_251 = tpu.memref_slice %arg7[%add3A_229, %dma_start3A_250] : memref<80x125xi32, #tpu.memory_space<vmem>> -> memref<1x125xi32, #tpu.memory_space<vmem>>
      %dma_start3A_252 = tpu.memref_squeeze %dma_start3A_251 : memref<1x125xi32, #tpu.memory_space<vmem>> -> memref<125xi32, #tpu.memory_space<vmem>>
      %dma_start3A_253 = arith.constant 0 : i32
      %dma_start3A_254 = arith.constant 0 : i32
      %dma_start3A_255 = tpu.memref_slice %arg9[%dma_start3A_253, %dma_start3A_254] : memref<10112x16xf32, #tpu.memory_space<vmem_shared>> -> memref<10112x16xf32, #tpu.memory_space<vmem_shared>>
      %dma_start3A_256 = tpu.memref_slice %arg12[%dma_start3A_245] : memref<8x!tpu.dma_semaphore, #tpu.memory_space<semaphore_mem>> -> memref<1x!tpu.dma_semaphore, #tpu.memory_space<semaphore_mem>>
      %dma_start3A_257 = tpu.memref_squeeze %dma_start3A_256 : memref<1x!tpu.dma_semaphore, #tpu.memory_space<semaphore_mem>> -> memref<!tpu.dma_semaphore, #tpu.memory_space<semaphore_mem>>
      tpu.enqueue_indirect_dma source(%dma_start3A_249 : memref<125x16xf32, #tpu.memory_space<vmem>>) target(%dma_start3A_255 : memref<10112x16xf32, #tpu.memory_space<vmem_shared>>) offsets(%dma_start3A_252 : memref<125xi32, #tpu.memory_space<vmem>>) semaphore(%dma_start3A_257 : memref<!tpu.dma_semaphore, #tpu.memory_space<semaphore_mem>>) {add = true}
      %ge3A_258 = arith.constant 4 : i32
      %ge3A_259 = arith.cmpi sge, %add3A_229, %ge3A_258 : i32
      %convert_element_type3A_260 = arith.extui %ge3A_259 : i1 to i32
      %cond3A_261 = arith.constant 0 : i32
      %cond3A_262 = arith.cmpi ne, %convert_element_type3A_260, %cond3A_261 : i32
      scf.if %cond3A_262 {
        %dma_wait3A_490 = arith.constant 6 : i32
        %dma_wait3A_491 = arith.constant 0 : i32
        %dma_wait3A_492 = arith.constant 6 : i32
        %dma_wait3A_493 = arith.constant 0 : i32
        %dma_wait3A_494 = arith.constant 0 : i32
        %dma_wait3A_495 = tpu.memref_slice %arg8[%dma_wait3A_490, %dma_wait3A_493, %dma_wait3A_494] : memref<8x125x16xf32, #tpu.memory_space<vmem>> -> memref<1x125x16xf32, #tpu.memory_space<vmem>>
        %dma_wait3A_496 = tpu.memref_squeeze %dma_wait3A_495 : memref<1x125x16xf32, #tpu.memory_space<vmem>> -> memref<125x16xf32, #tpu.memory_space<vmem>>
        %dma_wait3A_497 = arith.constant 0 : i32
        %dma_wait3A_498 = tpu.memref_slice %arg7[%dma_wait3A_491, %dma_wait3A_497] : memref<80x125xi32, #tpu.memory_space<vmem>> -> memref<1x125xi32, #tpu.memory_space<vmem>>
        %dma_wait3A_499 = tpu.memref_squeeze %dma_wait3A_498 : memref<1x125xi32, #tpu.memory_space<vmem>> -> memref<125xi32, #tpu.memory_space<vmem>>
        %dma_wait3A_500 = arith.constant 0 : i32
        %dma_wait3A_501 = arith.constant 0 : i32
        %dma_wait3A_502 = tpu.memref_slice %arg9[%dma_wait3A_500, %dma_wait3A_501] : memref<10112x16xf32, #tpu.memory_space<vmem_shared>> -> memref<10112x16xf32, #tpu.memory_space<vmem_shared>>
        %dma_wait3A_503 = tpu.memref_slice %arg12[%dma_wait3A_492] : memref<8x!tpu.dma_semaphore, #tpu.memory_space<semaphore_mem>> -> memref<1x!tpu.dma_semaphore, #tpu.memory_space<semaphore_mem>>
        %dma_wait3A_504 = tpu.memref_squeeze %dma_wait3A_503 : memref<1x!tpu.dma_semaphore, #tpu.memory_space<semaphore_mem>> -> memref<!tpu.dma_semaphore, #tpu.memory_space<semaphore_mem>>
        tpu.wait_indirect_dma semaphore(%dma_wait3A_504 : memref<!tpu.dma_semaphore, #tpu.memory_space<semaphore_mem>>) src(%dma_wait3A_496 : memref<125x16xf32, #tpu.memory_space<vmem>>) dst(%dma_wait3A_502 : memref<10112x16xf32, #tpu.memory_space<vmem_shared>>)
      } else {
      }
      %add3A_263 = arith.constant 4 : i32
      %add3A_264 = arith.addi %add3A_229, %add3A_263 : i32
      %lt3A_265 = arith.constant 80 : i32
      %lt3A_266 = arith.cmpi slt, %add3A_264, %lt3A_265 : i32
      %convert_element_type3A_267 = arith.extui %lt3A_266 : i1 to i32
      %cond3A_268 = arith.constant 0 : i32
      %cond3A_269 = arith.cmpi ne, %convert_element_type3A_267, %cond3A_268 : i32
      scf.if %cond3A_269 {
        %add3A_490 = arith.constant 4 : i32
        %add3A_491 = arith.addi %add3A_229, %add3A_490 : i32
        %dma_start3A_492 = arith.constant 6 : i32
        %dma_start3A_493 = arith.constant 6 : i32
        %dma_start3A_494 = arith.constant 0 : i32
        %dma_start3A_495 = arith.constant 0 : i32
        %dma_start3A_496 = tpu.memref_slice %arg8[%dma_start3A_492, %dma_start3A_494, %dma_start3A_495] : memref<8x125x16xf32, #tpu.memory_space<vmem>> -> memref<1x125x16xf32, #tpu.memory_space<vmem>>
        %dma_start3A_497 = tpu.memref_squeeze %dma_start3A_496 : memref<1x125x16xf32, #tpu.memory_space<vmem>> -> memref<125x16xf32, #tpu.memory_space<vmem>>
        %dma_start3A_498 = arith.constant 0 : i32
        %dma_start3A_499 = tpu.memref_slice %arg6[%add3A_491, %dma_start3A_498] : memref<80x125xi32, #tpu.memory_space<vmem>> -> memref<1x125xi32, #tpu.memory_space<vmem>>
        %dma_start3A_500 = tpu.memref_squeeze %dma_start3A_499 : memref<1x125xi32, #tpu.memory_space<vmem>> -> memref<125xi32, #tpu.memory_space<vmem>>
        %dma_start3A_501 = arith.constant 0 : i32
        %dma_start3A_502 = arith.constant 0 : i32
        %dma_start3A_503 = tpu.memref_slice %arg10[%dma_start3A_501, %dma_start3A_502] : memref<10000x16xf32, #tpu.memory_space<vmem_shared>> -> memref<10000x16xf32, #tpu.memory_space<vmem_shared>>
        %dma_start3A_504 = tpu.memref_slice %arg11[%dma_start3A_493] : memref<8x!tpu.dma_semaphore, #tpu.memory_space<semaphore_mem>> -> memref<1x!tpu.dma_semaphore, #tpu.memory_space<semaphore_mem>>
        %dma_start3A_505 = tpu.memref_squeeze %dma_start3A_504 : memref<1x!tpu.dma_semaphore, #tpu.memory_space<semaphore_mem>> -> memref<!tpu.dma_semaphore, #tpu.memory_space<semaphore_mem>>
        tpu.enqueue_indirect_dma source(%dma_start3A_503 : memref<10000x16xf32, #tpu.memory_space<vmem_shared>>) target(%dma_start3A_497 : memref<125x16xf32, #tpu.memory_space<vmem>>) offsets(%dma_start3A_500 : memref<125xi32, #tpu.memory_space<vmem>>) semaphore(%dma_start3A_505 : memref<!tpu.dma_semaphore, #tpu.memory_space<semaphore_mem>>)
      } else {
      }
      %mul3A_270 = arith.constant 8 : i32
      %mul3A_271 = arith.muli %mul3A_270, %scan3A_138 : i32
      %add3A_272 = arith.constant 3 : i32
      %add3A_273 = arith.addi %mul3A_271, %add3A_272 : i32
      %dma_wait3A_274 = arith.constant 3 : i32
      %dma_wait3A_275 = arith.constant 3 : i32
      %dma_wait3A_276 = arith.constant 0 : i32
      %dma_wait3A_277 = arith.constant 0 : i32
      %dma_wait3A_278 = tpu.memref_slice %arg8[%dma_wait3A_274, %dma_wait3A_276, %dma_wait3A_277] : memref<8x125x16xf32, #tpu.memory_space<vmem>> -> memref<1x125x16xf32, #tpu.memory_space<vmem>>
      %dma_wait3A_279 = tpu.memref_squeeze %dma_wait3A_278 : memref<1x125x16xf32, #tpu.memory_space<vmem>> -> memref<125x16xf32, #tpu.memory_space<vmem>>
      %dma_wait3A_280 = arith.constant 0 : i32
      %dma_wait3A_281 = tpu.memref_slice %arg6[%add3A_273, %dma_wait3A_280] : memref<80x125xi32, #tpu.memory_space<vmem>> -> memref<1x125xi32, #tpu.memory_space<vmem>>
      %dma_wait3A_282 = tpu.memref_squeeze %dma_wait3A_281 : memref<1x125xi32, #tpu.memory_space<vmem>> -> memref<125xi32, #tpu.memory_space<vmem>>
      %dma_wait3A_283 = arith.constant 0 : i32
      %dma_wait3A_284 = arith.constant 0 : i32
      %dma_wait3A_285 = tpu.memref_slice %arg10[%dma_wait3A_283, %dma_wait3A_284] : memref<10000x16xf32, #tpu.memory_space<vmem_shared>> -> memref<10000x16xf32, #tpu.memory_space<vmem_shared>>
      %dma_wait3A_286 = tpu.memref_slice %arg11[%dma_wait3A_275] : memref<8x!tpu.dma_semaphore, #tpu.memory_space<semaphore_mem>> -> memref<1x!tpu.dma_semaphore, #tpu.memory_space<semaphore_mem>>
      %dma_wait3A_287 = tpu.memref_squeeze %dma_wait3A_286 : memref<1x!tpu.dma_semaphore, #tpu.memory_space<semaphore_mem>> -> memref<!tpu.dma_semaphore, #tpu.memory_space<semaphore_mem>>
      tpu.wait_indirect_dma semaphore(%dma_wait3A_287 : memref<!tpu.dma_semaphore, #tpu.memory_space<semaphore_mem>>) src(%dma_wait3A_285 : memref<10000x16xf32, #tpu.memory_space<vmem_shared>>) dst(%dma_wait3A_279 : memref<125x16xf32, #tpu.memory_space<vmem>>)
      %dma_start3A_288 = arith.constant 3 : i32
      %dma_start3A_289 = arith.constant 3 : i32
      %dma_start3A_290 = arith.constant 0 : i32
      %dma_start3A_291 = arith.constant 0 : i32
      %dma_start3A_292 = tpu.memref_slice %arg8[%dma_start3A_288, %dma_start3A_290, %dma_start3A_291] : memref<8x125x16xf32, #tpu.memory_space<vmem>> -> memref<1x125x16xf32, #tpu.memory_space<vmem>>
      %dma_start3A_293 = tpu.memref_squeeze %dma_start3A_292 : memref<1x125x16xf32, #tpu.memory_space<vmem>> -> memref<125x16xf32, #tpu.memory_space<vmem>>
      %dma_start3A_294 = arith.constant 0 : i32
      %dma_start3A_295 = tpu.memref_slice %arg7[%add3A_273, %dma_start3A_294] : memref<80x125xi32, #tpu.memory_space<vmem>> -> memref<1x125xi32, #tpu.memory_space<vmem>>
      %dma_start3A_296 = tpu.memref_squeeze %dma_start3A_295 : memref<1x125xi32, #tpu.memory_space<vmem>> -> memref<125xi32, #tpu.memory_space<vmem>>
      %dma_start3A_297 = arith.constant 0 : i32
      %dma_start3A_298 = arith.constant 0 : i32
      %dma_start3A_299 = tpu.memref_slice %arg9[%dma_start3A_297, %dma_start3A_298] : memref<10112x16xf32, #tpu.memory_space<vmem_shared>> -> memref<10112x16xf32, #tpu.memory_space<vmem_shared>>
      %dma_start3A_300 = tpu.memref_slice %arg12[%dma_start3A_289] : memref<8x!tpu.dma_semaphore, #tpu.memory_space<semaphore_mem>> -> memref<1x!tpu.dma_semaphore, #tpu.memory_space<semaphore_mem>>
      %dma_start3A_301 = tpu.memref_squeeze %dma_start3A_300 : memref<1x!tpu.dma_semaphore, #tpu.memory_space<semaphore_mem>> -> memref<!tpu.dma_semaphore, #tpu.memory_space<semaphore_mem>>
      tpu.enqueue_indirect_dma source(%dma_start3A_293 : memref<125x16xf32, #tpu.memory_space<vmem>>) target(%dma_start3A_299 : memref<10112x16xf32, #tpu.memory_space<vmem_shared>>) offsets(%dma_start3A_296 : memref<125xi32, #tpu.memory_space<vmem>>) semaphore(%dma_start3A_301 : memref<!tpu.dma_semaphore, #tpu.memory_space<semaphore_mem>>) {add = true}
      %ge3A_302 = arith.constant 4 : i32
      %ge3A_303 = arith.cmpi sge, %add3A_273, %ge3A_302 : i32
      %convert_element_type3A_304 = arith.extui %ge3A_303 : i1 to i32
      %cond3A_305 = arith.constant 0 : i32
      %cond3A_306 = arith.cmpi ne, %convert_element_type3A_304, %cond3A_305 : i32
      scf.if %cond3A_306 {
        %dma_wait3A_490 = arith.constant 7 : i32
        %dma_wait3A_491 = arith.constant 0 : i32
        %dma_wait3A_492 = arith.constant 7 : i32
        %dma_wait3A_493 = arith.constant 0 : i32
        %dma_wait3A_494 = arith.constant 0 : i32
        %dma_wait3A_495 = tpu.memref_slice %arg8[%dma_wait3A_490, %dma_wait3A_493, %dma_wait3A_494] : memref<8x125x16xf32, #tpu.memory_space<vmem>> -> memref<1x125x16xf32, #tpu.memory_space<vmem>>
        %dma_wait3A_496 = tpu.memref_squeeze %dma_wait3A_495 : memref<1x125x16xf32, #tpu.memory_space<vmem>> -> memref<125x16xf32, #tpu.memory_space<vmem>>
        %dma_wait3A_497 = arith.constant 0 : i32
        %dma_wait3A_498 = tpu.memref_slice %arg7[%dma_wait3A_491, %dma_wait3A_497] : memref<80x125xi32, #tpu.memory_space<vmem>> -> memref<1x125xi32, #tpu.memory_space<vmem>>
        %dma_wait3A_499 = tpu.memref_squeeze %dma_wait3A_498 : memref<1x125xi32, #tpu.memory_space<vmem>> -> memref<125xi32, #tpu.memory_space<vmem>>
        %dma_wait3A_500 = arith.constant 0 : i32
        %dma_wait3A_501 = arith.constant 0 : i32
        %dma_wait3A_502 = tpu.memref_slice %arg9[%dma_wait3A_500, %dma_wait3A_501] : memref<10112x16xf32, #tpu.memory_space<vmem_shared>> -> memref<10112x16xf32, #tpu.memory_space<vmem_shared>>
        %dma_wait3A_503 = tpu.memref_slice %arg12[%dma_wait3A_492] : memref<8x!tpu.dma_semaphore, #tpu.memory_space<semaphore_mem>> -> memref<1x!tpu.dma_semaphore, #tpu.memory_space<semaphore_mem>>
        %dma_wait3A_504 = tpu.memref_squeeze %dma_wait3A_503 : memref<1x!tpu.dma_semaphore, #tpu.memory_space<semaphore_mem>> -> memref<!tpu.dma_semaphore, #tpu.memory_space<semaphore_mem>>
        tpu.wait_indirect_dma semaphore(%dma_wait3A_504 : memref<!tpu.dma_semaphore, #tpu.memory_space<semaphore_mem>>) src(%dma_wait3A_496 : memref<125x16xf32, #tpu.memory_space<vmem>>) dst(%dma_wait3A_502 : memref<10112x16xf32, #tpu.memory_space<vmem_shared>>)
      } else {
      }
      %add3A_307 = arith.constant 4 : i32
      %add3A_308 = arith.addi %add3A_273, %add3A_307 : i32
      %lt3A_309 = arith.constant 80 : i32
      %lt3A_310 = arith.cmpi slt, %add3A_308, %lt3A_309 : i32
      %convert_element_type3A_311 = arith.extui %lt3A_310 : i1 to i32
      %cond3A_312 = arith.constant 0 : i32
      %cond3A_313 = arith.cmpi ne, %convert_element_type3A_311, %cond3A_312 : i32
      scf.if %cond3A_313 {
        %add3A_490 = arith.constant 4 : i32
        %add3A_491 = arith.addi %add3A_273, %add3A_490 : i32
        %dma_start3A_492 = arith.constant 7 : i32
        %dma_start3A_493 = arith.constant 7 : i32
        %dma_start3A_494 = arith.constant 0 : i32
        %dma_start3A_495 = arith.constant 0 : i32
        %dma_start3A_496 = tpu.memref_slice %arg8[%dma_start3A_492, %dma_start3A_494, %dma_start3A_495] : memref<8x125x16xf32, #tpu.memory_space<vmem>> -> memref<1x125x16xf32, #tpu.memory_space<vmem>>
        %dma_start3A_497 = tpu.memref_squeeze %dma_start3A_496 : memref<1x125x16xf32, #tpu.memory_space<vmem>> -> memref<125x16xf32, #tpu.memory_space<vmem>>
        %dma_start3A_498 = arith.constant 0 : i32
        %dma_start3A_499 = tpu.memref_slice %arg6[%add3A_491, %dma_start3A_498] : memref<80x125xi32, #tpu.memory_space<vmem>> -> memref<1x125xi32, #tpu.memory_space<vmem>>
        %dma_start3A_500 = tpu.memref_squeeze %dma_start3A_499 : memref<1x125xi32, #tpu.memory_space<vmem>> -> memref<125xi32, #tpu.memory_space<vmem>>
        %dma_start3A_501 = arith.constant 0 : i32
        %dma_start3A_502 = arith.constant 0 : i32
        %dma_start3A_503 = tpu.memref_slice %arg10[%dma_start3A_501, %dma_start3A_502] : memref<10000x16xf32, #tpu.memory_space<vmem_shared>> -> memref<10000x16xf32, #tpu.memory_space<vmem_shared>>
        %dma_start3A_504 = tpu.memref_slice %arg11[%dma_start3A_493] : memref<8x!tpu.dma_semaphore, #tpu.memory_space<semaphore_mem>> -> memref<1x!tpu.dma_semaphore, #tpu.memory_space<semaphore_mem>>
        %dma_start3A_505 = tpu.memref_squeeze %dma_start3A_504 : memref<1x!tpu.dma_semaphore, #tpu.memory_space<semaphore_mem>> -> memref<!tpu.dma_semaphore, #tpu.memory_space<semaphore_mem>>
        tpu.enqueue_indirect_dma source(%dma_start3A_503 : memref<10000x16xf32, #tpu.memory_space<vmem_shared>>) target(%dma_start3A_497 : memref<125x16xf32, #tpu.memory_space<vmem>>) offsets(%dma_start3A_500 : memref<125xi32, #tpu.memory_space<vmem>>) semaphore(%dma_start3A_505 : memref<!tpu.dma_semaphore, #tpu.memory_space<semaphore_mem>>)
      } else {
      }
      %mul3A_314 = arith.constant 8 : i32
      %mul3A_315 = arith.muli %mul3A_314, %scan3A_138 : i32
      %add3A_316 = arith.constant 4 : i32
      %add3A_317 = arith.addi %mul3A_315, %add3A_316 : i32
      %dma_wait3A_318 = arith.constant 4 : i32
      %dma_wait3A_319 = arith.constant 4 : i32
      %dma_wait3A_320 = arith.constant 0 : i32
      %dma_wait3A_321 = arith.constant 0 : i32
      %dma_wait3A_322 = tpu.memref_slice %arg8[%dma_wait3A_318, %dma_wait3A_320, %dma_wait3A_321] : memref<8x125x16xf32, #tpu.memory_space<vmem>> -> memref<1x125x16xf32, #tpu.memory_space<vmem>>
      %dma_wait3A_323 = tpu.memref_squeeze %dma_wait3A_322 : memref<1x125x16xf32, #tpu.memory_space<vmem>> -> memref<125x16xf32, #tpu.memory_space<vmem>>
      %dma_wait3A_324 = arith.constant 0 : i32
      %dma_wait3A_325 = tpu.memref_slice %arg6[%add3A_317, %dma_wait3A_324] : memref<80x125xi32, #tpu.memory_space<vmem>> -> memref<1x125xi32, #tpu.memory_space<vmem>>
      %dma_wait3A_326 = tpu.memref_squeeze %dma_wait3A_325 : memref<1x125xi32, #tpu.memory_space<vmem>> -> memref<125xi32, #tpu.memory_space<vmem>>
      %dma_wait3A_327 = arith.constant 0 : i32
      %dma_wait3A_328 = arith.constant 0 : i32
      %dma_wait3A_329 = tpu.memref_slice %arg10[%dma_wait3A_327, %dma_wait3A_328] : memref<10000x16xf32, #tpu.memory_space<vmem_shared>> -> memref<10000x16xf32, #tpu.memory_space<vmem_shared>>
      %dma_wait3A_330 = tpu.memref_slice %arg11[%dma_wait3A_319] : memref<8x!tpu.dma_semaphore, #tpu.memory_space<semaphore_mem>> -> memref<1x!tpu.dma_semaphore, #tpu.memory_space<semaphore_mem>>
      %dma_wait3A_331 = tpu.memref_squeeze %dma_wait3A_330 : memref<1x!tpu.dma_semaphore, #tpu.memory_space<semaphore_mem>> -> memref<!tpu.dma_semaphore, #tpu.memory_space<semaphore_mem>>
      tpu.wait_indirect_dma semaphore(%dma_wait3A_331 : memref<!tpu.dma_semaphore, #tpu.memory_space<semaphore_mem>>) src(%dma_wait3A_329 : memref<10000x16xf32, #tpu.memory_space<vmem_shared>>) dst(%dma_wait3A_323 : memref<125x16xf32, #tpu.memory_space<vmem>>)
      %dma_start3A_332 = arith.constant 4 : i32
      %dma_start3A_333 = arith.constant 4 : i32
      %dma_start3A_334 = arith.constant 0 : i32
      %dma_start3A_335 = arith.constant 0 : i32
      %dma_start3A_336 = tpu.memref_slice %arg8[%dma_start3A_332, %dma_start3A_334, %dma_start3A_335] : memref<8x125x16xf32, #tpu.memory_space<vmem>> -> memref<1x125x16xf32, #tpu.memory_space<vmem>>
      %dma_start3A_337 = tpu.memref_squeeze %dma_start3A_336 : memref<1x125x16xf32, #tpu.memory_space<vmem>> -> memref<125x16xf32, #tpu.memory_space<vmem>>
      %dma_start3A_338 = arith.constant 0 : i32
      %dma_start3A_339 = tpu.memref_slice %arg7[%add3A_317, %dma_start3A_338] : memref<80x125xi32, #tpu.memory_space<vmem>> -> memref<1x125xi32, #tpu.memory_space<vmem>>
      %dma_start3A_340 = tpu.memref_squeeze %dma_start3A_339 : memref<1x125xi32, #tpu.memory_space<vmem>> -> memref<125xi32, #tpu.memory_space<vmem>>
      %dma_start3A_341 = arith.constant 0 : i32
      %dma_start3A_342 = arith.constant 0 : i32
      %dma_start3A_343 = tpu.memref_slice %arg9[%dma_start3A_341, %dma_start3A_342] : memref<10112x16xf32, #tpu.memory_space<vmem_shared>> -> memref<10112x16xf32, #tpu.memory_space<vmem_shared>>
      %dma_start3A_344 = tpu.memref_slice %arg12[%dma_start3A_333] : memref<8x!tpu.dma_semaphore, #tpu.memory_space<semaphore_mem>> -> memref<1x!tpu.dma_semaphore, #tpu.memory_space<semaphore_mem>>
      %dma_start3A_345 = tpu.memref_squeeze %dma_start3A_344 : memref<1x!tpu.dma_semaphore, #tpu.memory_space<semaphore_mem>> -> memref<!tpu.dma_semaphore, #tpu.memory_space<semaphore_mem>>
      tpu.enqueue_indirect_dma source(%dma_start3A_337 : memref<125x16xf32, #tpu.memory_space<vmem>>) target(%dma_start3A_343 : memref<10112x16xf32, #tpu.memory_space<vmem_shared>>) offsets(%dma_start3A_340 : memref<125xi32, #tpu.memory_space<vmem>>) semaphore(%dma_start3A_345 : memref<!tpu.dma_semaphore, #tpu.memory_space<semaphore_mem>>) {add = true}
      %ge3A_346 = arith.constant 4 : i32
      %ge3A_347 = arith.cmpi sge, %add3A_317, %ge3A_346 : i32
      %convert_element_type3A_348 = arith.extui %ge3A_347 : i1 to i32
      %cond3A_349 = arith.constant 0 : i32
      %cond3A_350 = arith.cmpi ne, %convert_element_type3A_348, %cond3A_349 : i32
      scf.if %cond3A_350 {
        %dma_wait3A_490 = arith.constant 0 : i32
        %dma_wait3A_491 = arith.constant 0 : i32
        %dma_wait3A_492 = arith.constant 0 : i32
        %dma_wait3A_493 = arith.constant 0 : i32
        %dma_wait3A_494 = arith.constant 0 : i32
        %dma_wait3A_495 = tpu.memref_slice %arg8[%dma_wait3A_490, %dma_wait3A_493, %dma_wait3A_494] : memref<8x125x16xf32, #tpu.memory_space<vmem>> -> memref<1x125x16xf32, #tpu.memory_space<vmem>>
        %dma_wait3A_496 = tpu.memref_squeeze %dma_wait3A_495 : memref<1x125x16xf32, #tpu.memory_space<vmem>> -> memref<125x16xf32, #tpu.memory_space<vmem>>
        %dma_wait3A_497 = arith.constant 0 : i32
        %dma_wait3A_498 = tpu.memref_slice %arg7[%dma_wait3A_491, %dma_wait3A_497] : memref<80x125xi32, #tpu.memory_space<vmem>> -> memref<1x125xi32, #tpu.memory_space<vmem>>
        %dma_wait3A_499 = tpu.memref_squeeze %dma_wait3A_498 : memref<1x125xi32, #tpu.memory_space<vmem>> -> memref<125xi32, #tpu.memory_space<vmem>>
        %dma_wait3A_500 = arith.constant 0 : i32
        %dma_wait3A_501 = arith.constant 0 : i32
        %dma_wait3A_502 = tpu.memref_slice %arg9[%dma_wait3A_500, %dma_wait3A_501] : memref<10112x16xf32, #tpu.memory_space<vmem_shared>> -> memref<10112x16xf32, #tpu.memory_space<vmem_shared>>
        %dma_wait3A_503 = tpu.memref_slice %arg12[%dma_wait3A_492] : memref<8x!tpu.dma_semaphore, #tpu.memory_space<semaphore_mem>> -> memref<1x!tpu.dma_semaphore, #tpu.memory_space<semaphore_mem>>
        %dma_wait3A_504 = tpu.memref_squeeze %dma_wait3A_503 : memref<1x!tpu.dma_semaphore, #tpu.memory_space<semaphore_mem>> -> memref<!tpu.dma_semaphore, #tpu.memory_space<semaphore_mem>>
        tpu.wait_indirect_dma semaphore(%dma_wait3A_504 : memref<!tpu.dma_semaphore, #tpu.memory_space<semaphore_mem>>) src(%dma_wait3A_496 : memref<125x16xf32, #tpu.memory_space<vmem>>) dst(%dma_wait3A_502 : memref<10112x16xf32, #tpu.memory_space<vmem_shared>>)
      } else {
      }
      %add3A_351 = arith.constant 4 : i32
      %add3A_352 = arith.addi %add3A_317, %add3A_351 : i32
      %lt3A_353 = arith.constant 80 : i32
      %lt3A_354 = arith.cmpi slt, %add3A_352, %lt3A_353 : i32
      %convert_element_type3A_355 = arith.extui %lt3A_354 : i1 to i32
      %cond3A_356 = arith.constant 0 : i32
      %cond3A_357 = arith.cmpi ne, %convert_element_type3A_355, %cond3A_356 : i32
      scf.if %cond3A_357 {
        %add3A_490 = arith.constant 4 : i32
        %add3A_491 = arith.addi %add3A_317, %add3A_490 : i32
        %dma_start3A_492 = arith.constant 0 : i32
        %dma_start3A_493 = arith.constant 0 : i32
        %dma_start3A_494 = arith.constant 0 : i32
        %dma_start3A_495 = arith.constant 0 : i32
        %dma_start3A_496 = tpu.memref_slice %arg8[%dma_start3A_492, %dma_start3A_494, %dma_start3A_495] : memref<8x125x16xf32, #tpu.memory_space<vmem>> -> memref<1x125x16xf32, #tpu.memory_space<vmem>>
        %dma_start3A_497 = tpu.memref_squeeze %dma_start3A_496 : memref<1x125x16xf32, #tpu.memory_space<vmem>> -> memref<125x16xf32, #tpu.memory_space<vmem>>
        %dma_start3A_498 = arith.constant 0 : i32
        %dma_start3A_499 = tpu.memref_slice %arg6[%add3A_491, %dma_start3A_498] : memref<80x125xi32, #tpu.memory_space<vmem>> -> memref<1x125xi32, #tpu.memory_space<vmem>>
        %dma_start3A_500 = tpu.memref_squeeze %dma_start3A_499 : memref<1x125xi32, #tpu.memory_space<vmem>> -> memref<125xi32, #tpu.memory_space<vmem>>
        %dma_start3A_501 = arith.constant 0 : i32
        %dma_start3A_502 = arith.constant 0 : i32
        %dma_start3A_503 = tpu.memref_slice %arg10[%dma_start3A_501, %dma_start3A_502] : memref<10000x16xf32, #tpu.memory_space<vmem_shared>> -> memref<10000x16xf32, #tpu.memory_space<vmem_shared>>
        %dma_start3A_504 = tpu.memref_slice %arg11[%dma_start3A_493] : memref<8x!tpu.dma_semaphore, #tpu.memory_space<semaphore_mem>> -> memref<1x!tpu.dma_semaphore, #tpu.memory_space<semaphore_mem>>
        %dma_start3A_505 = tpu.memref_squeeze %dma_start3A_504 : memref<1x!tpu.dma_semaphore, #tpu.memory_space<semaphore_mem>> -> memref<!tpu.dma_semaphore, #tpu.memory_space<semaphore_mem>>
        tpu.enqueue_indirect_dma source(%dma_start3A_503 : memref<10000x16xf32, #tpu.memory_space<vmem_shared>>) target(%dma_start3A_497 : memref<125x16xf32, #tpu.memory_space<vmem>>) offsets(%dma_start3A_500 : memref<125xi32, #tpu.memory_space<vmem>>) semaphore(%dma_start3A_505 : memref<!tpu.dma_semaphore, #tpu.memory_space<semaphore_mem>>)
      } else {
      }
      %mul3A_358 = arith.constant 8 : i32
      %mul3A_359 = arith.muli %mul3A_358, %scan3A_138 : i32
      %add3A_360 = arith.constant 5 : i32
      %add3A_361 = arith.addi %mul3A_359, %add3A_360 : i32
      %dma_wait3A_362 = arith.constant 5 : i32
      %dma_wait3A_363 = arith.constant 5 : i32
      %dma_wait3A_364 = arith.constant 0 : i32
      %dma_wait3A_365 = arith.constant 0 : i32
      %dma_wait3A_366 = tpu.memref_slice %arg8[%dma_wait3A_362, %dma_wait3A_364, %dma_wait3A_365] : memref<8x125x16xf32, #tpu.memory_space<vmem>> -> memref<1x125x16xf32, #tpu.memory_space<vmem>>
      %dma_wait3A_367 = tpu.memref_squeeze %dma_wait3A_366 : memref<1x125x16xf32, #tpu.memory_space<vmem>> -> memref<125x16xf32, #tpu.memory_space<vmem>>
      %dma_wait3A_368 = arith.constant 0 : i32
      %dma_wait3A_369 = tpu.memref_slice %arg6[%add3A_361, %dma_wait3A_368] : memref<80x125xi32, #tpu.memory_space<vmem>> -> memref<1x125xi32, #tpu.memory_space<vmem>>
      %dma_wait3A_370 = tpu.memref_squeeze %dma_wait3A_369 : memref<1x125xi32, #tpu.memory_space<vmem>> -> memref<125xi32, #tpu.memory_space<vmem>>
      %dma_wait3A_371 = arith.constant 0 : i32
      %dma_wait3A_372 = arith.constant 0 : i32
      %dma_wait3A_373 = tpu.memref_slice %arg10[%dma_wait3A_371, %dma_wait3A_372] : memref<10000x16xf32, #tpu.memory_space<vmem_shared>> -> memref<10000x16xf32, #tpu.memory_space<vmem_shared>>
      %dma_wait3A_374 = tpu.memref_slice %arg11[%dma_wait3A_363] : memref<8x!tpu.dma_semaphore, #tpu.memory_space<semaphore_mem>> -> memref<1x!tpu.dma_semaphore, #tpu.memory_space<semaphore_mem>>
      %dma_wait3A_375 = tpu.memref_squeeze %dma_wait3A_374 : memref<1x!tpu.dma_semaphore, #tpu.memory_space<semaphore_mem>> -> memref<!tpu.dma_semaphore, #tpu.memory_space<semaphore_mem>>
      tpu.wait_indirect_dma semaphore(%dma_wait3A_375 : memref<!tpu.dma_semaphore, #tpu.memory_space<semaphore_mem>>) src(%dma_wait3A_373 : memref<10000x16xf32, #tpu.memory_space<vmem_shared>>) dst(%dma_wait3A_367 : memref<125x16xf32, #tpu.memory_space<vmem>>)
      %dma_start3A_376 = arith.constant 5 : i32
      %dma_start3A_377 = arith.constant 5 : i32
      %dma_start3A_378 = arith.constant 0 : i32
      %dma_start3A_379 = arith.constant 0 : i32
      %dma_start3A_380 = tpu.memref_slice %arg8[%dma_start3A_376, %dma_start3A_378, %dma_start3A_379] : memref<8x125x16xf32, #tpu.memory_space<vmem>> -> memref<1x125x16xf32, #tpu.memory_space<vmem>>
      %dma_start3A_381 = tpu.memref_squeeze %dma_start3A_380 : memref<1x125x16xf32, #tpu.memory_space<vmem>> -> memref<125x16xf32, #tpu.memory_space<vmem>>
      %dma_start3A_382 = arith.constant 0 : i32
      %dma_start3A_383 = tpu.memref_slice %arg7[%add3A_361, %dma_start3A_382] : memref<80x125xi32, #tpu.memory_space<vmem>> -> memref<1x125xi32, #tpu.memory_space<vmem>>
      %dma_start3A_384 = tpu.memref_squeeze %dma_start3A_383 : memref<1x125xi32, #tpu.memory_space<vmem>> -> memref<125xi32, #tpu.memory_space<vmem>>
      %dma_start3A_385 = arith.constant 0 : i32
      %dma_start3A_386 = arith.constant 0 : i32
      %dma_start3A_387 = tpu.memref_slice %arg9[%dma_start3A_385, %dma_start3A_386] : memref<10112x16xf32, #tpu.memory_space<vmem_shared>> -> memref<10112x16xf32, #tpu.memory_space<vmem_shared>>
      %dma_start3A_388 = tpu.memref_slice %arg12[%dma_start3A_377] : memref<8x!tpu.dma_semaphore, #tpu.memory_space<semaphore_mem>> -> memref<1x!tpu.dma_semaphore, #tpu.memory_space<semaphore_mem>>
      %dma_start3A_389 = tpu.memref_squeeze %dma_start3A_388 : memref<1x!tpu.dma_semaphore, #tpu.memory_space<semaphore_mem>> -> memref<!tpu.dma_semaphore, #tpu.memory_space<semaphore_mem>>
      tpu.enqueue_indirect_dma source(%dma_start3A_381 : memref<125x16xf32, #tpu.memory_space<vmem>>) target(%dma_start3A_387 : memref<10112x16xf32, #tpu.memory_space<vmem_shared>>) offsets(%dma_start3A_384 : memref<125xi32, #tpu.memory_space<vmem>>) semaphore(%dma_start3A_389 : memref<!tpu.dma_semaphore, #tpu.memory_space<semaphore_mem>>) {add = true}
      %ge3A_390 = arith.constant 4 : i32
      %ge3A_391 = arith.cmpi sge, %add3A_361, %ge3A_390 : i32
      %convert_element_type3A_392 = arith.extui %ge3A_391 : i1 to i32
      %cond3A_393 = arith.constant 0 : i32
      %cond3A_394 = arith.cmpi ne, %convert_element_type3A_392, %cond3A_393 : i32
      scf.if %cond3A_394 {
        %dma_wait3A_490 = arith.constant 1 : i32
        %dma_wait3A_491 = arith.constant 0 : i32
        %dma_wait3A_492 = arith.constant 1 : i32
        %dma_wait3A_493 = arith.constant 0 : i32
        %dma_wait3A_494 = arith.constant 0 : i32
        %dma_wait3A_495 = tpu.memref_slice %arg8[%dma_wait3A_490, %dma_wait3A_493, %dma_wait3A_494] : memref<8x125x16xf32, #tpu.memory_space<vmem>> -> memref<1x125x16xf32, #tpu.memory_space<vmem>>
        %dma_wait3A_496 = tpu.memref_squeeze %dma_wait3A_495 : memref<1x125x16xf32, #tpu.memory_space<vmem>> -> memref<125x16xf32, #tpu.memory_space<vmem>>
        %dma_wait3A_497 = arith.constant 0 : i32
        %dma_wait3A_498 = tpu.memref_slice %arg7[%dma_wait3A_491, %dma_wait3A_497] : memref<80x125xi32, #tpu.memory_space<vmem>> -> memref<1x125xi32, #tpu.memory_space<vmem>>
        %dma_wait3A_499 = tpu.memref_squeeze %dma_wait3A_498 : memref<1x125xi32, #tpu.memory_space<vmem>> -> memref<125xi32, #tpu.memory_space<vmem>>
        %dma_wait3A_500 = arith.constant 0 : i32
        %dma_wait3A_501 = arith.constant 0 : i32
        %dma_wait3A_502 = tpu.memref_slice %arg9[%dma_wait3A_500, %dma_wait3A_501] : memref<10112x16xf32, #tpu.memory_space<vmem_shared>> -> memref<10112x16xf32, #tpu.memory_space<vmem_shared>>
        %dma_wait3A_503 = tpu.memref_slice %arg12[%dma_wait3A_492] : memref<8x!tpu.dma_semaphore, #tpu.memory_space<semaphore_mem>> -> memref<1x!tpu.dma_semaphore, #tpu.memory_space<semaphore_mem>>
        %dma_wait3A_504 = tpu.memref_squeeze %dma_wait3A_503 : memref<1x!tpu.dma_semaphore, #tpu.memory_space<semaphore_mem>> -> memref<!tpu.dma_semaphore, #tpu.memory_space<semaphore_mem>>
        tpu.wait_indirect_dma semaphore(%dma_wait3A_504 : memref<!tpu.dma_semaphore, #tpu.memory_space<semaphore_mem>>) src(%dma_wait3A_496 : memref<125x16xf32, #tpu.memory_space<vmem>>) dst(%dma_wait3A_502 : memref<10112x16xf32, #tpu.memory_space<vmem_shared>>)
      } else {
      }
      %add3A_395 = arith.constant 4 : i32
      %add3A_396 = arith.addi %add3A_361, %add3A_395 : i32
      %lt3A_397 = arith.constant 80 : i32
      %lt3A_398 = arith.cmpi slt, %add3A_396, %lt3A_397 : i32
      %convert_element_type3A_399 = arith.extui %lt3A_398 : i1 to i32
      %cond3A_400 = arith.constant 0 : i32
      %cond3A_401 = arith.cmpi ne, %convert_element_type3A_399, %cond3A_400 : i32
      scf.if %cond3A_401 {
        %add3A_490 = arith.constant 4 : i32
        %add3A_491 = arith.addi %add3A_361, %add3A_490 : i32
        %dma_start3A_492 = arith.constant 1 : i32
        %dma_start3A_493 = arith.constant 1 : i32
        %dma_start3A_494 = arith.constant 0 : i32
        %dma_start3A_495 = arith.constant 0 : i32
        %dma_start3A_496 = tpu.memref_slice %arg8[%dma_start3A_492, %dma_start3A_494, %dma_start3A_495] : memref<8x125x16xf32, #tpu.memory_space<vmem>> -> memref<1x125x16xf32, #tpu.memory_space<vmem>>
        %dma_start3A_497 = tpu.memref_squeeze %dma_start3A_496 : memref<1x125x16xf32, #tpu.memory_space<vmem>> -> memref<125x16xf32, #tpu.memory_space<vmem>>
        %dma_start3A_498 = arith.constant 0 : i32
        %dma_start3A_499 = tpu.memref_slice %arg6[%add3A_491, %dma_start3A_498] : memref<80x125xi32, #tpu.memory_space<vmem>> -> memref<1x125xi32, #tpu.memory_space<vmem>>
        %dma_start3A_500 = tpu.memref_squeeze %dma_start3A_499 : memref<1x125xi32, #tpu.memory_space<vmem>> -> memref<125xi32, #tpu.memory_space<vmem>>
        %dma_start3A_501 = arith.constant 0 : i32
        %dma_start3A_502 = arith.constant 0 : i32
        %dma_start3A_503 = tpu.memref_slice %arg10[%dma_start3A_501, %dma_start3A_502] : memref<10000x16xf32, #tpu.memory_space<vmem_shared>> -> memref<10000x16xf32, #tpu.memory_space<vmem_shared>>
        %dma_start3A_504 = tpu.memref_slice %arg11[%dma_start3A_493] : memref<8x!tpu.dma_semaphore, #tpu.memory_space<semaphore_mem>> -> memref<1x!tpu.dma_semaphore, #tpu.memory_space<semaphore_mem>>
        %dma_start3A_505 = tpu.memref_squeeze %dma_start3A_504 : memref<1x!tpu.dma_semaphore, #tpu.memory_space<semaphore_mem>> -> memref<!tpu.dma_semaphore, #tpu.memory_space<semaphore_mem>>
        tpu.enqueue_indirect_dma source(%dma_start3A_503 : memref<10000x16xf32, #tpu.memory_space<vmem_shared>>) target(%dma_start3A_497 : memref<125x16xf32, #tpu.memory_space<vmem>>) offsets(%dma_start3A_500 : memref<125xi32, #tpu.memory_space<vmem>>) semaphore(%dma_start3A_505 : memref<!tpu.dma_semaphore, #tpu.memory_space<semaphore_mem>>)
      } else {
      }
      %mul3A_402 = arith.constant 8 : i32
      %mul3A_403 = arith.muli %mul3A_402, %scan3A_138 : i32
      %add3A_404 = arith.constant 6 : i32
      %add3A_405 = arith.addi %mul3A_403, %add3A_404 : i32
      %dma_wait3A_406 = arith.constant 6 : i32
      %dma_wait3A_407 = arith.constant 6 : i32
      %dma_wait3A_408 = arith.constant 0 : i32
      %dma_wait3A_409 = arith.constant 0 : i32
      %dma_wait3A_410 = tpu.memref_slice %arg8[%dma_wait3A_406, %dma_wait3A_408, %dma_wait3A_409] : memref<8x125x16xf32, #tpu.memory_space<vmem>> -> memref<1x125x16xf32, #tpu.memory_space<vmem>>
      %dma_wait3A_411 = tpu.memref_squeeze %dma_wait3A_410 : memref<1x125x16xf32, #tpu.memory_space<vmem>> -> memref<125x16xf32, #tpu.memory_space<vmem>>
      %dma_wait3A_412 = arith.constant 0 : i32
      %dma_wait3A_413 = tpu.memref_slice %arg6[%add3A_405, %dma_wait3A_412] : memref<80x125xi32, #tpu.memory_space<vmem>> -> memref<1x125xi32, #tpu.memory_space<vmem>>
      %dma_wait3A_414 = tpu.memref_squeeze %dma_wait3A_413 : memref<1x125xi32, #tpu.memory_space<vmem>> -> memref<125xi32, #tpu.memory_space<vmem>>
      %dma_wait3A_415 = arith.constant 0 : i32
      %dma_wait3A_416 = arith.constant 0 : i32
      %dma_wait3A_417 = tpu.memref_slice %arg10[%dma_wait3A_415, %dma_wait3A_416] : memref<10000x16xf32, #tpu.memory_space<vmem_shared>> -> memref<10000x16xf32, #tpu.memory_space<vmem_shared>>
      %dma_wait3A_418 = tpu.memref_slice %arg11[%dma_wait3A_407] : memref<8x!tpu.dma_semaphore, #tpu.memory_space<semaphore_mem>> -> memref<1x!tpu.dma_semaphore, #tpu.memory_space<semaphore_mem>>
      %dma_wait3A_419 = tpu.memref_squeeze %dma_wait3A_418 : memref<1x!tpu.dma_semaphore, #tpu.memory_space<semaphore_mem>> -> memref<!tpu.dma_semaphore, #tpu.memory_space<semaphore_mem>>
      tpu.wait_indirect_dma semaphore(%dma_wait3A_419 : memref<!tpu.dma_semaphore, #tpu.memory_space<semaphore_mem>>) src(%dma_wait3A_417 : memref<10000x16xf32, #tpu.memory_space<vmem_shared>>) dst(%dma_wait3A_411 : memref<125x16xf32, #tpu.memory_space<vmem>>)
      %dma_start3A_420 = arith.constant 6 : i32
      %dma_start3A_421 = arith.constant 6 : i32
      %dma_start3A_422 = arith.constant 0 : i32
      %dma_start3A_423 = arith.constant 0 : i32
      %dma_start3A_424 = tpu.memref_slice %arg8[%dma_start3A_420, %dma_start3A_422, %dma_start3A_423] : memref<8x125x16xf32, #tpu.memory_space<vmem>> -> memref<1x125x16xf32, #tpu.memory_space<vmem>>
      %dma_start3A_425 = tpu.memref_squeeze %dma_start3A_424 : memref<1x125x16xf32, #tpu.memory_space<vmem>> -> memref<125x16xf32, #tpu.memory_space<vmem>>
      %dma_start3A_426 = arith.constant 0 : i32
      %dma_start3A_427 = tpu.memref_slice %arg7[%add3A_405, %dma_start3A_426] : memref<80x125xi32, #tpu.memory_space<vmem>> -> memref<1x125xi32, #tpu.memory_space<vmem>>
      %dma_start3A_428 = tpu.memref_squeeze %dma_start3A_427 : memref<1x125xi32, #tpu.memory_space<vmem>> -> memref<125xi32, #tpu.memory_space<vmem>>
      %dma_start3A_429 = arith.constant 0 : i32
      %dma_start3A_430 = arith.constant 0 : i32
      %dma_start3A_431 = tpu.memref_slice %arg9[%dma_start3A_429, %dma_start3A_430] : memref<10112x16xf32, #tpu.memory_space<vmem_shared>> -> memref<10112x16xf32, #tpu.memory_space<vmem_shared>>
      %dma_start3A_432 = tpu.memref_slice %arg12[%dma_start3A_421] : memref<8x!tpu.dma_semaphore, #tpu.memory_space<semaphore_mem>> -> memref<1x!tpu.dma_semaphore, #tpu.memory_space<semaphore_mem>>
      %dma_start3A_433 = tpu.memref_squeeze %dma_start3A_432 : memref<1x!tpu.dma_semaphore, #tpu.memory_space<semaphore_mem>> -> memref<!tpu.dma_semaphore, #tpu.memory_space<semaphore_mem>>
      tpu.enqueue_indirect_dma source(%dma_start3A_425 : memref<125x16xf32, #tpu.memory_space<vmem>>) target(%dma_start3A_431 : memref<10112x16xf32, #tpu.memory_space<vmem_shared>>) offsets(%dma_start3A_428 : memref<125xi32, #tpu.memory_space<vmem>>) semaphore(%dma_start3A_433 : memref<!tpu.dma_semaphore, #tpu.memory_space<semaphore_mem>>) {add = true}
      %ge3A_434 = arith.constant 4 : i32
      %ge3A_435 = arith.cmpi sge, %add3A_405, %ge3A_434 : i32
      %convert_element_type3A_436 = arith.extui %ge3A_435 : i1 to i32
      %cond3A_437 = arith.constant 0 : i32
      %cond3A_438 = arith.cmpi ne, %convert_element_type3A_436, %cond3A_437 : i32
      scf.if %cond3A_438 {
        %dma_wait3A_490 = arith.constant 2 : i32
        %dma_wait3A_491 = arith.constant 0 : i32
        %dma_wait3A_492 = arith.constant 2 : i32
        %dma_wait3A_493 = arith.constant 0 : i32
        %dma_wait3A_494 = arith.constant 0 : i32
        %dma_wait3A_495 = tpu.memref_slice %arg8[%dma_wait3A_490, %dma_wait3A_493, %dma_wait3A_494] : memref<8x125x16xf32, #tpu.memory_space<vmem>> -> memref<1x125x16xf32, #tpu.memory_space<vmem>>
        %dma_wait3A_496 = tpu.memref_squeeze %dma_wait3A_495 : memref<1x125x16xf32, #tpu.memory_space<vmem>> -> memref<125x16xf32, #tpu.memory_space<vmem>>
        %dma_wait3A_497 = arith.constant 0 : i32
        %dma_wait3A_498 = tpu.memref_slice %arg7[%dma_wait3A_491, %dma_wait3A_497] : memref<80x125xi32, #tpu.memory_space<vmem>> -> memref<1x125xi32, #tpu.memory_space<vmem>>
        %dma_wait3A_499 = tpu.memref_squeeze %dma_wait3A_498 : memref<1x125xi32, #tpu.memory_space<vmem>> -> memref<125xi32, #tpu.memory_space<vmem>>
        %dma_wait3A_500 = arith.constant 0 : i32
        %dma_wait3A_501 = arith.constant 0 : i32
        %dma_wait3A_502 = tpu.memref_slice %arg9[%dma_wait3A_500, %dma_wait3A_501] : memref<10112x16xf32, #tpu.memory_space<vmem_shared>> -> memref<10112x16xf32, #tpu.memory_space<vmem_shared>>
        %dma_wait3A_503 = tpu.memref_slice %arg12[%dma_wait3A_492] : memref<8x!tpu.dma_semaphore, #tpu.memory_space<semaphore_mem>> -> memref<1x!tpu.dma_semaphore, #tpu.memory_space<semaphore_mem>>
        %dma_wait3A_504 = tpu.memref_squeeze %dma_wait3A_503 : memref<1x!tpu.dma_semaphore, #tpu.memory_space<semaphore_mem>> -> memref<!tpu.dma_semaphore, #tpu.memory_space<semaphore_mem>>
        tpu.wait_indirect_dma semaphore(%dma_wait3A_504 : memref<!tpu.dma_semaphore, #tpu.memory_space<semaphore_mem>>) src(%dma_wait3A_496 : memref<125x16xf32, #tpu.memory_space<vmem>>) dst(%dma_wait3A_502 : memref<10112x16xf32, #tpu.memory_space<vmem_shared>>)
      } else {
      }
      %add3A_439 = arith.constant 4 : i32
      %add3A_440 = arith.addi %add3A_405, %add3A_439 : i32
      %lt3A_441 = arith.constant 80 : i32
      %lt3A_442 = arith.cmpi slt, %add3A_440, %lt3A_441 : i32
      %convert_element_type3A_443 = arith.extui %lt3A_442 : i1 to i32
      %cond3A_444 = arith.constant 0 : i32
      %cond3A_445 = arith.cmpi ne, %convert_element_type3A_443, %cond3A_444 : i32
      scf.if %cond3A_445 {
        %add3A_490 = arith.constant 4 : i32
        %add3A_491 = arith.addi %add3A_405, %add3A_490 : i32
        %dma_start3A_492 = arith.constant 2 : i32
        %dma_start3A_493 = arith.constant 2 : i32
        %dma_start3A_494 = arith.constant 0 : i32
        %dma_start3A_495 = arith.constant 0 : i32
        %dma_start3A_496 = tpu.memref_slice %arg8[%dma_start3A_492, %dma_start3A_494, %dma_start3A_495] : memref<8x125x16xf32, #tpu.memory_space<vmem>> -> memref<1x125x16xf32, #tpu.memory_space<vmem>>
        %dma_start3A_497 = tpu.memref_squeeze %dma_start3A_496 : memref<1x125x16xf32, #tpu.memory_space<vmem>> -> memref<125x16xf32, #tpu.memory_space<vmem>>
        %dma_start3A_498 = arith.constant 0 : i32
        %dma_start3A_499 = tpu.memref_slice %arg6[%add3A_491, %dma_start3A_498] : memref<80x125xi32, #tpu.memory_space<vmem>> -> memref<1x125xi32, #tpu.memory_space<vmem>>
        %dma_start3A_500 = tpu.memref_squeeze %dma_start3A_499 : memref<1x125xi32, #tpu.memory_space<vmem>> -> memref<125xi32, #tpu.memory_space<vmem>>
        %dma_start3A_501 = arith.constant 0 : i32
        %dma_start3A_502 = arith.constant 0 : i32
        %dma_start3A_503 = tpu.memref_slice %arg10[%dma_start3A_501, %dma_start3A_502] : memref<10000x16xf32, #tpu.memory_space<vmem_shared>> -> memref<10000x16xf32, #tpu.memory_space<vmem_shared>>
        %dma_start3A_504 = tpu.memref_slice %arg11[%dma_start3A_493] : memref<8x!tpu.dma_semaphore, #tpu.memory_space<semaphore_mem>> -> memref<1x!tpu.dma_semaphore, #tpu.memory_space<semaphore_mem>>
        %dma_start3A_505 = tpu.memref_squeeze %dma_start3A_504 : memref<1x!tpu.dma_semaphore, #tpu.memory_space<semaphore_mem>> -> memref<!tpu.dma_semaphore, #tpu.memory_space<semaphore_mem>>
        tpu.enqueue_indirect_dma source(%dma_start3A_503 : memref<10000x16xf32, #tpu.memory_space<vmem_shared>>) target(%dma_start3A_497 : memref<125x16xf32, #tpu.memory_space<vmem>>) offsets(%dma_start3A_500 : memref<125xi32, #tpu.memory_space<vmem>>) semaphore(%dma_start3A_505 : memref<!tpu.dma_semaphore, #tpu.memory_space<semaphore_mem>>)
      } else {
      }
      %mul3A_446 = arith.constant 8 : i32
      %mul3A_447 = arith.muli %mul3A_446, %scan3A_138 : i32
      %add3A_448 = arith.constant 7 : i32
      %add3A_449 = arith.addi %mul3A_447, %add3A_448 : i32
      %dma_wait3A_450 = arith.constant 7 : i32
      %dma_wait3A_451 = arith.constant 7 : i32
      %dma_wait3A_452 = arith.constant 0 : i32
      %dma_wait3A_453 = arith.constant 0 : i32
      %dma_wait3A_454 = tpu.memref_slice %arg8[%dma_wait3A_450, %dma_wait3A_452, %dma_wait3A_453] : memref<8x125x16xf32, #tpu.memory_space<vmem>> -> memref<1x125x16xf32, #tpu.memory_space<vmem>>
      %dma_wait3A_455 = tpu.memref_squeeze %dma_wait3A_454 : memref<1x125x16xf32, #tpu.memory_space<vmem>> -> memref<125x16xf32, #tpu.memory_space<vmem>>
      %dma_wait3A_456 = arith.constant 0 : i32
      %dma_wait3A_457 = tpu.memref_slice %arg6[%add3A_449, %dma_wait3A_456] : memref<80x125xi32, #tpu.memory_space<vmem>> -> memref<1x125xi32, #tpu.memory_space<vmem>>
      %dma_wait3A_458 = tpu.memref_squeeze %dma_wait3A_457 : memref<1x125xi32, #tpu.memory_space<vmem>> -> memref<125xi32, #tpu.memory_space<vmem>>
      %dma_wait3A_459 = arith.constant 0 : i32
      %dma_wait3A_460 = arith.constant 0 : i32
      %dma_wait3A_461 = tpu.memref_slice %arg10[%dma_wait3A_459, %dma_wait3A_460] : memref<10000x16xf32, #tpu.memory_space<vmem_shared>> -> memref<10000x16xf32, #tpu.memory_space<vmem_shared>>
      %dma_wait3A_462 = tpu.memref_slice %arg11[%dma_wait3A_451] : memref<8x!tpu.dma_semaphore, #tpu.memory_space<semaphore_mem>> -> memref<1x!tpu.dma_semaphore, #tpu.memory_space<semaphore_mem>>
      %dma_wait3A_463 = tpu.memref_squeeze %dma_wait3A_462 : memref<1x!tpu.dma_semaphore, #tpu.memory_space<semaphore_mem>> -> memref<!tpu.dma_semaphore, #tpu.memory_space<semaphore_mem>>
      tpu.wait_indirect_dma semaphore(%dma_wait3A_463 : memref<!tpu.dma_semaphore, #tpu.memory_space<semaphore_mem>>) src(%dma_wait3A_461 : memref<10000x16xf32, #tpu.memory_space<vmem_shared>>) dst(%dma_wait3A_455 : memref<125x16xf32, #tpu.memory_space<vmem>>)
      %dma_start3A_464 = arith.constant 7 : i32
      %dma_start3A_465 = arith.constant 7 : i32
      %dma_start3A_466 = arith.constant 0 : i32
      %dma_start3A_467 = arith.constant 0 : i32
      %dma_start3A_468 = tpu.memref_slice %arg8[%dma_start3A_464, %dma_start3A_466, %dma_start3A_467] : memref<8x125x16xf32, #tpu.memory_space<vmem>> -> memref<1x125x16xf32, #tpu.memory_space<vmem>>
      %dma_start3A_469 = tpu.memref_squeeze %dma_start3A_468 : memref<1x125x16xf32, #tpu.memory_space<vmem>> -> memref<125x16xf32, #tpu.memory_space<vmem>>
      %dma_start3A_470 = arith.constant 0 : i32
      %dma_start3A_471 = tpu.memref_slice %arg7[%add3A_449, %dma_start3A_470] : memref<80x125xi32, #tpu.memory_space<vmem>> -> memref<1x125xi32, #tpu.memory_space<vmem>>
      %dma_start3A_472 = tpu.memref_squeeze %dma_start3A_471 : memref<1x125xi32, #tpu.memory_space<vmem>> -> memref<125xi32, #tpu.memory_space<vmem>>
      %dma_start3A_473 = arith.constant 0 : i32
      %dma_start3A_474 = arith.constant 0 : i32
      %dma_start3A_475 = tpu.memref_slice %arg9[%dma_start3A_473, %dma_start3A_474] : memref<10112x16xf32, #tpu.memory_space<vmem_shared>> -> memref<10112x16xf32, #tpu.memory_space<vmem_shared>>
      %dma_start3A_476 = tpu.memref_slice %arg12[%dma_start3A_465] : memref<8x!tpu.dma_semaphore, #tpu.memory_space<semaphore_mem>> -> memref<1x!tpu.dma_semaphore, #tpu.memory_space<semaphore_mem>>
      %dma_start3A_477 = tpu.memref_squeeze %dma_start3A_476 : memref<1x!tpu.dma_semaphore, #tpu.memory_space<semaphore_mem>> -> memref<!tpu.dma_semaphore, #tpu.memory_space<semaphore_mem>>
      tpu.enqueue_indirect_dma source(%dma_start3A_469 : memref<125x16xf32, #tpu.memory_space<vmem>>) target(%dma_start3A_475 : memref<10112x16xf32, #tpu.memory_space<vmem_shared>>) offsets(%dma_start3A_472 : memref<125xi32, #tpu.memory_space<vmem>>) semaphore(%dma_start3A_477 : memref<!tpu.dma_semaphore, #tpu.memory_space<semaphore_mem>>) {add = true}
      %ge3A_478 = arith.constant 4 : i32
      %ge3A_479 = arith.cmpi sge, %add3A_449, %ge3A_478 : i32
      %convert_element_type3A_480 = arith.extui %ge3A_479 : i1 to i32
      %cond3A_481 = arith.constant 0 : i32
      %cond3A_482 = arith.cmpi ne, %convert_element_type3A_480, %cond3A_481 : i32
      scf.if %cond3A_482 {
        %dma_wait3A_490 = arith.constant 3 : i32
        %dma_wait3A_491 = arith.constant 0 : i32
        %dma_wait3A_492 = arith.constant 3 : i32
        %dma_wait3A_493 = arith.constant 0 : i32
        %dma_wait3A_494 = arith.constant 0 : i32
        %dma_wait3A_495 = tpu.memref_slice %arg8[%dma_wait3A_490, %dma_wait3A_493, %dma_wait3A_494] : memref<8x125x16xf32, #tpu.memory_space<vmem>> -> memref<1x125x16xf32, #tpu.memory_space<vmem>>
        %dma_wait3A_496 = tpu.memref_squeeze %dma_wait3A_495 : memref<1x125x16xf32, #tpu.memory_space<vmem>> -> memref<125x16xf32, #tpu.memory_space<vmem>>
        %dma_wait3A_497 = arith.constant 0 : i32
        %dma_wait3A_498 = tpu.memref_slice %arg7[%dma_wait3A_491, %dma_wait3A_497] : memref<80x125xi32, #tpu.memory_space<vmem>> -> memref<1x125xi32, #tpu.memory_space<vmem>>
        %dma_wait3A_499 = tpu.memref_squeeze %dma_wait3A_498 : memref<1x125xi32, #tpu.memory_space<vmem>> -> memref<125xi32, #tpu.memory_space<vmem>>
        %dma_wait3A_500 = arith.constant 0 : i32
        %dma_wait3A_501 = arith.constant 0 : i32
        %dma_wait3A_502 = tpu.memref_slice %arg9[%dma_wait3A_500, %dma_wait3A_501] : memref<10112x16xf32, #tpu.memory_space<vmem_shared>> -> memref<10112x16xf32, #tpu.memory_space<vmem_shared>>
        %dma_wait3A_503 = tpu.memref_slice %arg12[%dma_wait3A_492] : memref<8x!tpu.dma_semaphore, #tpu.memory_space<semaphore_mem>> -> memref<1x!tpu.dma_semaphore, #tpu.memory_space<semaphore_mem>>
        %dma_wait3A_504 = tpu.memref_squeeze %dma_wait3A_503 : memref<1x!tpu.dma_semaphore, #tpu.memory_space<semaphore_mem>> -> memref<!tpu.dma_semaphore, #tpu.memory_space<semaphore_mem>>
        tpu.wait_indirect_dma semaphore(%dma_wait3A_504 : memref<!tpu.dma_semaphore, #tpu.memory_space<semaphore_mem>>) src(%dma_wait3A_496 : memref<125x16xf32, #tpu.memory_space<vmem>>) dst(%dma_wait3A_502 : memref<10112x16xf32, #tpu.memory_space<vmem_shared>>)
      } else {
      }
      %add3A_483 = arith.constant 4 : i32
      %add3A_484 = arith.addi %add3A_449, %add3A_483 : i32
      %lt3A_485 = arith.constant 80 : i32
      %lt3A_486 = arith.cmpi slt, %add3A_484, %lt3A_485 : i32
      %convert_element_type3A_487 = arith.extui %lt3A_486 : i1 to i32
      %cond3A_488 = arith.constant 0 : i32
      %cond3A_489 = arith.cmpi ne, %convert_element_type3A_487, %cond3A_488 : i32
      scf.if %cond3A_489 {
        %add3A_490 = arith.constant 4 : i32
        %add3A_491 = arith.addi %add3A_449, %add3A_490 : i32
        %dma_start3A_492 = arith.constant 3 : i32
        %dma_start3A_493 = arith.constant 3 : i32
        %dma_start3A_494 = arith.constant 0 : i32
        %dma_start3A_495 = arith.constant 0 : i32
        %dma_start3A_496 = tpu.memref_slice %arg8[%dma_start3A_492, %dma_start3A_494, %dma_start3A_495] : memref<8x125x16xf32, #tpu.memory_space<vmem>> -> memref<1x125x16xf32, #tpu.memory_space<vmem>>
        %dma_start3A_497 = tpu.memref_squeeze %dma_start3A_496 : memref<1x125x16xf32, #tpu.memory_space<vmem>> -> memref<125x16xf32, #tpu.memory_space<vmem>>
        %dma_start3A_498 = arith.constant 0 : i32
        %dma_start3A_499 = tpu.memref_slice %arg6[%add3A_491, %dma_start3A_498] : memref<80x125xi32, #tpu.memory_space<vmem>> -> memref<1x125xi32, #tpu.memory_space<vmem>>
        %dma_start3A_500 = tpu.memref_squeeze %dma_start3A_499 : memref<1x125xi32, #tpu.memory_space<vmem>> -> memref<125xi32, #tpu.memory_space<vmem>>
        %dma_start3A_501 = arith.constant 0 : i32
        %dma_start3A_502 = arith.constant 0 : i32
        %dma_start3A_503 = tpu.memref_slice %arg10[%dma_start3A_501, %dma_start3A_502] : memref<10000x16xf32, #tpu.memory_space<vmem_shared>> -> memref<10000x16xf32, #tpu.memory_space<vmem_shared>>
        %dma_start3A_504 = tpu.memref_slice %arg11[%dma_start3A_493] : memref<8x!tpu.dma_semaphore, #tpu.memory_space<semaphore_mem>> -> memref<1x!tpu.dma_semaphore, #tpu.memory_space<semaphore_mem>>
        %dma_start3A_505 = tpu.memref_squeeze %dma_start3A_504 : memref<1x!tpu.dma_semaphore, #tpu.memory_space<semaphore_mem>> -> memref<!tpu.dma_semaphore, #tpu.memory_space<semaphore_mem>>
        tpu.enqueue_indirect_dma source(%dma_start3A_503 : memref<10000x16xf32, #tpu.memory_space<vmem_shared>>) target(%dma_start3A_497 : memref<125x16xf32, #tpu.memory_space<vmem>>) offsets(%dma_start3A_500 : memref<125xi32, #tpu.memory_space<vmem>>) semaphore(%dma_start3A_505 : memref<!tpu.dma_semaphore, #tpu.memory_space<semaphore_mem>>)
      } else {
      }
    }
    %scan3A_73 = arith.constant 10 : i32
    %dma_wait3A = arith.constant 4 : i32
    %dma_wait3A_74 = arith.constant 0 : i32
    %dma_wait3A_75 = arith.constant 4 : i32
    %dma_wait3A_76 = arith.constant 0 : i32
    %dma_wait3A_77 = arith.constant 0 : i32
    %dma_wait3A_78 = tpu.memref_slice %arg8[%dma_wait3A, %dma_wait3A_76, %dma_wait3A_77] : memref<8x125x16xf32, #tpu.memory_space<vmem>> -> memref<1x125x16xf32, #tpu.memory_space<vmem>>
    %dma_wait3A_79 = tpu.memref_squeeze %dma_wait3A_78 : memref<1x125x16xf32, #tpu.memory_space<vmem>> -> memref<125x16xf32, #tpu.memory_space<vmem>>
    %dma_wait3A_80 = arith.constant 0 : i32
    %dma_wait3A_81 = tpu.memref_slice %arg7[%dma_wait3A_74, %dma_wait3A_80] : memref<80x125xi32, #tpu.memory_space<vmem>> -> memref<1x125xi32, #tpu.memory_space<vmem>>
    %dma_wait3A_82 = tpu.memref_squeeze %dma_wait3A_81 : memref<1x125xi32, #tpu.memory_space<vmem>> -> memref<125xi32, #tpu.memory_space<vmem>>
    %dma_wait3A_83 = arith.constant 0 : i32
    %dma_wait3A_84 = arith.constant 0 : i32
    %dma_wait3A_85 = tpu.memref_slice %arg9[%dma_wait3A_83, %dma_wait3A_84] : memref<10112x16xf32, #tpu.memory_space<vmem_shared>> -> memref<10112x16xf32, #tpu.memory_space<vmem_shared>>
    %dma_wait3A_86 = tpu.memref_slice %arg12[%dma_wait3A_75] : memref<8x!tpu.dma_semaphore, #tpu.memory_space<semaphore_mem>> -> memref<1x!tpu.dma_semaphore, #tpu.memory_space<semaphore_mem>>
    %dma_wait3A_87 = tpu.memref_squeeze %dma_wait3A_86 : memref<1x!tpu.dma_semaphore, #tpu.memory_space<semaphore_mem>> -> memref<!tpu.dma_semaphore, #tpu.memory_space<semaphore_mem>>
    tpu.wait_indirect_dma semaphore(%dma_wait3A_87 : memref<!tpu.dma_semaphore, #tpu.memory_space<semaphore_mem>>) src(%dma_wait3A_79 : memref<125x16xf32, #tpu.memory_space<vmem>>) dst(%dma_wait3A_85 : memref<10112x16xf32, #tpu.memory_space<vmem_shared>>)
    %dma_wait3A_88 = arith.constant 5 : i32
    %dma_wait3A_89 = arith.constant 0 : i32
    %dma_wait3A_90 = arith.constant 5 : i32
    %dma_wait3A_91 = arith.constant 0 : i32
    %dma_wait3A_92 = arith.constant 0 : i32
    %dma_wait3A_93 = tpu.memref_slice %arg8[%dma_wait3A_88, %dma_wait3A_91, %dma_wait3A_92] : memref<8x125x16xf32, #tpu.memory_space<vmem>> -> memref<1x125x16xf32, #tpu.memory_space<vmem>>
    %dma_wait3A_94 = tpu.memref_squeeze %dma_wait3A_93 : memref<1x125x16xf32, #tpu.memory_space<vmem>> -> memref<125x16xf32, #tpu.memory_space<vmem>>
    %dma_wait3A_95 = arith.constant 0 : i32
    %dma_wait3A_96 = tpu.memref_slice %arg7[%dma_wait3A_89, %dma_wait3A_95] : memref<80x125xi32, #tpu.memory_space<vmem>> -> memref<1x125xi32, #tpu.memory_space<vmem>>
    %dma_wait3A_97 = tpu.memref_squeeze %dma_wait3A_96 : memref<1x125xi32, #tpu.memory_space<vmem>> -> memref<125xi32, #tpu.memory_space<vmem>>
    %dma_wait3A_98 = arith.constant 0 : i32
    %dma_wait3A_99 = arith.constant 0 : i32
    %dma_wait3A_100 = tpu.memref_slice %arg9[%dma_wait3A_98, %dma_wait3A_99] : memref<10112x16xf32, #tpu.memory_space<vmem_shared>> -> memref<10112x16xf32, #tpu.memory_space<vmem_shared>>
    %dma_wait3A_101 = tpu.memref_slice %arg12[%dma_wait3A_90] : memref<8x!tpu.dma_semaphore, #tpu.memory_space<semaphore_mem>> -> memref<1x!tpu.dma_semaphore, #tpu.memory_space<semaphore_mem>>
    %dma_wait3A_102 = tpu.memref_squeeze %dma_wait3A_101 : memref<1x!tpu.dma_semaphore, #tpu.memory_space<semaphore_mem>> -> memref<!tpu.dma_semaphore, #tpu.memory_space<semaphore_mem>>
    tpu.wait_indirect_dma semaphore(%dma_wait3A_102 : memref<!tpu.dma_semaphore, #tpu.memory_space<semaphore_mem>>) src(%dma_wait3A_94 : memref<125x16xf32, #tpu.memory_space<vmem>>) dst(%dma_wait3A_100 : memref<10112x16xf32, #tpu.memory_space<vmem_shared>>)
    %dma_wait3A_103 = arith.constant 6 : i32
    %dma_wait3A_104 = arith.constant 0 : i32
    %dma_wait3A_105 = arith.constant 6 : i32
    %dma_wait3A_106 = arith.constant 0 : i32
    %dma_wait3A_107 = arith.constant 0 : i32
    %dma_wait3A_108 = tpu.memref_slice %arg8[%dma_wait3A_103, %dma_wait3A_106, %dma_wait3A_107] : memref<8x125x16xf32, #tpu.memory_space<vmem>> -> memref<1x125x16xf32, #tpu.memory_space<vmem>>
    %dma_wait3A_109 = tpu.memref_squeeze %dma_wait3A_108 : memref<1x125x16xf32, #tpu.memory_space<vmem>> -> memref<125x16xf32, #tpu.memory_space<vmem>>
    %dma_wait3A_110 = arith.constant 0 : i32
    %dma_wait3A_111 = tpu.memref_slice %arg7[%dma_wait3A_104, %dma_wait3A_110] : memref<80x125xi32, #tpu.memory_space<vmem>> -> memref<1x125xi32, #tpu.memory_space<vmem>>
    %dma_wait3A_112 = tpu.memref_squeeze %dma_wait3A_111 : memref<1x125xi32, #tpu.memory_space<vmem>> -> memref<125xi32, #tpu.memory_space<vmem>>
    %dma_wait3A_113 = arith.constant 0 : i32
    %dma_wait3A_114 = arith.constant 0 : i32
    %dma_wait3A_115 = tpu.memref_slice %arg9[%dma_wait3A_113, %dma_wait3A_114] : memref<10112x16xf32, #tpu.memory_space<vmem_shared>> -> memref<10112x16xf32, #tpu.memory_space<vmem_shared>>
    %dma_wait3A_116 = tpu.memref_slice %arg12[%dma_wait3A_105] : memref<8x!tpu.dma_semaphore, #tpu.memory_space<semaphore_mem>> -> memref<1x!tpu.dma_semaphore, #tpu.memory_space<semaphore_mem>>
    %dma_wait3A_117 = tpu.memref_squeeze %dma_wait3A_116 : memref<1x!tpu.dma_semaphore, #tpu.memory_space<semaphore_mem>> -> memref<!tpu.dma_semaphore, #tpu.memory_space<semaphore_mem>>
    tpu.wait_indirect_dma semaphore(%dma_wait3A_117 : memref<!tpu.dma_semaphore, #tpu.memory_space<semaphore_mem>>) src(%dma_wait3A_109 : memref<125x16xf32, #tpu.memory_space<vmem>>) dst(%dma_wait3A_115 : memref<10112x16xf32, #tpu.memory_space<vmem_shared>>)
    %dma_wait3A_118 = arith.constant 7 : i32
    %dma_wait3A_119 = arith.constant 0 : i32
    %dma_wait3A_120 = arith.constant 7 : i32
    %dma_wait3A_121 = arith.constant 0 : i32
    %dma_wait3A_122 = arith.constant 0 : i32
    %dma_wait3A_123 = tpu.memref_slice %arg8[%dma_wait3A_118, %dma_wait3A_121, %dma_wait3A_122] : memref<8x125x16xf32, #tpu.memory_space<vmem>> -> memref<1x125x16xf32, #tpu.memory_space<vmem>>
    %dma_wait3A_124 = tpu.memref_squeeze %dma_wait3A_123 : memref<1x125x16xf32, #tpu.memory_space<vmem>> -> memref<125x16xf32, #tpu.memory_space<vmem>>
    %dma_wait3A_125 = arith.constant 0 : i32
    %dma_wait3A_126 = tpu.memref_slice %arg7[%dma_wait3A_119, %dma_wait3A_125] : memref<80x125xi32, #tpu.memory_space<vmem>> -> memref<1x125xi32, #tpu.memory_space<vmem>>
    %dma_wait3A_127 = tpu.memref_squeeze %dma_wait3A_126 : memref<1x125xi32, #tpu.memory_space<vmem>> -> memref<125xi32, #tpu.memory_space<vmem>>
    %dma_wait3A_128 = arith.constant 0 : i32
    %dma_wait3A_129 = arith.constant 0 : i32
    %dma_wait3A_130 = tpu.memref_slice %arg9[%dma_wait3A_128, %dma_wait3A_129] : memref<10112x16xf32, #tpu.memory_space<vmem_shared>> -> memref<10112x16xf32, #tpu.memory_space<vmem_shared>>
    %dma_wait3A_131 = tpu.memref_slice %arg12[%dma_wait3A_120] : memref<8x!tpu.dma_semaphore, #tpu.memory_space<semaphore_mem>> -> memref<1x!tpu.dma_semaphore, #tpu.memory_space<semaphore_mem>>
    %dma_wait3A_132 = tpu.memref_squeeze %dma_wait3A_131 : memref<1x!tpu.dma_semaphore, #tpu.memory_space<semaphore_mem>> -> memref<!tpu.dma_semaphore, #tpu.memory_space<semaphore_mem>>
    tpu.wait_indirect_dma semaphore(%dma_wait3A_132 : memref<!tpu.dma_semaphore, #tpu.memory_space<semaphore_mem>>) src(%dma_wait3A_124 : memref<125x16xf32, #tpu.memory_space<vmem>>) dst(%dma_wait3A_130 : memref<10112x16xf32, #tpu.memory_space<vmem_shared>>)
    %barrier3A_133 = arith.constant 0 : index
    tpu.barrier barrier_id(%barrier3A_133)
    %mul3A_134 = arith.constant 632 : i32
    %mul3A_135 = arith.muli %arg1, %mul3A_134 : i32
    %mul3A_136 = arith.constant 632 : i32
    %mul3A_137 = arith.muli %arg1, %mul3A_136 : i32
    "tpu.region"() ({
      %run_scoped3A_138 = tpu.sem_alloc : memref<!tpu.dma_semaphore, #tpu.memory_space<semaphore_mem>>
      %dma_start3A_139 = arith.constant 0 : i32
      %dma_start3A_140 = tpu.memref_slice %arg5[%arg0, %mul3A_137, %dma_start3A_139] : memref<2x10112x16xf32, #tpu.memory_space<hbm>> -> memref<1x632x16xf32, #tpu.memory_space<hbm>>
      %dma_start3A_141 = tpu.memref_squeeze %dma_start3A_140 : memref<1x632x16xf32, #tpu.memory_space<hbm>> -> memref<632x16xf32, #tpu.memory_space<hbm>>
      %dma_start3A_142 = arith.constant 0 : i32
      %dma_start3A_143 = tpu.memref_slice %arg9[%mul3A_135, %dma_start3A_142] : memref<10112x16xf32, #tpu.memory_space<vmem_shared>> -> memref<632x16xf32, #tpu.memory_space<vmem_shared>>
      tpu.enqueue_dma source(%dma_start3A_143 : memref<632x16xf32, #tpu.memory_space<vmem_shared>>) target(%dma_start3A_141 : memref<632x16xf32, #tpu.memory_space<hbm>>) target_semaphore(%run_scoped3A_138 : memref<!tpu.dma_semaphore, #tpu.memory_space<semaphore_mem>>)
      %dma_wait3A_144 = arith.constant 0 : i32
      %dma_wait3A_145 = tpu.memref_slice %arg5[%arg0, %mul3A_137, %dma_wait3A_144] : memref<2x10112x16xf32, #tpu.memory_space<hbm>> -> memref<1x632x16xf32, #tpu.memory_space<hbm>>
      %dma_wait3A_146 = tpu.memref_squeeze %dma_wait3A_145 : memref<1x632x16xf32, #tpu.memory_space<hbm>> -> memref<632x16xf32, #tpu.memory_space<hbm>>
      %dma_wait3A_147 = arith.constant 0 : i32
      %dma_wait3A_148 = tpu.memref_slice %arg9[%mul3A_135, %dma_wait3A_147] : memref<10112x16xf32, #tpu.memory_space<vmem_shared>> -> memref<632x16xf32, #tpu.memory_space<vmem_shared>>
      tpu.wait_dma2 semaphore(%run_scoped3A_138 : memref<!tpu.dma_semaphore, #tpu.memory_space<semaphore_mem>>) src(%dma_wait3A_148 : memref<632x16xf32, #tpu.memory_space<vmem_shared>>) dst(%dma_wait3A_146 : memref<632x16xf32, #tpu.memory_space<hbm>>)
      tpu.yield
    }) : () -> ()
    return
  }
}

module attributes {stable_mosaic.version = 14 : i64} {
  func.func @body(%arg0: memref<1250x1024xf32, #tpu.memory_space<vmem>>, %arg1: memref<16x128xf32, #tpu.memory_space<vmem>>, %arg2: memref<16x128xf32, #tpu.memory_space<vmem>>, %arg3: memref<1x16xf32, #tpu.memory_space<vmem>>, %arg4: memref<1250x128xf32, #tpu.memory_space<vmem>>, %arg5: memref<1250x128xf32, #tpu.memory_space<vmem>>) attributes {dimension_semantics = [], scalar_prefetch = 0 : i64, scratch_operands = 0 : i64, tpu.core_type = #tpu.core_type<tc>} {
    %get3A = arith.constant 0 : index
    %get3A_0 = arith.constant 0 : index
    %get3A_1 = vector.load %arg0[%get3A, %get3A_0] : memref<1250x1024xf32, #tpu.memory_space<vmem>>, vector<1250x1024xf32>
    %get3A_2 = arith.constant 0 : index
    %get3A_3 = arith.constant 0 : index
    %get3A_4 = vector.load %arg1[%get3A_2, %get3A_3] : memref<16x128xf32, #tpu.memory_space<vmem>>, vector<16x128xf32>
    %transpose3A = tpu.transpose %get3A_4, [1, 0] : vector<16x128xf32> -> vector<128x16xf32>
    %tile3A = tpu.concatenate %transpose3A, %transpose3A, %transpose3A, %transpose3A, %transpose3A, %transpose3A, %transpose3A, %transpose3A in 0 : vector<128x16xf32>, vector<128x16xf32>, vector<128x16xf32>, vector<128x16xf32>, vector<128x16xf32>, vector<128x16xf32>, vector<128x16xf32>, vector<128x16xf32> -> vector<1024x16xf32>
    %tile3A_5 = tpu.concatenate %tile3A, %tile3A, %tile3A, %tile3A, %tile3A, %tile3A, %tile3A, %tile3A in 1 : vector<1024x16xf32>, vector<1024x16xf32>, vector<1024x16xf32>, vector<1024x16xf32>, vector<1024x16xf32>, vector<1024x16xf32>, vector<1024x16xf32>, vector<1024x16xf32> -> vector<1024x128xf32>
    %iota3A = tpu.iota {dimensions = array<i32: 0>} : vector<1024x128xi32>
    %iota3A_6 = tpu.iota {dimensions = array<i32: 1>} : vector<1024x128xi32>
    %jit3A = arith.constant 128 : i32
    %div3A = vector.broadcast %jit3A : i32 to vector<1024x128xi32>
    %div3A_7 = arith.divsi %iota3A, %div3A : vector<1024x128xi32>
    %sign3A = arith.constant 0 : i32
    %sign3A_8 = vector.broadcast %sign3A : i32 to vector<1024x128xi32>
    %sign3A_9 = arith.cmpi sgt, %iota3A, %sign3A_8 : vector<1024x128xi32>
    %sign3A_10 = arith.extui %sign3A_9 : vector<1024x128xi1> to vector<1024x128xi32>
    %sign3A_11 = arith.constant 0 : i32
    %sign3A_12 = vector.broadcast %sign3A_11 : i32 to vector<1024x128xi32>
    %sign3A_13 = arith.cmpi slt, %iota3A, %sign3A_12 : vector<1024x128xi32>
    %sign3A_14 = arith.extui %sign3A_13 : vector<1024x128xi1> to vector<1024x128xi32>
    %sign3A_15 = arith.subi %sign3A_10, %sign3A_14 : vector<1024x128xi32>
    %sign3A_16 = arith.constant 0 : i32
    %sign3A_17 = arith.cmpi sgt, %jit3A, %sign3A_16 : i32
    %sign3A_18 = arith.extui %sign3A_17 : i1 to i32
    %sign3A_19 = arith.constant 0 : i32
    %sign3A_20 = arith.cmpi slt, %jit3A, %sign3A_19 : i32
    %sign3A_21 = arith.extui %sign3A_20 : i1 to i32
    %sign3A_22 = arith.subi %sign3A_18, %sign3A_21 : i32
    %ne3A = vector.broadcast %sign3A_22 : i32 to vector<1024x128xi32>
    %ne3A_23 = arith.cmpi ne, %sign3A_15, %ne3A : vector<1024x128xi32>
    %rem3A = vector.broadcast %jit3A : i32 to vector<1024x128xi32>
    %rem3A_24 = arith.remsi %iota3A, %rem3A : vector<1024x128xi32>
    %ne3A_25 = arith.constant 0 : i32
    %ne3A_26 = vector.broadcast %ne3A_25 : i32 to vector<1024x128xi32>
    %ne3A_27 = arith.cmpi ne, %rem3A_24, %ne3A_26 : vector<1024x128xi32>
    %and3A = arith.andi %ne3A_23, %ne3A_27 : vector<1024x128xi1>
    %sub3A = arith.constant 1 : i32
    %sub3A_28 = vector.broadcast %sub3A : i32 to vector<1024x128xi32>
    %sub3A_29 = arith.subi %div3A_7, %sub3A_28 : vector<1024x128xi32>
    %select_n3A = arith.select %and3A, %sub3A_29, %div3A_7 : vector<1024x128xi1>, vector<1024x128xi32>
    %jit3A_30 = arith.constant 16 : i32
    %div3A_31 = vector.broadcast %jit3A_30 : i32 to vector<1024x128xi32>
    %div3A_32 = arith.divsi %iota3A_6, %div3A_31 : vector<1024x128xi32>
    %sign3A_33 = arith.constant 0 : i32
    %sign3A_34 = vector.broadcast %sign3A_33 : i32 to vector<1024x128xi32>
    %sign3A_35 = arith.cmpi sgt, %iota3A_6, %sign3A_34 : vector<1024x128xi32>
    %sign3A_36 = arith.extui %sign3A_35 : vector<1024x128xi1> to vector<1024x128xi32>
    %sign3A_37 = arith.constant 0 : i32
    %sign3A_38 = vector.broadcast %sign3A_37 : i32 to vector<1024x128xi32>
    %sign3A_39 = arith.cmpi slt, %iota3A_6, %sign3A_38 : vector<1024x128xi32>
    %sign3A_40 = arith.extui %sign3A_39 : vector<1024x128xi1> to vector<1024x128xi32>
    %sign3A_41 = arith.subi %sign3A_36, %sign3A_40 : vector<1024x128xi32>
    %sign3A_42 = arith.constant 0 : i32
    %sign3A_43 = arith.cmpi sgt, %jit3A_30, %sign3A_42 : i32
    %sign3A_44 = arith.extui %sign3A_43 : i1 to i32
    %sign3A_45 = arith.constant 0 : i32
    %sign3A_46 = arith.cmpi slt, %jit3A_30, %sign3A_45 : i32
    %sign3A_47 = arith.extui %sign3A_46 : i1 to i32
    %sign3A_48 = arith.subi %sign3A_44, %sign3A_47 : i32
    %ne3A_49 = vector.broadcast %sign3A_48 : i32 to vector<1024x128xi32>
    %ne3A_50 = arith.cmpi ne, %sign3A_41, %ne3A_49 : vector<1024x128xi32>
    %rem3A_51 = vector.broadcast %jit3A_30 : i32 to vector<1024x128xi32>
    %rem3A_52 = arith.remsi %iota3A_6, %rem3A_51 : vector<1024x128xi32>
    %ne3A_53 = arith.constant 0 : i32
    %ne3A_54 = vector.broadcast %ne3A_53 : i32 to vector<1024x128xi32>
    %ne3A_55 = arith.cmpi ne, %rem3A_52, %ne3A_54 : vector<1024x128xi32>
    %and3A_56 = arith.andi %ne3A_50, %ne3A_55 : vector<1024x128xi1>
    %sub3A_57 = arith.constant 1 : i32
    %sub3A_58 = vector.broadcast %sub3A_57 : i32 to vector<1024x128xi32>
    %sub3A_59 = arith.subi %div3A_32, %sub3A_58 : vector<1024x128xi32>
    %select_n3A_60 = arith.select %and3A_56, %sub3A_59, %div3A_32 : vector<1024x128xi1>, vector<1024x128xi32>
    %eq3A = arith.cmpi eq, %select_n3A, %select_n3A_60 : vector<1024x128xi32>
    %jit3A_61 = arith.constant 0.000000e+00 : f32
    %broadcast_in_dim3A = vector.broadcast %jit3A_61 : f32 to vector<1024x128xf32>
    %select_n3A_62 = arith.select %eq3A, %tile3A_5, %broadcast_in_dim3A : vector<1024x128xi1>, vector<1024x128xf32>
    %get3A_63 = arith.constant 0 : index
    %get3A_64 = arith.constant 0 : index
    %get3A_65 = vector.load %arg2[%get3A_63, %get3A_64] : memref<16x128xf32, #tpu.memory_space<vmem>>, vector<16x128xf32>
    %transpose3A_66 = tpu.transpose %get3A_65, [1, 0] : vector<16x128xf32> -> vector<128x16xf32>
    %tile3A_67 = tpu.concatenate %transpose3A_66, %transpose3A_66, %transpose3A_66, %transpose3A_66, %transpose3A_66, %transpose3A_66, %transpose3A_66, %transpose3A_66 in 0 : vector<128x16xf32>, vector<128x16xf32>, vector<128x16xf32>, vector<128x16xf32>, vector<128x16xf32>, vector<128x16xf32>, vector<128x16xf32>, vector<128x16xf32> -> vector<1024x16xf32>
    %tile3A_68 = tpu.concatenate %tile3A_67, %tile3A_67, %tile3A_67, %tile3A_67, %tile3A_67, %tile3A_67, %tile3A_67, %tile3A_67 in 1 : vector<1024x16xf32>, vector<1024x16xf32>, vector<1024x16xf32>, vector<1024x16xf32>, vector<1024x16xf32>, vector<1024x16xf32>, vector<1024x16xf32>, vector<1024x16xf32> -> vector<1024x128xf32>
    %iota3A_69 = tpu.iota {dimensions = array<i32: 0>} : vector<1024x128xi32>
    %iota3A_70 = tpu.iota {dimensions = array<i32: 1>} : vector<1024x128xi32>
    %jit3A_71 = arith.constant 128 : i32
    %div3A_72 = vector.broadcast %jit3A_71 : i32 to vector<1024x128xi32>
    %div3A_73 = arith.divsi %iota3A_69, %div3A_72 : vector<1024x128xi32>
    %sign3A_74 = arith.constant 0 : i32
    %sign3A_75 = vector.broadcast %sign3A_74 : i32 to vector<1024x128xi32>
    %sign3A_76 = arith.cmpi sgt, %iota3A_69, %sign3A_75 : vector<1024x128xi32>
    %sign3A_77 = arith.extui %sign3A_76 : vector<1024x128xi1> to vector<1024x128xi32>
    %sign3A_78 = arith.constant 0 : i32
    %sign3A_79 = vector.broadcast %sign3A_78 : i32 to vector<1024x128xi32>
    %sign3A_80 = arith.cmpi slt, %iota3A_69, %sign3A_79 : vector<1024x128xi32>
    %sign3A_81 = arith.extui %sign3A_80 : vector<1024x128xi1> to vector<1024x128xi32>
    %sign3A_82 = arith.subi %sign3A_77, %sign3A_81 : vector<1024x128xi32>
    %sign3A_83 = arith.constant 0 : i32
    %sign3A_84 = arith.cmpi sgt, %jit3A_71, %sign3A_83 : i32
    %sign3A_85 = arith.extui %sign3A_84 : i1 to i32
    %sign3A_86 = arith.constant 0 : i32
    %sign3A_87 = arith.cmpi slt, %jit3A_71, %sign3A_86 : i32
    %sign3A_88 = arith.extui %sign3A_87 : i1 to i32
    %sign3A_89 = arith.subi %sign3A_85, %sign3A_88 : i32
    %ne3A_90 = vector.broadcast %sign3A_89 : i32 to vector<1024x128xi32>
    %ne3A_91 = arith.cmpi ne, %sign3A_82, %ne3A_90 : vector<1024x128xi32>
    %rem3A_92 = vector.broadcast %jit3A_71 : i32 to vector<1024x128xi32>
    %rem3A_93 = arith.remsi %iota3A_69, %rem3A_92 : vector<1024x128xi32>
    %ne3A_94 = arith.constant 0 : i32
    %ne3A_95 = vector.broadcast %ne3A_94 : i32 to vector<1024x128xi32>
    %ne3A_96 = arith.cmpi ne, %rem3A_93, %ne3A_95 : vector<1024x128xi32>
    %and3A_97 = arith.andi %ne3A_91, %ne3A_96 : vector<1024x128xi1>
    %sub3A_98 = arith.constant 1 : i32
    %sub3A_99 = vector.broadcast %sub3A_98 : i32 to vector<1024x128xi32>
    %sub3A_100 = arith.subi %div3A_73, %sub3A_99 : vector<1024x128xi32>
    %select_n3A_101 = arith.select %and3A_97, %sub3A_100, %div3A_73 : vector<1024x128xi1>, vector<1024x128xi32>
    %jit3A_102 = arith.constant 16 : i32
    %div3A_103 = vector.broadcast %jit3A_102 : i32 to vector<1024x128xi32>
    %div3A_104 = arith.divsi %iota3A_70, %div3A_103 : vector<1024x128xi32>
    %sign3A_105 = arith.constant 0 : i32
    %sign3A_106 = vector.broadcast %sign3A_105 : i32 to vector<1024x128xi32>
    %sign3A_107 = arith.cmpi sgt, %iota3A_70, %sign3A_106 : vector<1024x128xi32>
    %sign3A_108 = arith.extui %sign3A_107 : vector<1024x128xi1> to vector<1024x128xi32>
    %sign3A_109 = arith.constant 0 : i32
    %sign3A_110 = vector.broadcast %sign3A_109 : i32 to vector<1024x128xi32>
    %sign3A_111 = arith.cmpi slt, %iota3A_70, %sign3A_110 : vector<1024x128xi32>
    %sign3A_112 = arith.extui %sign3A_111 : vector<1024x128xi1> to vector<1024x128xi32>
    %sign3A_113 = arith.subi %sign3A_108, %sign3A_112 : vector<1024x128xi32>
    %sign3A_114 = arith.constant 0 : i32
    %sign3A_115 = arith.cmpi sgt, %jit3A_102, %sign3A_114 : i32
    %sign3A_116 = arith.extui %sign3A_115 : i1 to i32
    %sign3A_117 = arith.constant 0 : i32
    %sign3A_118 = arith.cmpi slt, %jit3A_102, %sign3A_117 : i32
    %sign3A_119 = arith.extui %sign3A_118 : i1 to i32
    %sign3A_120 = arith.subi %sign3A_116, %sign3A_119 : i32
    %ne3A_121 = vector.broadcast %sign3A_120 : i32 to vector<1024x128xi32>
    %ne3A_122 = arith.cmpi ne, %sign3A_113, %ne3A_121 : vector<1024x128xi32>
    %rem3A_123 = vector.broadcast %jit3A_102 : i32 to vector<1024x128xi32>
    %rem3A_124 = arith.remsi %iota3A_70, %rem3A_123 : vector<1024x128xi32>
    %ne3A_125 = arith.constant 0 : i32
    %ne3A_126 = vector.broadcast %ne3A_125 : i32 to vector<1024x128xi32>
    %ne3A_127 = arith.cmpi ne, %rem3A_124, %ne3A_126 : vector<1024x128xi32>
    %and3A_128 = arith.andi %ne3A_122, %ne3A_127 : vector<1024x128xi1>
    %sub3A_129 = arith.constant 1 : i32
    %sub3A_130 = vector.broadcast %sub3A_129 : i32 to vector<1024x128xi32>
    %sub3A_131 = arith.subi %div3A_104, %sub3A_130 : vector<1024x128xi32>
    %select_n3A_132 = arith.select %and3A_128, %sub3A_131, %div3A_104 : vector<1024x128xi1>, vector<1024x128xi32>
    %eq3A_133 = arith.cmpi eq, %select_n3A_101, %select_n3A_132 : vector<1024x128xi32>
    %jit3A_134 = arith.constant 0.000000e+00 : f32
    %broadcast_in_dim3A_135 = vector.broadcast %jit3A_134 : f32 to vector<1024x128xf32>
    %select_n3A_136 = arith.select %eq3A_133, %tile3A_68, %broadcast_in_dim3A_135 : vector<1024x128xi1>, vector<1024x128xf32>
    %get3A_137 = arith.constant 0 : index
    %get3A_138 = arith.constant 0 : index
    %get3A_139 = vector.load %arg3[%get3A_137, %get3A_138] : memref<1x16xf32, #tpu.memory_space<vmem>>, vector<1x16xf32>
    %tile3A_140 = tpu.concatenate %get3A_139, %get3A_139, %get3A_139, %get3A_139, %get3A_139, %get3A_139, %get3A_139, %get3A_139 in 1 : vector<1x16xf32>, vector<1x16xf32>, vector<1x16xf32>, vector<1x16xf32>, vector<1x16xf32>, vector<1x16xf32>, vector<1x16xf32>, vector<1x16xf32> -> vector<1x128xf32>
    %dot_general3A = arith.constant dense<0.000000e+00> : vector<1250x128xf32>
    %dot_general3A_141 = tpu.matmul %get3A_1, %select_n3A_62, %dot_general3A {dimension_numbers = #tpu.dot_dimension_numbers<[1], [0], [0], [1], [0, 0, 1, 1], [], []>, transpose_lhs_hint = false} : vector<1250x1024xf32>, vector<1024x128xf32>, vector<1250x128xf32> -> vector<1250x128xf32>
    %add3A = vector.broadcast %tile3A_140 : vector<1x128xf32> to vector<1250x128xf32>
    %add3A_142 = arith.addf %dot_general3A_141, %add3A : vector<1250x128xf32>
    %swap3A = arith.constant 0 : index
    %swap3A_143 = arith.constant 0 : index
    %swap3A_144 = vector.load %arg4[%swap3A, %swap3A_143] : memref<1250x128xf32, #tpu.memory_space<vmem>>, vector<1250x128xf32>
    tpu.vector_store %arg4[%swap3A, %swap3A_143], %add3A_142 {strides = array<i32>} : memref<1250x128xf32, #tpu.memory_space<vmem>>, vector<1250x128xf32>,
    %dot_general3A_145 = arith.constant dense<0.000000e+00> : vector<1250x128xf32>
    %dot_general3A_146 = tpu.matmul %get3A_1, %select_n3A_136, %dot_general3A_145 {dimension_numbers = #tpu.dot_dimension_numbers<[1], [0], [0], [1], [0, 0, 1, 1], [], []>, transpose_lhs_hint = false} : vector<1250x1024xf32>, vector<1024x128xf32>, vector<1250x128xf32> -> vector<1250x128xf32>
    %swap3A_147 = arith.constant 0 : index
    %swap3A_148 = arith.constant 0 : index
    %swap3A_149 = vector.load %arg5[%swap3A_147, %swap3A_148] : memref<1250x128xf32, #tpu.memory_space<vmem>>, vector<1250x128xf32>
    tpu.vector_store %arg5[%swap3A_147, %swap3A_148], %dot_general3A_146 {strides = array<i32>} : memref<1250x128xf32, #tpu.memory_space<vmem>>, vector<1250x128xf32>,
    return
  }
}

module attributes {stable_mosaic.version = 14 : i64} {
  func.func @body(%arg0: memref<1250x128xf32, #tpu.memory_space<vmem>>, %arg1: memref<2x1264x128xf32, #tpu.memory_space<vmem>>, %arg2: memref<16x16xf32, #tpu.memory_space<vmem>>, %arg3: memref<1x16xf32, #tpu.memory_space<vmem>>, %arg4: memref<1250x128xf32, #tpu.memory_space<vmem>>, %arg5: memref<1250x128xf32, #tpu.memory_space<vmem>>) attributes {dimension_semantics = [], scalar_prefetch = 0 : i64, scratch_operands = 0 : i64, tpu.core_type = #tpu.core_type<tc>} {
    %get3A = arith.constant 0 : index
    %get3A_0 = arith.constant 0 : index
    %get3A_1 = arith.constant 0 : index
    %get3A_2 = vector.load %arg1[%get3A, %get3A_0, %get3A_1] : memref<2x1264x128xf32, #tpu.memory_space<vmem>>, vector<2x1264x128xf32>
    %get3A_3 = arith.constant 0 : index
    %get3A_4 = arith.constant 0 : index
    %get3A_5 = vector.load %arg0[%get3A_3, %get3A_4] : memref<1250x128xf32, #tpu.memory_space<vmem>>, vector<1250x128xf32>
    %slice3A = vector.extract_strided_slice %get3A_2 {offsets = [0, 0, 0], sizes = [1, 1250, 128], strides = [1, 1, 1]} : vector<2x1264x128xf32> to vector<1x1250x128xf32>
    %squeeze3A = vector.shape_cast %slice3A : vector<1x1250x128xf32> to vector<1250x128xf32>
    %add3A = arith.addf %get3A_5, %squeeze3A : vector<1250x128xf32>
    %slice3A_6 = vector.extract_strided_slice %get3A_2 {offsets = [1, 0, 0], sizes = [1, 1250, 128], strides = [1, 1, 1]} : vector<2x1264x128xf32> to vector<1x1250x128xf32>
    %squeeze3A_7 = vector.shape_cast %slice3A_6 : vector<1x1250x128xf32> to vector<1250x128xf32>
    %add3A_8 = arith.addf %add3A, %squeeze3A_7 : vector<1250x128xf32>
    %tanh3A = math.tanh %add3A_8 : vector<1250x128xf32>
    %swap3A = arith.constant 0 : index
    %swap3A_9 = arith.constant 0 : index
    %swap3A_10 = vector.load %arg4[%swap3A, %swap3A_9] : memref<1250x128xf32, #tpu.memory_space<vmem>>, vector<1250x128xf32>
    tpu.vector_store %arg4[%swap3A, %swap3A_9], %tanh3A {strides = array<i32>} : memref<1250x128xf32, #tpu.memory_space<vmem>>, vector<1250x128xf32>,
    %get3A_11 = arith.constant 0 : index
    %get3A_12 = arith.constant 0 : index
    %get3A_13 = vector.load %arg2[%get3A_11, %get3A_12] : memref<16x16xf32, #tpu.memory_space<vmem>>, vector<16x16xf32>
    %transpose3A = tpu.transpose %get3A_13, [1, 0] : vector<16x16xf32> -> vector<16x16xf32>
    %tile3A = tpu.concatenate %transpose3A, %transpose3A, %transpose3A, %transpose3A, %transpose3A, %transpose3A, %transpose3A, %transpose3A in 0 : vector<16x16xf32>, vector<16x16xf32>, vector<16x16xf32>, vector<16x16xf32>, vector<16x16xf32>, vector<16x16xf32>, vector<16x16xf32>, vector<16x16xf32> -> vector<128x16xf32>
    %tile3A_14 = tpu.concatenate %tile3A, %tile3A, %tile3A, %tile3A, %tile3A, %tile3A, %tile3A, %tile3A in 1 : vector<128x16xf32>, vector<128x16xf32>, vector<128x16xf32>, vector<128x16xf32>, vector<128x16xf32>, vector<128x16xf32>, vector<128x16xf32>, vector<128x16xf32> -> vector<128x128xf32>
    %iota3A = tpu.iota {dimensions = array<i32: 0>} : vector<128x128xi32>
    %iota3A_15 = tpu.iota {dimensions = array<i32: 1>} : vector<128x128xi32>
    %jit3A = arith.constant 16 : i32
    %div3A = vector.broadcast %jit3A : i32 to vector<128x128xi32>
    %div3A_16 = arith.divsi %iota3A, %div3A : vector<128x128xi32>
    %sign3A = arith.constant 0 : i32
    %sign3A_17 = vector.broadcast %sign3A : i32 to vector<128x128xi32>
    %sign3A_18 = arith.cmpi sgt, %iota3A, %sign3A_17 : vector<128x128xi32>
    %sign3A_19 = arith.extui %sign3A_18 : vector<128x128xi1> to vector<128x128xi32>
    %sign3A_20 = arith.constant 0 : i32
    %sign3A_21 = vector.broadcast %sign3A_20 : i32 to vector<128x128xi32>
    %sign3A_22 = arith.cmpi slt, %iota3A, %sign3A_21 : vector<128x128xi32>
    %sign3A_23 = arith.extui %sign3A_22 : vector<128x128xi1> to vector<128x128xi32>
    %sign3A_24 = arith.subi %sign3A_19, %sign3A_23 : vector<128x128xi32>
    %sign3A_25 = arith.constant 0 : i32
    %sign3A_26 = arith.cmpi sgt, %jit3A, %sign3A_25 : i32
    %sign3A_27 = arith.extui %sign3A_26 : i1 to i32
    %sign3A_28 = arith.constant 0 : i32
    %sign3A_29 = arith.cmpi slt, %jit3A, %sign3A_28 : i32
    %sign3A_30 = arith.extui %sign3A_29 : i1 to i32
    %sign3A_31 = arith.subi %sign3A_27, %sign3A_30 : i32
    %ne3A = vector.broadcast %sign3A_31 : i32 to vector<128x128xi32>
    %ne3A_32 = arith.cmpi ne, %sign3A_24, %ne3A : vector<128x128xi32>
    %rem3A = vector.broadcast %jit3A : i32 to vector<128x128xi32>
    %rem3A_33 = arith.remsi %iota3A, %rem3A : vector<128x128xi32>
    %ne3A_34 = arith.constant 0 : i32
    %ne3A_35 = vector.broadcast %ne3A_34 : i32 to vector<128x128xi32>
    %ne3A_36 = arith.cmpi ne, %rem3A_33, %ne3A_35 : vector<128x128xi32>
    %and3A = arith.andi %ne3A_32, %ne3A_36 : vector<128x128xi1>
    %sub3A = arith.constant 1 : i32
    %sub3A_37 = vector.broadcast %sub3A : i32 to vector<128x128xi32>
    %sub3A_38 = arith.subi %div3A_16, %sub3A_37 : vector<128x128xi32>
    %select_n3A = arith.select %and3A, %sub3A_38, %div3A_16 : vector<128x128xi1>, vector<128x128xi32>
    %jit3A_39 = arith.constant 16 : i32
    %div3A_40 = vector.broadcast %jit3A_39 : i32 to vector<128x128xi32>
    %div3A_41 = arith.divsi %iota3A_15, %div3A_40 : vector<128x128xi32>
    %sign3A_42 = arith.constant 0 : i32
    %sign3A_43 = vector.broadcast %sign3A_42 : i32 to vector<128x128xi32>
    %sign3A_44 = arith.cmpi sgt, %iota3A_15, %sign3A_43 : vector<128x128xi32>
    %sign3A_45 = arith.extui %sign3A_44 : vector<128x128xi1> to vector<128x128xi32>
    %sign3A_46 = arith.constant 0 : i32
    %sign3A_47 = vector.broadcast %sign3A_46 : i32 to vector<128x128xi32>
    %sign3A_48 = arith.cmpi slt, %iota3A_15, %sign3A_47 : vector<128x128xi32>
    %sign3A_49 = arith.extui %sign3A_48 : vector<128x128xi1> to vector<128x128xi32>
    %sign3A_50 = arith.subi %sign3A_45, %sign3A_49 : vector<128x128xi32>
    %sign3A_51 = arith.constant 0 : i32
    %sign3A_52 = arith.cmpi sgt, %jit3A_39, %sign3A_51 : i32
    %sign3A_53 = arith.extui %sign3A_52 : i1 to i32
    %sign3A_54 = arith.constant 0 : i32
    %sign3A_55 = arith.cmpi slt, %jit3A_39, %sign3A_54 : i32
    %sign3A_56 = arith.extui %sign3A_55 : i1 to i32
    %sign3A_57 = arith.subi %sign3A_53, %sign3A_56 : i32
    %ne3A_58 = vector.broadcast %sign3A_57 : i32 to vector<128x128xi32>
    %ne3A_59 = arith.cmpi ne, %sign3A_50, %ne3A_58 : vector<128x128xi32>
    %rem3A_60 = vector.broadcast %jit3A_39 : i32 to vector<128x128xi32>
    %rem3A_61 = arith.remsi %iota3A_15, %rem3A_60 : vector<128x128xi32>
    %ne3A_62 = arith.constant 0 : i32
    %ne3A_63 = vector.broadcast %ne3A_62 : i32 to vector<128x128xi32>
    %ne3A_64 = arith.cmpi ne, %rem3A_61, %ne3A_63 : vector<128x128xi32>
    %and3A_65 = arith.andi %ne3A_59, %ne3A_64 : vector<128x128xi1>
    %sub3A_66 = arith.constant 1 : i32
    %sub3A_67 = vector.broadcast %sub3A_66 : i32 to vector<128x128xi32>
    %sub3A_68 = arith.subi %div3A_41, %sub3A_67 : vector<128x128xi32>
    %select_n3A_69 = arith.select %and3A_65, %sub3A_68, %div3A_41 : vector<128x128xi1>, vector<128x128xi32>
    %eq3A = arith.cmpi eq, %select_n3A, %select_n3A_69 : vector<128x128xi32>
    %jit3A_70 = arith.constant 0.000000e+00 : f32
    %broadcast_in_dim3A = vector.broadcast %jit3A_70 : f32 to vector<128x128xf32>
    %select_n3A_71 = arith.select %eq3A, %tile3A_14, %broadcast_in_dim3A : vector<128x128xi1>, vector<128x128xf32>
    %get3A_72 = arith.constant 0 : index
    %get3A_73 = arith.constant 0 : index
    %get3A_74 = vector.load %arg3[%get3A_72, %get3A_73] : memref<1x16xf32, #tpu.memory_space<vmem>>, vector<1x16xf32>
    %tile3A_75 = tpu.concatenate %get3A_74, %get3A_74, %get3A_74, %get3A_74, %get3A_74, %get3A_74, %get3A_74, %get3A_74 in 1 : vector<1x16xf32>, vector<1x16xf32>, vector<1x16xf32>, vector<1x16xf32>, vector<1x16xf32>, vector<1x16xf32>, vector<1x16xf32>, vector<1x16xf32> -> vector<1x128xf32>
    %dot_general3A = arith.constant dense<0.000000e+00> : vector<1250x128xf32>
    %dot_general3A_76 = tpu.matmul %tanh3A, %select_n3A_71, %dot_general3A {dimension_numbers = #tpu.dot_dimension_numbers<[1], [0], [0], [1], [0, 0, 1, 1], [], []>, transpose_lhs_hint = false} : vector<1250x128xf32>, vector<128x128xf32>, vector<1250x128xf32> -> vector<1250x128xf32>
    %add3A_77 = vector.broadcast %tile3A_75 : vector<1x128xf32> to vector<1250x128xf32>
    %add3A_78 = arith.addf %dot_general3A_76, %add3A_77 : vector<1250x128xf32>
    %swap3A_79 = arith.constant 0 : index
    %swap3A_80 = arith.constant 0 : index
    %swap3A_81 = vector.load %arg5[%swap3A_79, %swap3A_80] : memref<1250x128xf32, #tpu.memory_space<vmem>>, vector<1250x128xf32>
    tpu.vector_store %arg5[%swap3A_79, %swap3A_80], %add3A_78 {strides = array<i32>} : memref<1250x128xf32, #tpu.memory_space<vmem>>, vector<1250x128xf32>,
    return
  }
}

module attributes {stable_mosaic.version = 14 : i64} {
  func.func @body(%arg0: memref<1250x128xf32, #tpu.memory_space<vmem>>, %arg1: memref<2x1264x128xf32, #tpu.memory_space<vmem>>, %arg2: memref<16x16xf32, #tpu.memory_space<vmem>>, %arg3: memref<1250x128xf32, #tpu.memory_space<vmem>>) attributes {dimension_semantics = [], scalar_prefetch = 0 : i64, scratch_operands = 0 : i64, tpu.core_type = #tpu.core_type<tc>} {
    %get3A = arith.constant 0 : index
    %get3A_0 = arith.constant 0 : index
    %get3A_1 = arith.constant 0 : index
    %get3A_2 = vector.load %arg1[%get3A, %get3A_0, %get3A_1] : memref<2x1264x128xf32, #tpu.memory_space<vmem>>, vector<2x1264x128xf32>
    %slice3A = vector.extract_strided_slice %get3A_2 {offsets = [0, 0, 0], sizes = [1, 1250, 128], strides = [1, 1, 1]} : vector<2x1264x128xf32> to vector<1x1250x128xf32>
    %squeeze3A = vector.shape_cast %slice3A : vector<1x1250x128xf32> to vector<1250x128xf32>
    %slice3A_3 = vector.extract_strided_slice %get3A_2 {offsets = [1, 0, 0], sizes = [1, 1250, 128], strides = [1, 1, 1]} : vector<2x1264x128xf32> to vector<1x1250x128xf32>
    %squeeze3A_4 = vector.shape_cast %slice3A_3 : vector<1x1250x128xf32> to vector<1250x128xf32>
    %add3A = arith.addf %squeeze3A, %squeeze3A_4 : vector<1250x128xf32>
    %get3A_5 = arith.constant 0 : index
    %get3A_6 = arith.constant 0 : index
    %get3A_7 = vector.load %arg2[%get3A_5, %get3A_6] : memref<16x16xf32, #tpu.memory_space<vmem>>, vector<16x16xf32>
    %transpose3A = tpu.transpose %get3A_7, [1, 0] : vector<16x16xf32> -> vector<16x16xf32>
    %tile3A = tpu.concatenate %transpose3A, %transpose3A, %transpose3A, %transpose3A, %transpose3A, %transpose3A, %transpose3A, %transpose3A in 0 : vector<16x16xf32>, vector<16x16xf32>, vector<16x16xf32>, vector<16x16xf32>, vector<16x16xf32>, vector<16x16xf32>, vector<16x16xf32>, vector<16x16xf32> -> vector<128x16xf32>
    %tile3A_8 = tpu.concatenate %tile3A, %tile3A, %tile3A, %tile3A, %tile3A, %tile3A, %tile3A, %tile3A in 1 : vector<128x16xf32>, vector<128x16xf32>, vector<128x16xf32>, vector<128x16xf32>, vector<128x16xf32>, vector<128x16xf32>, vector<128x16xf32>, vector<128x16xf32> -> vector<128x128xf32>
    %iota3A = tpu.iota {dimensions = array<i32: 0>} : vector<128x128xi32>
    %iota3A_9 = tpu.iota {dimensions = array<i32: 1>} : vector<128x128xi32>
    %jit3A = arith.constant 16 : i32
    %div3A = vector.broadcast %jit3A : i32 to vector<128x128xi32>
    %div3A_10 = arith.divsi %iota3A, %div3A : vector<128x128xi32>
    %sign3A = arith.constant 0 : i32
    %sign3A_11 = vector.broadcast %sign3A : i32 to vector<128x128xi32>
    %sign3A_12 = arith.cmpi sgt, %iota3A, %sign3A_11 : vector<128x128xi32>
    %sign3A_13 = arith.extui %sign3A_12 : vector<128x128xi1> to vector<128x128xi32>
    %sign3A_14 = arith.constant 0 : i32
    %sign3A_15 = vector.broadcast %sign3A_14 : i32 to vector<128x128xi32>
    %sign3A_16 = arith.cmpi slt, %iota3A, %sign3A_15 : vector<128x128xi32>
    %sign3A_17 = arith.extui %sign3A_16 : vector<128x128xi1> to vector<128x128xi32>
    %sign3A_18 = arith.subi %sign3A_13, %sign3A_17 : vector<128x128xi32>
    %sign3A_19 = arith.constant 0 : i32
    %sign3A_20 = arith.cmpi sgt, %jit3A, %sign3A_19 : i32
    %sign3A_21 = arith.extui %sign3A_20 : i1 to i32
    %sign3A_22 = arith.constant 0 : i32
    %sign3A_23 = arith.cmpi slt, %jit3A, %sign3A_22 : i32
    %sign3A_24 = arith.extui %sign3A_23 : i1 to i32
    %sign3A_25 = arith.subi %sign3A_21, %sign3A_24 : i32
    %ne3A = vector.broadcast %sign3A_25 : i32 to vector<128x128xi32>
    %ne3A_26 = arith.cmpi ne, %sign3A_18, %ne3A : vector<128x128xi32>
    %rem3A = vector.broadcast %jit3A : i32 to vector<128x128xi32>
    %rem3A_27 = arith.remsi %iota3A, %rem3A : vector<128x128xi32>
    %ne3A_28 = arith.constant 0 : i32
    %ne3A_29 = vector.broadcast %ne3A_28 : i32 to vector<128x128xi32>
    %ne3A_30 = arith.cmpi ne, %rem3A_27, %ne3A_29 : vector<128x128xi32>
    %and3A = arith.andi %ne3A_26, %ne3A_30 : vector<128x128xi1>
    %sub3A = arith.constant 1 : i32
    %sub3A_31 = vector.broadcast %sub3A : i32 to vector<128x128xi32>
    %sub3A_32 = arith.subi %div3A_10, %sub3A_31 : vector<128x128xi32>
    %select_n3A = arith.select %and3A, %sub3A_32, %div3A_10 : vector<128x128xi1>, vector<128x128xi32>
    %jit3A_33 = arith.constant 16 : i32
    %div3A_34 = vector.broadcast %jit3A_33 : i32 to vector<128x128xi32>
    %div3A_35 = arith.divsi %iota3A_9, %div3A_34 : vector<128x128xi32>
    %sign3A_36 = arith.constant 0 : i32
    %sign3A_37 = vector.broadcast %sign3A_36 : i32 to vector<128x128xi32>
    %sign3A_38 = arith.cmpi sgt, %iota3A_9, %sign3A_37 : vector<128x128xi32>
    %sign3A_39 = arith.extui %sign3A_38 : vector<128x128xi1> to vector<128x128xi32>
    %sign3A_40 = arith.constant 0 : i32
    %sign3A_41 = vector.broadcast %sign3A_40 : i32 to vector<128x128xi32>
    %sign3A_42 = arith.cmpi slt, %iota3A_9, %sign3A_41 : vector<128x128xi32>
    %sign3A_43 = arith.extui %sign3A_42 : vector<128x128xi1> to vector<128x128xi32>
    %sign3A_44 = arith.subi %sign3A_39, %sign3A_43 : vector<128x128xi32>
    %sign3A_45 = arith.constant 0 : i32
    %sign3A_46 = arith.cmpi sgt, %jit3A_33, %sign3A_45 : i32
    %sign3A_47 = arith.extui %sign3A_46 : i1 to i32
    %sign3A_48 = arith.constant 0 : i32
    %sign3A_49 = arith.cmpi slt, %jit3A_33, %sign3A_48 : i32
    %sign3A_50 = arith.extui %sign3A_49 : i1 to i32
    %sign3A_51 = arith.subi %sign3A_47, %sign3A_50 : i32
    %ne3A_52 = vector.broadcast %sign3A_51 : i32 to vector<128x128xi32>
    %ne3A_53 = arith.cmpi ne, %sign3A_44, %ne3A_52 : vector<128x128xi32>
    %rem3A_54 = vector.broadcast %jit3A_33 : i32 to vector<128x128xi32>
    %rem3A_55 = arith.remsi %iota3A_9, %rem3A_54 : vector<128x128xi32>
    %ne3A_56 = arith.constant 0 : i32
    %ne3A_57 = vector.broadcast %ne3A_56 : i32 to vector<128x128xi32>
    %ne3A_58 = arith.cmpi ne, %rem3A_55, %ne3A_57 : vector<128x128xi32>
    %and3A_59 = arith.andi %ne3A_53, %ne3A_58 : vector<128x128xi1>
    %sub3A_60 = arith.constant 1 : i32
    %sub3A_61 = vector.broadcast %sub3A_60 : i32 to vector<128x128xi32>
    %sub3A_62 = arith.subi %div3A_35, %sub3A_61 : vector<128x128xi32>
    %select_n3A_63 = arith.select %and3A_59, %sub3A_62, %div3A_35 : vector<128x128xi1>, vector<128x128xi32>
    %eq3A = arith.cmpi eq, %select_n3A, %select_n3A_63 : vector<128x128xi32>
    %jit3A_64 = arith.constant 0.000000e+00 : f32
    %broadcast_in_dim3A = vector.broadcast %jit3A_64 : f32 to vector<128x128xf32>
    %select_n3A_65 = arith.select %eq3A, %tile3A_8, %broadcast_in_dim3A : vector<128x128xi1>, vector<128x128xf32>
    %get3A_66 = arith.constant 0 : index
    %get3A_67 = arith.constant 0 : index
    %get3A_68 = vector.load %arg0[%get3A_66, %get3A_67] : memref<1250x128xf32, #tpu.memory_space<vmem>>, vector<1250x128xf32>
    %dot_general3A = arith.constant dense<0.000000e+00> : vector<1250x128xf32>
    %dot_general3A_69 = tpu.matmul %add3A, %select_n3A_65, %dot_general3A {dimension_numbers = #tpu.dot_dimension_numbers<[1], [0], [0], [1], [0, 0, 1, 1], [], []>, transpose_lhs_hint = false} : vector<1250x128xf32>, vector<128x128xf32>, vector<1250x128xf32> -> vector<1250x128xf32>
    %add3A_70 = arith.addf %get3A_68, %dot_general3A_69 : vector<1250x128xf32>
    %tanh3A = math.tanh %add3A_70 : vector<1250x128xf32>
    %swap3A = arith.constant 0 : index
    %swap3A_71 = arith.constant 0 : index
    %swap3A_72 = vector.load %arg3[%swap3A, %swap3A_71] : memref<1250x128xf32, #tpu.memory_space<vmem>>, vector<1250x128xf32>
    tpu.vector_store %arg3[%swap3A, %swap3A_71], %tanh3A {strides = array<i32>} : memref<1250x128xf32, #tpu.memory_space<vmem>>, vector<1250x128xf32>,
    return
  }
}

module attributes {stable_mosaic.version = 14 : i64} {
  func.func @body(%arg0: memref<1250x128xf32, #tpu.memory_space<vmem>>, %arg1: memref<2x1264x128xf32, #tpu.memory_space<vmem>>, %arg2: memref<60x16xf32, #tpu.memory_space<vmem>>, %arg3: memref<60x16xf32, #tpu.memory_space<vmem>>, %arg4: memref<1x60xf32, #tpu.memory_space<vmem>>, %arg5: memref<1250x480xf32, #tpu.memory_space<vmem>>) attributes {dimension_semantics = [], scalar_prefetch = 0 : i64, scratch_operands = 0 : i64, tpu.core_type = #tpu.core_type<tc>} {
    %get3A = arith.constant 0 : index
    %get3A_0 = arith.constant 0 : index
    %get3A_1 = arith.constant 0 : index
    %get3A_2 = vector.load %arg1[%get3A, %get3A_0, %get3A_1] : memref<2x1264x128xf32, #tpu.memory_space<vmem>>, vector<2x1264x128xf32>
    %slice3A = vector.extract_strided_slice %get3A_2 {offsets = [0, 0, 0], sizes = [1, 1250, 128], strides = [1, 1, 1]} : vector<2x1264x128xf32> to vector<1x1250x128xf32>
    %squeeze3A = vector.shape_cast %slice3A : vector<1x1250x128xf32> to vector<1250x128xf32>
    %slice3A_3 = vector.extract_strided_slice %get3A_2 {offsets = [1, 0, 0], sizes = [1, 1250, 128], strides = [1, 1, 1]} : vector<2x1264x128xf32> to vector<1x1250x128xf32>
    %squeeze3A_4 = vector.shape_cast %slice3A_3 : vector<1x1250x128xf32> to vector<1250x128xf32>
    %add3A = arith.addf %squeeze3A, %squeeze3A_4 : vector<1250x128xf32>
    %get3A_5 = arith.constant 0 : index
    %get3A_6 = arith.constant 0 : index
    %get3A_7 = vector.load %arg2[%get3A_5, %get3A_6] : memref<60x16xf32, #tpu.memory_space<vmem>>, vector<60x16xf32>
    %transpose3A = tpu.transpose %get3A_7, [1, 0] : vector<60x16xf32> -> vector<16x60xf32>
    %tile3A = tpu.concatenate %transpose3A, %transpose3A, %transpose3A, %transpose3A, %transpose3A, %transpose3A, %transpose3A, %transpose3A in 0 : vector<16x60xf32>, vector<16x60xf32>, vector<16x60xf32>, vector<16x60xf32>, vector<16x60xf32>, vector<16x60xf32>, vector<16x60xf32>, vector<16x60xf32> -> vector<128x60xf32>
    %tile3A_8 = tpu.concatenate %tile3A, %tile3A, %tile3A, %tile3A, %tile3A, %tile3A, %tile3A, %tile3A in 1 : vector<128x60xf32>, vector<128x60xf32>, vector<128x60xf32>, vector<128x60xf32>, vector<128x60xf32>, vector<128x60xf32>, vector<128x60xf32>, vector<128x60xf32> -> vector<128x480xf32>
    %iota3A = tpu.iota {dimensions = array<i32: 0>} : vector<128x480xi32>
    %iota3A_9 = tpu.iota {dimensions = array<i32: 1>} : vector<128x480xi32>
    %jit3A = arith.constant 16 : i32
    %div3A = vector.broadcast %jit3A : i32 to vector<128x480xi32>
    %div3A_10 = arith.divsi %iota3A, %div3A : vector<128x480xi32>
    %sign3A = arith.constant 0 : i32
    %sign3A_11 = vector.broadcast %sign3A : i32 to vector<128x480xi32>
    %sign3A_12 = arith.cmpi sgt, %iota3A, %sign3A_11 : vector<128x480xi32>
    %sign3A_13 = arith.extui %sign3A_12 : vector<128x480xi1> to vector<128x480xi32>
    %sign3A_14 = arith.constant 0 : i32
    %sign3A_15 = vector.broadcast %sign3A_14 : i32 to vector<128x480xi32>
    %sign3A_16 = arith.cmpi slt, %iota3A, %sign3A_15 : vector<128x480xi32>
    %sign3A_17 = arith.extui %sign3A_16 : vector<128x480xi1> to vector<128x480xi32>
    %sign3A_18 = arith.subi %sign3A_13, %sign3A_17 : vector<128x480xi32>
    %sign3A_19 = arith.constant 0 : i32
    %sign3A_20 = arith.cmpi sgt, %jit3A, %sign3A_19 : i32
    %sign3A_21 = arith.extui %sign3A_20 : i1 to i32
    %sign3A_22 = arith.constant 0 : i32
    %sign3A_23 = arith.cmpi slt, %jit3A, %sign3A_22 : i32
    %sign3A_24 = arith.extui %sign3A_23 : i1 to i32
    %sign3A_25 = arith.subi %sign3A_21, %sign3A_24 : i32
    %ne3A = vector.broadcast %sign3A_25 : i32 to vector<128x480xi32>
    %ne3A_26 = arith.cmpi ne, %sign3A_18, %ne3A : vector<128x480xi32>
    %rem3A = vector.broadcast %jit3A : i32 to vector<128x480xi32>
    %rem3A_27 = arith.remsi %iota3A, %rem3A : vector<128x480xi32>
    %ne3A_28 = arith.constant 0 : i32
    %ne3A_29 = vector.broadcast %ne3A_28 : i32 to vector<128x480xi32>
    %ne3A_30 = arith.cmpi ne, %rem3A_27, %ne3A_29 : vector<128x480xi32>
    %and3A = arith.andi %ne3A_26, %ne3A_30 : vector<128x480xi1>
    %sub3A = arith.constant 1 : i32
    %sub3A_31 = vector.broadcast %sub3A : i32 to vector<128x480xi32>
    %sub3A_32 = arith.subi %div3A_10, %sub3A_31 : vector<128x480xi32>
    %select_n3A = arith.select %and3A, %sub3A_32, %div3A_10 : vector<128x480xi1>, vector<128x480xi32>
    %jit3A_33 = arith.constant 60 : i32
    %div3A_34 = vector.broadcast %jit3A_33 : i32 to vector<128x480xi32>
    %div3A_35 = arith.divsi %iota3A_9, %div3A_34 : vector<128x480xi32>
    %sign3A_36 = arith.constant 0 : i32
    %sign3A_37 = vector.broadcast %sign3A_36 : i32 to vector<128x480xi32>
    %sign3A_38 = arith.cmpi sgt, %iota3A_9, %sign3A_37 : vector<128x480xi32>
    %sign3A_39 = arith.extui %sign3A_38 : vector<128x480xi1> to vector<128x480xi32>
    %sign3A_40 = arith.constant 0 : i32
    %sign3A_41 = vector.broadcast %sign3A_40 : i32 to vector<128x480xi32>
    %sign3A_42 = arith.cmpi slt, %iota3A_9, %sign3A_41 : vector<128x480xi32>
    %sign3A_43 = arith.extui %sign3A_42 : vector<128x480xi1> to vector<128x480xi32>
    %sign3A_44 = arith.subi %sign3A_39, %sign3A_43 : vector<128x480xi32>
    %sign3A_45 = arith.constant 0 : i32
    %sign3A_46 = arith.cmpi sgt, %jit3A_33, %sign3A_45 : i32
    %sign3A_47 = arith.extui %sign3A_46 : i1 to i32
    %sign3A_48 = arith.constant 0 : i32
    %sign3A_49 = arith.cmpi slt, %jit3A_33, %sign3A_48 : i32
    %sign3A_50 = arith.extui %sign3A_49 : i1 to i32
    %sign3A_51 = arith.subi %sign3A_47, %sign3A_50 : i32
    %ne3A_52 = vector.broadcast %sign3A_51 : i32 to vector<128x480xi32>
    %ne3A_53 = arith.cmpi ne, %sign3A_44, %ne3A_52 : vector<128x480xi32>
    %rem3A_54 = vector.broadcast %jit3A_33 : i32 to vector<128x480xi32>
    %rem3A_55 = arith.remsi %iota3A_9, %rem3A_54 : vector<128x480xi32>
    %ne3A_56 = arith.constant 0 : i32
    %ne3A_57 = vector.broadcast %ne3A_56 : i32 to vector<128x480xi32>
    %ne3A_58 = arith.cmpi ne, %rem3A_55, %ne3A_57 : vector<128x480xi32>
    %and3A_59 = arith.andi %ne3A_53, %ne3A_58 : vector<128x480xi1>
    %sub3A_60 = arith.constant 1 : i32
    %sub3A_61 = vector.broadcast %sub3A_60 : i32 to vector<128x480xi32>
    %sub3A_62 = arith.subi %div3A_35, %sub3A_61 : vector<128x480xi32>
    %select_n3A_63 = arith.select %and3A_59, %sub3A_62, %div3A_35 : vector<128x480xi1>, vector<128x480xi32>
    %eq3A = arith.cmpi eq, %select_n3A, %select_n3A_63 : vector<128x480xi32>
    %jit3A_64 = arith.constant 0.000000e+00 : f32
    %broadcast_in_dim3A = vector.broadcast %jit3A_64 : f32 to vector<128x480xf32>
    %select_n3A_65 = arith.select %eq3A, %tile3A_8, %broadcast_in_dim3A : vector<128x480xi1>, vector<128x480xf32>
    %get3A_66 = arith.constant 0 : index
    %get3A_67 = arith.constant 0 : index
    %get3A_68 = vector.load %arg3[%get3A_66, %get3A_67] : memref<60x16xf32, #tpu.memory_space<vmem>>, vector<60x16xf32>
    %transpose3A_69 = tpu.transpose %get3A_68, [1, 0] : vector<60x16xf32> -> vector<16x60xf32>
    %tile3A_70 = tpu.concatenate %transpose3A_69, %transpose3A_69, %transpose3A_69, %transpose3A_69, %transpose3A_69, %transpose3A_69, %transpose3A_69, %transpose3A_69 in 0 : vector<16x60xf32>, vector<16x60xf32>, vector<16x60xf32>, vector<16x60xf32>, vector<16x60xf32>, vector<16x60xf32>, vector<16x60xf32>, vector<16x60xf32> -> vector<128x60xf32>
    %tile3A_71 = tpu.concatenate %tile3A_70, %tile3A_70, %tile3A_70, %tile3A_70, %tile3A_70, %tile3A_70, %tile3A_70, %tile3A_70 in 1 : vector<128x60xf32>, vector<128x60xf32>, vector<128x60xf32>, vector<128x60xf32>, vector<128x60xf32>, vector<128x60xf32>, vector<128x60xf32>, vector<128x60xf32> -> vector<128x480xf32>
    %iota3A_72 = tpu.iota {dimensions = array<i32: 0>} : vector<128x480xi32>
    %iota3A_73 = tpu.iota {dimensions = array<i32: 1>} : vector<128x480xi32>
    %jit3A_74 = arith.constant 16 : i32
    %div3A_75 = vector.broadcast %jit3A_74 : i32 to vector<128x480xi32>
    %div3A_76 = arith.divsi %iota3A_72, %div3A_75 : vector<128x480xi32>
    %sign3A_77 = arith.constant 0 : i32
    %sign3A_78 = vector.broadcast %sign3A_77 : i32 to vector<128x480xi32>
    %sign3A_79 = arith.cmpi sgt, %iota3A_72, %sign3A_78 : vector<128x480xi32>
    %sign3A_80 = arith.extui %sign3A_79 : vector<128x480xi1> to vector<128x480xi32>
    %sign3A_81 = arith.constant 0 : i32
    %sign3A_82 = vector.broadcast %sign3A_81 : i32 to vector<128x480xi32>
    %sign3A_83 = arith.cmpi slt, %iota3A_72, %sign3A_82 : vector<128x480xi32>
    %sign3A_84 = arith.extui %sign3A_83 : vector<128x480xi1> to vector<128x480xi32>
    %sign3A_85 = arith.subi %sign3A_80, %sign3A_84 : vector<128x480xi32>
    %sign3A_86 = arith.constant 0 : i32
    %sign3A_87 = arith.cmpi sgt, %jit3A_74, %sign3A_86 : i32
    %sign3A_88 = arith.extui %sign3A_87 : i1 to i32
    %sign3A_89 = arith.constant 0 : i32
    %sign3A_90 = arith.cmpi slt, %jit3A_74, %sign3A_89 : i32
    %sign3A_91 = arith.extui %sign3A_90 : i1 to i32
    %sign3A_92 = arith.subi %sign3A_88, %sign3A_91 : i32
    %ne3A_93 = vector.broadcast %sign3A_92 : i32 to vector<128x480xi32>
    %ne3A_94 = arith.cmpi ne, %sign3A_85, %ne3A_93 : vector<128x480xi32>
    %rem3A_95 = vector.broadcast %jit3A_74 : i32 to vector<128x480xi32>
    %rem3A_96 = arith.remsi %iota3A_72, %rem3A_95 : vector<128x480xi32>
    %ne3A_97 = arith.constant 0 : i32
    %ne3A_98 = vector.broadcast %ne3A_97 : i32 to vector<128x480xi32>
    %ne3A_99 = arith.cmpi ne, %rem3A_96, %ne3A_98 : vector<128x480xi32>
    %and3A_100 = arith.andi %ne3A_94, %ne3A_99 : vector<128x480xi1>
    %sub3A_101 = arith.constant 1 : i32
    %sub3A_102 = vector.broadcast %sub3A_101 : i32 to vector<128x480xi32>
    %sub3A_103 = arith.subi %div3A_76, %sub3A_102 : vector<128x480xi32>
    %select_n3A_104 = arith.select %and3A_100, %sub3A_103, %div3A_76 : vector<128x480xi1>, vector<128x480xi32>
    %jit3A_105 = arith.constant 60 : i32
    %div3A_106 = vector.broadcast %jit3A_105 : i32 to vector<128x480xi32>
    %div3A_107 = arith.divsi %iota3A_73, %div3A_106 : vector<128x480xi32>
    %sign3A_108 = arith.constant 0 : i32
    %sign3A_109 = vector.broadcast %sign3A_108 : i32 to vector<128x480xi32>
    %sign3A_110 = arith.cmpi sgt, %iota3A_73, %sign3A_109 : vector<128x480xi32>
    %sign3A_111 = arith.extui %sign3A_110 : vector<128x480xi1> to vector<128x480xi32>
    %sign3A_112 = arith.constant 0 : i32
    %sign3A_113 = vector.broadcast %sign3A_112 : i32 to vector<128x480xi32>
    %sign3A_114 = arith.cmpi slt, %iota3A_73, %sign3A_113 : vector<128x480xi32>
    %sign3A_115 = arith.extui %sign3A_114 : vector<128x480xi1> to vector<128x480xi32>
    %sign3A_116 = arith.subi %sign3A_111, %sign3A_115 : vector<128x480xi32>
    %sign3A_117 = arith.constant 0 : i32
    %sign3A_118 = arith.cmpi sgt, %jit3A_105, %sign3A_117 : i32
    %sign3A_119 = arith.extui %sign3A_118 : i1 to i32
    %sign3A_120 = arith.constant 0 : i32
    %sign3A_121 = arith.cmpi slt, %jit3A_105, %sign3A_120 : i32
    %sign3A_122 = arith.extui %sign3A_121 : i1 to i32
    %sign3A_123 = arith.subi %sign3A_119, %sign3A_122 : i32
    %ne3A_124 = vector.broadcast %sign3A_123 : i32 to vector<128x480xi32>
    %ne3A_125 = arith.cmpi ne, %sign3A_116, %ne3A_124 : vector<128x480xi32>
    %rem3A_126 = vector.broadcast %jit3A_105 : i32 to vector<128x480xi32>
    %rem3A_127 = arith.remsi %iota3A_73, %rem3A_126 : vector<128x480xi32>
    %ne3A_128 = arith.constant 0 : i32
    %ne3A_129 = vector.broadcast %ne3A_128 : i32 to vector<128x480xi32>
    %ne3A_130 = arith.cmpi ne, %rem3A_127, %ne3A_129 : vector<128x480xi32>
    %and3A_131 = arith.andi %ne3A_125, %ne3A_130 : vector<128x480xi1>
    %sub3A_132 = arith.constant 1 : i32
    %sub3A_133 = vector.broadcast %sub3A_132 : i32 to vector<128x480xi32>
    %sub3A_134 = arith.subi %div3A_107, %sub3A_133 : vector<128x480xi32>
    %select_n3A_135 = arith.select %and3A_131, %sub3A_134, %div3A_107 : vector<128x480xi1>, vector<128x480xi32>
    %eq3A_136 = arith.cmpi eq, %select_n3A_104, %select_n3A_135 : vector<128x480xi32>
    %jit3A_137 = arith.constant 0.000000e+00 : f32
    %broadcast_in_dim3A_138 = vector.broadcast %jit3A_137 : f32 to vector<128x480xf32>
    %select_n3A_139 = arith.select %eq3A_136, %tile3A_71, %broadcast_in_dim3A_138 : vector<128x480xi1>, vector<128x480xf32>
    %get3A_140 = arith.constant 0 : index
    %get3A_141 = arith.constant 0 : index
    %get3A_142 = vector.load %arg0[%get3A_140, %get3A_141] : memref<1250x128xf32, #tpu.memory_space<vmem>>, vector<1250x128xf32>
    %dot_general3A = arith.constant dense<0.000000e+00> : vector<1250x480xf32>
    %dot_general3A_143 = tpu.matmul %get3A_142, %select_n3A_65, %dot_general3A {dimension_numbers = #tpu.dot_dimension_numbers<[1], [0], [0], [1], [0, 0, 1, 1], [], []>, transpose_lhs_hint = false} : vector<1250x128xf32>, vector<128x480xf32>, vector<1250x480xf32> -> vector<1250x480xf32>
    %dot_general3A_144 = arith.constant dense<0.000000e+00> : vector<1250x480xf32>
    %dot_general3A_145 = tpu.matmul %add3A, %select_n3A_139, %dot_general3A_144 {dimension_numbers = #tpu.dot_dimension_numbers<[1], [0], [0], [1], [0, 0, 1, 1], [], []>, transpose_lhs_hint = false} : vector<1250x128xf32>, vector<128x480xf32>, vector<1250x480xf32> -> vector<1250x480xf32>
    %add3A_146 = arith.addf %dot_general3A_143, %dot_general3A_145 : vector<1250x480xf32>
    %get3A_147 = arith.constant 0 : index
    %get3A_148 = arith.constant 0 : index
    %get3A_149 = vector.load %arg4[%get3A_147, %get3A_148] : memref<1x60xf32, #tpu.memory_space<vmem>>, vector<1x60xf32>
    %tile3A_150 = tpu.concatenate %get3A_149, %get3A_149, %get3A_149, %get3A_149, %get3A_149, %get3A_149, %get3A_149, %get3A_149 in 1 : vector<1x60xf32>, vector<1x60xf32>, vector<1x60xf32>, vector<1x60xf32>, vector<1x60xf32>, vector<1x60xf32>, vector<1x60xf32>, vector<1x60xf32> -> vector<1x480xf32>
    %add3A_151 = vector.broadcast %tile3A_150 : vector<1x480xf32> to vector<1250x480xf32>
    %add3A_152 = arith.addf %add3A_146, %add3A_151 : vector<1250x480xf32>
    %swap3A = arith.constant 0 : index
    %swap3A_153 = arith.constant 0 : index
    %swap3A_154 = vector.load %arg5[%swap3A, %swap3A_153] : memref<1250x480xf32, #tpu.memory_space<vmem>>, vector<1250x480xf32>
    tpu.vector_store %arg5[%swap3A, %swap3A_153], %add3A_152 {strides = array<i32>} : memref<1250x480xf32, #tpu.memory_space<vmem>>, vector<1250x480xf32>,
    return
  }
}

</mosaic_0001>

<sc_bundles>
// kernel: kernel.12.cloned.1.call-start
scs
__scs_entry_jumppad:
0x0: {  	(pc) =	sbr.rel $0x88, $3  }
0x1: {  	(tag) =	ssettag $0x0;
	lr =	simm.s32 $0x1  }
0x2: {  	[smem:$0x3F96] =	sst lr;
	_ =	strace $0xD0000000  }
0x3: {  	_ = 	snop  }
0x4: {  	_ = 	snop  }
0x5: {  	_ = 	snop  }
0x6: {  	_ = 	snop  }
0x7: {  	_ = 	snop  }
__scs_overlays_trampoline_lowered:
0x8: {  	[smem:$0x3FA5] =	sst s0  }
0x9: {  	[smem:$0x3FA6] =	sst s1  }
0xa: {  	[smem:$0x3FA7] =	sst s2  }
0xb: {  	[smem:$0x3FA8] =	sst s3  }
0xc: {  	[smem:$0x3FA9] =	sst s4  }
0xd: {  	[smem:$0x3FAA] =	sst s5  }
0xe: {  	[smem:$0x3FAB] =	sst s6  }
0xf: {  	[smem:$0x3FAC] =	sst s7  }
0x10: {  	[smem:$0x3FAD] =	sst s8  }
0x11: {  	[smem:$0x3FAE] =	sst s9;
	s0 =	simm.s32 @!p0 $0x0  }
0x12: {  	s1 =	sld [smem:$0x3F94];
	s0 =	simm.s32 @p0 $0x1  }
0x13: {  	[smem:$0x3FAF] =	sst s0;
	s0 =	simm.s32 @!p1 $0x0  }
0x14: {  	s2 =	sld [smem:$0x3F93];
	s0 =	simm.s32 @p1 $0x1  }
0x15: {  	[smem:$0x3FB0] =	sst s0;
	s0 =	simm.s32 @!p2 $0x0  }
0x16: {  	s3 =	sld [smem:$0x3FDB];
	s0 =	simm.s32 @p2 $0x1  }
0x17: {  	s4 =	simm.s32 $0x1BF5;
	[smem:$0x3FB2] =	sst s0  }
0x18: {  	s0 =	sld [smem:$0x3F95];
	_ =	swait.ge [sflag:s4], $0x0  }
0x19: {  	s7 =	sld [smem:$0x3F96]  }
0x1a: {  	s8 =	sadd.s32 $0xFFFFE003, lr  }
0x1b: {  	s9 =	sadd.s32 $0xFFFFFEF7, lr;
	s5 =	simm.s32 $0xFFFFFFFF;
	p2 =	slt.u32 s8, $0xFFFFF086  }
0x1c: {  	p1 =	slt.u32 s9, $0xF7A;
	s5 =	simm.s32 @!p2 $0x0  }
0x1d: {  	s5 =	simm.s32 @p1 $0x1;
	p0 =	seq.s32 s7, s2  }
0x1e: {  	s7 =	smul.u32 @!p0 $0xF7A, s2;
	p2 =	seq.s32 @!p0 s5, $0x0  }
0x1f: {  	s9 =	smul.u32 $0xF7A, s1;
	s8 =	simm.s32 @!p0 $0x1BF5;
	p2 =	por !p2, p0  }
0x20: {  	[sflag:s8] =	ssyncset.s32 @!p0 $0xFFFFF086;
	s6 =	sadd.s32 @!p0 s3, s7;
	s7 =	simm.s32 @!p0 $0x108  }
0x21: {  	s3 =	sadd.s32 s3, s9;
	s6 =	sadd.s32 @!p0 $0x88, s6;
	s7 =	simm.s32 @p2 $0x1082  }
0x22: {  	[simem:s7], [sflag:s8] =	dma.local @!p0 [hbm:s6], $0xF7A  }
0x23: {  	s9 =	sor.u32 $0xD0000000, s2;
	s6 =	simm.s32 $0x108;
	_ =	swait.ge @!p0 [sflag:s8], $0x0  }
0x24: {  	s3 =	sadd.s32 $0x88, s3;
	s6 =	simm.s32 @!p1 $0x1082;
	[sflag:s4] =	ssyncset.s32 $0xFFFFF086  }
0x25: {  	[simem:s6], [sflag:s4] =	dma.local [hbm:s3], $0xF7A  }
0x26: {  	[smem:$0x3F96] =	sst s1;
	(tag) =	ssettag s2;
	_ =	strace s9  }
0x27: {  	s1 =	sld [smem:$0x3FA6]  }
0x28: {  	s2 =	sld [smem:$0x3FA7]  }
0x29: {  	s4 =	sld [smem:$0x3FA9]  }
0x2a: {  	p0 =	seq.s32 s5, $0x0;
	s5 =	sld [smem:$0x3FAA]  }
0x2b: {  	s6 =	sld [smem:$0x3FAB]  }
0x2c: {  	s7 =	sld [smem:$0x3FAC]  }
0x2d: {  	s3 =	simm.s32 $0x108;
	s8 =	sld [smem:$0x3FAD]  }
0x2e: {  	s3 =	simm.s32 @!p0 $0x1082;
	s9 =	sld [smem:$0x3FAE]  }
0x2f: {  	lr =	sadd.s32 s0, s3;
	s0 =	sld [smem:$0x3FA5]  }
0x30: {  	s3 =	sld [smem:$0x3FA8]  }
0x31: {  	[smem:$0x3FB1] =	sst s10  }
0x32: {  	s10 =	sld [smem:$0x3FAF];
	_ =	sdelay $0x3  }
0x33: {  	p0 =	seq.s32 s10, $0x1;
	s10 =	sld [smem:$0x3FB1];
	_ =	sdelay $0x3  }
0x34: {  	[smem:$0x3FB1] =	sst s10  }
0x35: {  	s10 =	sld [smem:$0x3FB0];
	_ =	sdelay $0x3  }
0x36: {  	p1 =	seq.s32 s10, $0x1;
	s10 =	sld [smem:$0x3FB1];
	_ =	sdelay $0x3  }
0x37: {  	[smem:$0x3FB1] =	sst s10  }
0x38: {  	s10 =	sld [smem:$0x3FB2]  }
0x39: {  	_ = 	snop;
	(pc) =	sbr.ind lr, $3  }
0x3a: {  	_ = 	snop  }
0x3b: {  	_ = 	snop  }
0x3c: {  	p2 =	seq.s32 s10, $0x1;
	s10 =	sld [smem:$0x3FB1]  }
0x3d: {  	_ =	shalt  }
0x3e: {  	_ =	shalt  }
0x3f: {  	_ =	shalt  }
0x40: {  	_ =	shalt  }
0x41: {  	_ =	shalt  }
0x42: {  	_ =	shalt  }
0x43: {  	_ =	shalt  }
0x44: {  	_ =	shalt  }
0x45: {  	_ =	shalt  }
0x46: {  	_ =	shalt  }
0x47: {  	_ =	shalt  }
0x48: {  	_ =	shalt  }
0x49: {  	_ =	shalt  }
0x4a: {  	_ =	shalt  }
0x4b: {  	_ =	shalt  }
0x4c: {  	_ =	shalt  }
0x4d: {  	_ =	shalt  }
0x4e: {  	_ =	shalt  }
0x4f: {  	_ =	shalt  }
0x50: {  	_ =	shalt  }
0x51: {  	_ =	shalt  }
0x52: {  	_ =	shalt  }
0x53: {  	_ =	shalt  }
0x54: {  	_ =	shalt  }
0x55: {  	_ =	shalt  }
0x56: {  	_ =	shalt  }
0x57: {  	_ =	shalt  }
0x58: {  	_ =	shalt  }
0x59: {  	_ =	shalt  }
0x5a: {  	_ =	shalt  }
0x5b: {  	_ =	shalt  }
0x5c: {  	_ =	shalt  }
0x5d: {  	_ =	shalt  }
0x5e: {  	_ =	shalt  }
0x5f: {  	_ =	shalt  }
0x60: {  	_ =	shalt  }
0x61: {  	_ =	shalt  }
0x62: {  	_ =	shalt  }
0x63: {  	_ =	shalt  }
0x64: {  	_ =	shalt  }
0x65: {  	_ =	shalt  }
0x66: {  	_ =	shalt  }
0x67: {  	_ =	shalt  }
0x68: {  	_ =	shalt  }
0x69: {  	_ =	shalt  }
0x6a: {  	_ =	shalt  }
0x6b: {  	_ =	shalt  }
0x6c: {  	_ =	shalt  }
0x6d: {  	_ =	shalt  }
0x6e: {  	_ =	shalt  }
0x6f: {  	_ =	shalt  }
0x70: {  	_ =	shalt  }
0x71: {  	_ =	shalt  }
0x72: {  	_ =	shalt  }
0x73: {  	_ =	shalt  }
0x74: {  	_ =	shalt  }
0x75: {  	_ =	shalt  }
0x76: {  	_ =	shalt  }
0x77: {  	_ =	shalt  }
0x78: {  	_ =	shalt  }
0x79: {  	_ =	shalt  }
0x7a: {  	_ =	shalt  }
0x7b: {  	_ =	shalt  }
0x7c: {  	_ =	shalt  }
0x7d: {  	_ =	shalt  }
0x7e: {  	_ =	shalt  }
0x7f: {  	_ =	shalt  }
0x80: {  	_ =	shalt  }
0x81: {  	_ =	shalt  }
0x82: {  	_ =	shalt  }
0x83: {  	_ =	shalt  }
0x84: {  	_ =	shalt  }
0x85: {  	_ =	shalt  }
0x86: {  	_ =	shalt  }
0x87: {  	_ =	shalt  }
.Lfunc_end0:
.L_simem_size_0:
called_computation.1_lowered:
.L_overlay_start_0:
0x88: {  	s2 =	sld [smem:$0x3FD9]  }
0x89: {  	s3 =	sld [smem:$0x3FFE];
	_ =	sdelay $0x1  }
0x8a: {  	s1 =	srdreg.scid  }
0x8b: {  	s0 =	sand.u32 $0x1, s1  }
0x8c: {  	s17 =	sshll.u32 s0, $0xA;
	s2 =	sadd.s32 s3, s2  }
0x8d: {  	s2 =	sadd.s32 s2, s17  }
0x8e: {  	[smem:$0x3FBD] =	sst s2  }
0x8f: {  	_ = 	snop  }
0x90: {  	s2 =	sld [smem:$0x3FD0];
	(tm) =	ssettm $0x1  }
0x91: {  	s18 =	sld [smem:$0x3FFB];
	_ =	sdelay $0x3  }
0x92: {  	_ =	strace s18  }
0x93: {  	s3 =	sld [smem:$0x3FFC];
	_ =	sdelay $0x3  }
0x94: {  	_ =	strace s3  }
0x95: {  	s3 =	sld [smem:$0x3FFD];
	_ =	sdelay $0x3  }
0x96: {  	_ =	strace s3  }
0x97: {  	_ =	strace $0x8FFFFFFF  }
0x98: {  	s19 =	sld [smem:$0x3FDB];
	_ =	sdelay $0x1  }
0x99: {  	s4 =	simm.s32 $_scs_section_size  }
0x9a: {  	s5 =	simm.s32 $_size__tile_overlayer_lowered;
	s6 =	simm.s32 $_tile_overlayer_lowered  }
0x9b: {  	s22 =	simm.s32 $0x1BFF;
	s21 =	sshll.u32 s6, $0x1;
	s3 =	sadd.s32 s4, s19  }
0x9c: {  	s7 =	simm.s32 $0x0;
	s20 =	sshll.u32 s5, $0x1;
	s5 =	sadd.s32 s21, s3  }
0x9d: {  	[timem:s7], [sflag:s22] =	dma.local [hbm:s5], s20  }
0x9e: {  	_ =	swait.ge [sflag:s22], s20  }
0x9f: {  	s4 =	ssub.s32 $0x0, s20;
	[sflag:s22] =	ssyncset.done $0x0  }
0xa0: {  	[sflag:s22] =	ssyncadd.s32 s4;
	_ =	sdelay $0x1  }
0xa1: {  	s23 =	simm.s32 $0x1B8B  }
0xa2: {  	_ =	swait.ge [sflag:s23], $0x1  }
0xa3: {  	[sflag:s23] =	ssyncset.done $0x0  }
0xa4: {  	s25 =	simm.s32 $0x1B8E;
	s24 =	sld [smem:$0x3FFE];
	[sflag:s23] =	ssyncadd.s32 $0xFFFFFFFF  }
0xa5: {  	s26 =	simm.s32 $execute0_lowered;
	[smem:$0x3FD2] =	sst s25  }
0xa6: {  	s5 =	sshll.u32 s26, $0x1;
	_ =	strace $0x80000049;
	[dreg:$0x1] =	wrdreg $0xFFFFFFFF  }
0xa7: {  	s28 =	simm.s32 $_size_execute0_lowered;
	s3 =	sadd.s32 s3, s5;
	[dreg:$0x0] =	wrdreg $0x0  }
0xa8: {  	s5 =	sshll.u32 s28, $0x1;
	[dreg:$0x2] =	wrdreg s3  }
0xa9: {  	[dreg:$0x3] =	wrdreg s5  }
0xaa: {  	[dreg:$0x4] =	wrdreg $0xC0  }
0xab: {  	_ =	task [dreg:s7], $0x5FFFF  }
0xac: {  	[dreg:$0x1] =	wrdreg $0xFFFFFFFF  }
0xad: {  	[dreg:$0x0] =	wrdreg $0x60  }
0xae: {  	[dreg:$0x2] =	wrdreg s24  }
0xaf: {  	[dreg:$0x3] =	wrdreg s2  }
0xb0: {  	[dreg:$0x4] =	wrdreg $0x8E800  }
0xb1: {  	[dreg:$0x5] =	wrdreg $0xB6000  }
0xb2: {  	[dreg:$0x6] =	wrdreg $0x9  }
0xb3: {  	_ =	task.clear_ibuf [dreg:s7], $0x7FFFF;
	_ =	strace $0x90000049  }
0xb4: {  	s29 =	simm.s32 $0x9;
	_ =	strace $0x8000004B  }
0xb5: {  	_ =	swait.ge [sflag:s29], $0x1  }
0xb6: {  	[sflag:s29] =	ssyncadd.s32 $0xFFFFFFFF  }
0xb7: {  	_ =	strace $0x9000004B  }
0xb8: {  	_ =	sfence  }
0xb9: {  	s30 =	sld [smem:$0x0];
	_ =	sdelay $0x2  }
0xba: {  	s31 =	sshll.u32 s1, $0xD;
	s1 =	sshrl.u32 s1, $0x2  }
0xbb: {  	s3 =	sand.u32 $0x4000, s31;
	s1 =	sadd.s32 s1, s30  }
0xbc: {  	s0 =	sor.u32 s3, s0;
	s1 =	sshll.u32 s1, $0x11  }
0xbd: {  	s0 =	sor.u32 s1, s0  }
0xbe: {  	s0 =	sadd.s32 $0x8F2B, s0  }
0xbf: {  	[sflag:s0] =	ssyncadd.remote.s32 $0x1  }
0xc0: {  	_ =	sfence.sel $0xFFFF  }
0xc1: {  	[dreg:$0x0] =	wrdreg $0xFFFFFFFF;
	(pc) =	sbr.abs _section_cstart, $3  }
0xc2: {  	[dreg:$0x1] =	wrdreg $0xFFFFFFFF  }
0xc3: {  	_ =	task.clear_ibuf [dreg:s7], $0x2FFFF;
	_ =	strace $0x9FFFFFFF  }
0xc4: {  	(tm) =	ssettm $0x7FFFFFFF  }
0xc5: {  	_ =	shalt  }
tec
execute0_lowered:
.L_overlay_start_1:
0x0: {  	(tag) =	ssettag $0x1  }
0x1: {  	s0 =	rddreg [dreg:$0x0]  }
0x2: {  	s1 =	srdreg.scid;
	s4 =	rddreg [dreg:$0x1]  }
0x3: {  	s2 =	rddreg [dreg:$0x2];
	s11 =	stileid.u32  }
0x4: {  	s3 =	rddreg [dreg:$0x3];
	s6 =	simm.s32 $0x0;
	s14 =	simm.s32 $0x11  }
0x5: {  	s18 =	simm.s32 $0x7D;
	s19 =	simm.s32 $0x5000;
	s28 =	simm.s32 $0x6F40  }
0x6: {  	s29 =	simm.s32 $0x2;
	s30 =	simm.s32 $0x7710;
	s31 =	simm.s32 $0x3  }
0x7: {  	s15 =	simm.s32 $0x86B0;
	s16 =	simm.s32 $0x0;
	s1 =	sand.u32 $0x1, s1  }
0x8: {  	[smem:$0x7FF] =	sst s6;
	s7 =	smul.u32 $0x2780, s11;
	s20 =	sadd.s32 $0x1C200, s0  }
0x9: {  	s23 =	sshll.u32 s11, $0x6;
	p0 =	seq.s32 s11, $0xF;
	s5 =	sshll.u32 s1, $0x4  }
0xa: {  	_ =	strace $0x8000004A;
	[dreg:$0x5] =	wrdreg s20;
	s8 =	ssub.s32 $0x2, s1  }
0xb: {  	s1 =	smul.u32 $0x27800, s1;
	s6 =	sor.u32 $0x1C11, s23;
	s23 =	simm.s32 $0x5FA0  }
0xc: {  	s20 =	simm.s32 $0x5;
	s5 =	sor.u32 s11, s5;
	s21 =	sshrl.u32 s7, $0x3  }
0xd: {  	s22 =	sshrl.u32 s8, $0x1;
	s10 =	sadd.s32 s7, s2;
	s5 =	smul.u32 $0x2800, s5  }
0xe: {  	s9 =	sadd.s32 s21, s0;
	s8 =	ssub.s32 s8, s22;
	s1 =	sadd.s32 s7, s1  }
0xf: {  	s13 =	sshrl.u32 s10, $0x3;
	s21 =	simm.s32 $0x57D0;
	s22 =	simm.s32 $0x9  }
0x10: {  	s24 =	sadd.s32 $0x17200, s9;
	s1 =	sshrl.u32 s1, $0x3;
	s26 =	smax.u32 s8, $0x1  }
0x11: {  	s8 =	simm.s32 $0xC;
	s5 =	sshrl.u32 s5, $0x3;
	[dreg:$0x8] =	wrdreg s24  }
0x12: {  	s25 =	sadd.s32 s4, s1;
	[dreg:$0xb] =	wrdreg s26;
	s26 =	simm.s32 $0x1  }
0x13: {  	s1 =	simm.s32 $0x7EE0;
	s24 =	simm.s32 $0x7;
	s5 =	sadd.s32 s5, s0  }
0x14: {  	s0 =	sadd.s32 $0x1BC10, s0;
	[dreg:$0xa] =	wrdreg s25;
	s12 =	sadd.s32 $0x3200, s5  }
.Ltmp0:
0x15: {  	s5 =	sadd.s32 $0xD200, s5;
	[dreg:$0x9] =	wrdreg s0;
	(pc) =	sbr.rel .LBB2_1-.Ltmp0, $4  }
0x16: {  	[dreg:$0x7] =	wrdreg s5;
	s5 =	sadd.s32 s7, s3;
	s7 =	sadd.s32 $0x25080, s3  }
0x17: {  	s25 =	simm.s32 $0x6770;
	[dreg:$0x6] =	wrdreg s12;
	s0 =	sshrl.u32 @p0 s7, $0x3  }
0x18: {  	s7 =	simm.s32 $0x8;
	[dreg:$0xc] =	wrdreg s0;
	s0 =	sshrl.u32 @!p0 s5, $0x3  }
0x19: {  	s5 =	simm.s32 $0xB;
	[dreg:$0xd] =	wrdreg s0;
	s0 =	simm.s32 $0x4  }
.LBB2_4:
0x1a: {  	_ =	swait.ge [sflag:s7], $0x7D0  }
0x1b: {  	[sflag:s7] =	ssyncset.done $0x0  }
0x1c: {  	[sflag:s7] =	ssyncadd.s32 $0xFFFFF830  }
0x1d: {  	[spmem:s2] =	stream.indirect.scatter.add.f32 [tilespmem:s15], [sflag:$0x10], $0x10, s9, s18, $0xb8;
	[tilespmem:$0xDD10] =	vst v63  }
0x1e: {  	_ =	swait.ge [sflag:s8], $0x7D0  }
0x1f: {  	[sflag:s8] =	ssyncset.done $0x0  }
0x20: {  	s4 =	simm.s32 $0xD;
	[sflag:s8] =	ssyncadd.s32 $0xFFFFF830  }
0x21: {  	_ =	swait.ge [sflag:s4], $0x7D0  }
0x22: {  	[sflag:s4] =	ssyncset.done $0x0  }
0x23: {  	s9 =	simm.s32 $0xE;
	[sflag:s4] =	ssyncadd.s32 $0xFFFFF830  }
0x24: {  	_ =	swait.ge [sflag:s9], $0x7D0  }
0x25: {  	[sflag:s9] =	ssyncset.done $0x0  }
0x26: {  	s10 =	simm.s32 $0xF;
	[sflag:s9] =	ssyncadd.s32 $0xFFFFF830  }
0x27: {  	_ =	swait.ge [sflag:s10], $0x7D0  }
0x28: {  	[sflag:s10] =	ssyncset.done $0x0  }
0x29: {  	s11 =	simm.s32 $0x10;
	[sflag:s10] =	ssyncadd.s32 $0xFFFFF830  }
0x2a: {  	_ =	swait.ge [sflag:s11], $0x7D0  }
0x2b: {  	[sflag:s11] =	ssyncset.done $0x0  }
0x2c: {  	[sflag:s11] =	ssyncadd.s32 $0xFFFFF830  }
0x2d: {  	[bflag:$0x0] =	sbarrier.arrive $0xFFFF  }
0x2e: {  	s12 =	rddreg [dreg:$0xa]  }
0x2f: {  	[hbm:s12], [sflag:s6] =	dma.local [spmem:s13], $0x4F0  }
0x30: {  	_ =	swait.ge [sflag:s14], $0x4F0  }
0x31: {  	s16 =	sadd.s32 $0x1, s16;
	s17 =	rddreg [dreg:$0xb]  }
0x32: {  	p1 =	sne.s32 s16, s17  }
.Ltmp1:
0x33: {  	_ = 	snop;
	(pc) =	sbr.rel @!p1 .LBB2_5-.Ltmp1, $3  }
0x34: {  	_ =	sdelay $0x1  }
0x35: {  	[sflag:s14] =	ssyncset.done $0x0  }
0x36: {  	[sflag:s14] =	ssyncadd.s32 $0xFFFFFB10  }
.LBB2_1:
0x37: {  	s4 =	rddreg [dreg:$0x5]  }
0x38: {  	[spmem:s13], [sflag:s6] =	dma.local [hbm:s4], $0x4F0  }
0x39: {  	_ =	swait.ge [sflag:s14], $0x4F0  }
0x3a: {  	[sflag:s14] =	ssyncset.done $0x0  }
0x3b: {  	s9 =	simm.s32 $0x0;
	s12 =	rddreg [dreg:$0x6];
	[sflag:s14] =	ssyncadd.s32 $0xFFFFFB10  }
0x3c: {  	[tilespmem:s9], [sflag:$0x11] =	stream.linear.gather [hbm4b:s12+s9], $0x2800, $0x38;
	[tilespmem:$0xDD10] =	vst v63  }
0x3d: {  	_ =	swait.ge [sflag:s14], $0x2800  }
0x3e: {  	[sflag:s14] =	ssyncset.done $0x0  }
0x3f: {  	s10 =	simm.s32 $0x2800;
	s17 =	rddreg [dreg:$0x7];
	[sflag:s14] =	ssyncadd.s32 $0xFFFFD800  }
0x40: {  	[tilespmem:s10], [sflag:$0x11] =	stream.linear.gather [hbm4b:s17+s9], $0x2800, $0x38;
	[tilespmem:$0xDD10] =	vst v63  }
0x41: {  	_ =	swait.ge [sflag:s14], $0x2800  }
0x42: {  	[sflag:s14] =	ssyncset.done $0x0;
	s4 =	rddreg [dreg:$0x9]  }
0x43: {  	s10 =	rddreg [dreg:$0xc];
	[sflag:s14] =	ssyncadd.s32 $0xFFFFD800  }
0x44: {  	[spmem:s10], [sflag:s6] =	dma.local @p0 [hbm:s4], $0x410  }
0x45: {  	s4 =	simm.s32 @p0 $0x11  }
0x46: {  	_ =	swait.ge @p0 [sflag:s4], $0x410  }
0x47: {  	[sflag:s4] =	ssyncset.done @p0 $0x0;
	s10 =	rddreg [dreg:$0xd]  }
0x48: {  	[sflag:s4] =	ssyncadd.s32 @p0 $0xFFFFFBF0;
	s4 =	rddreg [dreg:$0x8]  }
0x49: {  	[spmem:s10], [sflag:s6] =	dma.local @!p0 [hbm:s4], $0x4F0  }
0x4a: {  	s4 =	simm.s32 @!p0 $0x11  }
0x4b: {  	_ =	swait.ge @!p0 [sflag:s4], $0x4F0  }
0x4c: {  	[sflag:s4] =	ssyncset.done @!p0 $0x0  }
0x4d: {  	[sflag:s4] =	ssyncadd.s32 @!p0 $0xFFFFFB10  }
0x4e: {  	[bflag:$0x0] =	sbarrier.arrive $0xFFFF  }
0x4f: {  	[tilespmem:s19], [sflag:$0x1] =	stream.indirect.gather [spmem:s3], $0x10, s9, s18, $0xb8;
	[tilespmem:$0xDD10] =	vst v63  }
0x50: {  	s11 =	simm.s32 $0x80  }
0x51: {  	[tilespmem:s21], [sflag:$0x2] =	stream.indirect.gather [spmem:s3], $0x10, s11, s18, $0xb8;
	[tilespmem:$0xDD10] =	vst v63  }
0x52: {  	s12 =	simm.s32 $0x100  }
0x53: {  	[tilespmem:s23], [sflag:$0x3] =	stream.indirect.gather [spmem:s3], $0x10, s12, s18, $0xb8;
	[tilespmem:$0xDD10] =	vst v63  }
0x54: {  	s17 =	simm.s32 $0x180  }
0x55: {  	[tilespmem:s25], [sflag:$0x4] =	stream.indirect.gather [spmem:s3], $0x10, s17, s18, $0xb8;
	[tilespmem:$0xDD10] =	vst v63  }
0x56: {  	s17 =	simm.s32 $0x0  }
.LBB2_2:
0x57: {  	_ =	swait.ge [sflag:s26], $0x7D0  }
0x58: {  	s4 =	sshra.s32 s17, $0x2;
	[sflag:s26] =	ssyncset.done $0x0  }
0x59: {  	p1 =	seq.s32 s17, $0x0;
	s9 =	sadd.s32 $0x2800, s4;
	[sflag:s26] =	ssyncadd.s32 $0xFFFFF830  }
0x5a: {  	[spmem:s2] =	stream.indirect.scatter.add.f32 [tilespmem:s19], [sflag:$0x9], $0x10, s9, s18, $0xb8;
	[tilespmem:$0xDD10] =	vst v63  }
0x5b: {  	s9 =	simm.s32 @!p1 $0xD  }
0x5c: {  	_ =	swait.ge @!p1 [sflag:s9], $0x7D0  }
0x5d: {  	[sflag:s9] =	ssyncset.done @!p1 $0x0  }
0x5e: {  	s10 =	sadd.s32 $0x200, s4;
	[sflag:s9] =	ssyncadd.s32 @!p1 $0xFFFFF830  }
0x5f: {  	[tilespmem:s28], [sflag:$0x5] =	stream.indirect.gather [spmem:s3], $0x10, s10, s18, $0xb8;
	[tilespmem:$0xDD10] =	vst v63  }
0x60: {  	_ =	swait.ge [sflag:s29], $0x7D0  }
0x61: {  	[sflag:s29] =	ssyncset.done $0x0  }
0x62: {  	s11 =	sadd.s32 $0x2880, s4;
	s9 =	simm.s32 @!p1 $0xE;
	[sflag:s29] =	ssyncadd.s32 $0xFFFFF830  }
0x63: {  	[spmem:s2] =	stream.indirect.scatter.add.f32 [tilespmem:s21], [sflag:$0xA], $0x10, s11, s18, $0xb8;
	[tilespmem:$0xDD10] =	vst v63  }
0x64: {  	_ =	swait.ge @!p1 [sflag:s9], $0x7D0  }
0x65: {  	[sflag:s9] =	ssyncset.done @!p1 $0x0  }
0x66: {  	s12 =	sadd.s32 $0x280, s4;
	[sflag:s9] =	ssyncadd.s32 @!p1 $0xFFFFF830  }
0x67: {  	[tilespmem:s30], [sflag:$0x6] =	stream.indirect.gather [spmem:s3], $0x10, s12, s18, $0xb8;
	[tilespmem:$0xDD10] =	vst v63  }
0x68: {  	_ =	swait.ge [sflag:s31], $0x7D0  }
0x69: {  	[sflag:s31] =	ssyncset.done $0x0  }
0x6a: {  	s10 =	sadd.s32 $0x2900, s4;
	s9 =	simm.s32 @!p1 $0xF;
	[sflag:s31] =	ssyncadd.s32 $0xFFFFF830  }
0x6b: {  	[spmem:s2] =	stream.indirect.scatter.add.f32 [tilespmem:s23], [sflag:$0xB], $0x10, s10, s18, $0xb8;
	[tilespmem:$0xDD10] =	vst v63  }
0x6c: {  	_ =	swait.ge @!p1 [sflag:s9], $0x7D0  }
0x6d: {  	[sflag:s9] =	ssyncset.done @!p1 $0x0  }
0x6e: {  	s11 =	sadd.s32 $0x300, s4;
	[sflag:s9] =	ssyncadd.s32 @!p1 $0xFFFFF830  }
0x6f: {  	[tilespmem:s1], [sflag:$0x7] =	stream.indirect.gather [spmem:s3], $0x10, s11, s18, $0xb8;
	[tilespmem:$0xDD10] =	vst v63  }
0x70: {  	_ =	swait.ge [sflag:s0], $0x7D0  }
0x71: {  	[sflag:s0] =	ssyncset.done $0x0  }
0x72: {  	s12 =	sadd.s32 $0x2980, s4;
	s9 =	simm.s32 @!p1 $0x10;
	[sflag:s0] =	ssyncadd.s32 $0xFFFFF830  }
0x73: {  	[spmem:s2] =	stream.indirect.scatter.add.f32 [tilespmem:s25], [sflag:$0xC], $0x10, s12, s18, $0xb8;
	[tilespmem:$0xDD10] =	vst v63  }
0x74: {  	_ =	swait.ge @!p1 [sflag:s9], $0x7D0  }
0x75: {  	[sflag:s9] =	ssyncset.done @!p1 $0x0  }
0x76: {  	s10 =	sadd.s32 $0x380, s4;
	[sflag:s9] =	ssyncadd.s32 @!p1 $0xFFFFF830  }
0x77: {  	[tilespmem:s15], [sflag:$0x8] =	stream.indirect.gather [spmem:s3], $0x10, s10, s18, $0xb8;
	[tilespmem:$0xDD10] =	vst v63  }
0x78: {  	_ =	swait.ge [sflag:s20], $0x7D0  }
0x79: {  	[sflag:s20] =	ssyncset.done $0x0  }
0x7a: {  	s11 =	sadd.s32 $0x2A00, s4;
	[sflag:s20] =	ssyncadd.s32 $0xFFFFF830  }
0x7b: {  	[spmem:s2] =	stream.indirect.scatter.add.f32 [tilespmem:s28], [sflag:$0xD], $0x10, s11, s18, $0xb8;
	[tilespmem:$0xDD10] =	vst v63  }
0x7c: {  	_ =	swait.ge [sflag:s22], $0x7D0  }
0x7d: {  	p1 =	seq.s32 s17, $0x9000;
	[sflag:s22] =	ssyncset.done $0x0  }
0x7e: {  	s9 =	simm.s32 @p1 $0x6;
	[sflag:s22] =	ssyncadd.s32 $0xFFFFF830  }
0x7f: {  	_ =	swait.ge @p1 [sflag:s9], $0x7D0  }
0x80: {  	[sflag:s9] =	ssyncset.done @p1 $0x0  }
0x81: {  	[sflag:s9] =	ssyncadd.s32 @p1 $0xFFFFF830;
	s9 =	sshra.s32 @p1 s17, $0x2  }
0x82: {  	s10 =	simm.s32 @p1 $0x7D;
	s11 =	simm.s32 @p1 $0x7710;
	s9 =	sadd.s32 @p1 $0x2A80, s9  }
0x83: {  	[spmem:s2] =	stream.indirect.scatter.add.f32 @p1 [tilespmem:s11], [sflag:$0xE], $0x10, s9, s10, $0xb8;
	[tilespmem:$0xDD10] =	vst v63  }
0x84: {  	s9 =	simm.s32 @p1 $0xA  }
0x85: {  	_ =	swait.ge @p1 [sflag:s9], $0x7D0  }
0x86: {  	[sflag:s9] =	ssyncset.done @p1 $0x0  }
0x87: {  	[sflag:s9] =	ssyncadd.s32 @p1 $0xFFFFF830;
	s9 =	sshra.s32 @!p1 s17, $0x2  }
0x88: {  	s12 =	simm.s32 @!p1 $0x5000;
	s11 =	simm.s32 @!p1 $0x7D;
	s10 =	sadd.s32 @!p1 $0x400, s9  }
0x89: {  	[tilespmem:s12], [sflag:$0x1] =	stream.indirect.gather @!p1 [spmem:s3], $0x10, s10, s11, $0xb8;
	[tilespmem:$0xDD10] =	vst v63  }
0x8a: {  	s10 =	simm.s32 @!p1 $0x6  }
0x8b: {  	_ =	swait.ge @!p1 [sflag:s10], $0x7D0  }
0x8c: {  	[sflag:s10] =	ssyncset.done @!p1 $0x0  }
0x8d: {  	s12 =	simm.s32 @!p1 $0x7710;
	[sflag:s10] =	ssyncadd.s32 @!p1 $0xFFFFF830;
	s10 =	sadd.s32 @!p1 $0x2A80, s9  }
0x8e: {  	[spmem:s2] =	stream.indirect.scatter.add.f32 @!p1 [tilespmem:s12], [sflag:$0xE], $0x10, s10, s11, $0xb8;
	[tilespmem:$0xDD10] =	vst v63  }
0x8f: {  	s10 =	simm.s32 @!p1 $0xA  }
0x90: {  	_ =	swait.ge @!p1 [sflag:s10], $0x7D0  }
0x91: {  	[sflag:s10] =	ssyncset.done @!p1 $0x0  }
0x92: {  	s9 =	sadd.s32 @!p1 $0x480, s9;
	[sflag:s10] =	ssyncadd.s32 @!p1 $0xFFFFF830;
	s10 =	simm.s32 @!p1 $0x57D0  }
0x93: {  	[tilespmem:s10], [sflag:$0x2] =	stream.indirect.gather @!p1 [spmem:s3], $0x10, s9, s11, $0xb8;
	[tilespmem:$0xDD10] =	vst v63  }
0x94: {  	_ =	swait.ge [sflag:s24], $0x7D0  }
0x95: {  	[sflag:s24] =	ssyncset.done $0x0  }
.Ltmp2:
0x96: {  	s12 =	sadd.s32 $0x2B00, s4;
	[sflag:s24] =	ssyncadd.s32 $0xFFFFF830;
	(pc) =	sbr.rel @p1 .LBB2_4-.Ltmp2, $4  }
0x97: {  	[spmem:s2] =	stream.indirect.scatter.add.f32 [tilespmem:s1], [sflag:$0xF], $0x10, s12, s18, $0xb8;
	[tilespmem:$0xDD10] =	vst v63  }
0x98: {  	_ =	swait.ge [sflag:s5], $0x7D0  }
0x99: {  	[sflag:s5] =	ssyncset.done $0x0  }
0x9a: {  	s9 =	sadd.s32 $0x2B80, s4;
	[sflag:s5] =	ssyncadd.s32 $0xFFFFF830  }
0x9b: {  	s10 =	sadd.s32 $0x500, s4  }
0x9c: {  	[tilespmem:s23], [sflag:$0x3] =	stream.indirect.gather [spmem:s3], $0x10, s10, s18, $0xb8;
	[tilespmem:$0xDD10] =	vst v63  }
0x9d: {  	_ =	swait.ge [sflag:s7], $0x7D0  }
0x9e: {  	[sflag:s7] =	ssyncset.done $0x0  }
0x9f: {  	[sflag:s7] =	ssyncadd.s32 $0xFFFFF830  }
0xa0: {  	[spmem:s2] =	stream.indirect.scatter.add.f32 [tilespmem:s15], [sflag:$0x10], $0x10, s9, s18, $0xb8;
	[tilespmem:$0xDD10] =	vst v63  }
.Ltmp3:
0xa1: {  	_ = 	snop;
	(pc) =	sbr.rel .LBB2_2-.Ltmp3, $4  }
0xa2: {  	_ =	swait.ge [sflag:s8], $0x7D0  }
0xa3: {  	[sflag:s8] =	ssyncset.done $0x0  }
0xa4: {  	s12 =	sadd.s32 $0x580, s4;
	s17 =	sadd.s32 $0x1000, s17;
	[sflag:s8] =	ssyncadd.s32 $0xFFFFF830  }
0xa5: {  	[tilespmem:s25], [sflag:$0x4] =	stream.indirect.gather [spmem:s3], $0x10, s12, s18, $0xb8;
	[tilespmem:$0xDD10] =	vst v63  }
.LBB2_5:
0xa6: {  	_ =	sfence.sel $0x180000  }
0xa7: {  	[bflag:$0x0] =	sbarrier.arrive $0xFFFF  }
0xa8: {  	_ =	strace $0x9000004A  }
0xa9: {  	s0 =	stileid.u32;
	[bflag:$0x2] =	sbarrier.arrive $0xFFFF  }
0xaa: {  	p0 =	sne.s32 s0, $0x0;
	s0 =	rddreg [dreg:$0x4]  }
0xab: {  	s0 =	sadd.s32 @!p0 $0x100000, s0  }
0xac: {  	[sflag:s0] =	ssyncadd.tile.s32 @!p0 $0x1;
	_ =	shalt  }
.Lfunc_end2:
_tile_overlayer_lowered:
.L_overlay_start_2:
0xad: {  	(tag) =	ssettag $0x2  }
0xae: {  	s0 =	rddreg [dreg:$0x0];
	s2 =	stileid.u32  }
0xaf: {  	s1 =	rddreg [dreg:$0x1];
	p0 =	sne.s32 s2, $0x0  }
0xb0: {  	s3 =	rddreg [dreg:$0x2];
	[bflag:$0x3] =	sbarrier.arrive $0xFFFF;
	s2 =	simm.s32 @!p0 $0x1C11  }
0xb1: {  	[timem:s3], [sflag:s2] =	dma.local @!p0 [hbm:s0], s1  }
0xb2: {  	s0 =	simm.s32 @!p0 $0x11  }
0xb3: {  	_ =	swait.ge @!p0 [sflag:s0], s1  }
0xb4: {  	s1 =	ssub.s32 @!p0 $0x0, s1;
	[sflag:s0] =	ssyncset.done @!p0 $0x0  }
0xb5: {  	[sflag:s0] =	ssyncadd.s32 @!p0 s1  }
0xb6: {  	[bflag:$0x3] =	sbarrier.arrive $0xFFFF  }
0xb7: {  	_ =	shalt  }

// kernel: kernel.15.cloned.1.call-start
scs
__scs_entry_jumppad:
0x0: {  	(pc) =	sbr.rel $0x88, $3  }
0x1: {  	(tag) =	ssettag $0x0;
	lr =	simm.s32 $0x1  }
0x2: {  	[smem:$0x3F96] =	sst lr;
	_ =	strace $0xD0000000  }
0x3: {  	_ = 	snop  }
0x4: {  	_ = 	snop  }
0x5: {  	_ = 	snop  }
0x6: {  	_ = 	snop  }
0x7: {  	_ = 	snop  }
__scs_overlays_trampoline_lowered:
0x8: {  	[smem:$0x3FA5] =	sst s0  }
0x9: {  	[smem:$0x3FA6] =	sst s1  }
0xa: {  	[smem:$0x3FA7] =	sst s2  }
0xb: {  	[smem:$0x3FA8] =	sst s3  }
0xc: {  	[smem:$0x3FA9] =	sst s4  }
0xd: {  	[smem:$0x3FAA] =	sst s5  }
0xe: {  	[smem:$0x3FAB] =	sst s6  }
0xf: {  	[smem:$0x3FAC] =	sst s7  }
0x10: {  	[smem:$0x3FAD] =	sst s8  }
0x11: {  	[smem:$0x3FAE] =	sst s9;
	s0 =	simm.s32 @!p0 $0x0  }
0x12: {  	s1 =	sld [smem:$0x3F94];
	s0 =	simm.s32 @p0 $0x1  }
0x13: {  	[smem:$0x3FAF] =	sst s0;
	s0 =	simm.s32 @!p1 $0x0  }
0x14: {  	s2 =	sld [smem:$0x3F93];
	s0 =	simm.s32 @p1 $0x1  }
0x15: {  	[smem:$0x3FB0] =	sst s0;
	s0 =	simm.s32 @!p2 $0x0  }
0x16: {  	s3 =	sld [smem:$0x3FDB];
	s0 =	simm.s32 @p2 $0x1  }
0x17: {  	s4 =	simm.s32 $0x1BF5;
	[smem:$0x3FB2] =	sst s0  }
0x18: {  	s0 =	sld [smem:$0x3F95];
	_ =	swait.ge [sflag:s4], $0x0  }
0x19: {  	s7 =	sld [smem:$0x3F96]  }
0x1a: {  	s8 =	sadd.s32 $0xFFFFE003, lr  }
0x1b: {  	s9 =	sadd.s32 $0xFFFFFEF7, lr;
	s5 =	simm.s32 $0xFFFFFFFF;
	p2 =	slt.u32 s8, $0xFFFFF086  }
0x1c: {  	p1 =	slt.u32 s9, $0xF7A;
	s5 =	simm.s32 @!p2 $0x0  }
0x1d: {  	s5 =	simm.s32 @p1 $0x1;
	p0 =	seq.s32 s7, s2  }
0x1e: {  	s7 =	smul.u32 @!p0 $0xF7A, s2;
	p2 =	seq.s32 @!p0 s5, $0x0  }
0x1f: {  	s9 =	smul.u32 $0xF7A, s1;
	s8 =	simm.s32 @!p0 $0x1BF5;
	p2 =	por !p2, p0  }
0x20: {  	[sflag:s8] =	ssyncset.s32 @!p0 $0xFFFFF086;
	s6 =	sadd.s32 @!p0 s3, s7;
	s7 =	simm.s32 @!p0 $0x108  }
0x21: {  	s3 =	sadd.s32 s3, s9;
	s6 =	sadd.s32 @!p0 $0x88, s6;
	s7 =	simm.s32 @p2 $0x1082  }
0x22: {  	[simem:s7], [sflag:s8] =	dma.local @!p0 [hbm:s6], $0xF7A  }
0x23: {  	s9 =	sor.u32 $0xD0000000, s2;
	s6 =	simm.s32 $0x108;
	_ =	swait.ge @!p0 [sflag:s8], $0x0  }
0x24: {  	s3 =	sadd.s32 $0x88, s3;
	s6 =	simm.s32 @!p1 $0x1082;
	[sflag:s4] =	ssyncset.s32 $0xFFFFF086  }
0x25: {  	[simem:s6], [sflag:s4] =	dma.local [hbm:s3], $0xF7A  }
0x26: {  	[smem:$0x3F96] =	sst s1;
	(tag) =	ssettag s2;
	_ =	strace s9  }
0x27: {  	s1 =	sld [smem:$0x3FA6]  }
0x28: {  	s2 =	sld [smem:$0x3FA7]  }
0x29: {  	s4 =	sld [smem:$0x3FA9]  }
0x2a: {  	p0 =	seq.s32 s5, $0x0;
	s5 =	sld [smem:$0x3FAA]  }
0x2b: {  	s6 =	sld [smem:$0x3FAB]  }
0x2c: {  	s7 =	sld [smem:$0x3FAC]  }
0x2d: {  	s3 =	simm.s32 $0x108;
	s8 =	sld [smem:$0x3FAD]  }
0x2e: {  	s3 =	simm.s32 @!p0 $0x1082;
	s9 =	sld [smem:$0x3FAE]  }
0x2f: {  	lr =	sadd.s32 s0, s3;
	s0 =	sld [smem:$0x3FA5]  }
0x30: {  	s3 =	sld [smem:$0x3FA8]  }
0x31: {  	[smem:$0x3FB1] =	sst s10  }
0x32: {  	s10 =	sld [smem:$0x3FAF];
	_ =	sdelay $0x3  }
0x33: {  	p0 =	seq.s32 s10, $0x1;
	s10 =	sld [smem:$0x3FB1];
	_ =	sdelay $0x3  }
0x34: {  	[smem:$0x3FB1] =	sst s10  }
0x35: {  	s10 =	sld [smem:$0x3FB0];
	_ =	sdelay $0x3  }
0x36: {  	p1 =	seq.s32 s10, $0x1;
	s10 =	sld [smem:$0x3FB1];
	_ =	sdelay $0x3  }
0x37: {  	[smem:$0x3FB1] =	sst s10  }
0x38: {  	s10 =	sld [smem:$0x3FB2]  }
0x39: {  	_ = 	snop;
	(pc) =	sbr.ind lr, $3  }
0x3a: {  	_ = 	snop  }
0x3b: {  	_ = 	snop  }
0x3c: {  	p2 =	seq.s32 s10, $0x1;
	s10 =	sld [smem:$0x3FB1]  }
0x3d: {  	_ =	shalt  }
0x3e: {  	_ =	shalt  }
0x3f: {  	_ =	shalt  }
0x40: {  	_ =	shalt  }
0x41: {  	_ =	shalt  }
0x42: {  	_ =	shalt  }
0x43: {  	_ =	shalt  }
0x44: {  	_ =	shalt  }
0x45: {  	_ =	shalt  }
0x46: {  	_ =	shalt  }
0x47: {  	_ =	shalt  }
0x48: {  	_ =	shalt  }
0x49: {  	_ =	shalt  }
0x4a: {  	_ =	shalt  }
0x4b: {  	_ =	shalt  }
0x4c: {  	_ =	shalt  }
0x4d: {  	_ =	shalt  }
0x4e: {  	_ =	shalt  }
0x4f: {  	_ =	shalt  }
0x50: {  	_ =	shalt  }
0x51: {  	_ =	shalt  }
0x52: {  	_ =	shalt  }
0x53: {  	_ =	shalt  }
0x54: {  	_ =	shalt  }
0x55: {  	_ =	shalt  }
0x56: {  	_ =	shalt  }
0x57: {  	_ =	shalt  }
0x58: {  	_ =	shalt  }
0x59: {  	_ =	shalt  }
0x5a: {  	_ =	shalt  }
0x5b: {  	_ =	shalt  }
0x5c: {  	_ =	shalt  }
0x5d: {  	_ =	shalt  }
0x5e: {  	_ =	shalt  }
0x5f: {  	_ =	shalt  }
0x60: {  	_ =	shalt  }
0x61: {  	_ =	shalt  }
0x62: {  	_ =	shalt  }
0x63: {  	_ =	shalt  }
0x64: {  	_ =	shalt  }
0x65: {  	_ =	shalt  }
0x66: {  	_ =	shalt  }
0x67: {  	_ =	shalt  }
0x68: {  	_ =	shalt  }
0x69: {  	_ =	shalt  }
0x6a: {  	_ =	shalt  }
0x6b: {  	_ =	shalt  }
0x6c: {  	_ =	shalt  }
0x6d: {  	_ =	shalt  }
0x6e: {  	_ =	shalt  }
0x6f: {  	_ =	shalt  }
0x70: {  	_ =	shalt  }
0x71: {  	_ =	shalt  }
0x72: {  	_ =	shalt  }
0x73: {  	_ =	shalt  }
0x74: {  	_ =	shalt  }
0x75: {  	_ =	shalt  }
0x76: {  	_ =	shalt  }
0x77: {  	_ =	shalt  }
0x78: {  	_ =	shalt  }
0x79: {  	_ =	shalt  }
0x7a: {  	_ =	shalt  }
0x7b: {  	_ =	shalt  }
0x7c: {  	_ =	shalt  }
0x7d: {  	_ =	shalt  }
0x7e: {  	_ =	shalt  }
0x7f: {  	_ =	shalt  }
0x80: {  	_ =	shalt  }
0x81: {  	_ =	shalt  }
0x82: {  	_ =	shalt  }
0x83: {  	_ =	shalt  }
0x84: {  	_ =	shalt  }
0x85: {  	_ =	shalt  }
0x86: {  	_ =	shalt  }
0x87: {  	_ =	shalt  }
.Lfunc_end0:
.L_simem_size_0:
called_computation.2_lowered:
.L_overlay_start_0:
0x88: {  	s2 =	sld [smem:$0x3FD9]  }
0x89: {  	s3 =	sld [smem:$0x3FFE];
	_ =	sdelay $0x1  }
0x8a: {  	s1 =	srdreg.scid  }
0x8b: {  	s0 =	sand.u32 $0x1, s1  }
0x8c: {  	s17 =	sshll.u32 s0, $0xA;
	s2 =	sadd.s32 s3, s2  }
0x8d: {  	s2 =	sadd.s32 s2, s17  }
0x8e: {  	[smem:$0x3FBD] =	sst s2  }
0x8f: {  	_ = 	snop  }
0x90: {  	s2 =	sld [smem:$0x3FD0];
	(tm) =	ssettm $0x1  }
0x91: {  	s18 =	sld [smem:$0x3FFB];
	_ =	sdelay $0x3  }
0x92: {  	_ =	strace s18  }
0x93: {  	s3 =	sld [smem:$0x3FFC];
	_ =	sdelay $0x3  }
0x94: {  	_ =	strace s3  }
0x95: {  	s3 =	sld [smem:$0x3FFD];
	_ =	sdelay $0x3  }
0x96: {  	_ =	strace s3  }
0x97: {  	_ =	strace $0x8FFFFFFF  }
0x98: {  	s19 =	sld [smem:$0x3FDB];
	_ =	sdelay $0x1  }
0x99: {  	s4 =	simm.s32 $_scs_section_size  }
0x9a: {  	s5 =	simm.s32 $_size__tile_overlayer_lowered;
	s6 =	simm.s32 $_tile_overlayer_lowered  }
0x9b: {  	s22 =	simm.s32 $0x1BFF;
	s21 =	sshll.u32 s6, $0x1;
	s3 =	sadd.s32 s4, s19  }
0x9c: {  	s7 =	simm.s32 $0x0;
	s20 =	sshll.u32 s5, $0x1;
	s5 =	sadd.s32 s21, s3  }
0x9d: {  	[timem:s7], [sflag:s22] =	dma.local [hbm:s5], s20  }
0x9e: {  	_ =	swait.ge [sflag:s22], s20  }
0x9f: {  	s4 =	ssub.s32 $0x0, s20;
	[sflag:s22] =	ssyncset.done $0x0  }
0xa0: {  	[sflag:s22] =	ssyncadd.s32 s4;
	_ =	sdelay $0x1  }
0xa1: {  	s23 =	simm.s32 $0x1B8B  }
0xa2: {  	_ =	swait.ge [sflag:s23], $0x1  }
0xa3: {  	[sflag:s23] =	ssyncset.done $0x0  }
0xa4: {  	s25 =	simm.s32 $0x1B8E;
	s24 =	sld [smem:$0x3FFE];
	[sflag:s23] =	ssyncadd.s32 $0xFFFFFFFF  }
0xa5: {  	s26 =	simm.s32 $execute0_lowered;
	[smem:$0x3FD2] =	sst s25  }
0xa6: {  	s5 =	sshll.u32 s26, $0x1;
	_ =	strace $0x8000004C;
	[dreg:$0x1] =	wrdreg $0xFFFFFFFF  }
0xa7: {  	s28 =	simm.s32 $_size_execute0_lowered;
	s3 =	sadd.s32 s3, s5;
	[dreg:$0x0] =	wrdreg $0x0  }
0xa8: {  	s5 =	sshll.u32 s28, $0x1;
	[dreg:$0x2] =	wrdreg s3  }
0xa9: {  	[dreg:$0x3] =	wrdreg s5  }
0xaa: {  	[dreg:$0x4] =	wrdreg $0xC0  }
0xab: {  	_ =	task [dreg:s7], $0x5FFFF  }
0xac: {  	[dreg:$0x1] =	wrdreg $0xFFFFFFFF  }
0xad: {  	[dreg:$0x0] =	wrdreg $0x60  }
0xae: {  	[dreg:$0x2] =	wrdreg s24  }
0xaf: {  	[dreg:$0x3] =	wrdreg s2  }
0xb0: {  	[dreg:$0x4] =	wrdreg $0x8E800  }
0xb1: {  	[dreg:$0x5] =	wrdreg $0xB6000  }
0xb2: {  	[dreg:$0x6] =	wrdreg $0x9  }
0xb3: {  	_ =	task.clear_ibuf [dreg:s7], $0x7FFFF;
	_ =	strace $0x9000004C  }
0xb4: {  	s29 =	simm.s32 $0x9;
	_ =	strace $0x8000004E  }
0xb5: {  	_ =	swait.ge [sflag:s29], $0x1  }
0xb6: {  	[sflag:s29] =	ssyncadd.s32 $0xFFFFFFFF  }
0xb7: {  	_ =	strace $0x9000004E  }
0xb8: {  	_ =	sfence  }
0xb9: {  	s30 =	sld [smem:$0x0];
	_ =	sdelay $0x2  }
0xba: {  	s31 =	sshll.u32 s1, $0xD;
	s1 =	sshrl.u32 s1, $0x2  }
0xbb: {  	s3 =	sand.u32 $0x4000, s31;
	s1 =	sadd.s32 s1, s30  }
0xbc: {  	s0 =	sor.u32 s3, s0;
	s1 =	sshll.u32 s1, $0x11  }
0xbd: {  	s0 =	sor.u32 s1, s0  }
0xbe: {  	s0 =	sadd.s32 $0x8F2B, s0  }
0xbf: {  	[sflag:s0] =	ssyncadd.remote.s32 $0x1  }
0xc0: {  	_ =	sfence.sel $0xFFFF  }
0xc1: {  	[dreg:$0x0] =	wrdreg $0xFFFFFFFF;
	(pc) =	sbr.abs _section_cstart, $3  }
0xc2: {  	[dreg:$0x1] =	wrdreg $0xFFFFFFFF  }
0xc3: {  	_ =	task.clear_ibuf [dreg:s7], $0x2FFFF;
	_ =	strace $0x9FFFFFFF  }
0xc4: {  	(tm) =	ssettm $0x7FFFFFFF  }
0xc5: {  	_ =	shalt  }
tec
execute0_lowered:
.L_overlay_start_1:
0x0: {  	(tag) =	ssettag $0x1  }
0x1: {  	s0 =	rddreg [dreg:$0x0]  }
0x2: {  	s1 =	srdreg.scid;
	s4 =	rddreg [dreg:$0x1]  }
0x3: {  	s2 =	rddreg [dreg:$0x2];
	s11 =	stileid.u32  }
0x4: {  	s3 =	rddreg [dreg:$0x3];
	s6 =	simm.s32 $0x0;
	s14 =	simm.s32 $0x11  }
0x5: {  	s18 =	simm.s32 $0x7D;
	s19 =	simm.s32 $0x5000;
	s28 =	simm.s32 $0x6F40  }
0x6: {  	s29 =	simm.s32 $0x2;
	s30 =	simm.s32 $0x7710;
	s31 =	simm.s32 $0x3  }
0x7: {  	s15 =	simm.s32 $0x86B0;
	s16 =	simm.s32 $0x0;
	s1 =	sand.u32 $0x1, s1  }
0x8: {  	[smem:$0x7FF] =	sst s6;
	s7 =	smul.u32 $0x2780, s11;
	s20 =	sadd.s32 $0x1C200, s0  }
0x9: {  	s23 =	sshll.u32 s11, $0x6;
	p0 =	seq.s32 s11, $0xF;
	s5 =	sshll.u32 s1, $0x4  }
0xa: {  	_ =	strace $0x8000004D;
	[dreg:$0x5] =	wrdreg s20;
	s8 =	ssub.s32 $0x2, s1  }
0xb: {  	s1 =	smul.u32 $0x27800, s1;
	s6 =	sor.u32 $0x1C11, s23;
	s23 =	simm.s32 $0x5FA0  }
0xc: {  	s20 =	simm.s32 $0x5;
	s5 =	sor.u32 s11, s5;
	s21 =	sshrl.u32 s7, $0x3  }
0xd: {  	s22 =	sshrl.u32 s8, $0x1;
	s10 =	sadd.s32 s7, s2;
	s5 =	smul.u32 $0x2800, s5  }
0xe: {  	s9 =	sadd.s32 s21, s0;
	s8 =	ssub.s32 s8, s22;
	s1 =	sadd.s32 s7, s1  }
0xf: {  	s13 =	sshrl.u32 s10, $0x3;
	s21 =	simm.s32 $0x57D0;
	s22 =	simm.s32 $0x9  }
0x10: {  	s24 =	sadd.s32 $0x17200, s9;
	s1 =	sshrl.u32 s1, $0x3;
	s26 =	smax.u32 s8, $0x1  }
0x11: {  	s8 =	simm.s32 $0xC;
	s5 =	sshrl.u32 s5, $0x3;
	[dreg:$0x8] =	wrdreg s24  }
0x12: {  	s25 =	sadd.s32 s4, s1;
	[dreg:$0xb] =	wrdreg s26;
	s26 =	simm.s32 $0x1  }
0x13: {  	s1 =	simm.s32 $0x7EE0;
	s24 =	simm.s32 $0x7;
	s5 =	sadd.s32 s5, s0  }
0x14: {  	s0 =	sadd.s32 $0x1BC10, s0;
	[dreg:$0xa] =	wrdreg s25;
	s12 =	sadd.s32 $0x3200, s5  }
.Ltmp0:
0x15: {  	s5 =	sadd.s32 $0xD200, s5;
	[dreg:$0x9] =	wrdreg s0;
	(pc) =	sbr.rel .LBB2_1-.Ltmp0, $4  }
0x16: {  	[dreg:$0x7] =	wrdreg s5;
	s5 =	sadd.s32 s7, s3;
	s7 =	sadd.s32 $0x25080, s3  }
0x17: {  	s25 =	simm.s32 $0x6770;
	[dreg:$0x6] =	wrdreg s12;
	s0 =	sshrl.u32 @p0 s7, $0x3  }
0x18: {  	s7 =	simm.s32 $0x8;
	[dreg:$0xc] =	wrdreg s0;
	s0 =	sshrl.u32 @!p0 s5, $0x3  }
0x19: {  	s5 =	simm.s32 $0xB;
	[dreg:$0xd] =	wrdreg s0;
	s0 =	simm.s32 $0x4  }
.LBB2_4:
0x1a: {  	_ =	swait.ge [sflag:s7], $0x7D0  }
0x1b: {  	[sflag:s7] =	ssyncset.done $0x0  }
0x1c: {  	[sflag:s7] =	ssyncadd.s32 $0xFFFFF830  }
0x1d: {  	[spmem:s2] =	stream.indirect.scatter.add.f32 [tilespmem:s15], [sflag:$0x10], $0x10, s9, s18, $0xb8;
	[tilespmem:$0xDD10] =	vst v63  }
0x1e: {  	_ =	swait.ge [sflag:s8], $0x7D0  }
0x1f: {  	[sflag:s8] =	ssyncset.done $0x0  }
0x20: {  	s4 =	simm.s32 $0xD;
	[sflag:s8] =	ssyncadd.s32 $0xFFFFF830  }
0x21: {  	_ =	swait.ge [sflag:s4], $0x7D0  }
0x22: {  	[sflag:s4] =	ssyncset.done $0x0  }
0x23: {  	s9 =	simm.s32 $0xE;
	[sflag:s4] =	ssyncadd.s32 $0xFFFFF830  }
0x24: {  	_ =	swait.ge [sflag:s9], $0x7D0  }
0x25: {  	[sflag:s9] =	ssyncset.done $0x0  }
0x26: {  	s10 =	simm.s32 $0xF;
	[sflag:s9] =	ssyncadd.s32 $0xFFFFF830  }
0x27: {  	_ =	swait.ge [sflag:s10], $0x7D0  }
0x28: {  	[sflag:s10] =	ssyncset.done $0x0  }
0x29: {  	s11 =	simm.s32 $0x10;
	[sflag:s10] =	ssyncadd.s32 $0xFFFFF830  }
0x2a: {  	_ =	swait.ge [sflag:s11], $0x7D0  }
0x2b: {  	[sflag:s11] =	ssyncset.done $0x0  }
0x2c: {  	[sflag:s11] =	ssyncadd.s32 $0xFFFFF830  }
0x2d: {  	[bflag:$0x0] =	sbarrier.arrive $0xFFFF  }
0x2e: {  	s12 =	rddreg [dreg:$0xa]  }
0x2f: {  	[hbm:s12], [sflag:s6] =	dma.local [spmem:s13], $0x4F0  }
0x30: {  	_ =	swait.ge [sflag:s14], $0x4F0  }
0x31: {  	s16 =	sadd.s32 $0x1, s16;
	s17 =	rddreg [dreg:$0xb]  }
0x32: {  	p1 =	sne.s32 s16, s17  }
.Ltmp1:
0x33: {  	_ = 	snop;
	(pc) =	sbr.rel @!p1 .LBB2_5-.Ltmp1, $3  }
0x34: {  	_ =	sdelay $0x1  }
0x35: {  	[sflag:s14] =	ssyncset.done $0x0  }
0x36: {  	[sflag:s14] =	ssyncadd.s32 $0xFFFFFB10  }
.LBB2_1:
0x37: {  	s4 =	rddreg [dreg:$0x5]  }
0x38: {  	[spmem:s13], [sflag:s6] =	dma.local [hbm:s4], $0x4F0  }
0x39: {  	_ =	swait.ge [sflag:s14], $0x4F0  }
0x3a: {  	[sflag:s14] =	ssyncset.done $0x0  }
0x3b: {  	s9 =	simm.s32 $0x0;
	s12 =	rddreg [dreg:$0x6];
	[sflag:s14] =	ssyncadd.s32 $0xFFFFFB10  }
0x3c: {  	[tilespmem:s9], [sflag:$0x11] =	stream.linear.gather [hbm4b:s12+s9], $0x2800, $0x38;
	[tilespmem:$0xDD10] =	vst v63  }
0x3d: {  	_ =	swait.ge [sflag:s14], $0x2800  }
0x3e: {  	[sflag:s14] =	ssyncset.done $0x0  }
0x3f: {  	s10 =	simm.s32 $0x2800;
	s17 =	rddreg [dreg:$0x7];
	[sflag:s14] =	ssyncadd.s32 $0xFFFFD800  }
0x40: {  	[tilespmem:s10], [sflag:$0x11] =	stream.linear.gather [hbm4b:s17+s9], $0x2800, $0x38;
	[tilespmem:$0xDD10] =	vst v63  }
0x41: {  	_ =	swait.ge [sflag:s14], $0x2800  }
0x42: {  	[sflag:s14] =	ssyncset.done $0x0;
	s4 =	rddreg [dreg:$0x9]  }
0x43: {  	s10 =	rddreg [dreg:$0xc];
	[sflag:s14] =	ssyncadd.s32 $0xFFFFD800  }
0x44: {  	[spmem:s10], [sflag:s6] =	dma.local @p0 [hbm:s4], $0x410  }
0x45: {  	s4 =	simm.s32 @p0 $0x11  }
0x46: {  	_ =	swait.ge @p0 [sflag:s4], $0x410  }
0x47: {  	[sflag:s4] =	ssyncset.done @p0 $0x0;
	s10 =	rddreg [dreg:$0xd]  }
0x48: {  	[sflag:s4] =	ssyncadd.s32 @p0 $0xFFFFFBF0;
	s4 =	rddreg [dreg:$0x8]  }
0x49: {  	[spmem:s10], [sflag:s6] =	dma.local @!p0 [hbm:s4], $0x4F0  }
0x4a: {  	s4 =	simm.s32 @!p0 $0x11  }
0x4b: {  	_ =	swait.ge @!p0 [sflag:s4], $0x4F0  }
0x4c: {  	[sflag:s4] =	ssyncset.done @!p0 $0x0  }
0x4d: {  	[sflag:s4] =	ssyncadd.s32 @!p0 $0xFFFFFB10  }
0x4e: {  	[bflag:$0x0] =	sbarrier.arrive $0xFFFF  }
0x4f: {  	[tilespmem:s19], [sflag:$0x1] =	stream.indirect.gather [spmem:s3], $0x10, s9, s18, $0xb8;
	[tilespmem:$0xDD10] =	vst v63  }
0x50: {  	s11 =	simm.s32 $0x80  }
0x51: {  	[tilespmem:s21], [sflag:$0x2] =	stream.indirect.gather [spmem:s3], $0x10, s11, s18, $0xb8;
	[tilespmem:$0xDD10] =	vst v63  }
0x52: {  	s12 =	simm.s32 $0x100  }
0x53: {  	[tilespmem:s23], [sflag:$0x3] =	stream.indirect.gather [spmem:s3], $0x10, s12, s18, $0xb8;
	[tilespmem:$0xDD10] =	vst v63  }
0x54: {  	s17 =	simm.s32 $0x180  }
0x55: {  	[tilespmem:s25], [sflag:$0x4] =	stream.indirect.gather [spmem:s3], $0x10, s17, s18, $0xb8;
	[tilespmem:$0xDD10] =	vst v63  }
0x56: {  	s17 =	simm.s32 $0x0  }
.LBB2_2:
0x57: {  	_ =	swait.ge [sflag:s26], $0x7D0  }
0x58: {  	s4 =	sshra.s32 s17, $0x2;
	[sflag:s26] =	ssyncset.done $0x0  }
0x59: {  	p1 =	seq.s32 s17, $0x0;
	s9 =	sadd.s32 $0x2800, s4;
	[sflag:s26] =	ssyncadd.s32 $0xFFFFF830  }
0x5a: {  	[spmem:s2] =	stream.indirect.scatter.add.f32 [tilespmem:s19], [sflag:$0x9], $0x10, s9, s18, $0xb8;
	[tilespmem:$0xDD10] =	vst v63  }
0x5b: {  	s9 =	simm.s32 @!p1 $0xD  }
0x5c: {  	_ =	swait.ge @!p1 [sflag:s9], $0x7D0  }
0x5d: {  	[sflag:s9] =	ssyncset.done @!p1 $0x0  }
0x5e: {  	s10 =	sadd.s32 $0x200, s4;
	[sflag:s9] =	ssyncadd.s32 @!p1 $0xFFFFF830  }
0x5f: {  	[tilespmem:s28], [sflag:$0x5] =	stream.indirect.gather [spmem:s3], $0x10, s10, s18, $0xb8;
	[tilespmem:$0xDD10] =	vst v63  }
0x60: {  	_ =	swait.ge [sflag:s29], $0x7D0  }
0x61: {  	[sflag:s29] =	ssyncset.done $0x0  }
0x62: {  	s11 =	sadd.s32 $0x2880, s4;
	s9 =	simm.s32 @!p1 $0xE;
	[sflag:s29] =	ssyncadd.s32 $0xFFFFF830  }
0x63: {  	[spmem:s2] =	stream.indirect.scatter.add.f32 [tilespmem:s21], [sflag:$0xA], $0x10, s11, s18, $0xb8;
	[tilespmem:$0xDD10] =	vst v63  }
0x64: {  	_ =	swait.ge @!p1 [sflag:s9], $0x7D0  }
0x65: {  	[sflag:s9] =	ssyncset.done @!p1 $0x0  }
0x66: {  	s12 =	sadd.s32 $0x280, s4;
	[sflag:s9] =	ssyncadd.s32 @!p1 $0xFFFFF830  }
0x67: {  	[tilespmem:s30], [sflag:$0x6] =	stream.indirect.gather [spmem:s3], $0x10, s12, s18, $0xb8;
	[tilespmem:$0xDD10] =	vst v63  }
0x68: {  	_ =	swait.ge [sflag:s31], $0x7D0  }
0x69: {  	[sflag:s31] =	ssyncset.done $0x0  }
0x6a: {  	s10 =	sadd.s32 $0x2900, s4;
	s9 =	simm.s32 @!p1 $0xF;
	[sflag:s31] =	ssyncadd.s32 $0xFFFFF830  }
0x6b: {  	[spmem:s2] =	stream.indirect.scatter.add.f32 [tilespmem:s23], [sflag:$0xB], $0x10, s10, s18, $0xb8;
	[tilespmem:$0xDD10] =	vst v63  }
0x6c: {  	_ =	swait.ge @!p1 [sflag:s9], $0x7D0  }
0x6d: {  	[sflag:s9] =	ssyncset.done @!p1 $0x0  }
0x6e: {  	s11 =	sadd.s32 $0x300, s4;
	[sflag:s9] =	ssyncadd.s32 @!p1 $0xFFFFF830  }
0x6f: {  	[tilespmem:s1], [sflag:$0x7] =	stream.indirect.gather [spmem:s3], $0x10, s11, s18, $0xb8;
	[tilespmem:$0xDD10] =	vst v63  }
0x70: {  	_ =	swait.ge [sflag:s0], $0x7D0  }
0x71: {  	[sflag:s0] =	ssyncset.done $0x0  }
0x72: {  	s12 =	sadd.s32 $0x2980, s4;
	s9 =	simm.s32 @!p1 $0x10;
	[sflag:s0] =	ssyncadd.s32 $0xFFFFF830  }
0x73: {  	[spmem:s2] =	stream.indirect.scatter.add.f32 [tilespmem:s25], [sflag:$0xC], $0x10, s12, s18, $0xb8;
	[tilespmem:$0xDD10] =	vst v63  }
0x74: {  	_ =	swait.ge @!p1 [sflag:s9], $0x7D0  }
0x75: {  	[sflag:s9] =	ssyncset.done @!p1 $0x0  }
0x76: {  	s10 =	sadd.s32 $0x380, s4;
	[sflag:s9] =	ssyncadd.s32 @!p1 $0xFFFFF830  }
0x77: {  	[tilespmem:s15], [sflag:$0x8] =	stream.indirect.gather [spmem:s3], $0x10, s10, s18, $0xb8;
	[tilespmem:$0xDD10] =	vst v63  }
0x78: {  	_ =	swait.ge [sflag:s20], $0x7D0  }
0x79: {  	[sflag:s20] =	ssyncset.done $0x0  }
0x7a: {  	s11 =	sadd.s32 $0x2A00, s4;
	[sflag:s20] =	ssyncadd.s32 $0xFFFFF830  }
0x7b: {  	[spmem:s2] =	stream.indirect.scatter.add.f32 [tilespmem:s28], [sflag:$0xD], $0x10, s11, s18, $0xb8;
	[tilespmem:$0xDD10] =	vst v63  }
0x7c: {  	_ =	swait.ge [sflag:s22], $0x7D0  }
0x7d: {  	p1 =	seq.s32 s17, $0x9000;
	[sflag:s22] =	ssyncset.done $0x0  }
0x7e: {  	s9 =	simm.s32 @p1 $0x6;
	[sflag:s22] =	ssyncadd.s32 $0xFFFFF830  }
0x7f: {  	_ =	swait.ge @p1 [sflag:s9], $0x7D0  }
0x80: {  	[sflag:s9] =	ssyncset.done @p1 $0x0  }
0x81: {  	[sflag:s9] =	ssyncadd.s32 @p1 $0xFFFFF830;
	s9 =	sshra.s32 @p1 s17, $0x2  }
0x82: {  	s10 =	simm.s32 @p1 $0x7D;
	s11 =	simm.s32 @p1 $0x7710;
	s9 =	sadd.s32 @p1 $0x2A80, s9  }
0x83: {  	[spmem:s2] =	stream.indirect.scatter.add.f32 @p1 [tilespmem:s11], [sflag:$0xE], $0x10, s9, s10, $0xb8;
	[tilespmem:$0xDD10] =	vst v63  }
0x84: {  	s9 =	simm.s32 @p1 $0xA  }
0x85: {  	_ =	swait.ge @p1 [sflag:s9], $0x7D0  }
0x86: {  	[sflag:s9] =	ssyncset.done @p1 $0x0  }
0x87: {  	[sflag:s9] =	ssyncadd.s32 @p1 $0xFFFFF830;
	s9 =	sshra.s32 @!p1 s17, $0x2  }
0x88: {  	s12 =	simm.s32 @!p1 $0x5000;
	s11 =	simm.s32 @!p1 $0x7D;
	s10 =	sadd.s32 @!p1 $0x400, s9  }
0x89: {  	[tilespmem:s12], [sflag:$0x1] =	stream.indirect.gather @!p1 [spmem:s3], $0x10, s10, s11, $0xb8;
	[tilespmem:$0xDD10] =	vst v63  }
0x8a: {  	s10 =	simm.s32 @!p1 $0x6  }
0x8b: {  	_ =	swait.ge @!p1 [sflag:s10], $0x7D0  }
0x8c: {  	[sflag:s10] =	ssyncset.done @!p1 $0x0  }
0x8d: {  	s12 =	simm.s32 @!p1 $0x7710;
	[sflag:s10] =	ssyncadd.s32 @!p1 $0xFFFFF830;
	s10 =	sadd.s32 @!p1 $0x2A80, s9  }
0x8e: {  	[spmem:s2] =	stream.indirect.scatter.add.f32 @!p1 [tilespmem:s12], [sflag:$0xE], $0x10, s10, s11, $0xb8;
	[tilespmem:$0xDD10] =	vst v63  }
0x8f: {  	s10 =	simm.s32 @!p1 $0xA  }
0x90: {  	_ =	swait.ge @!p1 [sflag:s10], $0x7D0  }
0x91: {  	[sflag:s10] =	ssyncset.done @!p1 $0x0  }
0x92: {  	s9 =	sadd.s32 @!p1 $0x480, s9;
	[sflag:s10] =	ssyncadd.s32 @!p1 $0xFFFFF830;
	s10 =	simm.s32 @!p1 $0x57D0  }
0x93: {  	[tilespmem:s10], [sflag:$0x2] =	stream.indirect.gather @!p1 [spmem:s3], $0x10, s9, s11, $0xb8;
	[tilespmem:$0xDD10] =	vst v63  }
0x94: {  	_ =	swait.ge [sflag:s24], $0x7D0  }
0x95: {  	[sflag:s24] =	ssyncset.done $0x0  }
.Ltmp2:
0x96: {  	s12 =	sadd.s32 $0x2B00, s4;
	[sflag:s24] =	ssyncadd.s32 $0xFFFFF830;
	(pc) =	sbr.rel @p1 .LBB2_4-.Ltmp2, $4  }
0x97: {  	[spmem:s2] =	stream.indirect.scatter.add.f32 [tilespmem:s1], [sflag:$0xF], $0x10, s12, s18, $0xb8;
	[tilespmem:$0xDD10] =	vst v63  }
0x98: {  	_ =	swait.ge [sflag:s5], $0x7D0  }
0x99: {  	[sflag:s5] =	ssyncset.done $0x0  }
0x9a: {  	s9 =	sadd.s32 $0x2B80, s4;
	[sflag:s5] =	ssyncadd.s32 $0xFFFFF830  }
0x9b: {  	s10 =	sadd.s32 $0x500, s4  }
0x9c: {  	[tilespmem:s23], [sflag:$0x3] =	stream.indirect.gather [spmem:s3], $0x10, s10, s18, $0xb8;
	[tilespmem:$0xDD10] =	vst v63  }
0x9d: {  	_ =	swait.ge [sflag:s7], $0x7D0  }
0x9e: {  	[sflag:s7] =	ssyncset.done $0x0  }
0x9f: {  	[sflag:s7] =	ssyncadd.s32 $0xFFFFF830  }
0xa0: {  	[spmem:s2] =	stream.indirect.scatter.add.f32 [tilespmem:s15], [sflag:$0x10], $0x10, s9, s18, $0xb8;
	[tilespmem:$0xDD10] =	vst v63  }
.Ltmp3:
0xa1: {  	_ = 	snop;
	(pc) =	sbr.rel .LBB2_2-.Ltmp3, $4  }
0xa2: {  	_ =	swait.ge [sflag:s8], $0x7D0  }
0xa3: {  	[sflag:s8] =	ssyncset.done $0x0  }
0xa4: {  	s12 =	sadd.s32 $0x580, s4;
	s17 =	sadd.s32 $0x1000, s17;
	[sflag:s8] =	ssyncadd.s32 $0xFFFFF830  }
0xa5: {  	[tilespmem:s25], [sflag:$0x4] =	stream.indirect.gather [spmem:s3], $0x10, s12, s18, $0xb8;
	[tilespmem:$0xDD10] =	vst v63  }
.LBB2_5:
0xa6: {  	_ =	sfence.sel $0x180000  }
0xa7: {  	[bflag:$0x0] =	sbarrier.arrive $0xFFFF  }
0xa8: {  	_ =	strace $0x9000004D  }
0xa9: {  	s0 =	stileid.u32;
	[bflag:$0x2] =	sbarrier.arrive $0xFFFF  }
0xaa: {  	p0 =	sne.s32 s0, $0x0;
	s0 =	rddreg [dreg:$0x4]  }
0xab: {  	s0 =	sadd.s32 @!p0 $0x100000, s0  }
0xac: {  	[sflag:s0] =	ssyncadd.tile.s32 @!p0 $0x1;
	_ =	shalt  }
.Lfunc_end2:
_tile_overlayer_lowered:
.L_overlay_start_2:
0xad: {  	(tag) =	ssettag $0x2  }
0xae: {  	s0 =	rddreg [dreg:$0x0];
	s2 =	stileid.u32  }
0xaf: {  	s1 =	rddreg [dreg:$0x1];
	p0 =	sne.s32 s2, $0x0  }
0xb0: {  	s3 =	rddreg [dreg:$0x2];
	[bflag:$0x3] =	sbarrier.arrive $0xFFFF;
	s2 =	simm.s32 @!p0 $0x1C11  }
0xb1: {  	[timem:s3], [sflag:s2] =	dma.local @!p0 [hbm:s0], s1  }
0xb2: {  	s0 =	simm.s32 @!p0 $0x11  }
0xb3: {  	_ =	swait.ge @!p0 [sflag:s0], s1  }
0xb4: {  	s1 =	ssub.s32 @!p0 $0x0, s1;
	[sflag:s0] =	ssyncset.done @!p0 $0x0  }
0xb5: {  	[sflag:s0] =	ssyncadd.s32 @!p0 s1  }
0xb6: {  	[bflag:$0x3] =	sbarrier.arrive $0xFFFF  }
0xb7: {  	_ =	shalt  }

// kernel: kernel.9.cloned.1.call-start
scs
__scs_entry_jumppad:
0x0: {  	(pc) =	sbr.rel $0x88, $3  }
0x1: {  	(tag) =	ssettag $0x0;
	lr =	simm.s32 $0x1  }
0x2: {  	[smem:$0x3F96] =	sst lr;
	_ =	strace $0xD0000000  }
0x3: {  	_ = 	snop  }
0x4: {  	_ = 	snop  }
0x5: {  	_ = 	snop  }
0x6: {  	_ = 	snop  }
0x7: {  	_ = 	snop  }
__scs_overlays_trampoline_lowered:
0x8: {  	[smem:$0x3FA5] =	sst s0  }
0x9: {  	[smem:$0x3FA6] =	sst s1  }
0xa: {  	[smem:$0x3FA7] =	sst s2  }
0xb: {  	[smem:$0x3FA8] =	sst s3  }
0xc: {  	[smem:$0x3FA9] =	sst s4  }
0xd: {  	[smem:$0x3FAA] =	sst s5  }
0xe: {  	[smem:$0x3FAB] =	sst s6  }
0xf: {  	[smem:$0x3FAC] =	sst s7  }
0x10: {  	[smem:$0x3FAD] =	sst s8  }
0x11: {  	[smem:$0x3FAE] =	sst s9;
	s0 =	simm.s32 @!p0 $0x0  }
0x12: {  	s1 =	sld [smem:$0x3F94];
	s0 =	simm.s32 @p0 $0x1  }
0x13: {  	[smem:$0x3FAF] =	sst s0;
	s0 =	simm.s32 @!p1 $0x0  }
0x14: {  	s2 =	sld [smem:$0x3F93];
	s0 =	simm.s32 @p1 $0x1  }
0x15: {  	[smem:$0x3FB0] =	sst s0;
	s0 =	simm.s32 @!p2 $0x0  }
0x16: {  	s3 =	sld [smem:$0x3FDB];
	s0 =	simm.s32 @p2 $0x1  }
0x17: {  	s4 =	simm.s32 $0x1BF5;
	[smem:$0x3FB2] =	sst s0  }
0x18: {  	s0 =	sld [smem:$0x3F95];
	_ =	swait.ge [sflag:s4], $0x0  }
0x19: {  	s7 =	sld [smem:$0x3F96]  }
0x1a: {  	s8 =	sadd.s32 $0xFFFFE003, lr  }
0x1b: {  	s9 =	sadd.s32 $0xFFFFFEF7, lr;
	s5 =	simm.s32 $0xFFFFFFFF;
	p2 =	slt.u32 s8, $0xFFFFF086  }
0x1c: {  	p1 =	slt.u32 s9, $0xF7A;
	s5 =	simm.s32 @!p2 $0x0  }
0x1d: {  	s5 =	simm.s32 @p1 $0x1;
	p0 =	seq.s32 s7, s2  }
0x1e: {  	s7 =	smul.u32 @!p0 $0xF7A, s2;
	p2 =	seq.s32 @!p0 s5, $0x0  }
0x1f: {  	s9 =	smul.u32 $0xF7A, s1;
	s8 =	simm.s32 @!p0 $0x1BF5;
	p2 =	por !p2, p0  }
0x20: {  	[sflag:s8] =	ssyncset.s32 @!p0 $0xFFFFF086;
	s6 =	sadd.s32 @!p0 s3, s7;
	s7 =	simm.s32 @!p0 $0x108  }
0x21: {  	s3 =	sadd.s32 s3, s9;
	s6 =	sadd.s32 @!p0 $0x88, s6;
	s7 =	simm.s32 @p2 $0x1082  }
0x22: {  	[simem:s7], [sflag:s8] =	dma.local @!p0 [hbm:s6], $0xF7A  }
0x23: {  	s9 =	sor.u32 $0xD0000000, s2;
	s6 =	simm.s32 $0x108;
	_ =	swait.ge @!p0 [sflag:s8], $0x0  }
0x24: {  	s3 =	sadd.s32 $0x88, s3;
	s6 =	simm.s32 @!p1 $0x1082;
	[sflag:s4] =	ssyncset.s32 $0xFFFFF086  }
0x25: {  	[simem:s6], [sflag:s4] =	dma.local [hbm:s3], $0xF7A  }
0x26: {  	[smem:$0x3F96] =	sst s1;
	(tag) =	ssettag s2;
	_ =	strace s9  }
0x27: {  	s1 =	sld [smem:$0x3FA6]  }
0x28: {  	s2 =	sld [smem:$0x3FA7]  }
0x29: {  	s4 =	sld [smem:$0x3FA9]  }
0x2a: {  	p0 =	seq.s32 s5, $0x0;
	s5 =	sld [smem:$0x3FAA]  }
0x2b: {  	s6 =	sld [smem:$0x3FAB]  }
0x2c: {  	s7 =	sld [smem:$0x3FAC]  }
0x2d: {  	s3 =	simm.s32 $0x108;
	s8 =	sld [smem:$0x3FAD]  }
0x2e: {  	s3 =	simm.s32 @!p0 $0x1082;
	s9 =	sld [smem:$0x3FAE]  }
0x2f: {  	lr =	sadd.s32 s0, s3;
	s0 =	sld [smem:$0x3FA5]  }
0x30: {  	s3 =	sld [smem:$0x3FA8]  }
0x31: {  	[smem:$0x3FB1] =	sst s10  }
0x32: {  	s10 =	sld [smem:$0x3FAF];
	_ =	sdelay $0x3  }
0x33: {  	p0 =	seq.s32 s10, $0x1;
	s10 =	sld [smem:$0x3FB1];
	_ =	sdelay $0x3  }
0x34: {  	[smem:$0x3FB1] =	sst s10  }
0x35: {  	s10 =	sld [smem:$0x3FB0];
	_ =	sdelay $0x3  }
0x36: {  	p1 =	seq.s32 s10, $0x1;
	s10 =	sld [smem:$0x3FB1];
	_ =	sdelay $0x3  }
0x37: {  	[smem:$0x3FB1] =	sst s10  }
0x38: {  	s10 =	sld [smem:$0x3FB2]  }
0x39: {  	_ = 	snop;
	(pc) =	sbr.ind lr, $3  }
0x3a: {  	_ = 	snop  }
0x3b: {  	_ = 	snop  }
0x3c: {  	p2 =	seq.s32 s10, $0x1;
	s10 =	sld [smem:$0x3FB1]  }
0x3d: {  	_ =	shalt  }
0x3e: {  	_ =	shalt  }
0x3f: {  	_ =	shalt  }
0x40: {  	_ =	shalt  }
0x41: {  	_ =	shalt  }
0x42: {  	_ =	shalt  }
0x43: {  	_ =	shalt  }
0x44: {  	_ =	shalt  }
0x45: {  	_ =	shalt  }
0x46: {  	_ =	shalt  }
0x47: {  	_ =	shalt  }
0x48: {  	_ =	shalt  }
0x49: {  	_ =	shalt  }
0x4a: {  	_ =	shalt  }
0x4b: {  	_ =	shalt  }
0x4c: {  	_ =	shalt  }
0x4d: {  	_ =	shalt  }
0x4e: {  	_ =	shalt  }
0x4f: {  	_ =	shalt  }
0x50: {  	_ =	shalt  }
0x51: {  	_ =	shalt  }
0x52: {  	_ =	shalt  }
0x53: {  	_ =	shalt  }
0x54: {  	_ =	shalt  }
0x55: {  	_ =	shalt  }
0x56: {  	_ =	shalt  }
0x57: {  	_ =	shalt  }
0x58: {  	_ =	shalt  }
0x59: {  	_ =	shalt  }
0x5a: {  	_ =	shalt  }
0x5b: {  	_ =	shalt  }
0x5c: {  	_ =	shalt  }
0x5d: {  	_ =	shalt  }
0x5e: {  	_ =	shalt  }
0x5f: {  	_ =	shalt  }
0x60: {  	_ =	shalt  }
0x61: {  	_ =	shalt  }
0x62: {  	_ =	shalt  }
0x63: {  	_ =	shalt  }
0x64: {  	_ =	shalt  }
0x65: {  	_ =	shalt  }
0x66: {  	_ =	shalt  }
0x67: {  	_ =	shalt  }
0x68: {  	_ =	shalt  }
0x69: {  	_ =	shalt  }
0x6a: {  	_ =	shalt  }
0x6b: {  	_ =	shalt  }
0x6c: {  	_ =	shalt  }
0x6d: {  	_ =	shalt  }
0x6e: {  	_ =	shalt  }
0x6f: {  	_ =	shalt  }
0x70: {  	_ =	shalt  }
0x71: {  	_ =	shalt  }
0x72: {  	_ =	shalt  }
0x73: {  	_ =	shalt  }
0x74: {  	_ =	shalt  }
0x75: {  	_ =	shalt  }
0x76: {  	_ =	shalt  }
0x77: {  	_ =	shalt  }
0x78: {  	_ =	shalt  }
0x79: {  	_ =	shalt  }
0x7a: {  	_ =	shalt  }
0x7b: {  	_ =	shalt  }
0x7c: {  	_ =	shalt  }
0x7d: {  	_ =	shalt  }
0x7e: {  	_ =	shalt  }
0x7f: {  	_ =	shalt  }
0x80: {  	_ =	shalt  }
0x81: {  	_ =	shalt  }
0x82: {  	_ =	shalt  }
0x83: {  	_ =	shalt  }
0x84: {  	_ =	shalt  }
0x85: {  	_ =	shalt  }
0x86: {  	_ =	shalt  }
0x87: {  	_ =	shalt  }
.Lfunc_end0:
.L_simem_size_0:
called_computation_lowered:
.L_overlay_start_0:
0x88: {  	s2 =	sld [smem:$0x3FD9]  }
0x89: {  	s3 =	sld [smem:$0x3FFE];
	_ =	sdelay $0x1  }
0x8a: {  	s1 =	srdreg.scid  }
0x8b: {  	s0 =	sand.u32 $0x1, s1  }
0x8c: {  	s17 =	sshll.u32 s0, $0xA;
	s2 =	sadd.s32 s3, s2  }
0x8d: {  	s2 =	sadd.s32 s2, s17  }
0x8e: {  	[smem:$0x3FBD] =	sst s2  }
0x8f: {  	_ = 	snop  }
0x90: {  	s2 =	sld [smem:$0x3FD0];
	(tm) =	ssettm $0x1  }
0x91: {  	s18 =	sld [smem:$0x3FFB];
	_ =	sdelay $0x3  }
0x92: {  	_ =	strace s18  }
0x93: {  	s3 =	sld [smem:$0x3FFC];
	_ =	sdelay $0x3  }
0x94: {  	_ =	strace s3  }
0x95: {  	s3 =	sld [smem:$0x3FFD];
	_ =	sdelay $0x3  }
0x96: {  	_ =	strace s3  }
0x97: {  	_ =	strace $0x8FFFFFFF  }
0x98: {  	s19 =	sld [smem:$0x3FDB];
	_ =	sdelay $0x1  }
0x99: {  	s4 =	simm.s32 $_scs_section_size  }
0x9a: {  	s5 =	simm.s32 $_size__tile_overlayer_lowered;
	s6 =	simm.s32 $_tile_overlayer_lowered  }
0x9b: {  	s22 =	simm.s32 $0x1BFF;
	s21 =	sshll.u32 s6, $0x1;
	s3 =	sadd.s32 s4, s19  }
0x9c: {  	s7 =	simm.s32 $0x0;
	s20 =	sshll.u32 s5, $0x1;
	s5 =	sadd.s32 s21, s3  }
0x9d: {  	[timem:s7], [sflag:s22] =	dma.local [hbm:s5], s20  }
0x9e: {  	_ =	swait.ge [sflag:s22], s20  }
0x9f: {  	s4 =	ssub.s32 $0x0, s20;
	[sflag:s22] =	ssyncset.done $0x0  }
0xa0: {  	[sflag:s22] =	ssyncadd.s32 s4;
	_ =	sdelay $0x1  }
0xa1: {  	s23 =	simm.s32 $0x1B8B  }
0xa2: {  	_ =	swait.ge [sflag:s23], $0x1  }
0xa3: {  	[sflag:s23] =	ssyncset.done $0x0  }
0xa4: {  	s25 =	simm.s32 $0x1B8E;
	s24 =	sld [smem:$0x3FFE];
	[sflag:s23] =	ssyncadd.s32 $0xFFFFFFFF  }
0xa5: {  	s26 =	simm.s32 $execute0_lowered;
	[smem:$0x3FD2] =	sst s25  }
0xa6: {  	s5 =	sshll.u32 s26, $0x1;
	_ =	strace $0x80000046;
	[dreg:$0x1] =	wrdreg $0xFFFFFFFF  }
0xa7: {  	s28 =	simm.s32 $_size_execute0_lowered;
	s3 =	sadd.s32 s3, s5;
	[dreg:$0x0] =	wrdreg $0x0  }
0xa8: {  	s5 =	sshll.u32 s28, $0x1;
	[dreg:$0x2] =	wrdreg s3  }
0xa9: {  	[dreg:$0x3] =	wrdreg s5  }
0xaa: {  	[dreg:$0x4] =	wrdreg $0xC0  }
0xab: {  	_ =	task [dreg:s7], $0x5FFFF  }
0xac: {  	[dreg:$0x1] =	wrdreg $0xFFFFFFFF  }
0xad: {  	[dreg:$0x0] =	wrdreg $0x60  }
0xae: {  	[dreg:$0x2] =	wrdreg s24  }
0xaf: {  	[dreg:$0x3] =	wrdreg s2  }
0xb0: {  	[dreg:$0x4] =	wrdreg $0x8E800  }
0xb1: {  	[dreg:$0x5] =	wrdreg $0xB6000  }
0xb2: {  	[dreg:$0x6] =	wrdreg $0x9  }
0xb3: {  	_ =	task.clear_ibuf [dreg:s7], $0x7FFFF;
	_ =	strace $0x90000046  }
0xb4: {  	s29 =	simm.s32 $0x9;
	_ =	strace $0x80000048  }
0xb5: {  	_ =	swait.ge [sflag:s29], $0x1  }
0xb6: {  	[sflag:s29] =	ssyncadd.s32 $0xFFFFFFFF  }
0xb7: {  	_ =	strace $0x90000048  }
0xb8: {  	_ =	sfence  }
0xb9: {  	s30 =	sld [smem:$0x0];
	_ =	sdelay $0x2  }
0xba: {  	s31 =	sshll.u32 s1, $0xD;
	s1 =	sshrl.u32 s1, $0x2  }
0xbb: {  	s3 =	sand.u32 $0x4000, s31;
	s1 =	sadd.s32 s1, s30  }
0xbc: {  	s0 =	sor.u32 s3, s0;
	s1 =	sshll.u32 s1, $0x11  }
0xbd: {  	s0 =	sor.u32 s1, s0  }
0xbe: {  	s0 =	sadd.s32 $0x8F2B, s0  }
0xbf: {  	[sflag:s0] =	ssyncadd.remote.s32 $0x1  }
0xc0: {  	_ =	sfence.sel $0xFFFF  }
0xc1: {  	[dreg:$0x0] =	wrdreg $0xFFFFFFFF;
	(pc) =	sbr.abs _section_cstart, $3  }
0xc2: {  	[dreg:$0x1] =	wrdreg $0xFFFFFFFF  }
0xc3: {  	_ =	task.clear_ibuf [dreg:s7], $0x2FFFF;
	_ =	strace $0x9FFFFFFF  }
0xc4: {  	(tm) =	ssettm $0x7FFFFFFF  }
0xc5: {  	_ =	shalt  }
tec
execute0_lowered:
.L_overlay_start_1:
0x0: {  	(tag) =	ssettag $0x1  }
0x1: {  	s0 =	rddreg [dreg:$0x0]  }
0x2: {  	s1 =	srdreg.scid;
	s4 =	rddreg [dreg:$0x1]  }
0x3: {  	s2 =	rddreg [dreg:$0x2];
	s11 =	stileid.u32  }
0x4: {  	s3 =	rddreg [dreg:$0x3];
	s6 =	simm.s32 $0x0;
	s14 =	simm.s32 $0x11  }
0x5: {  	s18 =	simm.s32 $0x7D;
	s19 =	simm.s32 $0x5000;
	s28 =	simm.s32 $0x6F40  }
0x6: {  	s29 =	simm.s32 $0x2;
	s30 =	simm.s32 $0x7710;
	s31 =	simm.s32 $0x3  }
0x7: {  	s15 =	simm.s32 $0x86B0;
	s16 =	simm.s32 $0x0;
	s1 =	sand.u32 $0x1, s1  }
0x8: {  	[smem:$0x7FF] =	sst s6;
	s7 =	smul.u32 $0x2780, s11;
	s20 =	sadd.s32 $0x1C200, s0  }
0x9: {  	s23 =	sshll.u32 s11, $0x6;
	p0 =	seq.s32 s11, $0xF;
	s5 =	sshll.u32 s1, $0x4  }
0xa: {  	_ =	strace $0x80000047;
	[dreg:$0x5] =	wrdreg s20;
	s8 =	ssub.s32 $0x2, s1  }
0xb: {  	s1 =	smul.u32 $0x27800, s1;
	s6 =	sor.u32 $0x1C11, s23;
	s23 =	simm.s32 $0x5FA0  }
0xc: {  	s20 =	simm.s32 $0x5;
	s5 =	sor.u32 s11, s5;
	s21 =	sshrl.u32 s7, $0x3  }
0xd: {  	s22 =	sshrl.u32 s8, $0x1;
	s10 =	sadd.s32 s7, s2;
	s5 =	smul.u32 $0x2800, s5  }
0xe: {  	s9 =	sadd.s32 s21, s0;
	s8 =	ssub.s32 s8, s22;
	s1 =	sadd.s32 s7, s1  }
0xf: {  	s13 =	sshrl.u32 s10, $0x3;
	s21 =	simm.s32 $0x57D0;
	s22 =	simm.s32 $0x9  }
0x10: {  	s24 =	sadd.s32 $0x17200, s9;
	s1 =	sshrl.u32 s1, $0x3;
	s26 =	smax.u32 s8, $0x1  }
0x11: {  	s8 =	simm.s32 $0xC;
	s5 =	sshrl.u32 s5, $0x3;
	[dreg:$0x8] =	wrdreg s24  }
0x12: {  	s25 =	sadd.s32 s4, s1;
	[dreg:$0xb] =	wrdreg s26;
	s26 =	simm.s32 $0x1  }
0x13: {  	s1 =	simm.s32 $0x7EE0;
	s24 =	simm.s32 $0x7;
	s5 =	sadd.s32 s5, s0  }
0x14: {  	s0 =	sadd.s32 $0x1BC10, s0;
	[dreg:$0xa] =	wrdreg s25;
	s12 =	sadd.s32 $0x3200, s5  }
.Ltmp0:
0x15: {  	s5 =	sadd.s32 $0xD200, s5;
	[dreg:$0x9] =	wrdreg s0;
	(pc) =	sbr.rel .LBB2_1-.Ltmp0, $4  }
0x16: {  	[dreg:$0x7] =	wrdreg s5;
	s5 =	sadd.s32 s7, s3;
	s7 =	sadd.s32 $0x25080, s3  }
0x17: {  	s25 =	simm.s32 $0x6770;
	[dreg:$0x6] =	wrdreg s12;
	s0 =	sshrl.u32 @p0 s7, $0x3  }
0x18: {  	s7 =	simm.s32 $0x8;
	[dreg:$0xc] =	wrdreg s0;
	s0 =	sshrl.u32 @!p0 s5, $0x3  }
0x19: {  	s5 =	simm.s32 $0xB;
	[dreg:$0xd] =	wrdreg s0;
	s0 =	simm.s32 $0x4  }
.LBB2_4:
0x1a: {  	_ =	swait.ge [sflag:s7], $0x7D0  }
0x1b: {  	[sflag:s7] =	ssyncset.done $0x0  }
0x1c: {  	[sflag:s7] =	ssyncadd.s32 $0xFFFFF830  }
0x1d: {  	[spmem:s2] =	stream.indirect.scatter.add.f32 [tilespmem:s15], [sflag:$0x10], $0x10, s9, s18, $0xb8;
	[tilespmem:$0xDD10] =	vst v63  }
0x1e: {  	_ =	swait.ge [sflag:s8], $0x7D0  }
0x1f: {  	[sflag:s8] =	ssyncset.done $0x0  }
0x20: {  	s4 =	simm.s32 $0xD;
	[sflag:s8] =	ssyncadd.s32 $0xFFFFF830  }
0x21: {  	_ =	swait.ge [sflag:s4], $0x7D0  }
0x22: {  	[sflag:s4] =	ssyncset.done $0x0  }
0x23: {  	s9 =	simm.s32 $0xE;
	[sflag:s4] =	ssyncadd.s32 $0xFFFFF830  }
0x24: {  	_ =	swait.ge [sflag:s9], $0x7D0  }
0x25: {  	[sflag:s9] =	ssyncset.done $0x0  }
0x26: {  	s10 =	simm.s32 $0xF;
	[sflag:s9] =	ssyncadd.s32 $0xFFFFF830  }
0x27: {  	_ =	swait.ge [sflag:s10], $0x7D0  }
0x28: {  	[sflag:s10] =	ssyncset.done $0x0  }
0x29: {  	s11 =	simm.s32 $0x10;
	[sflag:s10] =	ssyncadd.s32 $0xFFFFF830  }
0x2a: {  	_ =	swait.ge [sflag:s11], $0x7D0  }
0x2b: {  	[sflag:s11] =	ssyncset.done $0x0  }
0x2c: {  	[sflag:s11] =	ssyncadd.s32 $0xFFFFF830  }
0x2d: {  	[bflag:$0x0] =	sbarrier.arrive $0xFFFF  }
0x2e: {  	s12 =	rddreg [dreg:$0xa]  }
0x2f: {  	[hbm:s12], [sflag:s6] =	dma.local [spmem:s13], $0x4F0  }
0x30: {  	_ =	swait.ge [sflag:s14], $0x4F0  }
0x31: {  	s16 =	sadd.s32 $0x1, s16;
	s17 =	rddreg [dreg:$0xb]  }
0x32: {  	p1 =	sne.s32 s16, s17  }
.Ltmp1:
0x33: {  	_ = 	snop;
	(pc) =	sbr.rel @!p1 .LBB2_5-.Ltmp1, $3  }
0x34: {  	_ =	sdelay $0x1  }
0x35: {  	[sflag:s14] =	ssyncset.done $0x0  }
0x36: {  	[sflag:s14] =	ssyncadd.s32 $0xFFFFFB10  }
.LBB2_1:
0x37: {  	s4 =	rddreg [dreg:$0x5]  }
0x38: {  	[spmem:s13], [sflag:s6] =	dma.local [hbm:s4], $0x4F0  }
0x39: {  	_ =	swait.ge [sflag:s14], $0x4F0  }
0x3a: {  	[sflag:s14] =	ssyncset.done $0x0  }
0x3b: {  	s9 =	simm.s32 $0x0;
	s12 =	rddreg [dreg:$0x6];
	[sflag:s14] =	ssyncadd.s32 $0xFFFFFB10  }
0x3c: {  	[tilespmem:s9], [sflag:$0x11] =	stream.linear.gather [hbm4b:s12+s9], $0x2800, $0x38;
	[tilespmem:$0xDD10] =	vst v63  }
0x3d: {  	_ =	swait.ge [sflag:s14], $0x2800  }
0x3e: {  	[sflag:s14] =	ssyncset.done $0x0  }
0x3f: {  	s10 =	simm.s32 $0x2800;
	s17 =	rddreg [dreg:$0x7];
	[sflag:s14] =	ssyncadd.s32 $0xFFFFD800  }
0x40: {  	[tilespmem:s10], [sflag:$0x11] =	stream.linear.gather [hbm4b:s17+s9], $0x2800, $0x38;
	[tilespmem:$0xDD10] =	vst v63  }
0x41: {  	_ =	swait.ge [sflag:s14], $0x2800  }
0x42: {  	[sflag:s14] =	ssyncset.done $0x0;
	s4 =	rddreg [dreg:$0x9]  }
0x43: {  	s10 =	rddreg [dreg:$0xc];
	[sflag:s14] =	ssyncadd.s32 $0xFFFFD800  }
0x44: {  	[spmem:s10], [sflag:s6] =	dma.local @p0 [hbm:s4], $0x410  }
0x45: {  	s4 =	simm.s32 @p0 $0x11  }
0x46: {  	_ =	swait.ge @p0 [sflag:s4], $0x410  }
0x47: {  	[sflag:s4] =	ssyncset.done @p0 $0x0;
	s10 =	rddreg [dreg:$0xd]  }
0x48: {  	[sflag:s4] =	ssyncadd.s32 @p0 $0xFFFFFBF0;
	s4 =	rddreg [dreg:$0x8]  }
0x49: {  	[spmem:s10], [sflag:s6] =	dma.local @!p0 [hbm:s4], $0x4F0  }
0x4a: {  	s4 =	simm.s32 @!p0 $0x11  }
0x4b: {  	_ =	swait.ge @!p0 [sflag:s4], $0x4F0  }
0x4c: {  	[sflag:s4] =	ssyncset.done @!p0 $0x0  }
0x4d: {  	[sflag:s4] =	ssyncadd.s32 @!p0 $0xFFFFFB10  }
0x4e: {  	[bflag:$0x0] =	sbarrier.arrive $0xFFFF  }
0x4f: {  	[tilespmem:s19], [sflag:$0x1] =	stream.indirect.gather [spmem:s3], $0x10, s9, s18, $0xb8;
	[tilespmem:$0xDD10] =	vst v63  }
0x50: {  	s11 =	simm.s32 $0x80  }
0x51: {  	[tilespmem:s21], [sflag:$0x2] =	stream.indirect.gather [spmem:s3], $0x10, s11, s18, $0xb8;
	[tilespmem:$0xDD10] =	vst v63  }
0x52: {  	s12 =	simm.s32 $0x100  }
0x53: {  	[tilespmem:s23], [sflag:$0x3] =	stream.indirect.gather [spmem:s3], $0x10, s12, s18, $0xb8;
	[tilespmem:$0xDD10] =	vst v63  }
0x54: {  	s17 =	simm.s32 $0x180  }
0x55: {  	[tilespmem:s25], [sflag:$0x4] =	stream.indirect.gather [spmem:s3], $0x10, s17, s18, $0xb8;
	[tilespmem:$0xDD10] =	vst v63  }
0x56: {  	s17 =	simm.s32 $0x0  }
.LBB2_2:
0x57: {  	_ =	swait.ge [sflag:s26], $0x7D0  }
0x58: {  	s4 =	sshra.s32 s17, $0x2;
	[sflag:s26] =	ssyncset.done $0x0  }
0x59: {  	p1 =	seq.s32 s17, $0x0;
	s9 =	sadd.s32 $0x2800, s4;
	[sflag:s26] =	ssyncadd.s32 $0xFFFFF830  }
0x5a: {  	[spmem:s2] =	stream.indirect.scatter.add.f32 [tilespmem:s19], [sflag:$0x9], $0x10, s9, s18, $0xb8;
	[tilespmem:$0xDD10] =	vst v63  }
0x5b: {  	s9 =	simm.s32 @!p1 $0xD  }
0x5c: {  	_ =	swait.ge @!p1 [sflag:s9], $0x7D0  }
0x5d: {  	[sflag:s9] =	ssyncset.done @!p1 $0x0  }
0x5e: {  	s10 =	sadd.s32 $0x200, s4;
	[sflag:s9] =	ssyncadd.s32 @!p1 $0xFFFFF830  }
0x5f: {  	[tilespmem:s28], [sflag:$0x5] =	stream.indirect.gather [spmem:s3], $0x10, s10, s18, $0xb8;
	[tilespmem:$0xDD10] =	vst v63  }
0x60: {  	_ =	swait.ge [sflag:s29], $0x7D0  }
0x61: {  	[sflag:s29] =	ssyncset.done $0x0  }
0x62: {  	s11 =	sadd.s32 $0x2880, s4;
	s9 =	simm.s32 @!p1 $0xE;
	[sflag:s29] =	ssyncadd.s32 $0xFFFFF830  }
0x63: {  	[spmem:s2] =	stream.indirect.scatter.add.f32 [tilespmem:s21], [sflag:$0xA], $0x10, s11, s18, $0xb8;
	[tilespmem:$0xDD10] =	vst v63  }
0x64: {  	_ =	swait.ge @!p1 [sflag:s9], $0x7D0  }
0x65: {  	[sflag:s9] =	ssyncset.done @!p1 $0x0  }
0x66: {  	s12 =	sadd.s32 $0x280, s4;
	[sflag:s9] =	ssyncadd.s32 @!p1 $0xFFFFF830  }
0x67: {  	[tilespmem:s30], [sflag:$0x6] =	stream.indirect.gather [spmem:s3], $0x10, s12, s18, $0xb8;
	[tilespmem:$0xDD10] =	vst v63  }
0x68: {  	_ =	swait.ge [sflag:s31], $0x7D0  }
0x69: {  	[sflag:s31] =	ssyncset.done $0x0  }
0x6a: {  	s10 =	sadd.s32 $0x2900, s4;
	s9 =	simm.s32 @!p1 $0xF;
	[sflag:s31] =	ssyncadd.s32 $0xFFFFF830  }
0x6b: {  	[spmem:s2] =	stream.indirect.scatter.add.f32 [tilespmem:s23], [sflag:$0xB], $0x10, s10, s18, $0xb8;
	[tilespmem:$0xDD10] =	vst v63  }
0x6c: {  	_ =	swait.ge @!p1 [sflag:s9], $0x7D0  }
0x6d: {  	[sflag:s9] =	ssyncset.done @!p1 $0x0  }
0x6e: {  	s11 =	sadd.s32 $0x300, s4;
	[sflag:s9] =	ssyncadd.s32 @!p1 $0xFFFFF830  }
0x6f: {  	[tilespmem:s1], [sflag:$0x7] =	stream.indirect.gather [spmem:s3], $0x10, s11, s18, $0xb8;
	[tilespmem:$0xDD10] =	vst v63  }
0x70: {  	_ =	swait.ge [sflag:s0], $0x7D0  }
0x71: {  	[sflag:s0] =	ssyncset.done $0x0  }
0x72: {  	s12 =	sadd.s32 $0x2980, s4;
	s9 =	simm.s32 @!p1 $0x10;
	[sflag:s0] =	ssyncadd.s32 $0xFFFFF830  }
0x73: {  	[spmem:s2] =	stream.indirect.scatter.add.f32 [tilespmem:s25], [sflag:$0xC], $0x10, s12, s18, $0xb8;
	[tilespmem:$0xDD10] =	vst v63  }
0x74: {  	_ =	swait.ge @!p1 [sflag:s9], $0x7D0  }
0x75: {  	[sflag:s9] =	ssyncset.done @!p1 $0x0  }
0x76: {  	s10 =	sadd.s32 $0x380, s4;
	[sflag:s9] =	ssyncadd.s32 @!p1 $0xFFFFF830  }
0x77: {  	[tilespmem:s15], [sflag:$0x8] =	stream.indirect.gather [spmem:s3], $0x10, s10, s18, $0xb8;
	[tilespmem:$0xDD10] =	vst v63  }
0x78: {  	_ =	swait.ge [sflag:s20], $0x7D0  }
0x79: {  	[sflag:s20] =	ssyncset.done $0x0  }
0x7a: {  	s11 =	sadd.s32 $0x2A00, s4;
	[sflag:s20] =	ssyncadd.s32 $0xFFFFF830  }
0x7b: {  	[spmem:s2] =	stream.indirect.scatter.add.f32 [tilespmem:s28], [sflag:$0xD], $0x10, s11, s18, $0xb8;
	[tilespmem:$0xDD10] =	vst v63  }
0x7c: {  	_ =	swait.ge [sflag:s22], $0x7D0  }
0x7d: {  	p1 =	seq.s32 s17, $0x9000;
	[sflag:s22] =	ssyncset.done $0x0  }
0x7e: {  	s9 =	simm.s32 @p1 $0x6;
	[sflag:s22] =	ssyncadd.s32 $0xFFFFF830  }
0x7f: {  	_ =	swait.ge @p1 [sflag:s9], $0x7D0  }
0x80: {  	[sflag:s9] =	ssyncset.done @p1 $0x0  }
0x81: {  	[sflag:s9] =	ssyncadd.s32 @p1 $0xFFFFF830;
	s9 =	sshra.s32 @p1 s17, $0x2  }
0x82: {  	s10 =	simm.s32 @p1 $0x7D;
	s11 =	simm.s32 @p1 $0x7710;
	s9 =	sadd.s32 @p1 $0x2A80, s9  }
0x83: {  	[spmem:s2] =	stream.indirect.scatter.add.f32 @p1 [tilespmem:s11], [sflag:$0xE], $0x10, s9, s10, $0xb8;
	[tilespmem:$0xDD10] =	vst v63  }
0x84: {  	s9 =	simm.s32 @p1 $0xA  }
0x85: {  	_ =	swait.ge @p1 [sflag:s9], $0x7D0  }
0x86: {  	[sflag:s9] =	ssyncset.done @p1 $0x0  }
0x87: {  	[sflag:s9] =	ssyncadd.s32 @p1 $0xFFFFF830;
	s9 =	sshra.s32 @!p1 s17, $0x2  }
0x88: {  	s12 =	simm.s32 @!p1 $0x5000;
	s11 =	simm.s32 @!p1 $0x7D;
	s10 =	sadd.s32 @!p1 $0x400, s9  }
0x89: {  	[tilespmem:s12], [sflag:$0x1] =	stream.indirect.gather @!p1 [spmem:s3], $0x10, s10, s11, $0xb8;
	[tilespmem:$0xDD10] =	vst v63  }
0x8a: {  	s10 =	simm.s32 @!p1 $0x6  }
0x8b: {  	_ =	swait.ge @!p1 [sflag:s10], $0x7D0  }
0x8c: {  	[sflag:s10] =	ssyncset.done @!p1 $0x0  }
0x8d: {  	s12 =	simm.s32 @!p1 $0x7710;
	[sflag:s10] =	ssyncadd.s32 @!p1 $0xFFFFF830;
	s10 =	sadd.s32 @!p1 $0x2A80, s9  }
0x8e: {  	[spmem:s2] =	stream.indirect.scatter.add.f32 @!p1 [tilespmem:s12], [sflag:$0xE], $0x10, s10, s11, $0xb8;
	[tilespmem:$0xDD10] =	vst v63  }
0x8f: {  	s10 =	simm.s32 @!p1 $0xA  }
0x90: {  	_ =	swait.ge @!p1 [sflag:s10], $0x7D0  }
0x91: {  	[sflag:s10] =	ssyncset.done @!p1 $0x0  }
0x92: {  	s9 =	sadd.s32 @!p1 $0x480, s9;
	[sflag:s10] =	ssyncadd.s32 @!p1 $0xFFFFF830;
	s10 =	simm.s32 @!p1 $0x57D0  }
0x93: {  	[tilespmem:s10], [sflag:$0x2] =	stream.indirect.gather @!p1 [spmem:s3], $0x10, s9, s11, $0xb8;
	[tilespmem:$0xDD10] =	vst v63  }
0x94: {  	_ =	swait.ge [sflag:s24], $0x7D0  }
0x95: {  	[sflag:s24] =	ssyncset.done $0x0  }
.Ltmp2:
0x96: {  	s12 =	sadd.s32 $0x2B00, s4;
	[sflag:s24] =	ssyncadd.s32 $0xFFFFF830;
	(pc) =	sbr.rel @p1 .LBB2_4-.Ltmp2, $4  }
0x97: {  	[spmem:s2] =	stream.indirect.scatter.add.f32 [tilespmem:s1], [sflag:$0xF], $0x10, s12, s18, $0xb8;
	[tilespmem:$0xDD10] =	vst v63  }
0x98: {  	_ =	swait.ge [sflag:s5], $0x7D0  }
0x99: {  	[sflag:s5] =	ssyncset.done $0x0  }
0x9a: {  	s9 =	sadd.s32 $0x2B80, s4;
	[sflag:s5] =	ssyncadd.s32 $0xFFFFF830  }
0x9b: {  	s10 =	sadd.s32 $0x500, s4  }
0x9c: {  	[tilespmem:s23], [sflag:$0x3] =	stream.indirect.gather [spmem:s3], $0x10, s10, s18, $0xb8;
	[tilespmem:$0xDD10] =	vst v63  }
0x9d: {  	_ =	swait.ge [sflag:s7], $0x7D0  }
0x9e: {  	[sflag:s7] =	ssyncset.done $0x0  }
0x9f: {  	[sflag:s7] =	ssyncadd.s32 $0xFFFFF830  }
0xa0: {  	[spmem:s2] =	stream.indirect.scatter.add.f32 [tilespmem:s15], [sflag:$0x10], $0x10, s9, s18, $0xb8;
	[tilespmem:$0xDD10] =	vst v63  }
.Ltmp3:
0xa1: {  	_ = 	snop;
	(pc) =	sbr.rel .LBB2_2-.Ltmp3, $4  }
0xa2: {  	_ =	swait.ge [sflag:s8], $0x7D0  }
0xa3: {  	[sflag:s8] =	ssyncset.done $0x0  }
0xa4: {  	s12 =	sadd.s32 $0x580, s4;
	s17 =	sadd.s32 $0x1000, s17;
	[sflag:s8] =	ssyncadd.s32 $0xFFFFF830  }
0xa5: {  	[tilespmem:s25], [sflag:$0x4] =	stream.indirect.gather [spmem:s3], $0x10, s12, s18, $0xb8;
	[tilespmem:$0xDD10] =	vst v63  }
.LBB2_5:
0xa6: {  	_ =	sfence.sel $0x180000  }
0xa7: {  	[bflag:$0x0] =	sbarrier.arrive $0xFFFF  }
0xa8: {  	_ =	strace $0x90000047  }
0xa9: {  	s0 =	stileid.u32;
	[bflag:$0x2] =	sbarrier.arrive $0xFFFF  }
0xaa: {  	p0 =	sne.s32 s0, $0x0;
	s0 =	rddreg [dreg:$0x4]  }
0xab: {  	s0 =	sadd.s32 @!p0 $0x100000, s0  }
0xac: {  	[sflag:s0] =	ssyncadd.tile.s32 @!p0 $0x1;
	_ =	shalt  }
.Lfunc_end2:
_tile_overlayer_lowered:
.L_overlay_start_2:
0xad: {  	(tag) =	ssettag $0x2  }
0xae: {  	s0 =	rddreg [dreg:$0x0];
	s2 =	stileid.u32  }
0xaf: {  	s1 =	rddreg [dreg:$0x1];
	p0 =	sne.s32 s2, $0x0  }
0xb0: {  	s3 =	rddreg [dreg:$0x2];
	[bflag:$0x3] =	sbarrier.arrive $0xFFFF;
	s2 =	simm.s32 @!p0 $0x1C11  }
0xb1: {  	[timem:s3], [sflag:s2] =	dma.local @!p0 [hbm:s0], s1  }
0xb2: {  	s0 =	simm.s32 @!p0 $0x11  }
0xb3: {  	_ =	swait.ge @!p0 [sflag:s0], s1  }
0xb4: {  	s1 =	ssub.s32 @!p0 $0x0, s1;
	[sflag:s0] =	ssyncset.done @!p0 $0x0  }
0xb5: {  	[sflag:s0] =	ssyncadd.s32 @!p0 s1  }
0xb6: {  	[bflag:$0x3] =	sbarrier.arrive $0xFFFF  }
0xb7: {  	_ =	shalt  }

</sc_bundles>
